<compile_context>
chip_gen: v7x
topology: tpu7x:2x2x1
jax: 0.10.2.dev20260603
libtpu: 0.0.44.dev20260713+nightly
codegen_flags: <defaults>
</compile_context>

<pallas_src>
import functools

import jax
import jax.numpy as jnp
from jax import lax
from jax.experimental import pallas as pl
from jax.experimental.pallas import tpu as pltpu
from jax.experimental.pallas import tpu_sc as plsc

K = 16
TQA = 256
TQC = 128
NEG = 0.1


def _stage_a_body(xyzT_ref, xyz_ref, featT_ref, w1fT_ref, w1xT_ref, b1_ref,
                  p_ref, q_ref, idx_ref, *, n):
    qx = xyzT_ref[0]
    qx0 = qx[:, 0:1]
    qx1 = qx[:, 1:2]
    qx2 = qx[:, 2:3]

    nb = n // 128
    inf = jnp.float32(jnp.inf)
    c1 = jnp.full((TQA, 128), inf)
    c2 = jnp.full((TQA, 128), inf)
    c3 = jnp.full((TQA, 128), inf)
    c4 = jnp.full((TQA, 128), inf)
    z = jnp.zeros((TQA, 128), jnp.int32)
    a1, a2, a3, a4 = z, z, z, z
    for t in range(nb):
        s = slice(t * 128, (t + 1) * 128)
        d0 = qx0 - xyz_ref[0, 0:1, s]
        d1 = qx1 - xyz_ref[0, 1:2, s]
        d2 = qx2 - xyz_ref[0, 2:3, s]
        x = (d0 * d0 + d1 * d1) + d2 * d2
        ti = jnp.int32(t)
        m1 = x < c1
        m2 = x < c2
        m3 = x < c3
        m4 = x < c4
        c4n = jnp.where(m3, c3, jnp.where(m4, x, c4))
        a4n = jnp.where(m3, a3, jnp.where(m4, ti, a4))
        c3n = jnp.where(m2, c2, jnp.where(m3, x, c3))
        a3n = jnp.where(m2, a2, jnp.where(m3, ti, a3))
        c2n = jnp.where(m1, c1, jnp.where(m2, x, c2))
        a2n = jnp.where(m1, a1, jnp.where(m2, ti, a2))
        c1 = jnp.where(m1, x, c1)
        a1 = jnp.where(m1, ti, a1)
        c2, c3, c4, a2, a3, a4 = c2n, c3n, c4n, a2n, a3n, a4n

    lanei = lax.broadcasted_iota(jnp.int32, (TQA, 128), 1)
    cols = []
    for _ in range(K):
        l = jnp.argmin(c1, axis=1).astype(jnp.int32)[:, None]
        lm = lanei == l
        tsel = jnp.max(jnp.where(lm, a1, -1), axis=1, keepdims=True)
        cols.append(tsel * 128 + l)
        c1 = jnp.where(lm, c2, c1)
        c2 = jnp.where(lm, c3, c2)
        c3 = jnp.where(lm, c4, c3)
        c4 = jnp.where(lm, inf, c4)
        a1 = jnp.where(lm, a2, a1)
        a2 = jnp.where(lm, a3, a2)
        a3 = jnp.where(lm, a4, a3)
    idx_ref[...] = jnp.concatenate(cols, axis=1)

    qproj = jnp.dot(qx, w1xT_ref[...], preferred_element_type=jnp.float32)
    q_ref[...] = qproj
    p_ref[...] = (jnp.dot(featT_ref[0], w1fT_ref[...],
                          preferred_element_type=jnp.float32)
                  + qproj + b1_ref[...])


def _stage_c_body(g_ref, q_ref, w2T_ref, b2_ref, w3T_ref, b3_ref, out_ref):
    g = g_ref[...].reshape(TQC, K, 128)
    d = g - q_ref[...][:, None, :]
    h1 = jnp.maximum(d, NEG * d).reshape(TQC * K, 128)
    t2 = jnp.dot(h1, w2T_ref[...], preferred_element_type=jnp.float32) + b2_ref[...]
    h2 = jnp.maximum(t2, NEG * t2)
    t3 = jnp.dot(h2, w3T_ref[...], preferred_element_type=jnp.float32) + b3_ref[...]
    h3 = jnp.maximum(t3, NEG * t3)
    out_ref[...] = jnp.max(h3.reshape(TQC, K, 256), axis=1)


def _make_sc_gather(total_rows, d):
    nw = 32
    rows_per_w = total_rows // nw
    ch = 128
    nchunk = rows_per_w // ch
    mesh = plsc.VectorSubcoreMesh(core_axis_name="c", subcore_axis_name="s")

    @functools.partial(
        pl.kernel, mesh=mesh,
        out_type=jax.ShapeDtypeStruct((total_rows, d), jnp.float32),
        scratch_types=[
            pltpu.VMEM((ch,), jnp.int32),
            pltpu.VMEM((ch,), jnp.int32),
            pltpu.VMEM((ch, d), jnp.float32),
            pltpu.VMEM((ch, d), jnp.float32),
            pltpu.SemaphoreType.DMA,
            pltpu.SemaphoreType.DMA,
        ],
    )
    def gather_rows(table_hbm, idx_hbm, out_hbm, idx0, idx1, rows0, rows1,
                    sem0, sem1):
        wid = lax.axis_index("s") * 2 + lax.axis_index("c")
        base = wid * rows_per_w

        def chunk(i, idx_v, rows_v, sem):
            off = base + i * ch
            pltpu.sync_copy(idx_hbm.at[pl.ds(off, ch)], idx_v)
            pltpu.async_copy(table_hbm.at[idx_v], rows_v, sem).wait()
            pltpu.sync_copy(rows_v, out_hbm.at[pl.ds(off, ch)])


        def body(j, carry):
            chunk(2 * j, idx0, rows0, sem0)
            chunk(2 * j + 1, idx1, rows1, sem1)
            return carry

        lax.fori_loop(0, nchunk // 2, body, 0)

    return gather_rows


def kernel(xyz, features, W1, b1, W2, b2, W3, b3):
    B, _, N = xyz.shape
    M = N
    xyzT = jnp.swapaxes(xyz, 1, 2)
    featT = jnp.swapaxes(features, 1, 2)
    w1xT = jnp.swapaxes(W1[:, :3], 0, 1)
    w1fT = jnp.swapaxes(W1[:, 3:], 0, 1)
    w2T = jnp.swapaxes(W2, 0, 1)
    w3T = jnp.swapaxes(W3, 0, 1)

    nta = M // TQA
    stage_a = pl.pallas_call(
        functools.partial(_stage_a_body, n=N),
        grid=(nta,),
        in_specs=[
            pl.BlockSpec((1, TQA, 3), lambda t: (0, t, 0)),
            pl.BlockSpec((1, 3, N), lambda t: (0, 0, 0)),
            pl.BlockSpec((1, TQA, 128), lambda t: (0, t, 0)),
            pl.BlockSpec((128, 128), lambda t: (0, 0)),
            pl.BlockSpec((3, 128), lambda t: (0, 0)),
            pl.BlockSpec((1, 128), lambda t: (0, 0)),
        ],
        out_specs=[
            pl.BlockSpec((TQA, 128), lambda t: (t, 0)),
            pl.BlockSpec((TQA, 128), lambda t: (t, 0)),
            pl.BlockSpec((TQA, K), lambda t: (t, 0)),
        ],
        out_shape=[
            jax.ShapeDtypeStruct((N, 128), jnp.float32),
            jax.ShapeDtypeStruct((M, 128), jnp.float32),
            jax.ShapeDtypeStruct((M, K), jnp.int32),
        ],
    )
    sc_gather = _make_sc_gather(M * K, 128)

    ntc = M // TQC
    stage_c = pl.pallas_call(
        _stage_c_body,
        grid=(ntc,),
        in_specs=[
            pl.BlockSpec((TQC * K, 128), lambda t: (t, 0)),
            pl.BlockSpec((TQC, 128), lambda t: (t, 0)),
            pl.BlockSpec((128, 128), lambda t: (0, 0)),
            pl.BlockSpec((1, 128), lambda t: (0, 0)),
            pl.BlockSpec((128, 256), lambda t: (0, 0)),
            pl.BlockSpec((1, 256), lambda t: (0, 0)),
        ],
        out_specs=pl.BlockSpec((TQC, 256), lambda t: (t, 0)),
        out_shape=jax.ShapeDtypeStruct((M, 256), jnp.float32),
    )

    b1r = b1.reshape(1, 128)
    b2r = b2.reshape(1, 128)
    b3r = b3.reshape(1, 256)
    outs = []
    gathered = []
    pqs = []
    for b in range(B):
        p2, q, idx = stage_a(xyzT[b:b + 1], xyz[b:b + 1], featT[b:b + 1],
                             w1fT, w1xT, b1r)
        gathered.append(sc_gather(p2, idx.reshape(M * K)))
        pqs.append(q)
    for b in range(B):
        outs.append(stage_c(gathered[b], pqs[b], w2T, b2r, w3T, b3r))
    out2 = jnp.stack(outs)
    return jnp.swapaxes(out2, 1, 2)

# --- scband reference (transcript-rebuilt; emitter-appended) ---
"""Pipeline reference for scband-point-net2-83786222010965 (READ-ONLY COPY).

The authoritative reference and input builder live on the scoring server;
editing this copy changes nothing except your own understanding.
"""

import jax, jax.numpy as jnp
import numpy as np


def _knn(xyz, sampled_xyz, k):
    # xyz: [B,3,N], sampled_xyz: [B,3,M] -> indices [B,M,k] of nearest points in xyz
    dist = jnp.sum((sampled_xyz[:, :, :, None] - xyz[:, :, None, :]) ** 2, axis=1)  # [B,M,N]
    _, idx = jax.lax.top_k(-dist, k)
    return idx


def _batch_indexing(data, idx):
    # data: [B,C,N], idx: [B,M,k] -> [B,C,M,k]
    return jax.vmap(lambda d, i: d[:, i])(data, idx)


def setup_inputs(seed: int = 0) -> dict:
    key = jax.random.key(seed)
    ks = jax.random.split(key, 8)
    B, N, C = 4, 4096, 128
    xyz = jax.random.normal(ks[0], (B, 3, N), dtype=jnp.float32)
    features = jax.random.normal(ks[1], (B, C, N), dtype=jnp.float32)
    # MLP2d(131 -> 128 -> 128 -> 256), 1x1 convs, no norm, leaky_relu act
    W1 = jax.random.normal(ks[2], (128, 131), dtype=jnp.float32) * 0.05
    b1 = jnp.zeros((128,), dtype=jnp.float32)
    W2 = jax.random.normal(ks[3], (128, 128), dtype=jnp.float32) * 0.05
    b2 = jnp.zeros((128,), dtype=jnp.float32)
    W3 = jax.random.normal(ks[4], (256, 128), dtype=jnp.float32) * 0.05
    b3 = jnp.zeros((256,), dtype=jnp.float32)
    return {"xyz": xyz, "features": features, "W1": W1, "b1": b1, "W2": W2, "b2": b2, "W3": W3, "b3": b3}


def reference(xyz, features, W1, b1, W2, b2, W3, b3):
    k = 16
    sampled_xyz = xyz  # sampled_xyz=None, knn_indices=None path
    knn_indices = _knn(xyz, sampled_xyz, k)          # [B,M,k]
    knn_xyz = _batch_indexing(xyz, knn_indices)       # [B,3,M,k]
    knn_offset = knn_xyz - sampled_xyz[:, :, :, None]  # [B,3,M,k]
    feats = _batch_indexing(features, knn_indices)    # [B,C,M,k]
    x = jnp.concatenate([knn_offset, feats], axis=1)  # [B,C+3,M,k]

    def conv1x1(h, W, b):
        return jnp.einsum('oc,bcmk->bomk', W, h) + b[None, :, None, None]

    x = jax.nn.leaky_relu(conv1x1(x, W1, b1), negative_slope=0.1)
    x = jax.nn.leaky_relu(conv1x1(x, W2, b2), negative_slope=0.1)
    x = jax.nn.leaky_relu(conv1x1(x, W3, b3), negative_slope=0.1)
    return jnp.max(x, axis=-1)  # [B,256,M]

if __name__ == "__main__":
    import jax
    _d = setup_inputs()
    print(jax.jit(kernel)(*tuple(_d.values())))

</pallas_src>

<mosaic_0001>
#map = affine_map<(d0, d1) -> (0, 0)>
#map1 = affine_map<(d0, d1) -> (0)>
module attributes {stable_mosaic.version = 14 : i64} {
  func.func @gather_rows(%arg0: i32, %arg1: i32, %arg2: memref<4096x128xf32, #tpu.memory_space<hbm>>, %arg3: memref<65536xi32, #tpu.memory_space<hbm>>, %arg4: memref<65536x128xf32, #tpu.memory_space<hbm>>, %arg5: memref<128xi32, #tpu.memory_space<vmem>>, %arg6: memref<128xi32, #tpu.memory_space<vmem>>, %arg7: memref<128x128xf32, #tpu.memory_space<vmem>>, %arg8: memref<128x128xf32, #tpu.memory_space<vmem>>, %arg9: memref<!tpu.dma_semaphore, #tpu.memory_space<semaphore_mem>>, %arg10: memref<!tpu.dma_semaphore, #tpu.memory_space<semaphore_mem>>) attributes {dimension_semantics = [#tpu.dimension_semantics<core_parallel>, #tpu.dimension_semantics<subcore_parallel>], iteration_bounds = array<i64: 2, 16>, scalar_prefetch = 0 : i64, scratch_operands = 6 : i64, tpu.core_type = #tpu.core_type<sc_vector_subcore>, window_params = [{transform_indices = #map}, {transform_indices = #map1}, {transform_indices = #map}]} {
    %mul3A = arith.constant 2 : i32
    %mul3A_0 = arith.muli %arg1, %mul3A : i32
    %add3A = arith.addi %mul3A_0, %arg0 : i32
    %mul3A_1 = arith.constant 2048 : i32
    %mul3A_2 = arith.muli %add3A, %mul3A_1 : i32
    %scan3A = arith.constant 0 : i32
    %scan3A_3 = arith.constant 0 : i32
    %scan3A_4 = arith.constant 8 : i32
    %scan3A_5 = arith.addi %scan3A_3, %scan3A_4 : i32
    %scan3A_6 = arith.constant 1 : i32
    scf.for %scan3A_8 = %scan3A_3 to %scan3A_5 step %scan3A_6  : i32 {
      %mul3A_9 = arith.constant 2 : i32
      %mul3A_10 = arith.muli %mul3A_9, %scan3A_8 : i32
      %mul3A_11 = arith.constant 128 : i32
      %mul3A_12 = arith.muli %mul3A_10, %mul3A_11 : i32
      %add3A_13 = arith.addi %mul3A_2, %mul3A_12 : i32
      "tpu.region"() ({
        %run_scoped3A = tpu.sem_alloc : memref<!tpu.dma_semaphore, #tpu.memory_space<semaphore_mem>>
        %dma_start3A_31 = tpu.memref_slice %arg3[%add3A_13] : memref<65536xi32, #tpu.memory_space<hbm>> -> memref<128xi32, #tpu.memory_space<hbm>>
        %dma_start3A_32 = tpu.memref_slice %arg3[%add3A_13] : memref<65536xi32, #tpu.memory_space<hbm>> -> memref<128xi32, #tpu.memory_space<hbm>>
        tpu.enqueue_dma source(%dma_start3A_32 : memref<128xi32, #tpu.memory_space<hbm>>) target(%arg5 : memref<128xi32, #tpu.memory_space<vmem>>) target_semaphore(%run_scoped3A : memref<!tpu.dma_semaphore, #tpu.memory_space<semaphore_mem>>)
        %dma_wait3A_33 = tpu.memref_slice %arg3[%add3A_13] : memref<65536xi32, #tpu.memory_space<hbm>> -> memref<128xi32, #tpu.memory_space<hbm>>
        %dma_wait3A_34 = tpu.memref_slice %arg3[%add3A_13] : memref<65536xi32, #tpu.memory_space<hbm>> -> memref<128xi32, #tpu.memory_space<hbm>>
        tpu.wait_dma2 semaphore(%run_scoped3A : memref<!tpu.dma_semaphore, #tpu.memory_space<semaphore_mem>>) src(%dma_wait3A_34 : memref<128xi32, #tpu.memory_space<hbm>>) dst(%arg5 : memref<128xi32, #tpu.memory_space<vmem>>)
        tpu.yield
      }) : () -> ()
      %dma_start3A = arith.constant 0 : i32
      %dma_start3A_14 = arith.constant 0 : i32
      %dma_start3A_15 = tpu.memref_slice %arg2[%dma_start3A, %dma_start3A_14] : memref<4096x128xf32, #tpu.memory_space<hbm>> -> memref<4096x128xf32, #tpu.memory_space<hbm>>
      tpu.enqueue_indirect_dma source(%dma_start3A_15 : memref<4096x128xf32, #tpu.memory_space<hbm>>) target(%arg7 : memref<128x128xf32, #tpu.memory_space<vmem>>) offsets(%arg5 : memref<128xi32, #tpu.memory_space<vmem>>) semaphore(%arg9 : memref<!tpu.dma_semaphore, #tpu.memory_space<semaphore_mem>>)
      %dma_wait3A = arith.constant 0 : i32
      %dma_wait3A_16 = arith.constant 0 : i32
      %dma_wait3A_17 = tpu.memref_slice %arg2[%dma_wait3A, %dma_wait3A_16] : memref<4096x128xf32, #tpu.memory_space<hbm>> -> memref<4096x128xf32, #tpu.memory_space<hbm>>
      tpu.wait_indirect_dma semaphore(%arg9 : memref<!tpu.dma_semaphore, #tpu.memory_space<semaphore_mem>>) src(%dma_wait3A_17 : memref<4096x128xf32, #tpu.memory_space<hbm>>) dst(%arg7 : memref<128x128xf32, #tpu.memory_space<vmem>>)
      "tpu.region"() ({
        %run_scoped3A = tpu.sem_alloc : memref<!tpu.dma_semaphore, #tpu.memory_space<semaphore_mem>>
        %dma_start3A_31 = arith.constant 0 : i32
        %dma_start3A_32 = tpu.memref_slice %arg4[%add3A_13, %dma_start3A_31] : memref<65536x128xf32, #tpu.memory_space<hbm>> -> memref<128x128xf32, #tpu.memory_space<hbm>>
        %dma_start3A_33 = arith.constant 0 : i32
        %dma_start3A_34 = tpu.memref_slice %arg4[%add3A_13, %dma_start3A_33] : memref<65536x128xf32, #tpu.memory_space<hbm>> -> memref<128x128xf32, #tpu.memory_space<hbm>>
        tpu.enqueue_dma source(%arg7 : memref<128x128xf32, #tpu.memory_space<vmem>>) target(%dma_start3A_34 : memref<128x128xf32, #tpu.memory_space<hbm>>) target_semaphore(%run_scoped3A : memref<!tpu.dma_semaphore, #tpu.memory_space<semaphore_mem>>)
        %dma_wait3A_35 = arith.constant 0 : i32
        %dma_wait3A_36 = tpu.memref_slice %arg4[%add3A_13, %dma_wait3A_35] : memref<65536x128xf32, #tpu.memory_space<hbm>> -> memref<128x128xf32, #tpu.memory_space<hbm>>
        %dma_wait3A_37 = arith.constant 0 : i32
        %dma_wait3A_38 = tpu.memref_slice %arg4[%add3A_13, %dma_wait3A_37] : memref<65536x128xf32, #tpu.memory_space<hbm>> -> memref<128x128xf32, #tpu.memory_space<hbm>>
        tpu.wait_dma2 semaphore(%run_scoped3A : memref<!tpu.dma_semaphore, #tpu.memory_space<semaphore_mem>>) src(%arg7 : memref<128x128xf32, #tpu.memory_space<vmem>>) dst(%dma_wait3A_38 : memref<128x128xf32, #tpu.memory_space<hbm>>)
        tpu.yield
      }) : () -> ()
      %mul3A_18 = arith.constant 2 : i32
      %mul3A_19 = arith.muli %mul3A_18, %scan3A_8 : i32
      %add3A_20 = arith.constant 1 : i32
      %add3A_21 = arith.addi %mul3A_19, %add3A_20 : i32
      %mul3A_22 = arith.constant 128 : i32
      %mul3A_23 = arith.muli %add3A_21, %mul3A_22 : i32
      %add3A_24 = arith.addi %mul3A_2, %mul3A_23 : i32
      "tpu.region"() ({
        %run_scoped3A = tpu.sem_alloc : memref<!tpu.dma_semaphore, #tpu.memory_space<semaphore_mem>>
        %dma_start3A_31 = tpu.memref_slice %arg3[%add3A_24] : memref<65536xi32, #tpu.memory_space<hbm>> -> memref<128xi32, #tpu.memory_space<hbm>>
        %dma_start3A_32 = tpu.memref_slice %arg3[%add3A_24] : memref<65536xi32, #tpu.memory_space<hbm>> -> memref<128xi32, #tpu.memory_space<hbm>>
        tpu.enqueue_dma source(%dma_start3A_32 : memref<128xi32, #tpu.memory_space<hbm>>) target(%arg6 : memref<128xi32, #tpu.memory_space<vmem>>) target_semaphore(%run_scoped3A : memref<!tpu.dma_semaphore, #tpu.memory_space<semaphore_mem>>)
        %dma_wait3A_33 = tpu.memref_slice %arg3[%add3A_24] : memref<65536xi32, #tpu.memory_space<hbm>> -> memref<128xi32, #tpu.memory_space<hbm>>
        %dma_wait3A_34 = tpu.memref_slice %arg3[%add3A_24] : memref<65536xi32, #tpu.memory_space<hbm>> -> memref<128xi32, #tpu.memory_space<hbm>>
        tpu.wait_dma2 semaphore(%run_scoped3A : memref<!tpu.dma_semaphore, #tpu.memory_space<semaphore_mem>>) src(%dma_wait3A_34 : memref<128xi32, #tpu.memory_space<hbm>>) dst(%arg6 : memref<128xi32, #tpu.memory_space<vmem>>)
        tpu.yield
      }) : () -> ()
      %dma_start3A_25 = arith.constant 0 : i32
      %dma_start3A_26 = arith.constant 0 : i32
      %dma_start3A_27 = tpu.memref_slice %arg2[%dma_start3A_25, %dma_start3A_26] : memref<4096x128xf32, #tpu.memory_space<hbm>> -> memref<4096x128xf32, #tpu.memory_space<hbm>>
      tpu.enqueue_indirect_dma source(%dma_start3A_27 : memref<4096x128xf32, #tpu.memory_space<hbm>>) target(%arg8 : memref<128x128xf32, #tpu.memory_space<vmem>>) offsets(%arg6 : memref<128xi32, #tpu.memory_space<vmem>>) semaphore(%arg10 : memref<!tpu.dma_semaphore, #tpu.memory_space<semaphore_mem>>)
      %dma_wait3A_28 = arith.constant 0 : i32
      %dma_wait3A_29 = arith.constant 0 : i32
      %dma_wait3A_30 = tpu.memref_slice %arg2[%dma_wait3A_28, %dma_wait3A_29] : memref<4096x128xf32, #tpu.memory_space<hbm>> -> memref<4096x128xf32, #tpu.memory_space<hbm>>
      tpu.wait_indirect_dma semaphore(%arg10 : memref<!tpu.dma_semaphore, #tpu.memory_space<semaphore_mem>>) src(%dma_wait3A_30 : memref<4096x128xf32, #tpu.memory_space<hbm>>) dst(%arg8 : memref<128x128xf32, #tpu.memory_space<vmem>>)
      "tpu.region"() ({
        %run_scoped3A = tpu.sem_alloc : memref<!tpu.dma_semaphore, #tpu.memory_space<semaphore_mem>>
        %dma_start3A_31 = arith.constant 0 : i32
        %dma_start3A_32 = tpu.memref_slice %arg4[%add3A_24, %dma_start3A_31] : memref<65536x128xf32, #tpu.memory_space<hbm>> -> memref<128x128xf32, #tpu.memory_space<hbm>>
        %dma_start3A_33 = arith.constant 0 : i32
        %dma_start3A_34 = tpu.memref_slice %arg4[%add3A_24, %dma_start3A_33] : memref<65536x128xf32, #tpu.memory_space<hbm>> -> memref<128x128xf32, #tpu.memory_space<hbm>>
        tpu.enqueue_dma source(%arg8 : memref<128x128xf32, #tpu.memory_space<vmem>>) target(%dma_start3A_34 : memref<128x128xf32, #tpu.memory_space<hbm>>) target_semaphore(%run_scoped3A : memref<!tpu.dma_semaphore, #tpu.memory_space<semaphore_mem>>)
        %dma_wait3A_35 = arith.constant 0 : i32
        %dma_wait3A_36 = tpu.memref_slice %arg4[%add3A_24, %dma_wait3A_35] : memref<65536x128xf32, #tpu.memory_space<hbm>> -> memref<128x128xf32, #tpu.memory_space<hbm>>
        %dma_wait3A_37 = arith.constant 0 : i32
        %dma_wait3A_38 = tpu.memref_slice %arg4[%add3A_24, %dma_wait3A_37] : memref<65536x128xf32, #tpu.memory_space<hbm>> -> memref<128x128xf32, #tpu.memory_space<hbm>>
        tpu.wait_dma2 semaphore(%run_scoped3A : memref<!tpu.dma_semaphore, #tpu.memory_space<semaphore_mem>>) src(%arg8 : memref<128x128xf32, #tpu.memory_space<vmem>>) dst(%dma_wait3A_38 : memref<128x128xf32, #tpu.memory_space<hbm>>)
        tpu.yield
      }) : () -> ()
    }
    %scan3A_7 = arith.constant 8 : i32
    return
  }
}

#map = affine_map<(d0, d1) -> (0, 0)>
#map1 = affine_map<(d0, d1) -> (0)>
module attributes {stable_mosaic.version = 14 : i64} {
  func.func @gather_rows(%arg0: i32, %arg1: i32, %arg2: memref<4096x128xf32, #tpu.memory_space<hbm>>, %arg3: memref<65536xi32, #tpu.memory_space<hbm>>, %arg4: memref<65536x128xf32, #tpu.memory_space<hbm>>, %arg5: memref<128xi32, #tpu.memory_space<vmem>>, %arg6: memref<128xi32, #tpu.memory_space<vmem>>, %arg7: memref<128x128xf32, #tpu.memory_space<vmem>>, %arg8: memref<128x128xf32, #tpu.memory_space<vmem>>, %arg9: memref<!tpu.dma_semaphore, #tpu.memory_space<semaphore_mem>>, %arg10: memref<!tpu.dma_semaphore, #tpu.memory_space<semaphore_mem>>) attributes {dimension_semantics = [#tpu.dimension_semantics<core_parallel>, #tpu.dimension_semantics<subcore_parallel>], iteration_bounds = array<i64: 2, 16>, scalar_prefetch = 0 : i64, scratch_operands = 6 : i64, tpu.core_type = #tpu.core_type<sc_vector_subcore>, window_params = [{transform_indices = #map}, {transform_indices = #map1}, {transform_indices = #map}]} {
    %mul3A = arith.constant 2 : i32
    %mul3A_0 = arith.muli %arg1, %mul3A : i32
    %add3A = arith.addi %mul3A_0, %arg0 : i32
    %mul3A_1 = arith.constant 2048 : i32
    %mul3A_2 = arith.muli %add3A, %mul3A_1 : i32
    %scan3A = arith.constant 0 : i32
    %scan3A_3 = arith.constant 0 : i32
    %scan3A_4 = arith.constant 8 : i32
    %scan3A_5 = arith.addi %scan3A_3, %scan3A_4 : i32
    %scan3A_6 = arith.constant 1 : i32
    scf.for %scan3A_8 = %scan3A_3 to %scan3A_5 step %scan3A_6  : i32 {
      %mul3A_9 = arith.constant 2 : i32
      %mul3A_10 = arith.muli %mul3A_9, %scan3A_8 : i32
      %mul3A_11 = arith.constant 128 : i32
      %mul3A_12 = arith.muli %mul3A_10, %mul3A_11 : i32
      %add3A_13 = arith.addi %mul3A_2, %mul3A_12 : i32
      "tpu.region"() ({
        %run_scoped3A = tpu.sem_alloc : memref<!tpu.dma_semaphore, #tpu.memory_space<semaphore_mem>>
        %dma_start3A_31 = tpu.memref_slice %arg3[%add3A_13] : memref<65536xi32, #tpu.memory_space<hbm>> -> memref<128xi32, #tpu.memory_space<hbm>>
        %dma_start3A_32 = tpu.memref_slice %arg3[%add3A_13] : memref<65536xi32, #tpu.memory_space<hbm>> -> memref<128xi32, #tpu.memory_space<hbm>>
        tpu.enqueue_dma source(%dma_start3A_32 : memref<128xi32, #tpu.memory_space<hbm>>) target(%arg5 : memref<128xi32, #tpu.memory_space<vmem>>) target_semaphore(%run_scoped3A : memref<!tpu.dma_semaphore, #tpu.memory_space<semaphore_mem>>)
        %dma_wait3A_33 = tpu.memref_slice %arg3[%add3A_13] : memref<65536xi32, #tpu.memory_space<hbm>> -> memref<128xi32, #tpu.memory_space<hbm>>
        %dma_wait3A_34 = tpu.memref_slice %arg3[%add3A_13] : memref<65536xi32, #tpu.memory_space<hbm>> -> memref<128xi32, #tpu.memory_space<hbm>>
        tpu.wait_dma2 semaphore(%run_scoped3A : memref<!tpu.dma_semaphore, #tpu.memory_space<semaphore_mem>>) src(%dma_wait3A_34 : memref<128xi32, #tpu.memory_space<hbm>>) dst(%arg5 : memref<128xi32, #tpu.memory_space<vmem>>)
        tpu.yield
      }) : () -> ()
      %dma_start3A = arith.constant 0 : i32
      %dma_start3A_14 = arith.constant 0 : i32
      %dma_start3A_15 = tpu.memref_slice %arg2[%dma_start3A, %dma_start3A_14] : memref<4096x128xf32, #tpu.memory_space<hbm>> -> memref<4096x128xf32, #tpu.memory_space<hbm>>
      tpu.enqueue_indirect_dma source(%dma_start3A_15 : memref<4096x128xf32, #tpu.memory_space<hbm>>) target(%arg7 : memref<128x128xf32, #tpu.memory_space<vmem>>) offsets(%arg5 : memref<128xi32, #tpu.memory_space<vmem>>) semaphore(%arg9 : memref<!tpu.dma_semaphore, #tpu.memory_space<semaphore_mem>>)
      %dma_wait3A = arith.constant 0 : i32
      %dma_wait3A_16 = arith.constant 0 : i32
      %dma_wait3A_17 = tpu.memref_slice %arg2[%dma_wait3A, %dma_wait3A_16] : memref<4096x128xf32, #tpu.memory_space<hbm>> -> memref<4096x128xf32, #tpu.memory_space<hbm>>
      tpu.wait_indirect_dma semaphore(%arg9 : memref<!tpu.dma_semaphore, #tpu.memory_space<semaphore_mem>>) src(%dma_wait3A_17 : memref<4096x128xf32, #tpu.memory_space<hbm>>) dst(%arg7 : memref<128x128xf32, #tpu.memory_space<vmem>>)
      "tpu.region"() ({
        %run_scoped3A = tpu.sem_alloc : memref<!tpu.dma_semaphore, #tpu.memory_space<semaphore_mem>>
        %dma_start3A_31 = arith.constant 0 : i32
        %dma_start3A_32 = tpu.memref_slice %arg4[%add3A_13, %dma_start3A_31] : memref<65536x128xf32, #tpu.memory_space<hbm>> -> memref<128x128xf32, #tpu.memory_space<hbm>>
        %dma_start3A_33 = arith.constant 0 : i32
        %dma_start3A_34 = tpu.memref_slice %arg4[%add3A_13, %dma_start3A_33] : memref<65536x128xf32, #tpu.memory_space<hbm>> -> memref<128x128xf32, #tpu.memory_space<hbm>>
        tpu.enqueue_dma source(%arg7 : memref<128x128xf32, #tpu.memory_space<vmem>>) target(%dma_start3A_34 : memref<128x128xf32, #tpu.memory_space<hbm>>) target_semaphore(%run_scoped3A : memref<!tpu.dma_semaphore, #tpu.memory_space<semaphore_mem>>)
        %dma_wait3A_35 = arith.constant 0 : i32
        %dma_wait3A_36 = tpu.memref_slice %arg4[%add3A_13, %dma_wait3A_35] : memref<65536x128xf32, #tpu.memory_space<hbm>> -> memref<128x128xf32, #tpu.memory_space<hbm>>
        %dma_wait3A_37 = arith.constant 0 : i32
        %dma_wait3A_38 = tpu.memref_slice %arg4[%add3A_13, %dma_wait3A_37] : memref<65536x128xf32, #tpu.memory_space<hbm>> -> memref<128x128xf32, #tpu.memory_space<hbm>>
        tpu.wait_dma2 semaphore(%run_scoped3A : memref<!tpu.dma_semaphore, #tpu.memory_space<semaphore_mem>>) src(%arg7 : memref<128x128xf32, #tpu.memory_space<vmem>>) dst(%dma_wait3A_38 : memref<128x128xf32, #tpu.memory_space<hbm>>)
        tpu.yield
      }) : () -> ()
      %mul3A_18 = arith.constant 2 : i32
      %mul3A_19 = arith.muli %mul3A_18, %scan3A_8 : i32
      %add3A_20 = arith.constant 1 : i32
      %add3A_21 = arith.addi %mul3A_19, %add3A_20 : i32
      %mul3A_22 = arith.constant 128 : i32
      %mul3A_23 = arith.muli %add3A_21, %mul3A_22 : i32
      %add3A_24 = arith.addi %mul3A_2, %mul3A_23 : i32
      "tpu.region"() ({
        %run_scoped3A = tpu.sem_alloc : memref<!tpu.dma_semaphore, #tpu.memory_space<semaphore_mem>>
        %dma_start3A_31 = tpu.memref_slice %arg3[%add3A_24] : memref<65536xi32, #tpu.memory_space<hbm>> -> memref<128xi32, #tpu.memory_space<hbm>>
        %dma_start3A_32 = tpu.memref_slice %arg3[%add3A_24] : memref<65536xi32, #tpu.memory_space<hbm>> -> memref<128xi32, #tpu.memory_space<hbm>>
        tpu.enqueue_dma source(%dma_start3A_32 : memref<128xi32, #tpu.memory_space<hbm>>) target(%arg6 : memref<128xi32, #tpu.memory_space<vmem>>) target_semaphore(%run_scoped3A : memref<!tpu.dma_semaphore, #tpu.memory_space<semaphore_mem>>)
        %dma_wait3A_33 = tpu.memref_slice %arg3[%add3A_24] : memref<65536xi32, #tpu.memory_space<hbm>> -> memref<128xi32, #tpu.memory_space<hbm>>
        %dma_wait3A_34 = tpu.memref_slice %arg3[%add3A_24] : memref<65536xi32, #tpu.memory_space<hbm>> -> memref<128xi32, #tpu.memory_space<hbm>>
        tpu.wait_dma2 semaphore(%run_scoped3A : memref<!tpu.dma_semaphore, #tpu.memory_space<semaphore_mem>>) src(%dma_wait3A_34 : memref<128xi32, #tpu.memory_space<hbm>>) dst(%arg6 : memref<128xi32, #tpu.memory_space<vmem>>)
        tpu.yield
      }) : () -> ()
      %dma_start3A_25 = arith.constant 0 : i32
      %dma_start3A_26 = arith.constant 0 : i32
      %dma_start3A_27 = tpu.memref_slice %arg2[%dma_start3A_25, %dma_start3A_26] : memref<4096x128xf32, #tpu.memory_space<hbm>> -> memref<4096x128xf32, #tpu.memory_space<hbm>>
      tpu.enqueue_indirect_dma source(%dma_start3A_27 : memref<4096x128xf32, #tpu.memory_space<hbm>>) target(%arg8 : memref<128x128xf32, #tpu.memory_space<vmem>>) offsets(%arg6 : memref<128xi32, #tpu.memory_space<vmem>>) semaphore(%arg10 : memref<!tpu.dma_semaphore, #tpu.memory_space<semaphore_mem>>)
      %dma_wait3A_28 = arith.constant 0 : i32
      %dma_wait3A_29 = arith.constant 0 : i32
      %dma_wait3A_30 = tpu.memref_slice %arg2[%dma_wait3A_28, %dma_wait3A_29] : memref<4096x128xf32, #tpu.memory_space<hbm>> -> memref<4096x128xf32, #tpu.memory_space<hbm>>
      tpu.wait_indirect_dma semaphore(%arg10 : memref<!tpu.dma_semaphore, #tpu.memory_space<semaphore_mem>>) src(%dma_wait3A_30 : memref<4096x128xf32, #tpu.memory_space<hbm>>) dst(%arg8 : memref<128x128xf32, #tpu.memory_space<vmem>>)
      "tpu.region"() ({
        %run_scoped3A = tpu.sem_alloc : memref<!tpu.dma_semaphore, #tpu.memory_space<semaphore_mem>>
        %dma_start3A_31 = arith.constant 0 : i32
        %dma_start3A_32 = tpu.memref_slice %arg4[%add3A_24, %dma_start3A_31] : memref<65536x128xf32, #tpu.memory_space<hbm>> -> memref<128x128xf32, #tpu.memory_space<hbm>>
        %dma_start3A_33 = arith.constant 0 : i32
        %dma_start3A_34 = tpu.memref_slice %arg4[%add3A_24, %dma_start3A_33] : memref<65536x128xf32, #tpu.memory_space<hbm>> -> memref<128x128xf32, #tpu.memory_space<hbm>>
        tpu.enqueue_dma source(%arg8 : memref<128x128xf32, #tpu.memory_space<vmem>>) target(%dma_start3A_34 : memref<128x128xf32, #tpu.memory_space<hbm>>) target_semaphore(%run_scoped3A : memref<!tpu.dma_semaphore, #tpu.memory_space<semaphore_mem>>)
        %dma_wait3A_35 = arith.constant 0 : i32
        %dma_wait3A_36 = tpu.memref_slice %arg4[%add3A_24, %dma_wait3A_35] : memref<65536x128xf32, #tpu.memory_space<hbm>> -> memref<128x128xf32, #tpu.memory_space<hbm>>
        %dma_wait3A_37 = arith.constant 0 : i32
        %dma_wait3A_38 = tpu.memref_slice %arg4[%add3A_24, %dma_wait3A_37] : memref<65536x128xf32, #tpu.memory_space<hbm>> -> memref<128x128xf32, #tpu.memory_space<hbm>>
        tpu.wait_dma2 semaphore(%run_scoped3A : memref<!tpu.dma_semaphore, #tpu.memory_space<semaphore_mem>>) src(%arg8 : memref<128x128xf32, #tpu.memory_space<vmem>>) dst(%dma_wait3A_38 : memref<128x128xf32, #tpu.memory_space<hbm>>)
        tpu.yield
      }) : () -> ()
    }
    %scan3A_7 = arith.constant 8 : i32
    return
  }
}

#map = affine_map<(d0, d1) -> (0, 0)>
#map1 = affine_map<(d0, d1) -> (0)>
module attributes {stable_mosaic.version = 14 : i64} {
  func.func @gather_rows(%arg0: i32, %arg1: i32, %arg2: memref<4096x128xf32, #tpu.memory_space<hbm>>, %arg3: memref<65536xi32, #tpu.memory_space<hbm>>, %arg4: memref<65536x128xf32, #tpu.memory_space<hbm>>, %arg5: memref<128xi32, #tpu.memory_space<vmem>>, %arg6: memref<128xi32, #tpu.memory_space<vmem>>, %arg7: memref<128x128xf32, #tpu.memory_space<vmem>>, %arg8: memref<128x128xf32, #tpu.memory_space<vmem>>, %arg9: memref<!tpu.dma_semaphore, #tpu.memory_space<semaphore_mem>>, %arg10: memref<!tpu.dma_semaphore, #tpu.memory_space<semaphore_mem>>) attributes {dimension_semantics = [#tpu.dimension_semantics<core_parallel>, #tpu.dimension_semantics<subcore_parallel>], iteration_bounds = array<i64: 2, 16>, scalar_prefetch = 0 : i64, scratch_operands = 6 : i64, tpu.core_type = #tpu.core_type<sc_vector_subcore>, window_params = [{transform_indices = #map}, {transform_indices = #map1}, {transform_indices = #map}]} {
    %mul3A = arith.constant 2 : i32
    %mul3A_0 = arith.muli %arg1, %mul3A : i32
    %add3A = arith.addi %mul3A_0, %arg0 : i32
    %mul3A_1 = arith.constant 2048 : i32
    %mul3A_2 = arith.muli %add3A, %mul3A_1 : i32
    %scan3A = arith.constant 0 : i32
    %scan3A_3 = arith.constant 0 : i32
    %scan3A_4 = arith.constant 8 : i32
    %scan3A_5 = arith.addi %scan3A_3, %scan3A_4 : i32
    %scan3A_6 = arith.constant 1 : i32
    scf.for %scan3A_8 = %scan3A_3 to %scan3A_5 step %scan3A_6  : i32 {
      %mul3A_9 = arith.constant 2 : i32
      %mul3A_10 = arith.muli %mul3A_9, %scan3A_8 : i32
      %mul3A_11 = arith.constant 128 : i32
      %mul3A_12 = arith.muli %mul3A_10, %mul3A_11 : i32
      %add3A_13 = arith.addi %mul3A_2, %mul3A_12 : i32
      "tpu.region"() ({
        %run_scoped3A = tpu.sem_alloc : memref<!tpu.dma_semaphore, #tpu.memory_space<semaphore_mem>>
        %dma_start3A_31 = tpu.memref_slice %arg3[%add3A_13] : memref<65536xi32, #tpu.memory_space<hbm>> -> memref<128xi32, #tpu.memory_space<hbm>>
        %dma_start3A_32 = tpu.memref_slice %arg3[%add3A_13] : memref<65536xi32, #tpu.memory_space<hbm>> -> memref<128xi32, #tpu.memory_space<hbm>>
        tpu.enqueue_dma source(%dma_start3A_32 : memref<128xi32, #tpu.memory_space<hbm>>) target(%arg5 : memref<128xi32, #tpu.memory_space<vmem>>) target_semaphore(%run_scoped3A : memref<!tpu.dma_semaphore, #tpu.memory_space<semaphore_mem>>)
        %dma_wait3A_33 = tpu.memref_slice %arg3[%add3A_13] : memref<65536xi32, #tpu.memory_space<hbm>> -> memref<128xi32, #tpu.memory_space<hbm>>
        %dma_wait3A_34 = tpu.memref_slice %arg3[%add3A_13] : memref<65536xi32, #tpu.memory_space<hbm>> -> memref<128xi32, #tpu.memory_space<hbm>>
        tpu.wait_dma2 semaphore(%run_scoped3A : memref<!tpu.dma_semaphore, #tpu.memory_space<semaphore_mem>>) src(%dma_wait3A_34 : memref<128xi32, #tpu.memory_space<hbm>>) dst(%arg5 : memref<128xi32, #tpu.memory_space<vmem>>)
        tpu.yield
      }) : () -> ()
      %dma_start3A = arith.constant 0 : i32
      %dma_start3A_14 = arith.constant 0 : i32
      %dma_start3A_15 = tpu.memref_slice %arg2[%dma_start3A, %dma_start3A_14] : memref<4096x128xf32, #tpu.memory_space<hbm>> -> memref<4096x128xf32, #tpu.memory_space<hbm>>
      tpu.enqueue_indirect_dma source(%dma_start3A_15 : memref<4096x128xf32, #tpu.memory_space<hbm>>) target(%arg7 : memref<128x128xf32, #tpu.memory_space<vmem>>) offsets(%arg5 : memref<128xi32, #tpu.memory_space<vmem>>) semaphore(%arg9 : memref<!tpu.dma_semaphore, #tpu.memory_space<semaphore_mem>>)
      %dma_wait3A = arith.constant 0 : i32
      %dma_wait3A_16 = arith.constant 0 : i32
      %dma_wait3A_17 = tpu.memref_slice %arg2[%dma_wait3A, %dma_wait3A_16] : memref<4096x128xf32, #tpu.memory_space<hbm>> -> memref<4096x128xf32, #tpu.memory_space<hbm>>
      tpu.wait_indirect_dma semaphore(%arg9 : memref<!tpu.dma_semaphore, #tpu.memory_space<semaphore_mem>>) src(%dma_wait3A_17 : memref<4096x128xf32, #tpu.memory_space<hbm>>) dst(%arg7 : memref<128x128xf32, #tpu.memory_space<vmem>>)
      "tpu.region"() ({
        %run_scoped3A = tpu.sem_alloc : memref<!tpu.dma_semaphore, #tpu.memory_space<semaphore_mem>>
        %dma_start3A_31 = arith.constant 0 : i32
        %dma_start3A_32 = tpu.memref_slice %arg4[%add3A_13, %dma_start3A_31] : memref<65536x128xf32, #tpu.memory_space<hbm>> -> memref<128x128xf32, #tpu.memory_space<hbm>>
        %dma_start3A_33 = arith.constant 0 : i32
        %dma_start3A_34 = tpu.memref_slice %arg4[%add3A_13, %dma_start3A_33] : memref<65536x128xf32, #tpu.memory_space<hbm>> -> memref<128x128xf32, #tpu.memory_space<hbm>>
        tpu.enqueue_dma source(%arg7 : memref<128x128xf32, #tpu.memory_space<vmem>>) target(%dma_start3A_34 : memref<128x128xf32, #tpu.memory_space<hbm>>) target_semaphore(%run_scoped3A : memref<!tpu.dma_semaphore, #tpu.memory_space<semaphore_mem>>)
        %dma_wait3A_35 = arith.constant 0 : i32
        %dma_wait3A_36 = tpu.memref_slice %arg4[%add3A_13, %dma_wait3A_35] : memref<65536x128xf32, #tpu.memory_space<hbm>> -> memref<128x128xf32, #tpu.memory_space<hbm>>
        %dma_wait3A_37 = arith.constant 0 : i32
        %dma_wait3A_38 = tpu.memref_slice %arg4[%add3A_13, %dma_wait3A_37] : memref<65536x128xf32, #tpu.memory_space<hbm>> -> memref<128x128xf32, #tpu.memory_space<hbm>>
        tpu.wait_dma2 semaphore(%run_scoped3A : memref<!tpu.dma_semaphore, #tpu.memory_space<semaphore_mem>>) src(%arg7 : memref<128x128xf32, #tpu.memory_space<vmem>>) dst(%dma_wait3A_38 : memref<128x128xf32, #tpu.memory_space<hbm>>)
        tpu.yield
      }) : () -> ()
      %mul3A_18 = arith.constant 2 : i32
      %mul3A_19 = arith.muli %mul3A_18, %scan3A_8 : i32
      %add3A_20 = arith.constant 1 : i32
      %add3A_21 = arith.addi %mul3A_19, %add3A_20 : i32
      %mul3A_22 = arith.constant 128 : i32
      %mul3A_23 = arith.muli %add3A_21, %mul3A_22 : i32
      %add3A_24 = arith.addi %mul3A_2, %mul3A_23 : i32
      "tpu.region"() ({
        %run_scoped3A = tpu.sem_alloc : memref<!tpu.dma_semaphore, #tpu.memory_space<semaphore_mem>>
        %dma_start3A_31 = tpu.memref_slice %arg3[%add3A_24] : memref<65536xi32, #tpu.memory_space<hbm>> -> memref<128xi32, #tpu.memory_space<hbm>>
        %dma_start3A_32 = tpu.memref_slice %arg3[%add3A_24] : memref<65536xi32, #tpu.memory_space<hbm>> -> memref<128xi32, #tpu.memory_space<hbm>>
        tpu.enqueue_dma source(%dma_start3A_32 : memref<128xi32, #tpu.memory_space<hbm>>) target(%arg6 : memref<128xi32, #tpu.memory_space<vmem>>) target_semaphore(%run_scoped3A : memref<!tpu.dma_semaphore, #tpu.memory_space<semaphore_mem>>)
        %dma_wait3A_33 = tpu.memref_slice %arg3[%add3A_24] : memref<65536xi32, #tpu.memory_space<hbm>> -> memref<128xi32, #tpu.memory_space<hbm>>
        %dma_wait3A_34 = tpu.memref_slice %arg3[%add3A_24] : memref<65536xi32, #tpu.memory_space<hbm>> -> memref<128xi32, #tpu.memory_space<hbm>>
        tpu.wait_dma2 semaphore(%run_scoped3A : memref<!tpu.dma_semaphore, #tpu.memory_space<semaphore_mem>>) src(%dma_wait3A_34 : memref<128xi32, #tpu.memory_space<hbm>>) dst(%arg6 : memref<128xi32, #tpu.memory_space<vmem>>)
        tpu.yield
      }) : () -> ()
      %dma_start3A_25 = arith.constant 0 : i32
      %dma_start3A_26 = arith.constant 0 : i32
      %dma_start3A_27 = tpu.memref_slice %arg2[%dma_start3A_25, %dma_start3A_26] : memref<4096x128xf32, #tpu.memory_space<hbm>> -> memref<4096x128xf32, #tpu.memory_space<hbm>>
      tpu.enqueue_indirect_dma source(%dma_start3A_27 : memref<4096x128xf32, #tpu.memory_space<hbm>>) target(%arg8 : memref<128x128xf32, #tpu.memory_space<vmem>>) offsets(%arg6 : memref<128xi32, #tpu.memory_space<vmem>>) semaphore(%arg10 : memref<!tpu.dma_semaphore, #tpu.memory_space<semaphore_mem>>)
      %dma_wait3A_28 = arith.constant 0 : i32
      %dma_wait3A_29 = arith.constant 0 : i32
      %dma_wait3A_30 = tpu.memref_slice %arg2[%dma_wait3A_28, %dma_wait3A_29] : memref<4096x128xf32, #tpu.memory_space<hbm>> -> memref<4096x128xf32, #tpu.memory_space<hbm>>
      tpu.wait_indirect_dma semaphore(%arg10 : memref<!tpu.dma_semaphore, #tpu.memory_space<semaphore_mem>>) src(%dma_wait3A_30 : memref<4096x128xf32, #tpu.memory_space<hbm>>) dst(%arg8 : memref<128x128xf32, #tpu.memory_space<vmem>>)
      "tpu.region"() ({
        %run_scoped3A = tpu.sem_alloc : memref<!tpu.dma_semaphore, #tpu.memory_space<semaphore_mem>>
        %dma_start3A_31 = arith.constant 0 : i32
        %dma_start3A_32 = tpu.memref_slice %arg4[%add3A_24, %dma_start3A_31] : memref<65536x128xf32, #tpu.memory_space<hbm>> -> memref<128x128xf32, #tpu.memory_space<hbm>>
        %dma_start3A_33 = arith.constant 0 : i32
        %dma_start3A_34 = tpu.memref_slice %arg4[%add3A_24, %dma_start3A_33] : memref<65536x128xf32, #tpu.memory_space<hbm>> -> memref<128x128xf32, #tpu.memory_space<hbm>>
        tpu.enqueue_dma source(%arg8 : memref<128x128xf32, #tpu.memory_space<vmem>>) target(%dma_start3A_34 : memref<128x128xf32, #tpu.memory_space<hbm>>) target_semaphore(%run_scoped3A : memref<!tpu.dma_semaphore, #tpu.memory_space<semaphore_mem>>)
        %dma_wait3A_35 = arith.constant 0 : i32
        %dma_wait3A_36 = tpu.memref_slice %arg4[%add3A_24, %dma_wait3A_35] : memref<65536x128xf32, #tpu.memory_space<hbm>> -> memref<128x128xf32, #tpu.memory_space<hbm>>
        %dma_wait3A_37 = arith.constant 0 : i32
        %dma_wait3A_38 = tpu.memref_slice %arg4[%add3A_24, %dma_wait3A_37] : memref<65536x128xf32, #tpu.memory_space<hbm>> -> memref<128x128xf32, #tpu.memory_space<hbm>>
        tpu.wait_dma2 semaphore(%run_scoped3A : memref<!tpu.dma_semaphore, #tpu.memory_space<semaphore_mem>>) src(%arg8 : memref<128x128xf32, #tpu.memory_space<vmem>>) dst(%dma_wait3A_38 : memref<128x128xf32, #tpu.memory_space<hbm>>)
        tpu.yield
      }) : () -> ()
    }
    %scan3A_7 = arith.constant 8 : i32
    return
  }
}

#map = affine_map<(d0, d1) -> (0, 0)>
#map1 = affine_map<(d0, d1) -> (0)>
module attributes {stable_mosaic.version = 14 : i64} {
  func.func @gather_rows(%arg0: i32, %arg1: i32, %arg2: memref<4096x128xf32, #tpu.memory_space<hbm>>, %arg3: memref<65536xi32, #tpu.memory_space<hbm>>, %arg4: memref<65536x128xf32, #tpu.memory_space<hbm>>, %arg5: memref<128xi32, #tpu.memory_space<vmem>>, %arg6: memref<128xi32, #tpu.memory_space<vmem>>, %arg7: memref<128x128xf32, #tpu.memory_space<vmem>>, %arg8: memref<128x128xf32, #tpu.memory_space<vmem>>, %arg9: memref<!tpu.dma_semaphore, #tpu.memory_space<semaphore_mem>>, %arg10: memref<!tpu.dma_semaphore, #tpu.memory_space<semaphore_mem>>) attributes {dimension_semantics = [#tpu.dimension_semantics<core_parallel>, #tpu.dimension_semantics<subcore_parallel>], iteration_bounds = array<i64: 2, 16>, scalar_prefetch = 0 : i64, scratch_operands = 6 : i64, tpu.core_type = #tpu.core_type<sc_vector_subcore>, window_params = [{transform_indices = #map}, {transform_indices = #map1}, {transform_indices = #map}]} {
    %mul3A = arith.constant 2 : i32
    %mul3A_0 = arith.muli %arg1, %mul3A : i32
    %add3A = arith.addi %mul3A_0, %arg0 : i32
    %mul3A_1 = arith.constant 2048 : i32
    %mul3A_2 = arith.muli %add3A, %mul3A_1 : i32
    %scan3A = arith.constant 0 : i32
    %scan3A_3 = arith.constant 0 : i32
    %scan3A_4 = arith.constant 8 : i32
    %scan3A_5 = arith.addi %scan3A_3, %scan3A_4 : i32
    %scan3A_6 = arith.constant 1 : i32
    scf.for %scan3A_8 = %scan3A_3 to %scan3A_5 step %scan3A_6  : i32 {
      %mul3A_9 = arith.constant 2 : i32
      %mul3A_10 = arith.muli %mul3A_9, %scan3A_8 : i32
      %mul3A_11 = arith.constant 128 : i32
      %mul3A_12 = arith.muli %mul3A_10, %mul3A_11 : i32
      %add3A_13 = arith.addi %mul3A_2, %mul3A_12 : i32
      "tpu.region"() ({
        %run_scoped3A = tpu.sem_alloc : memref<!tpu.dma_semaphore, #tpu.memory_space<semaphore_mem>>
        %dma_start3A_31 = tpu.memref_slice %arg3[%add3A_13] : memref<65536xi32, #tpu.memory_space<hbm>> -> memref<128xi32, #tpu.memory_space<hbm>>
        %dma_start3A_32 = tpu.memref_slice %arg3[%add3A_13] : memref<65536xi32, #tpu.memory_space<hbm>> -> memref<128xi32, #tpu.memory_space<hbm>>
        tpu.enqueue_dma source(%dma_start3A_32 : memref<128xi32, #tpu.memory_space<hbm>>) target(%arg5 : memref<128xi32, #tpu.memory_space<vmem>>) target_semaphore(%run_scoped3A : memref<!tpu.dma_semaphore, #tpu.memory_space<semaphore_mem>>)
        %dma_wait3A_33 = tpu.memref_slice %arg3[%add3A_13] : memref<65536xi32, #tpu.memory_space<hbm>> -> memref<128xi32, #tpu.memory_space<hbm>>
        %dma_wait3A_34 = tpu.memref_slice %arg3[%add3A_13] : memref<65536xi32, #tpu.memory_space<hbm>> -> memref<128xi32, #tpu.memory_space<hbm>>
        tpu.wait_dma2 semaphore(%run_scoped3A : memref<!tpu.dma_semaphore, #tpu.memory_space<semaphore_mem>>) src(%dma_wait3A_34 : memref<128xi32, #tpu.memory_space<hbm>>) dst(%arg5 : memref<128xi32, #tpu.memory_space<vmem>>)
        tpu.yield
      }) : () -> ()
      %dma_start3A = arith.constant 0 : i32
      %dma_start3A_14 = arith.constant 0 : i32
      %dma_start3A_15 = tpu.memref_slice %arg2[%dma_start3A, %dma_start3A_14] : memref<4096x128xf32, #tpu.memory_space<hbm>> -> memref<4096x128xf32, #tpu.memory_space<hbm>>
      tpu.enqueue_indirect_dma source(%dma_start3A_15 : memref<4096x128xf32, #tpu.memory_space<hbm>>) target(%arg7 : memref<128x128xf32, #tpu.memory_space<vmem>>) offsets(%arg5 : memref<128xi32, #tpu.memory_space<vmem>>) semaphore(%arg9 : memref<!tpu.dma_semaphore, #tpu.memory_space<semaphore_mem>>)
      %dma_wait3A = arith.constant 0 : i32
      %dma_wait3A_16 = arith.constant 0 : i32
      %dma_wait3A_17 = tpu.memref_slice %arg2[%dma_wait3A, %dma_wait3A_16] : memref<4096x128xf32, #tpu.memory_space<hbm>> -> memref<4096x128xf32, #tpu.memory_space<hbm>>
      tpu.wait_indirect_dma semaphore(%arg9 : memref<!tpu.dma_semaphore, #tpu.memory_space<semaphore_mem>>) src(%dma_wait3A_17 : memref<4096x128xf32, #tpu.memory_space<hbm>>) dst(%arg7 : memref<128x128xf32, #tpu.memory_space<vmem>>)
      "tpu.region"() ({
        %run_scoped3A = tpu.sem_alloc : memref<!tpu.dma_semaphore, #tpu.memory_space<semaphore_mem>>
        %dma_start3A_31 = arith.constant 0 : i32
        %dma_start3A_32 = tpu.memref_slice %arg4[%add3A_13, %dma_start3A_31] : memref<65536x128xf32, #tpu.memory_space<hbm>> -> memref<128x128xf32, #tpu.memory_space<hbm>>
        %dma_start3A_33 = arith.constant 0 : i32
        %dma_start3A_34 = tpu.memref_slice %arg4[%add3A_13, %dma_start3A_33] : memref<65536x128xf32, #tpu.memory_space<hbm>> -> memref<128x128xf32, #tpu.memory_space<hbm>>
        tpu.enqueue_dma source(%arg7 : memref<128x128xf32, #tpu.memory_space<vmem>>) target(%dma_start3A_34 : memref<128x128xf32, #tpu.memory_space<hbm>>) target_semaphore(%run_scoped3A : memref<!tpu.dma_semaphore, #tpu.memory_space<semaphore_mem>>)
        %dma_wait3A_35 = arith.constant 0 : i32
        %dma_wait3A_36 = tpu.memref_slice %arg4[%add3A_13, %dma_wait3A_35] : memref<65536x128xf32, #tpu.memory_space<hbm>> -> memref<128x128xf32, #tpu.memory_space<hbm>>
        %dma_wait3A_37 = arith.constant 0 : i32
        %dma_wait3A_38 = tpu.memref_slice %arg4[%add3A_13, %dma_wait3A_37] : memref<65536x128xf32, #tpu.memory_space<hbm>> -> memref<128x128xf32, #tpu.memory_space<hbm>>
        tpu.wait_dma2 semaphore(%run_scoped3A : memref<!tpu.dma_semaphore, #tpu.memory_space<semaphore_mem>>) src(%arg7 : memref<128x128xf32, #tpu.memory_space<vmem>>) dst(%dma_wait3A_38 : memref<128x128xf32, #tpu.memory_space<hbm>>)
        tpu.yield
      }) : () -> ()
      %mul3A_18 = arith.constant 2 : i32
      %mul3A_19 = arith.muli %mul3A_18, %scan3A_8 : i32
      %add3A_20 = arith.constant 1 : i32
      %add3A_21 = arith.addi %mul3A_19, %add3A_20 : i32
      %mul3A_22 = arith.constant 128 : i32
      %mul3A_23 = arith.muli %add3A_21, %mul3A_22 : i32
      %add3A_24 = arith.addi %mul3A_2, %mul3A_23 : i32
      "tpu.region"() ({
        %run_scoped3A = tpu.sem_alloc : memref<!tpu.dma_semaphore, #tpu.memory_space<semaphore_mem>>
        %dma_start3A_31 = tpu.memref_slice %arg3[%add3A_24] : memref<65536xi32, #tpu.memory_space<hbm>> -> memref<128xi32, #tpu.memory_space<hbm>>
        %dma_start3A_32 = tpu.memref_slice %arg3[%add3A_24] : memref<65536xi32, #tpu.memory_space<hbm>> -> memref<128xi32, #tpu.memory_space<hbm>>
        tpu.enqueue_dma source(%dma_start3A_32 : memref<128xi32, #tpu.memory_space<hbm>>) target(%arg6 : memref<128xi32, #tpu.memory_space<vmem>>) target_semaphore(%run_scoped3A : memref<!tpu.dma_semaphore, #tpu.memory_space<semaphore_mem>>)
        %dma_wait3A_33 = tpu.memref_slice %arg3[%add3A_24] : memref<65536xi32, #tpu.memory_space<hbm>> -> memref<128xi32, #tpu.memory_space<hbm>>
        %dma_wait3A_34 = tpu.memref_slice %arg3[%add3A_24] : memref<65536xi32, #tpu.memory_space<hbm>> -> memref<128xi32, #tpu.memory_space<hbm>>
        tpu.wait_dma2 semaphore(%run_scoped3A : memref<!tpu.dma_semaphore, #tpu.memory_space<semaphore_mem>>) src(%dma_wait3A_34 : memref<128xi32, #tpu.memory_space<hbm>>) dst(%arg6 : memref<128xi32, #tpu.memory_space<vmem>>)
        tpu.yield
      }) : () -> ()
      %dma_start3A_25 = arith.constant 0 : i32
      %dma_start3A_26 = arith.constant 0 : i32
      %dma_start3A_27 = tpu.memref_slice %arg2[%dma_start3A_25, %dma_start3A_26] : memref<4096x128xf32, #tpu.memory_space<hbm>> -> memref<4096x128xf32, #tpu.memory_space<hbm>>
      tpu.enqueue_indirect_dma source(%dma_start3A_27 : memref<4096x128xf32, #tpu.memory_space<hbm>>) target(%arg8 : memref<128x128xf32, #tpu.memory_space<vmem>>) offsets(%arg6 : memref<128xi32, #tpu.memory_space<vmem>>) semaphore(%arg10 : memref<!tpu.dma_semaphore, #tpu.memory_space<semaphore_mem>>)
      %dma_wait3A_28 = arith.constant 0 : i32
      %dma_wait3A_29 = arith.constant 0 : i32
      %dma_wait3A_30 = tpu.memref_slice %arg2[%dma_wait3A_28, %dma_wait3A_29] : memref<4096x128xf32, #tpu.memory_space<hbm>> -> memref<4096x128xf32, #tpu.memory_space<hbm>>
      tpu.wait_indirect_dma semaphore(%arg10 : memref<!tpu.dma_semaphore, #tpu.memory_space<semaphore_mem>>) src(%dma_wait3A_30 : memref<4096x128xf32, #tpu.memory_space<hbm>>) dst(%arg8 : memref<128x128xf32, #tpu.memory_space<vmem>>)
      "tpu.region"() ({
        %run_scoped3A = tpu.sem_alloc : memref<!tpu.dma_semaphore, #tpu.memory_space<semaphore_mem>>
        %dma_start3A_31 = arith.constant 0 : i32
        %dma_start3A_32 = tpu.memref_slice %arg4[%add3A_24, %dma_start3A_31] : memref<65536x128xf32, #tpu.memory_space<hbm>> -> memref<128x128xf32, #tpu.memory_space<hbm>>
        %dma_start3A_33 = arith.constant 0 : i32
        %dma_start3A_34 = tpu.memref_slice %arg4[%add3A_24, %dma_start3A_33] : memref<65536x128xf32, #tpu.memory_space<hbm>> -> memref<128x128xf32, #tpu.memory_space<hbm>>
        tpu.enqueue_dma source(%arg8 : memref<128x128xf32, #tpu.memory_space<vmem>>) target(%dma_start3A_34 : memref<128x128xf32, #tpu.memory_space<hbm>>) target_semaphore(%run_scoped3A : memref<!tpu.dma_semaphore, #tpu.memory_space<semaphore_mem>>)
        %dma_wait3A_35 = arith.constant 0 : i32
        %dma_wait3A_36 = tpu.memref_slice %arg4[%add3A_24, %dma_wait3A_35] : memref<65536x128xf32, #tpu.memory_space<hbm>> -> memref<128x128xf32, #tpu.memory_space<hbm>>
        %dma_wait3A_37 = arith.constant 0 : i32
        %dma_wait3A_38 = tpu.memref_slice %arg4[%add3A_24, %dma_wait3A_37] : memref<65536x128xf32, #tpu.memory_space<hbm>> -> memref<128x128xf32, #tpu.memory_space<hbm>>
        tpu.wait_dma2 semaphore(%run_scoped3A : memref<!tpu.dma_semaphore, #tpu.memory_space<semaphore_mem>>) src(%arg8 : memref<128x128xf32, #tpu.memory_space<vmem>>) dst(%dma_wait3A_38 : memref<128x128xf32, #tpu.memory_space<hbm>>)
        tpu.yield
      }) : () -> ()
    }
    %scan3A_7 = arith.constant 8 : i32
    return
  }
}

module attributes {stable_mosaic.version = 14 : i64} {
  func.func @_stage_a_body(%arg0: i32, %arg1: memref<1x256x3xf32, #tpu.memory_space<vmem>>, %arg2: memref<1x3x4096xf32, #tpu.memory_space<vmem>>, %arg3: memref<1x256x128xf32, #tpu.memory_space<vmem>>, %arg4: memref<128x128xf32, #tpu.memory_space<vmem>>, %arg5: memref<3x128xf32, #tpu.memory_space<vmem>>, %arg6: memref<1x128xf32, #tpu.memory_space<vmem>>, %arg7: memref<256x128xf32, #tpu.memory_space<vmem>>, %arg8: memref<256x128xf32, #tpu.memory_space<vmem>>, %arg9: memref<256x16xi32, #tpu.memory_space<vmem>>) attributes {dimension_semantics = [#tpu.dimension_semantics<arbitrary>], iteration_bounds = array<i64: 16>, scalar_prefetch = 0 : i64, scratch_operands = 0 : i64, tpu.core_type = #tpu.core_type<tc>, window_params = [{transform_indices = @transform_0, window_bounds = array<i64: 1, 256, 3>}, {pipeline_mode = #tpu.pipeline_mode<synchronous>, transform_indices = @transform_1, window_bounds = array<i64: 1, 3, 4096>}, {transform_indices = @transform_2, window_bounds = array<i64: 1, 256, 128>}, {pipeline_mode = #tpu.pipeline_mode<synchronous>, transform_indices = @transform_3, window_bounds = array<i64: 128, 128>}, {pipeline_mode = #tpu.pipeline_mode<synchronous>, transform_indices = @transform_4, window_bounds = array<i64: 3, 128>}, {pipeline_mode = #tpu.pipeline_mode<synchronous>, transform_indices = @transform_5, window_bounds = array<i64: 1, 128>}, {transform_indices = @transform_6, window_bounds = array<i64: 256, 128>}, {transform_indices = @transform_7, window_bounds = array<i64: 256, 128>}, {transform_indices = @transform_8, window_bounds = array<i64: 256, 16>}]} {
    %get3A = arith.constant 0 : index
    %get3A_0 = arith.constant 0 : index
    %get3A_1 = arith.constant 0 : index
    %get3A_2 = vector.load %arg1[%get3A, %get3A_0, %get3A_1] : memref<1x256x3xf32, #tpu.memory_space<vmem>>, vector<1x256x3xf32>
    %get3A_3 = vector.shape_cast %get3A_2 : vector<1x256x3xf32> to vector<256x3xf32>
    %slice3A = vector.extract_strided_slice %get3A_3 {offsets = [0, 0], sizes = [256, 1], strides = [1, 1]} : vector<256x3xf32> to vector<256x1xf32>
    %slice3A_4 = vector.extract_strided_slice %get3A_3 {offsets = [0, 1], sizes = [256, 1], strides = [1, 1]} : vector<256x3xf32> to vector<256x1xf32>
    %slice3A_5 = vector.extract_strided_slice %get3A_3 {offsets = [0, 2], sizes = [256, 1], strides = [1, 1]} : vector<256x3xf32> to vector<256x1xf32>
    %broadcast_in_dim3A = arith.constant 0x7F800000 : f32
    %broadcast_in_dim3A_6 = vector.broadcast %broadcast_in_dim3A : f32 to vector<256x128xf32>
    %broadcast_in_dim3A_7 = arith.constant 0x7F800000 : f32
    %broadcast_in_dim3A_8 = vector.broadcast %broadcast_in_dim3A_7 : f32 to vector<256x128xf32>
    %broadcast_in_dim3A_9 = arith.constant 0x7F800000 : f32
    %broadcast_in_dim3A_10 = vector.broadcast %broadcast_in_dim3A_9 : f32 to vector<256x128xf32>
    %broadcast_in_dim3A_11 = arith.constant 0x7F800000 : f32
    %broadcast_in_dim3A_12 = vector.broadcast %broadcast_in_dim3A_11 : f32 to vector<256x128xf32>
    %broadcast_in_dim3A_13 = arith.constant 0 : i32
    %broadcast_in_dim3A_14 = vector.broadcast %broadcast_in_dim3A_13 : i32 to vector<256x128xi32>
    %get3A_15 = arith.constant 0 : index
    %get3A_16 = arith.constant 0 : index
    %get3A_17 = arith.constant 0 : index
    %get3A_18 = vector.load %arg2[%get3A_15, %get3A_16, %get3A_17] : memref<1x3x4096xf32, #tpu.memory_space<vmem>>, vector<1x1x128xf32>
    %get3A_19 = vector.shape_cast %get3A_18 : vector<1x1x128xf32> to vector<1x128xf32>
    %sub3A = vector.broadcast %slice3A : vector<256x1xf32> to vector<256x128xf32>
    %sub3A_20 = vector.broadcast %get3A_19 : vector<1x128xf32> to vector<256x128xf32>
    %sub3A_21 = arith.subf %sub3A, %sub3A_20 : vector<256x128xf32>
    %get3A_22 = arith.constant 0 : index
    %get3A_23 = arith.constant 1 : index
    %get3A_24 = arith.constant 0 : index
    %get3A_25 = vector.load %arg2[%get3A_22, %get3A_23, %get3A_24] : memref<1x3x4096xf32, #tpu.memory_space<vmem>>, vector<1x1x128xf32>
    %get3A_26 = vector.shape_cast %get3A_25 : vector<1x1x128xf32> to vector<1x128xf32>
    %sub3A_27 = vector.broadcast %slice3A_4 : vector<256x1xf32> to vector<256x128xf32>
    %sub3A_28 = vector.broadcast %get3A_26 : vector<1x128xf32> to vector<256x128xf32>
    %sub3A_29 = arith.subf %sub3A_27, %sub3A_28 : vector<256x128xf32>
    %get3A_30 = arith.constant 0 : index
    %get3A_31 = arith.constant 2 : index
    %get3A_32 = arith.constant 0 : index
    %get3A_33 = vector.load %arg2[%get3A_30, %get3A_31, %get3A_32] : memref<1x3x4096xf32, #tpu.memory_space<vmem>>, vector<1x1x128xf32>
    %get3A_34 = vector.shape_cast %get3A_33 : vector<1x1x128xf32> to vector<1x128xf32>
    %sub3A_35 = vector.broadcast %slice3A_5 : vector<256x1xf32> to vector<256x128xf32>
    %sub3A_36 = vector.broadcast %get3A_34 : vector<1x128xf32> to vector<256x128xf32>
    %sub3A_37 = arith.subf %sub3A_35, %sub3A_36 : vector<256x128xf32>
    %mul3A = arith.mulf %sub3A_21, %sub3A_21 : vector<256x128xf32>
    %mul3A_38 = arith.mulf %sub3A_29, %sub3A_29 : vector<256x128xf32>
    %add3A = arith.addf %mul3A, %mul3A_38 : vector<256x128xf32>
    %mul3A_39 = arith.mulf %sub3A_37, %sub3A_37 : vector<256x128xf32>
    %add3A_40 = arith.addf %add3A, %mul3A_39 : vector<256x128xf32>
    %lt3A = arith.cmpf olt, %add3A_40, %broadcast_in_dim3A_6 : vector<256x128xf32>
    %lt3A_41 = arith.cmpf olt, %add3A_40, %broadcast_in_dim3A_8 : vector<256x128xf32>
    %lt3A_42 = arith.cmpf olt, %add3A_40, %broadcast_in_dim3A_10 : vector<256x128xf32>
    %lt3A_43 = arith.cmpf olt, %add3A_40, %broadcast_in_dim3A_12 : vector<256x128xf32>
    %select_n3A = arith.select %lt3A_43, %add3A_40, %broadcast_in_dim3A_12 : vector<256x128xi1>, vector<256x128xf32>
    %select_n3A_44 = arith.select %lt3A_42, %broadcast_in_dim3A_10, %select_n3A : vector<256x128xi1>, vector<256x128xf32>
    %jit3A = arith.constant 0 : i32
    %broadcast_in_dim3A_45 = vector.broadcast %jit3A : i32 to vector<256x128xi32>
    %select_n3A_46 = arith.select %lt3A_43, %broadcast_in_dim3A_45, %broadcast_in_dim3A_14 : vector<256x128xi1>, vector<256x128xi32>
    %select_n3A_47 = arith.select %lt3A_42, %broadcast_in_dim3A_14, %select_n3A_46 : vector<256x128xi1>, vector<256x128xi32>
    %select_n3A_48 = arith.select %lt3A_42, %add3A_40, %broadcast_in_dim3A_10 : vector<256x128xi1>, vector<256x128xf32>
    %select_n3A_49 = arith.select %lt3A_41, %broadcast_in_dim3A_8, %select_n3A_48 : vector<256x128xi1>, vector<256x128xf32>
    %jit3A_50 = arith.constant 0 : i32
    %broadcast_in_dim3A_51 = vector.broadcast %jit3A_50 : i32 to vector<256x128xi32>
    %select_n3A_52 = arith.select %lt3A_42, %broadcast_in_dim3A_51, %broadcast_in_dim3A_14 : vector<256x128xi1>, vector<256x128xi32>
    %select_n3A_53 = arith.select %lt3A_41, %broadcast_in_dim3A_14, %select_n3A_52 : vector<256x128xi1>, vector<256x128xi32>
    %select_n3A_54 = arith.select %lt3A_41, %add3A_40, %broadcast_in_dim3A_8 : vector<256x128xi1>, vector<256x128xf32>
    %select_n3A_55 = arith.select %lt3A, %broadcast_in_dim3A_6, %select_n3A_54 : vector<256x128xi1>, vector<256x128xf32>
    %jit3A_56 = arith.constant 0 : i32
    %broadcast_in_dim3A_57 = vector.broadcast %jit3A_56 : i32 to vector<256x128xi32>
    %select_n3A_58 = arith.select %lt3A_41, %broadcast_in_dim3A_57, %broadcast_in_dim3A_14 : vector<256x128xi1>, vector<256x128xi32>
    %select_n3A_59 = arith.select %lt3A, %broadcast_in_dim3A_14, %select_n3A_58 : vector<256x128xi1>, vector<256x128xi32>
    %select_n3A_60 = arith.select %lt3A, %add3A_40, %broadcast_in_dim3A_6 : vector<256x128xi1>, vector<256x128xf32>
    %jit3A_61 = arith.constant 0 : i32
    %broadcast_in_dim3A_62 = vector.broadcast %jit3A_61 : i32 to vector<256x128xi32>
    %select_n3A_63 = arith.select %lt3A, %broadcast_in_dim3A_62, %broadcast_in_dim3A_14 : vector<256x128xi1>, vector<256x128xi32>
    %get3A_64 = arith.constant 0 : index
    %get3A_65 = arith.constant 0 : index
    %get3A_66 = arith.constant 128 : index
    %get3A_67 = vector.load %arg2[%get3A_64, %get3A_65, %get3A_66] : memref<1x3x4096xf32, #tpu.memory_space<vmem>>, vector<1x1x128xf32>
    %get3A_68 = vector.shape_cast %get3A_67 : vector<1x1x128xf32> to vector<1x128xf32>
    %sub3A_69 = vector.broadcast %slice3A : vector<256x1xf32> to vector<256x128xf32>
    %sub3A_70 = vector.broadcast %get3A_68 : vector<1x128xf32> to vector<256x128xf32>
    %sub3A_71 = arith.subf %sub3A_69, %sub3A_70 : vector<256x128xf32>
    %get3A_72 = arith.constant 0 : index
    %get3A_73 = arith.constant 1 : index
    %get3A_74 = arith.constant 128 : index
    %get3A_75 = vector.load %arg2[%get3A_72, %get3A_73, %get3A_74] : memref<1x3x4096xf32, #tpu.memory_space<vmem>>, vector<1x1x128xf32>
    %get3A_76 = vector.shape_cast %get3A_75 : vector<1x1x128xf32> to vector<1x128xf32>
    %sub3A_77 = vector.broadcast %slice3A_4 : vector<256x1xf32> to vector<256x128xf32>
    %sub3A_78 = vector.broadcast %get3A_76 : vector<1x128xf32> to vector<256x128xf32>
    %sub3A_79 = arith.subf %sub3A_77, %sub3A_78 : vector<256x128xf32>
    %get3A_80 = arith.constant 0 : index
    %get3A_81 = arith.constant 2 : index
    %get3A_82 = arith.constant 128 : index
    %get3A_83 = vector.load %arg2[%get3A_80, %get3A_81, %get3A_82] : memref<1x3x4096xf32, #tpu.memory_space<vmem>>, vector<1x1x128xf32>
    %get3A_84 = vector.shape_cast %get3A_83 : vector<1x1x128xf32> to vector<1x128xf32>
    %sub3A_85 = vector.broadcast %slice3A_5 : vector<256x1xf32> to vector<256x128xf32>
    %sub3A_86 = vector.broadcast %get3A_84 : vector<1x128xf32> to vector<256x128xf32>
    %sub3A_87 = arith.subf %sub3A_85, %sub3A_86 : vector<256x128xf32>
    %mul3A_88 = arith.mulf %sub3A_71, %sub3A_71 : vector<256x128xf32>
    %mul3A_89 = arith.mulf %sub3A_79, %sub3A_79 : vector<256x128xf32>
    %add3A_90 = arith.addf %mul3A_88, %mul3A_89 : vector<256x128xf32>
    %mul3A_91 = arith.mulf %sub3A_87, %sub3A_87 : vector<256x128xf32>
    %add3A_92 = arith.addf %add3A_90, %mul3A_91 : vector<256x128xf32>
    %lt3A_93 = arith.cmpf olt, %add3A_92, %select_n3A_60 : vector<256x128xf32>
    %lt3A_94 = arith.cmpf olt, %add3A_92, %select_n3A_55 : vector<256x128xf32>
    %lt3A_95 = arith.cmpf olt, %add3A_92, %select_n3A_49 : vector<256x128xf32>
    %lt3A_96 = arith.cmpf olt, %add3A_92, %select_n3A_44 : vector<256x128xf32>
    %select_n3A_97 = arith.select %lt3A_96, %add3A_92, %select_n3A_44 : vector<256x128xi1>, vector<256x128xf32>
    %select_n3A_98 = arith.select %lt3A_95, %select_n3A_49, %select_n3A_97 : vector<256x128xi1>, vector<256x128xf32>
    %jit3A_99 = arith.constant 1 : i32
    %broadcast_in_dim3A_100 = vector.broadcast %jit3A_99 : i32 to vector<256x128xi32>
    %select_n3A_101 = arith.select %lt3A_96, %broadcast_in_dim3A_100, %select_n3A_47 : vector<256x128xi1>, vector<256x128xi32>
    %select_n3A_102 = arith.select %lt3A_95, %select_n3A_53, %select_n3A_101 : vector<256x128xi1>, vector<256x128xi32>
    %select_n3A_103 = arith.select %lt3A_95, %add3A_92, %select_n3A_49 : vector<256x128xi1>, vector<256x128xf32>
    %select_n3A_104 = arith.select %lt3A_94, %select_n3A_55, %select_n3A_103 : vector<256x128xi1>, vector<256x128xf32>
    %jit3A_105 = arith.constant 1 : i32
    %broadcast_in_dim3A_106 = vector.broadcast %jit3A_105 : i32 to vector<256x128xi32>
    %select_n3A_107 = arith.select %lt3A_95, %broadcast_in_dim3A_106, %select_n3A_53 : vector<256x128xi1>, vector<256x128xi32>
    %select_n3A_108 = arith.select %lt3A_94, %select_n3A_59, %select_n3A_107 : vector<256x128xi1>, vector<256x128xi32>
    %select_n3A_109 = arith.select %lt3A_94, %add3A_92, %select_n3A_55 : vector<256x128xi1>, vector<256x128xf32>
    %select_n3A_110 = arith.select %lt3A_93, %select_n3A_60, %select_n3A_109 : vector<256x128xi1>, vector<256x128xf32>
    %jit3A_111 = arith.constant 1 : i32
    %broadcast_in_dim3A_112 = vector.broadcast %jit3A_111 : i32 to vector<256x128xi32>
    %select_n3A_113 = arith.select %lt3A_94, %broadcast_in_dim3A_112, %select_n3A_59 : vector<256x128xi1>, vector<256x128xi32>
    %select_n3A_114 = arith.select %lt3A_93, %select_n3A_63, %select_n3A_113 : vector<256x128xi1>, vector<256x128xi32>
    %select_n3A_115 = arith.select %lt3A_93, %add3A_92, %select_n3A_60 : vector<256x128xi1>, vector<256x128xf32>
    %jit3A_116 = arith.constant 1 : i32
    %broadcast_in_dim3A_117 = vector.broadcast %jit3A_116 : i32 to vector<256x128xi32>
    %select_n3A_118 = arith.select %lt3A_93, %broadcast_in_dim3A_117, %select_n3A_63 : vector<256x128xi1>, vector<256x128xi32>
    %get3A_119 = arith.constant 0 : index
    %get3A_120 = arith.constant 0 : index
    %get3A_121 = arith.constant 256 : index
    %get3A_122 = vector.load %arg2[%get3A_119, %get3A_120, %get3A_121] : memref<1x3x4096xf32, #tpu.memory_space<vmem>>, vector<1x1x128xf32>
    %get3A_123 = vector.shape_cast %get3A_122 : vector<1x1x128xf32> to vector<1x128xf32>
    %sub3A_124 = vector.broadcast %slice3A : vector<256x1xf32> to vector<256x128xf32>
    %sub3A_125 = vector.broadcast %get3A_123 : vector<1x128xf32> to vector<256x128xf32>
    %sub3A_126 = arith.subf %sub3A_124, %sub3A_125 : vector<256x128xf32>
    %get3A_127 = arith.constant 0 : index
    %get3A_128 = arith.constant 1 : index
    %get3A_129 = arith.constant 256 : index
    %get3A_130 = vector.load %arg2[%get3A_127, %get3A_128, %get3A_129] : memref<1x3x4096xf32, #tpu.memory_space<vmem>>, vector<1x1x128xf32>
    %get3A_131 = vector.shape_cast %get3A_130 : vector<1x1x128xf32> to vector<1x128xf32>
    %sub3A_132 = vector.broadcast %slice3A_4 : vector<256x1xf32> to vector<256x128xf32>
    %sub3A_133 = vector.broadcast %get3A_131 : vector<1x128xf32> to vector<256x128xf32>
    %sub3A_134 = arith.subf %sub3A_132, %sub3A_133 : vector<256x128xf32>
    %get3A_135 = arith.constant 0 : index
    %get3A_136 = arith.constant 2 : index
    %get3A_137 = arith.constant 256 : index
    %get3A_138 = vector.load %arg2[%get3A_135, %get3A_136, %get3A_137] : memref<1x3x4096xf32, #tpu.memory_space<vmem>>, vector<1x1x128xf32>
    %get3A_139 = vector.shape_cast %get3A_138 : vector<1x1x128xf32> to vector<1x128xf32>
    %sub3A_140 = vector.broadcast %slice3A_5 : vector<256x1xf32> to vector<256x128xf32>
    %sub3A_141 = vector.broadcast %get3A_139 : vector<1x128xf32> to vector<256x128xf32>
    %sub3A_142 = arith.subf %sub3A_140, %sub3A_141 : vector<256x128xf32>
    %mul3A_143 = arith.mulf %sub3A_126, %sub3A_126 : vector<256x128xf32>
    %mul3A_144 = arith.mulf %sub3A_134, %sub3A_134 : vector<256x128xf32>
    %add3A_145 = arith.addf %mul3A_143, %mul3A_144 : vector<256x128xf32>
    %mul3A_146 = arith.mulf %sub3A_142, %sub3A_142 : vector<256x128xf32>
    %add3A_147 = arith.addf %add3A_145, %mul3A_146 : vector<256x128xf32>
    %lt3A_148 = arith.cmpf olt, %add3A_147, %select_n3A_115 : vector<256x128xf32>
    %lt3A_149 = arith.cmpf olt, %add3A_147, %select_n3A_110 : vector<256x128xf32>
    %lt3A_150 = arith.cmpf olt, %add3A_147, %select_n3A_104 : vector<256x128xf32>
    %lt3A_151 = arith.cmpf olt, %add3A_147, %select_n3A_98 : vector<256x128xf32>
    %select_n3A_152 = arith.select %lt3A_151, %add3A_147, %select_n3A_98 : vector<256x128xi1>, vector<256x128xf32>
    %select_n3A_153 = arith.select %lt3A_150, %select_n3A_104, %select_n3A_152 : vector<256x128xi1>, vector<256x128xf32>
    %jit3A_154 = arith.constant 2 : i32
    %broadcast_in_dim3A_155 = vector.broadcast %jit3A_154 : i32 to vector<256x128xi32>
    %select_n3A_156 = arith.select %lt3A_151, %broadcast_in_dim3A_155, %select_n3A_102 : vector<256x128xi1>, vector<256x128xi32>
    %select_n3A_157 = arith.select %lt3A_150, %select_n3A_108, %select_n3A_156 : vector<256x128xi1>, vector<256x128xi32>
    %select_n3A_158 = arith.select %lt3A_150, %add3A_147, %select_n3A_104 : vector<256x128xi1>, vector<256x128xf32>
    %select_n3A_159 = arith.select %lt3A_149, %select_n3A_110, %select_n3A_158 : vector<256x128xi1>, vector<256x128xf32>
    %jit3A_160 = arith.constant 2 : i32
    %broadcast_in_dim3A_161 = vector.broadcast %jit3A_160 : i32 to vector<256x128xi32>
    %select_n3A_162 = arith.select %lt3A_150, %broadcast_in_dim3A_161, %select_n3A_108 : vector<256x128xi1>, vector<256x128xi32>
    %select_n3A_163 = arith.select %lt3A_149, %select_n3A_114, %select_n3A_162 : vector<256x128xi1>, vector<256x128xi32>
    %select_n3A_164 = arith.select %lt3A_149, %add3A_147, %select_n3A_110 : vector<256x128xi1>, vector<256x128xf32>
    %select_n3A_165 = arith.select %lt3A_148, %select_n3A_115, %select_n3A_164 : vector<256x128xi1>, vector<256x128xf32>
    %jit3A_166 = arith.constant 2 : i32
    %broadcast_in_dim3A_167 = vector.broadcast %jit3A_166 : i32 to vector<256x128xi32>
    %select_n3A_168 = arith.select %lt3A_149, %broadcast_in_dim3A_167, %select_n3A_114 : vector<256x128xi1>, vector<256x128xi32>
    %select_n3A_169 = arith.select %lt3A_148, %select_n3A_118, %select_n3A_168 : vector<256x128xi1>, vector<256x128xi32>
    %select_n3A_170 = arith.select %lt3A_148, %add3A_147, %select_n3A_115 : vector<256x128xi1>, vector<256x128xf32>
    %jit3A_171 = arith.constant 2 : i32
    %broadcast_in_dim3A_172 = vector.broadcast %jit3A_171 : i32 to vector<256x128xi32>
    %select_n3A_173 = arith.select %lt3A_148, %broadcast_in_dim3A_172, %select_n3A_118 : vector<256x128xi1>, vector<256x128xi32>
    %get3A_174 = arith.constant 0 : index
    %get3A_175 = arith.constant 0 : index
    %get3A_176 = arith.constant 384 : index
    %get3A_177 = vector.load %arg2[%get3A_174, %get3A_175, %get3A_176] : memref<1x3x4096xf32, #tpu.memory_space<vmem>>, vector<1x1x128xf32>
    %get3A_178 = vector.shape_cast %get3A_177 : vector<1x1x128xf32> to vector<1x128xf32>
    %sub3A_179 = vector.broadcast %slice3A : vector<256x1xf32> to vector<256x128xf32>
    %sub3A_180 = vector.broadcast %get3A_178 : vector<1x128xf32> to vector<256x128xf32>
    %sub3A_181 = arith.subf %sub3A_179, %sub3A_180 : vector<256x128xf32>
    %get3A_182 = arith.constant 0 : index
    %get3A_183 = arith.constant 1 : index
    %get3A_184 = arith.constant 384 : index
    %get3A_185 = vector.load %arg2[%get3A_182, %get3A_183, %get3A_184] : memref<1x3x4096xf32, #tpu.memory_space<vmem>>, vector<1x1x128xf32>
    %get3A_186 = vector.shape_cast %get3A_185 : vector<1x1x128xf32> to vector<1x128xf32>
    %sub3A_187 = vector.broadcast %slice3A_4 : vector<256x1xf32> to vector<256x128xf32>
    %sub3A_188 = vector.broadcast %get3A_186 : vector<1x128xf32> to vector<256x128xf32>
    %sub3A_189 = arith.subf %sub3A_187, %sub3A_188 : vector<256x128xf32>
    %get3A_190 = arith.constant 0 : index
    %get3A_191 = arith.constant 2 : index
    %get3A_192 = arith.constant 384 : index
    %get3A_193 = vector.load %arg2[%get3A_190, %get3A_191, %get3A_192] : memref<1x3x4096xf32, #tpu.memory_space<vmem>>, vector<1x1x128xf32>
    %get3A_194 = vector.shape_cast %get3A_193 : vector<1x1x128xf32> to vector<1x128xf32>
    %sub3A_195 = vector.broadcast %slice3A_5 : vector<256x1xf32> to vector<256x128xf32>
    %sub3A_196 = vector.broadcast %get3A_194 : vector<1x128xf32> to vector<256x128xf32>
    %sub3A_197 = arith.subf %sub3A_195, %sub3A_196 : vector<256x128xf32>
    %mul3A_198 = arith.mulf %sub3A_181, %sub3A_181 : vector<256x128xf32>
    %mul3A_199 = arith.mulf %sub3A_189, %sub3A_189 : vector<256x128xf32>
    %add3A_200 = arith.addf %mul3A_198, %mul3A_199 : vector<256x128xf32>
    %mul3A_201 = arith.mulf %sub3A_197, %sub3A_197 : vector<256x128xf32>
    %add3A_202 = arith.addf %add3A_200, %mul3A_201 : vector<256x128xf32>
    %lt3A_203 = arith.cmpf olt, %add3A_202, %select_n3A_170 : vector<256x128xf32>
    %lt3A_204 = arith.cmpf olt, %add3A_202, %select_n3A_165 : vector<256x128xf32>
    %lt3A_205 = arith.cmpf olt, %add3A_202, %select_n3A_159 : vector<256x128xf32>
    %lt3A_206 = arith.cmpf olt, %add3A_202, %select_n3A_153 : vector<256x128xf32>
    %select_n3A_207 = arith.select %lt3A_206, %add3A_202, %select_n3A_153 : vector<256x128xi1>, vector<256x128xf32>
    %select_n3A_208 = arith.select %lt3A_205, %select_n3A_159, %select_n3A_207 : vector<256x128xi1>, vector<256x128xf32>
    %jit3A_209 = arith.constant 3 : i32
    %broadcast_in_dim3A_210 = vector.broadcast %jit3A_209 : i32 to vector<256x128xi32>
    %select_n3A_211 = arith.select %lt3A_206, %broadcast_in_dim3A_210, %select_n3A_157 : vector<256x128xi1>, vector<256x128xi32>
    %select_n3A_212 = arith.select %lt3A_205, %select_n3A_163, %select_n3A_211 : vector<256x128xi1>, vector<256x128xi32>
    %select_n3A_213 = arith.select %lt3A_205, %add3A_202, %select_n3A_159 : vector<256x128xi1>, vector<256x128xf32>
    %select_n3A_214 = arith.select %lt3A_204, %select_n3A_165, %select_n3A_213 : vector<256x128xi1>, vector<256x128xf32>
    %jit3A_215 = arith.constant 3 : i32
    %broadcast_in_dim3A_216 = vector.broadcast %jit3A_215 : i32 to vector<256x128xi32>
    %select_n3A_217 = arith.select %lt3A_205, %broadcast_in_dim3A_216, %select_n3A_163 : vector<256x128xi1>, vector<256x128xi32>
    %select_n3A_218 = arith.select %lt3A_204, %select_n3A_169, %select_n3A_217 : vector<256x128xi1>, vector<256x128xi32>
    %select_n3A_219 = arith.select %lt3A_204, %add3A_202, %select_n3A_165 : vector<256x128xi1>, vector<256x128xf32>
    %select_n3A_220 = arith.select %lt3A_203, %select_n3A_170, %select_n3A_219 : vector<256x128xi1>, vector<256x128xf32>
    %jit3A_221 = arith.constant 3 : i32
    %broadcast_in_dim3A_222 = vector.broadcast %jit3A_221 : i32 to vector<256x128xi32>
    %select_n3A_223 = arith.select %lt3A_204, %broadcast_in_dim3A_222, %select_n3A_169 : vector<256x128xi1>, vector<256x128xi32>
    %select_n3A_224 = arith.select %lt3A_203, %select_n3A_173, %select_n3A_223 : vector<256x128xi1>, vector<256x128xi32>
    %select_n3A_225 = arith.select %lt3A_203, %add3A_202, %select_n3A_170 : vector<256x128xi1>, vector<256x128xf32>
    %jit3A_226 = arith.constant 3 : i32
    %broadcast_in_dim3A_227 = vector.broadcast %jit3A_226 : i32 to vector<256x128xi32>
    %select_n3A_228 = arith.select %lt3A_203, %broadcast_in_dim3A_227, %select_n3A_173 : vector<256x128xi1>, vector<256x128xi32>
    %get3A_229 = arith.constant 0 : index
    %get3A_230 = arith.constant 0 : index
    %get3A_231 = arith.constant 512 : index
    %get3A_232 = vector.load %arg2[%get3A_229, %get3A_230, %get3A_231] : memref<1x3x4096xf32, #tpu.memory_space<vmem>>, vector<1x1x128xf32>
    %get3A_233 = vector.shape_cast %get3A_232 : vector<1x1x128xf32> to vector<1x128xf32>
    %sub3A_234 = vector.broadcast %slice3A : vector<256x1xf32> to vector<256x128xf32>
    %sub3A_235 = vector.broadcast %get3A_233 : vector<1x128xf32> to vector<256x128xf32>
    %sub3A_236 = arith.subf %sub3A_234, %sub3A_235 : vector<256x128xf32>
    %get3A_237 = arith.constant 0 : index
    %get3A_238 = arith.constant 1 : index
    %get3A_239 = arith.constant 512 : index
    %get3A_240 = vector.load %arg2[%get3A_237, %get3A_238, %get3A_239] : memref<1x3x4096xf32, #tpu.memory_space<vmem>>, vector<1x1x128xf32>
    %get3A_241 = vector.shape_cast %get3A_240 : vector<1x1x128xf32> to vector<1x128xf32>
    %sub3A_242 = vector.broadcast %slice3A_4 : vector<256x1xf32> to vector<256x128xf32>
    %sub3A_243 = vector.broadcast %get3A_241 : vector<1x128xf32> to vector<256x128xf32>
    %sub3A_244 = arith.subf %sub3A_242, %sub3A_243 : vector<256x128xf32>
    %get3A_245 = arith.constant 0 : index
    %get3A_246 = arith.constant 2 : index
    %get3A_247 = arith.constant 512 : index
    %get3A_248 = vector.load %arg2[%get3A_245, %get3A_246, %get3A_247] : memref<1x3x4096xf32, #tpu.memory_space<vmem>>, vector<1x1x128xf32>
    %get3A_249 = vector.shape_cast %get3A_248 : vector<1x1x128xf32> to vector<1x128xf32>
    %sub3A_250 = vector.broadcast %slice3A_5 : vector<256x1xf32> to vector<256x128xf32>
    %sub3A_251 = vector.broadcast %get3A_249 : vector<1x128xf32> to vector<256x128xf32>
    %sub3A_252 = arith.subf %sub3A_250, %sub3A_251 : vector<256x128xf32>
    %mul3A_253 = arith.mulf %sub3A_236, %sub3A_236 : vector<256x128xf32>
    %mul3A_254 = arith.mulf %sub3A_244, %sub3A_244 : vector<256x128xf32>
    %add3A_255 = arith.addf %mul3A_253, %mul3A_254 : vector<256x128xf32>
    %mul3A_256 = arith.mulf %sub3A_252, %sub3A_252 : vector<256x128xf32>
    %add3A_257 = arith.addf %add3A_255, %mul3A_256 : vector<256x128xf32>
    %lt3A_258 = arith.cmpf olt, %add3A_257, %select_n3A_225 : vector<256x128xf32>
    %lt3A_259 = arith.cmpf olt, %add3A_257, %select_n3A_220 : vector<256x128xf32>
    %lt3A_260 = arith.cmpf olt, %add3A_257, %select_n3A_214 : vector<256x128xf32>
    %lt3A_261 = arith.cmpf olt, %add3A_257, %select_n3A_208 : vector<256x128xf32>
    %select_n3A_262 = arith.select %lt3A_261, %add3A_257, %select_n3A_208 : vector<256x128xi1>, vector<256x128xf32>
    %select_n3A_263 = arith.select %lt3A_260, %select_n3A_214, %select_n3A_262 : vector<256x128xi1>, vector<256x128xf32>
    %jit3A_264 = arith.constant 4 : i32
    %broadcast_in_dim3A_265 = vector.broadcast %jit3A_264 : i32 to vector<256x128xi32>
    %select_n3A_266 = arith.select %lt3A_261, %broadcast_in_dim3A_265, %select_n3A_212 : vector<256x128xi1>, vector<256x128xi32>
    %select_n3A_267 = arith.select %lt3A_260, %select_n3A_218, %select_n3A_266 : vector<256x128xi1>, vector<256x128xi32>
    %select_n3A_268 = arith.select %lt3A_260, %add3A_257, %select_n3A_214 : vector<256x128xi1>, vector<256x128xf32>
    %select_n3A_269 = arith.select %lt3A_259, %select_n3A_220, %select_n3A_268 : vector<256x128xi1>, vector<256x128xf32>
    %jit3A_270 = arith.constant 4 : i32
    %broadcast_in_dim3A_271 = vector.broadcast %jit3A_270 : i32 to vector<256x128xi32>
    %select_n3A_272 = arith.select %lt3A_260, %broadcast_in_dim3A_271, %select_n3A_218 : vector<256x128xi1>, vector<256x128xi32>
    %select_n3A_273 = arith.select %lt3A_259, %select_n3A_224, %select_n3A_272 : vector<256x128xi1>, vector<256x128xi32>
    %select_n3A_274 = arith.select %lt3A_259, %add3A_257, %select_n3A_220 : vector<256x128xi1>, vector<256x128xf32>
    %select_n3A_275 = arith.select %lt3A_258, %select_n3A_225, %select_n3A_274 : vector<256x128xi1>, vector<256x128xf32>
    %jit3A_276 = arith.constant 4 : i32
    %broadcast_in_dim3A_277 = vector.broadcast %jit3A_276 : i32 to vector<256x128xi32>
    %select_n3A_278 = arith.select %lt3A_259, %broadcast_in_dim3A_277, %select_n3A_224 : vector<256x128xi1>, vector<256x128xi32>
    %select_n3A_279 = arith.select %lt3A_258, %select_n3A_228, %select_n3A_278 : vector<256x128xi1>, vector<256x128xi32>
    %select_n3A_280 = arith.select %lt3A_258, %add3A_257, %select_n3A_225 : vector<256x128xi1>, vector<256x128xf32>
    %jit3A_281 = arith.constant 4 : i32
    %broadcast_in_dim3A_282 = vector.broadcast %jit3A_281 : i32 to vector<256x128xi32>
    %select_n3A_283 = arith.select %lt3A_258, %broadcast_in_dim3A_282, %select_n3A_228 : vector<256x128xi1>, vector<256x128xi32>
    %get3A_284 = arith.constant 0 : index
    %get3A_285 = arith.constant 0 : index
    %get3A_286 = arith.constant 640 : index
    %get3A_287 = vector.load %arg2[%get3A_284, %get3A_285, %get3A_286] : memref<1x3x4096xf32, #tpu.memory_space<vmem>>, vector<1x1x128xf32>
    %get3A_288 = vector.shape_cast %get3A_287 : vector<1x1x128xf32> to vector<1x128xf32>
    %sub3A_289 = vector.broadcast %slice3A : vector<256x1xf32> to vector<256x128xf32>
    %sub3A_290 = vector.broadcast %get3A_288 : vector<1x128xf32> to vector<256x128xf32>
    %sub3A_291 = arith.subf %sub3A_289, %sub3A_290 : vector<256x128xf32>
    %get3A_292 = arith.constant 0 : index
    %get3A_293 = arith.constant 1 : index
    %get3A_294 = arith.constant 640 : index
    %get3A_295 = vector.load %arg2[%get3A_292, %get3A_293, %get3A_294] : memref<1x3x4096xf32, #tpu.memory_space<vmem>>, vector<1x1x128xf32>
    %get3A_296 = vector.shape_cast %get3A_295 : vector<1x1x128xf32> to vector<1x128xf32>
    %sub3A_297 = vector.broadcast %slice3A_4 : vector<256x1xf32> to vector<256x128xf32>
    %sub3A_298 = vector.broadcast %get3A_296 : vector<1x128xf32> to vector<256x128xf32>
    %sub3A_299 = arith.subf %sub3A_297, %sub3A_298 : vector<256x128xf32>
    %get3A_300 = arith.constant 0 : index
    %get3A_301 = arith.constant 2 : index
    %get3A_302 = arith.constant 640 : index
    %get3A_303 = vector.load %arg2[%get3A_300, %get3A_301, %get3A_302] : memref<1x3x4096xf32, #tpu.memory_space<vmem>>, vector<1x1x128xf32>
    %get3A_304 = vector.shape_cast %get3A_303 : vector<1x1x128xf32> to vector<1x128xf32>
    %sub3A_305 = vector.broadcast %slice3A_5 : vector<256x1xf32> to vector<256x128xf32>
    %sub3A_306 = vector.broadcast %get3A_304 : vector<1x128xf32> to vector<256x128xf32>
    %sub3A_307 = arith.subf %sub3A_305, %sub3A_306 : vector<256x128xf32>
    %mul3A_308 = arith.mulf %sub3A_291, %sub3A_291 : vector<256x128xf32>
    %mul3A_309 = arith.mulf %sub3A_299, %sub3A_299 : vector<256x128xf32>
    %add3A_310 = arith.addf %mul3A_308, %mul3A_309 : vector<256x128xf32>
    %mul3A_311 = arith.mulf %sub3A_307, %sub3A_307 : vector<256x128xf32>
    %add3A_312 = arith.addf %add3A_310, %mul3A_311 : vector<256x128xf32>
    %lt3A_313 = arith.cmpf olt, %add3A_312, %select_n3A_280 : vector<256x128xf32>
    %lt3A_314 = arith.cmpf olt, %add3A_312, %select_n3A_275 : vector<256x128xf32>
    %lt3A_315 = arith.cmpf olt, %add3A_312, %select_n3A_269 : vector<256x128xf32>
    %lt3A_316 = arith.cmpf olt, %add3A_312, %select_n3A_263 : vector<256x128xf32>
    %select_n3A_317 = arith.select %lt3A_316, %add3A_312, %select_n3A_263 : vector<256x128xi1>, vector<256x128xf32>
    %select_n3A_318 = arith.select %lt3A_315, %select_n3A_269, %select_n3A_317 : vector<256x128xi1>, vector<256x128xf32>
    %jit3A_319 = arith.constant 5 : i32
    %broadcast_in_dim3A_320 = vector.broadcast %jit3A_319 : i32 to vector<256x128xi32>
    %select_n3A_321 = arith.select %lt3A_316, %broadcast_in_dim3A_320, %select_n3A_267 : vector<256x128xi1>, vector<256x128xi32>
    %select_n3A_322 = arith.select %lt3A_315, %select_n3A_273, %select_n3A_321 : vector<256x128xi1>, vector<256x128xi32>
    %select_n3A_323 = arith.select %lt3A_315, %add3A_312, %select_n3A_269 : vector<256x128xi1>, vector<256x128xf32>
    %select_n3A_324 = arith.select %lt3A_314, %select_n3A_275, %select_n3A_323 : vector<256x128xi1>, vector<256x128xf32>
    %jit3A_325 = arith.constant 5 : i32
    %broadcast_in_dim3A_326 = vector.broadcast %jit3A_325 : i32 to vector<256x128xi32>
    %select_n3A_327 = arith.select %lt3A_315, %broadcast_in_dim3A_326, %select_n3A_273 : vector<256x128xi1>, vector<256x128xi32>
    %select_n3A_328 = arith.select %lt3A_314, %select_n3A_279, %select_n3A_327 : vector<256x128xi1>, vector<256x128xi32>
    %select_n3A_329 = arith.select %lt3A_314, %add3A_312, %select_n3A_275 : vector<256x128xi1>, vector<256x128xf32>
    %select_n3A_330 = arith.select %lt3A_313, %select_n3A_280, %select_n3A_329 : vector<256x128xi1>, vector<256x128xf32>
    %jit3A_331 = arith.constant 5 : i32
    %broadcast_in_dim3A_332 = vector.broadcast %jit3A_331 : i32 to vector<256x128xi32>
    %select_n3A_333 = arith.select %lt3A_314, %broadcast_in_dim3A_332, %select_n3A_279 : vector<256x128xi1>, vector<256x128xi32>
    %select_n3A_334 = arith.select %lt3A_313, %select_n3A_283, %select_n3A_333 : vector<256x128xi1>, vector<256x128xi32>
    %select_n3A_335 = arith.select %lt3A_313, %add3A_312, %select_n3A_280 : vector<256x128xi1>, vector<256x128xf32>
    %jit3A_336 = arith.constant 5 : i32
    %broadcast_in_dim3A_337 = vector.broadcast %jit3A_336 : i32 to vector<256x128xi32>
    %select_n3A_338 = arith.select %lt3A_313, %broadcast_in_dim3A_337, %select_n3A_283 : vector<256x128xi1>, vector<256x128xi32>
    %get3A_339 = arith.constant 0 : index
    %get3A_340 = arith.constant 0 : index
    %get3A_341 = arith.constant 768 : index
    %get3A_342 = vector.load %arg2[%get3A_339, %get3A_340, %get3A_341] : memref<1x3x4096xf32, #tpu.memory_space<vmem>>, vector<1x1x128xf32>
    %get3A_343 = vector.shape_cast %get3A_342 : vector<1x1x128xf32> to vector<1x128xf32>
    %sub3A_344 = vector.broadcast %slice3A : vector<256x1xf32> to vector<256x128xf32>
    %sub3A_345 = vector.broadcast %get3A_343 : vector<1x128xf32> to vector<256x128xf32>
    %sub3A_346 = arith.subf %sub3A_344, %sub3A_345 : vector<256x128xf32>
    %get3A_347 = arith.constant 0 : index
    %get3A_348 = arith.constant 1 : index
    %get3A_349 = arith.constant 768 : index
    %get3A_350 = vector.load %arg2[%get3A_347, %get3A_348, %get3A_349] : memref<1x3x4096xf32, #tpu.memory_space<vmem>>, vector<1x1x128xf32>
    %get3A_351 = vector.shape_cast %get3A_350 : vector<1x1x128xf32> to vector<1x128xf32>
    %sub3A_352 = vector.broadcast %slice3A_4 : vector<256x1xf32> to vector<256x128xf32>
    %sub3A_353 = vector.broadcast %get3A_351 : vector<1x128xf32> to vector<256x128xf32>
    %sub3A_354 = arith.subf %sub3A_352, %sub3A_353 : vector<256x128xf32>
    %get3A_355 = arith.constant 0 : index
    %get3A_356 = arith.constant 2 : index
    %get3A_357 = arith.constant 768 : index
    %get3A_358 = vector.load %arg2[%get3A_355, %get3A_356, %get3A_357] : memref<1x3x4096xf32, #tpu.memory_space<vmem>>, vector<1x1x128xf32>
    %get3A_359 = vector.shape_cast %get3A_358 : vector<1x1x128xf32> to vector<1x128xf32>
    %sub3A_360 = vector.broadcast %slice3A_5 : vector<256x1xf32> to vector<256x128xf32>
    %sub3A_361 = vector.broadcast %get3A_359 : vector<1x128xf32> to vector<256x128xf32>
    %sub3A_362 = arith.subf %sub3A_360, %sub3A_361 : vector<256x128xf32>
    %mul3A_363 = arith.mulf %sub3A_346, %sub3A_346 : vector<256x128xf32>
    %mul3A_364 = arith.mulf %sub3A_354, %sub3A_354 : vector<256x128xf32>
    %add3A_365 = arith.addf %mul3A_363, %mul3A_364 : vector<256x128xf32>
    %mul3A_366 = arith.mulf %sub3A_362, %sub3A_362 : vector<256x128xf32>
    %add3A_367 = arith.addf %add3A_365, %mul3A_366 : vector<256x128xf32>
    %lt3A_368 = arith.cmpf olt, %add3A_367, %select_n3A_335 : vector<256x128xf32>
    %lt3A_369 = arith.cmpf olt, %add3A_367, %select_n3A_330 : vector<256x128xf32>
    %lt3A_370 = arith.cmpf olt, %add3A_367, %select_n3A_324 : vector<256x128xf32>
    %lt3A_371 = arith.cmpf olt, %add3A_367, %select_n3A_318 : vector<256x128xf32>
    %select_n3A_372 = arith.select %lt3A_371, %add3A_367, %select_n3A_318 : vector<256x128xi1>, vector<256x128xf32>
    %select_n3A_373 = arith.select %lt3A_370, %select_n3A_324, %select_n3A_372 : vector<256x128xi1>, vector<256x128xf32>
    %jit3A_374 = arith.constant 6 : i32
    %broadcast_in_dim3A_375 = vector.broadcast %jit3A_374 : i32 to vector<256x128xi32>
    %select_n3A_376 = arith.select %lt3A_371, %broadcast_in_dim3A_375, %select_n3A_322 : vector<256x128xi1>, vector<256x128xi32>
    %select_n3A_377 = arith.select %lt3A_370, %select_n3A_328, %select_n3A_376 : vector<256x128xi1>, vector<256x128xi32>
    %select_n3A_378 = arith.select %lt3A_370, %add3A_367, %select_n3A_324 : vector<256x128xi1>, vector<256x128xf32>
    %select_n3A_379 = arith.select %lt3A_369, %select_n3A_330, %select_n3A_378 : vector<256x128xi1>, vector<256x128xf32>
    %jit3A_380 = arith.constant 6 : i32
    %broadcast_in_dim3A_381 = vector.broadcast %jit3A_380 : i32 to vector<256x128xi32>
    %select_n3A_382 = arith.select %lt3A_370, %broadcast_in_dim3A_381, %select_n3A_328 : vector<256x128xi1>, vector<256x128xi32>
    %select_n3A_383 = arith.select %lt3A_369, %select_n3A_334, %select_n3A_382 : vector<256x128xi1>, vector<256x128xi32>
    %select_n3A_384 = arith.select %lt3A_369, %add3A_367, %select_n3A_330 : vector<256x128xi1>, vector<256x128xf32>
    %select_n3A_385 = arith.select %lt3A_368, %select_n3A_335, %select_n3A_384 : vector<256x128xi1>, vector<256x128xf32>
    %jit3A_386 = arith.constant 6 : i32
    %broadcast_in_dim3A_387 = vector.broadcast %jit3A_386 : i32 to vector<256x128xi32>
    %select_n3A_388 = arith.select %lt3A_369, %broadcast_in_dim3A_387, %select_n3A_334 : vector<256x128xi1>, vector<256x128xi32>
    %select_n3A_389 = arith.select %lt3A_368, %select_n3A_338, %select_n3A_388 : vector<256x128xi1>, vector<256x128xi32>
    %select_n3A_390 = arith.select %lt3A_368, %add3A_367, %select_n3A_335 : vector<256x128xi1>, vector<256x128xf32>
    %jit3A_391 = arith.constant 6 : i32
    %broadcast_in_dim3A_392 = vector.broadcast %jit3A_391 : i32 to vector<256x128xi32>
    %select_n3A_393 = arith.select %lt3A_368, %broadcast_in_dim3A_392, %select_n3A_338 : vector<256x128xi1>, vector<256x128xi32>
    %get3A_394 = arith.constant 0 : index
    %get3A_395 = arith.constant 0 : index
    %get3A_396 = arith.constant 896 : index
    %get3A_397 = vector.load %arg2[%get3A_394, %get3A_395, %get3A_396] : memref<1x3x4096xf32, #tpu.memory_space<vmem>>, vector<1x1x128xf32>
    %get3A_398 = vector.shape_cast %get3A_397 : vector<1x1x128xf32> to vector<1x128xf32>
    %sub3A_399 = vector.broadcast %slice3A : vector<256x1xf32> to vector<256x128xf32>
    %sub3A_400 = vector.broadcast %get3A_398 : vector<1x128xf32> to vector<256x128xf32>
    %sub3A_401 = arith.subf %sub3A_399, %sub3A_400 : vector<256x128xf32>
    %get3A_402 = arith.constant 0 : index
    %get3A_403 = arith.constant 1 : index
    %get3A_404 = arith.constant 896 : index
    %get3A_405 = vector.load %arg2[%get3A_402, %get3A_403, %get3A_404] : memref<1x3x4096xf32, #tpu.memory_space<vmem>>, vector<1x1x128xf32>
    %get3A_406 = vector.shape_cast %get3A_405 : vector<1x1x128xf32> to vector<1x128xf32>
    %sub3A_407 = vector.broadcast %slice3A_4 : vector<256x1xf32> to vector<256x128xf32>
    %sub3A_408 = vector.broadcast %get3A_406 : vector<1x128xf32> to vector<256x128xf32>
    %sub3A_409 = arith.subf %sub3A_407, %sub3A_408 : vector<256x128xf32>
    %get3A_410 = arith.constant 0 : index
    %get3A_411 = arith.constant 2 : index
    %get3A_412 = arith.constant 896 : index
    %get3A_413 = vector.load %arg2[%get3A_410, %get3A_411, %get3A_412] : memref<1x3x4096xf32, #tpu.memory_space<vmem>>, vector<1x1x128xf32>
    %get3A_414 = vector.shape_cast %get3A_413 : vector<1x1x128xf32> to vector<1x128xf32>
    %sub3A_415 = vector.broadcast %slice3A_5 : vector<256x1xf32> to vector<256x128xf32>
    %sub3A_416 = vector.broadcast %get3A_414 : vector<1x128xf32> to vector<256x128xf32>
    %sub3A_417 = arith.subf %sub3A_415, %sub3A_416 : vector<256x128xf32>
    %mul3A_418 = arith.mulf %sub3A_401, %sub3A_401 : vector<256x128xf32>
    %mul3A_419 = arith.mulf %sub3A_409, %sub3A_409 : vector<256x128xf32>
    %add3A_420 = arith.addf %mul3A_418, %mul3A_419 : vector<256x128xf32>
    %mul3A_421 = arith.mulf %sub3A_417, %sub3A_417 : vector<256x128xf32>
    %add3A_422 = arith.addf %add3A_420, %mul3A_421 : vector<256x128xf32>
    %lt3A_423 = arith.cmpf olt, %add3A_422, %select_n3A_390 : vector<256x128xf32>
    %lt3A_424 = arith.cmpf olt, %add3A_422, %select_n3A_385 : vector<256x128xf32>
    %lt3A_425 = arith.cmpf olt, %add3A_422, %select_n3A_379 : vector<256x128xf32>
    %lt3A_426 = arith.cmpf olt, %add3A_422, %select_n3A_373 : vector<256x128xf32>
    %select_n3A_427 = arith.select %lt3A_426, %add3A_422, %select_n3A_373 : vector<256x128xi1>, vector<256x128xf32>
    %select_n3A_428 = arith.select %lt3A_425, %select_n3A_379, %select_n3A_427 : vector<256x128xi1>, vector<256x128xf32>
    %jit3A_429 = arith.constant 7 : i32
    %broadcast_in_dim3A_430 = vector.broadcast %jit3A_429 : i32 to vector<256x128xi32>
    %select_n3A_431 = arith.select %lt3A_426, %broadcast_in_dim3A_430, %select_n3A_377 : vector<256x128xi1>, vector<256x128xi32>
    %select_n3A_432 = arith.select %lt3A_425, %select_n3A_383, %select_n3A_431 : vector<256x128xi1>, vector<256x128xi32>
    %select_n3A_433 = arith.select %lt3A_425, %add3A_422, %select_n3A_379 : vector<256x128xi1>, vector<256x128xf32>
    %select_n3A_434 = arith.select %lt3A_424, %select_n3A_385, %select_n3A_433 : vector<256x128xi1>, vector<256x128xf32>
    %jit3A_435 = arith.constant 7 : i32
    %broadcast_in_dim3A_436 = vector.broadcast %jit3A_435 : i32 to vector<256x128xi32>
    %select_n3A_437 = arith.select %lt3A_425, %broadcast_in_dim3A_436, %select_n3A_383 : vector<256x128xi1>, vector<256x128xi32>
    %select_n3A_438 = arith.select %lt3A_424, %select_n3A_389, %select_n3A_437 : vector<256x128xi1>, vector<256x128xi32>
    %select_n3A_439 = arith.select %lt3A_424, %add3A_422, %select_n3A_385 : vector<256x128xi1>, vector<256x128xf32>
    %select_n3A_440 = arith.select %lt3A_423, %select_n3A_390, %select_n3A_439 : vector<256x128xi1>, vector<256x128xf32>
    %jit3A_441 = arith.constant 7 : i32
    %broadcast_in_dim3A_442 = vector.broadcast %jit3A_441 : i32 to vector<256x128xi32>
    %select_n3A_443 = arith.select %lt3A_424, %broadcast_in_dim3A_442, %select_n3A_389 : vector<256x128xi1>, vector<256x128xi32>
    %select_n3A_444 = arith.select %lt3A_423, %select_n3A_393, %select_n3A_443 : vector<256x128xi1>, vector<256x128xi32>
    %select_n3A_445 = arith.select %lt3A_423, %add3A_422, %select_n3A_390 : vector<256x128xi1>, vector<256x128xf32>
    %jit3A_446 = arith.constant 7 : i32
    %broadcast_in_dim3A_447 = vector.broadcast %jit3A_446 : i32 to vector<256x128xi32>
    %select_n3A_448 = arith.select %lt3A_423, %broadcast_in_dim3A_447, %select_n3A_393 : vector<256x128xi1>, vector<256x128xi32>
    %get3A_449 = arith.constant 0 : index
    %get3A_450 = arith.constant 0 : index
    %get3A_451 = arith.constant 1024 : index
    %get3A_452 = vector.load %arg2[%get3A_449, %get3A_450, %get3A_451] : memref<1x3x4096xf32, #tpu.memory_space<vmem>>, vector<1x1x128xf32>
    %get3A_453 = vector.shape_cast %get3A_452 : vector<1x1x128xf32> to vector<1x128xf32>
    %sub3A_454 = vector.broadcast %slice3A : vector<256x1xf32> to vector<256x128xf32>
    %sub3A_455 = vector.broadcast %get3A_453 : vector<1x128xf32> to vector<256x128xf32>
    %sub3A_456 = arith.subf %sub3A_454, %sub3A_455 : vector<256x128xf32>
    %get3A_457 = arith.constant 0 : index
    %get3A_458 = arith.constant 1 : index
    %get3A_459 = arith.constant 1024 : index
    %get3A_460 = vector.load %arg2[%get3A_457, %get3A_458, %get3A_459] : memref<1x3x4096xf32, #tpu.memory_space<vmem>>, vector<1x1x128xf32>
    %get3A_461 = vector.shape_cast %get3A_460 : vector<1x1x128xf32> to vector<1x128xf32>
    %sub3A_462 = vector.broadcast %slice3A_4 : vector<256x1xf32> to vector<256x128xf32>
    %sub3A_463 = vector.broadcast %get3A_461 : vector<1x128xf32> to vector<256x128xf32>
    %sub3A_464 = arith.subf %sub3A_462, %sub3A_463 : vector<256x128xf32>
    %get3A_465 = arith.constant 0 : index
    %get3A_466 = arith.constant 2 : index
    %get3A_467 = arith.constant 1024 : index
    %get3A_468 = vector.load %arg2[%get3A_465, %get3A_466, %get3A_467] : memref<1x3x4096xf32, #tpu.memory_space<vmem>>, vector<1x1x128xf32>
    %get3A_469 = vector.shape_cast %get3A_468 : vector<1x1x128xf32> to vector<1x128xf32>
    %sub3A_470 = vector.broadcast %slice3A_5 : vector<256x1xf32> to vector<256x128xf32>
    %sub3A_471 = vector.broadcast %get3A_469 : vector<1x128xf32> to vector<256x128xf32>
    %sub3A_472 = arith.subf %sub3A_470, %sub3A_471 : vector<256x128xf32>
    %mul3A_473 = arith.mulf %sub3A_456, %sub3A_456 : vector<256x128xf32>
    %mul3A_474 = arith.mulf %sub3A_464, %sub3A_464 : vector<256x128xf32>
    %add3A_475 = arith.addf %mul3A_473, %mul3A_474 : vector<256x128xf32>
    %mul3A_476 = arith.mulf %sub3A_472, %sub3A_472 : vector<256x128xf32>
    %add3A_477 = arith.addf %add3A_475, %mul3A_476 : vector<256x128xf32>
    %lt3A_478 = arith.cmpf olt, %add3A_477, %select_n3A_445 : vector<256x128xf32>
    %lt3A_479 = arith.cmpf olt, %add3A_477, %select_n3A_440 : vector<256x128xf32>
    %lt3A_480 = arith.cmpf olt, %add3A_477, %select_n3A_434 : vector<256x128xf32>
    %lt3A_481 = arith.cmpf olt, %add3A_477, %select_n3A_428 : vector<256x128xf32>
    %select_n3A_482 = arith.select %lt3A_481, %add3A_477, %select_n3A_428 : vector<256x128xi1>, vector<256x128xf32>
    %select_n3A_483 = arith.select %lt3A_480, %select_n3A_434, %select_n3A_482 : vector<256x128xi1>, vector<256x128xf32>
    %jit3A_484 = arith.constant 8 : i32
    %broadcast_in_dim3A_485 = vector.broadcast %jit3A_484 : i32 to vector<256x128xi32>
    %select_n3A_486 = arith.select %lt3A_481, %broadcast_in_dim3A_485, %select_n3A_432 : vector<256x128xi1>, vector<256x128xi32>
    %select_n3A_487 = arith.select %lt3A_480, %select_n3A_438, %select_n3A_486 : vector<256x128xi1>, vector<256x128xi32>
    %select_n3A_488 = arith.select %lt3A_480, %add3A_477, %select_n3A_434 : vector<256x128xi1>, vector<256x128xf32>
    %select_n3A_489 = arith.select %lt3A_479, %select_n3A_440, %select_n3A_488 : vector<256x128xi1>, vector<256x128xf32>
    %jit3A_490 = arith.constant 8 : i32
    %broadcast_in_dim3A_491 = vector.broadcast %jit3A_490 : i32 to vector<256x128xi32>
    %select_n3A_492 = arith.select %lt3A_480, %broadcast_in_dim3A_491, %select_n3A_438 : vector<256x128xi1>, vector<256x128xi32>
    %select_n3A_493 = arith.select %lt3A_479, %select_n3A_444, %select_n3A_492 : vector<256x128xi1>, vector<256x128xi32>
    %select_n3A_494 = arith.select %lt3A_479, %add3A_477, %select_n3A_440 : vector<256x128xi1>, vector<256x128xf32>
    %select_n3A_495 = arith.select %lt3A_478, %select_n3A_445, %select_n3A_494 : vector<256x128xi1>, vector<256x128xf32>
    %jit3A_496 = arith.constant 8 : i32
    %broadcast_in_dim3A_497 = vector.broadcast %jit3A_496 : i32 to vector<256x128xi32>
    %select_n3A_498 = arith.select %lt3A_479, %broadcast_in_dim3A_497, %select_n3A_444 : vector<256x128xi1>, vector<256x128xi32>
    %select_n3A_499 = arith.select %lt3A_478, %select_n3A_448, %select_n3A_498 : vector<256x128xi1>, vector<256x128xi32>
    %select_n3A_500 = arith.select %lt3A_478, %add3A_477, %select_n3A_445 : vector<256x128xi1>, vector<256x128xf32>
    %jit3A_501 = arith.constant 8 : i32
    %broadcast_in_dim3A_502 = vector.broadcast %jit3A_501 : i32 to vector<256x128xi32>
    %select_n3A_503 = arith.select %lt3A_478, %broadcast_in_dim3A_502, %select_n3A_448 : vector<256x128xi1>, vector<256x128xi32>
    %get3A_504 = arith.constant 0 : index
    %get3A_505 = arith.constant 0 : index
    %get3A_506 = arith.constant 1152 : index
    %get3A_507 = vector.load %arg2[%get3A_504, %get3A_505, %get3A_506] : memref<1x3x4096xf32, #tpu.memory_space<vmem>>, vector<1x1x128xf32>
    %get3A_508 = vector.shape_cast %get3A_507 : vector<1x1x128xf32> to vector<1x128xf32>
    %sub3A_509 = vector.broadcast %slice3A : vector<256x1xf32> to vector<256x128xf32>
    %sub3A_510 = vector.broadcast %get3A_508 : vector<1x128xf32> to vector<256x128xf32>
    %sub3A_511 = arith.subf %sub3A_509, %sub3A_510 : vector<256x128xf32>
    %get3A_512 = arith.constant 0 : index
    %get3A_513 = arith.constant 1 : index
    %get3A_514 = arith.constant 1152 : index
    %get3A_515 = vector.load %arg2[%get3A_512, %get3A_513, %get3A_514] : memref<1x3x4096xf32, #tpu.memory_space<vmem>>, vector<1x1x128xf32>
    %get3A_516 = vector.shape_cast %get3A_515 : vector<1x1x128xf32> to vector<1x128xf32>
    %sub3A_517 = vector.broadcast %slice3A_4 : vector<256x1xf32> to vector<256x128xf32>
    %sub3A_518 = vector.broadcast %get3A_516 : vector<1x128xf32> to vector<256x128xf32>
    %sub3A_519 = arith.subf %sub3A_517, %sub3A_518 : vector<256x128xf32>
    %get3A_520 = arith.constant 0 : index
    %get3A_521 = arith.constant 2 : index
    %get3A_522 = arith.constant 1152 : index
    %get3A_523 = vector.load %arg2[%get3A_520, %get3A_521, %get3A_522] : memref<1x3x4096xf32, #tpu.memory_space<vmem>>, vector<1x1x128xf32>
    %get3A_524 = vector.shape_cast %get3A_523 : vector<1x1x128xf32> to vector<1x128xf32>
    %sub3A_525 = vector.broadcast %slice3A_5 : vector<256x1xf32> to vector<256x128xf32>
    %sub3A_526 = vector.broadcast %get3A_524 : vector<1x128xf32> to vector<256x128xf32>
    %sub3A_527 = arith.subf %sub3A_525, %sub3A_526 : vector<256x128xf32>
    %mul3A_528 = arith.mulf %sub3A_511, %sub3A_511 : vector<256x128xf32>
    %mul3A_529 = arith.mulf %sub3A_519, %sub3A_519 : vector<256x128xf32>
    %add3A_530 = arith.addf %mul3A_528, %mul3A_529 : vector<256x128xf32>
    %mul3A_531 = arith.mulf %sub3A_527, %sub3A_527 : vector<256x128xf32>
    %add3A_532 = arith.addf %add3A_530, %mul3A_531 : vector<256x128xf32>
    %lt3A_533 = arith.cmpf olt, %add3A_532, %select_n3A_500 : vector<256x128xf32>
    %lt3A_534 = arith.cmpf olt, %add3A_532, %select_n3A_495 : vector<256x128xf32>
    %lt3A_535 = arith.cmpf olt, %add3A_532, %select_n3A_489 : vector<256x128xf32>
    %lt3A_536 = arith.cmpf olt, %add3A_532, %select_n3A_483 : vector<256x128xf32>
    %select_n3A_537 = arith.select %lt3A_536, %add3A_532, %select_n3A_483 : vector<256x128xi1>, vector<256x128xf32>
    %select_n3A_538 = arith.select %lt3A_535, %select_n3A_489, %select_n3A_537 : vector<256x128xi1>, vector<256x128xf32>
    %jit3A_539 = arith.constant 9 : i32
    %broadcast_in_dim3A_540 = vector.broadcast %jit3A_539 : i32 to vector<256x128xi32>
    %select_n3A_541 = arith.select %lt3A_536, %broadcast_in_dim3A_540, %select_n3A_487 : vector<256x128xi1>, vector<256x128xi32>
    %select_n3A_542 = arith.select %lt3A_535, %select_n3A_493, %select_n3A_541 : vector<256x128xi1>, vector<256x128xi32>
    %select_n3A_543 = arith.select %lt3A_535, %add3A_532, %select_n3A_489 : vector<256x128xi1>, vector<256x128xf32>
    %select_n3A_544 = arith.select %lt3A_534, %select_n3A_495, %select_n3A_543 : vector<256x128xi1>, vector<256x128xf32>
    %jit3A_545 = arith.constant 9 : i32
    %broadcast_in_dim3A_546 = vector.broadcast %jit3A_545 : i32 to vector<256x128xi32>
    %select_n3A_547 = arith.select %lt3A_535, %broadcast_in_dim3A_546, %select_n3A_493 : vector<256x128xi1>, vector<256x128xi32>
    %select_n3A_548 = arith.select %lt3A_534, %select_n3A_499, %select_n3A_547 : vector<256x128xi1>, vector<256x128xi32>
    %select_n3A_549 = arith.select %lt3A_534, %add3A_532, %select_n3A_495 : vector<256x128xi1>, vector<256x128xf32>
    %select_n3A_550 = arith.select %lt3A_533, %select_n3A_500, %select_n3A_549 : vector<256x128xi1>, vector<256x128xf32>
    %jit3A_551 = arith.constant 9 : i32
    %broadcast_in_dim3A_552 = vector.broadcast %jit3A_551 : i32 to vector<256x128xi32>
    %select_n3A_553 = arith.select %lt3A_534, %broadcast_in_dim3A_552, %select_n3A_499 : vector<256x128xi1>, vector<256x128xi32>
    %select_n3A_554 = arith.select %lt3A_533, %select_n3A_503, %select_n3A_553 : vector<256x128xi1>, vector<256x128xi32>
    %select_n3A_555 = arith.select %lt3A_533, %add3A_532, %select_n3A_500 : vector<256x128xi1>, vector<256x128xf32>
    %jit3A_556 = arith.constant 9 : i32
    %broadcast_in_dim3A_557 = vector.broadcast %jit3A_556 : i32 to vector<256x128xi32>
    %select_n3A_558 = arith.select %lt3A_533, %broadcast_in_dim3A_557, %select_n3A_503 : vector<256x128xi1>, vector<256x128xi32>
    %get3A_559 = arith.constant 0 : index
    %get3A_560 = arith.constant 0 : index
    %get3A_561 = arith.constant 1280 : index
    %get3A_562 = vector.load %arg2[%get3A_559, %get3A_560, %get3A_561] : memref<1x3x4096xf32, #tpu.memory_space<vmem>>, vector<1x1x128xf32>
    %get3A_563 = vector.shape_cast %get3A_562 : vector<1x1x128xf32> to vector<1x128xf32>
    %sub3A_564 = vector.broadcast %slice3A : vector<256x1xf32> to vector<256x128xf32>
    %sub3A_565 = vector.broadcast %get3A_563 : vector<1x128xf32> to vector<256x128xf32>
    %sub3A_566 = arith.subf %sub3A_564, %sub3A_565 : vector<256x128xf32>
    %get3A_567 = arith.constant 0 : index
    %get3A_568 = arith.constant 1 : index
    %get3A_569 = arith.constant 1280 : index
    %get3A_570 = vector.load %arg2[%get3A_567, %get3A_568, %get3A_569] : memref<1x3x4096xf32, #tpu.memory_space<vmem>>, vector<1x1x128xf32>
    %get3A_571 = vector.shape_cast %get3A_570 : vector<1x1x128xf32> to vector<1x128xf32>
    %sub3A_572 = vector.broadcast %slice3A_4 : vector<256x1xf32> to vector<256x128xf32>
    %sub3A_573 = vector.broadcast %get3A_571 : vector<1x128xf32> to vector<256x128xf32>
    %sub3A_574 = arith.subf %sub3A_572, %sub3A_573 : vector<256x128xf32>
    %get3A_575 = arith.constant 0 : index
    %get3A_576 = arith.constant 2 : index
    %get3A_577 = arith.constant 1280 : index
    %get3A_578 = vector.load %arg2[%get3A_575, %get3A_576, %get3A_577] : memref<1x3x4096xf32, #tpu.memory_space<vmem>>, vector<1x1x128xf32>
    %get3A_579 = vector.shape_cast %get3A_578 : vector<1x1x128xf32> to vector<1x128xf32>
    %sub3A_580 = vector.broadcast %slice3A_5 : vector<256x1xf32> to vector<256x128xf32>
    %sub3A_581 = vector.broadcast %get3A_579 : vector<1x128xf32> to vector<256x128xf32>
    %sub3A_582 = arith.subf %sub3A_580, %sub3A_581 : vector<256x128xf32>
    %mul3A_583 = arith.mulf %sub3A_566, %sub3A_566 : vector<256x128xf32>
    %mul3A_584 = arith.mulf %sub3A_574, %sub3A_574 : vector<256x128xf32>
    %add3A_585 = arith.addf %mul3A_583, %mul3A_584 : vector<256x128xf32>
    %mul3A_586 = arith.mulf %sub3A_582, %sub3A_582 : vector<256x128xf32>
    %add3A_587 = arith.addf %add3A_585, %mul3A_586 : vector<256x128xf32>
    %lt3A_588 = arith.cmpf olt, %add3A_587, %select_n3A_555 : vector<256x128xf32>
    %lt3A_589 = arith.cmpf olt, %add3A_587, %select_n3A_550 : vector<256x128xf32>
    %lt3A_590 = arith.cmpf olt, %add3A_587, %select_n3A_544 : vector<256x128xf32>
    %lt3A_591 = arith.cmpf olt, %add3A_587, %select_n3A_538 : vector<256x128xf32>
    %select_n3A_592 = arith.select %lt3A_591, %add3A_587, %select_n3A_538 : vector<256x128xi1>, vector<256x128xf32>
    %select_n3A_593 = arith.select %lt3A_590, %select_n3A_544, %select_n3A_592 : vector<256x128xi1>, vector<256x128xf32>
    %jit3A_594 = arith.constant 10 : i32
    %broadcast_in_dim3A_595 = vector.broadcast %jit3A_594 : i32 to vector<256x128xi32>
    %select_n3A_596 = arith.select %lt3A_591, %broadcast_in_dim3A_595, %select_n3A_542 : vector<256x128xi1>, vector<256x128xi32>
    %select_n3A_597 = arith.select %lt3A_590, %select_n3A_548, %select_n3A_596 : vector<256x128xi1>, vector<256x128xi32>
    %select_n3A_598 = arith.select %lt3A_590, %add3A_587, %select_n3A_544 : vector<256x128xi1>, vector<256x128xf32>
    %select_n3A_599 = arith.select %lt3A_589, %select_n3A_550, %select_n3A_598 : vector<256x128xi1>, vector<256x128xf32>
    %jit3A_600 = arith.constant 10 : i32
    %broadcast_in_dim3A_601 = vector.broadcast %jit3A_600 : i32 to vector<256x128xi32>
    %select_n3A_602 = arith.select %lt3A_590, %broadcast_in_dim3A_601, %select_n3A_548 : vector<256x128xi1>, vector<256x128xi32>
    %select_n3A_603 = arith.select %lt3A_589, %select_n3A_554, %select_n3A_602 : vector<256x128xi1>, vector<256x128xi32>
    %select_n3A_604 = arith.select %lt3A_589, %add3A_587, %select_n3A_550 : vector<256x128xi1>, vector<256x128xf32>
    %select_n3A_605 = arith.select %lt3A_588, %select_n3A_555, %select_n3A_604 : vector<256x128xi1>, vector<256x128xf32>
    %jit3A_606 = arith.constant 10 : i32
    %broadcast_in_dim3A_607 = vector.broadcast %jit3A_606 : i32 to vector<256x128xi32>
    %select_n3A_608 = arith.select %lt3A_589, %broadcast_in_dim3A_607, %select_n3A_554 : vector<256x128xi1>, vector<256x128xi32>
    %select_n3A_609 = arith.select %lt3A_588, %select_n3A_558, %select_n3A_608 : vector<256x128xi1>, vector<256x128xi32>
    %select_n3A_610 = arith.select %lt3A_588, %add3A_587, %select_n3A_555 : vector<256x128xi1>, vector<256x128xf32>
    %jit3A_611 = arith.constant 10 : i32
    %broadcast_in_dim3A_612 = vector.broadcast %jit3A_611 : i32 to vector<256x128xi32>
    %select_n3A_613 = arith.select %lt3A_588, %broadcast_in_dim3A_612, %select_n3A_558 : vector<256x128xi1>, vector<256x128xi32>
    %get3A_614 = arith.constant 0 : index
    %get3A_615 = arith.constant 0 : index
    %get3A_616 = arith.constant 1408 : index
    %get3A_617 = vector.load %arg2[%get3A_614, %get3A_615, %get3A_616] : memref<1x3x4096xf32, #tpu.memory_space<vmem>>, vector<1x1x128xf32>
    %get3A_618 = vector.shape_cast %get3A_617 : vector<1x1x128xf32> to vector<1x128xf32>
    %sub3A_619 = vector.broadcast %slice3A : vector<256x1xf32> to vector<256x128xf32>
    %sub3A_620 = vector.broadcast %get3A_618 : vector<1x128xf32> to vector<256x128xf32>
    %sub3A_621 = arith.subf %sub3A_619, %sub3A_620 : vector<256x128xf32>
    %get3A_622 = arith.constant 0 : index
    %get3A_623 = arith.constant 1 : index
    %get3A_624 = arith.constant 1408 : index
    %get3A_625 = vector.load %arg2[%get3A_622, %get3A_623, %get3A_624] : memref<1x3x4096xf32, #tpu.memory_space<vmem>>, vector<1x1x128xf32>
    %get3A_626 = vector.shape_cast %get3A_625 : vector<1x1x128xf32> to vector<1x128xf32>
    %sub3A_627 = vector.broadcast %slice3A_4 : vector<256x1xf32> to vector<256x128xf32>
    %sub3A_628 = vector.broadcast %get3A_626 : vector<1x128xf32> to vector<256x128xf32>
    %sub3A_629 = arith.subf %sub3A_627, %sub3A_628 : vector<256x128xf32>
    %get3A_630 = arith.constant 0 : index
    %get3A_631 = arith.constant 2 : index
    %get3A_632 = arith.constant 1408 : index
    %get3A_633 = vector.load %arg2[%get3A_630, %get3A_631, %get3A_632] : memref<1x3x4096xf32, #tpu.memory_space<vmem>>, vector<1x1x128xf32>
    %get3A_634 = vector.shape_cast %get3A_633 : vector<1x1x128xf32> to vector<1x128xf32>
    %sub3A_635 = vector.broadcast %slice3A_5 : vector<256x1xf32> to vector<256x128xf32>
    %sub3A_636 = vector.broadcast %get3A_634 : vector<1x128xf32> to vector<256x128xf32>
    %sub3A_637 = arith.subf %sub3A_635, %sub3A_636 : vector<256x128xf32>
    %mul3A_638 = arith.mulf %sub3A_621, %sub3A_621 : vector<256x128xf32>
    %mul3A_639 = arith.mulf %sub3A_629, %sub3A_629 : vector<256x128xf32>
    %add3A_640 = arith.addf %mul3A_638, %mul3A_639 : vector<256x128xf32>
    %mul3A_641 = arith.mulf %sub3A_637, %sub3A_637 : vector<256x128xf32>
    %add3A_642 = arith.addf %add3A_640, %mul3A_641 : vector<256x128xf32>
    %lt3A_643 = arith.cmpf olt, %add3A_642, %select_n3A_610 : vector<256x128xf32>
    %lt3A_644 = arith.cmpf olt, %add3A_642, %select_n3A_605 : vector<256x128xf32>
    %lt3A_645 = arith.cmpf olt, %add3A_642, %select_n3A_599 : vector<256x128xf32>
    %lt3A_646 = arith.cmpf olt, %add3A_642, %select_n3A_593 : vector<256x128xf32>
    %select_n3A_647 = arith.select %lt3A_646, %add3A_642, %select_n3A_593 : vector<256x128xi1>, vector<256x128xf32>
    %select_n3A_648 = arith.select %lt3A_645, %select_n3A_599, %select_n3A_647 : vector<256x128xi1>, vector<256x128xf32>
    %jit3A_649 = arith.constant 11 : i32
    %broadcast_in_dim3A_650 = vector.broadcast %jit3A_649 : i32 to vector<256x128xi32>
    %select_n3A_651 = arith.select %lt3A_646, %broadcast_in_dim3A_650, %select_n3A_597 : vector<256x128xi1>, vector<256x128xi32>
    %select_n3A_652 = arith.select %lt3A_645, %select_n3A_603, %select_n3A_651 : vector<256x128xi1>, vector<256x128xi32>
    %select_n3A_653 = arith.select %lt3A_645, %add3A_642, %select_n3A_599 : vector<256x128xi1>, vector<256x128xf32>
    %select_n3A_654 = arith.select %lt3A_644, %select_n3A_605, %select_n3A_653 : vector<256x128xi1>, vector<256x128xf32>
    %jit3A_655 = arith.constant 11 : i32
    %broadcast_in_dim3A_656 = vector.broadcast %jit3A_655 : i32 to vector<256x128xi32>
    %select_n3A_657 = arith.select %lt3A_645, %broadcast_in_dim3A_656, %select_n3A_603 : vector<256x128xi1>, vector<256x128xi32>
    %select_n3A_658 = arith.select %lt3A_644, %select_n3A_609, %select_n3A_657 : vector<256x128xi1>, vector<256x128xi32>
    %select_n3A_659 = arith.select %lt3A_644, %add3A_642, %select_n3A_605 : vector<256x128xi1>, vector<256x128xf32>
    %select_n3A_660 = arith.select %lt3A_643, %select_n3A_610, %select_n3A_659 : vector<256x128xi1>, vector<256x128xf32>
    %jit3A_661 = arith.constant 11 : i32
    %broadcast_in_dim3A_662 = vector.broadcast %jit3A_661 : i32 to vector<256x128xi32>
    %select_n3A_663 = arith.select %lt3A_644, %broadcast_in_dim3A_662, %select_n3A_609 : vector<256x128xi1>, vector<256x128xi32>
    %select_n3A_664 = arith.select %lt3A_643, %select_n3A_613, %select_n3A_663 : vector<256x128xi1>, vector<256x128xi32>
    %select_n3A_665 = arith.select %lt3A_643, %add3A_642, %select_n3A_610 : vector<256x128xi1>, vector<256x128xf32>
    %jit3A_666 = arith.constant 11 : i32
    %broadcast_in_dim3A_667 = vector.broadcast %jit3A_666 : i32 to vector<256x128xi32>
    %select_n3A_668 = arith.select %lt3A_643, %broadcast_in_dim3A_667, %select_n3A_613 : vector<256x128xi1>, vector<256x128xi32>
    %get3A_669 = arith.constant 0 : index
    %get3A_670 = arith.constant 0 : index
    %get3A_671 = arith.constant 1536 : index
    %get3A_672 = vector.load %arg2[%get3A_669, %get3A_670, %get3A_671] : memref<1x3x4096xf32, #tpu.memory_space<vmem>>, vector<1x1x128xf32>
    %get3A_673 = vector.shape_cast %get3A_672 : vector<1x1x128xf32> to vector<1x128xf32>
    %sub3A_674 = vector.broadcast %slice3A : vector<256x1xf32> to vector<256x128xf32>
    %sub3A_675 = vector.broadcast %get3A_673 : vector<1x128xf32> to vector<256x128xf32>
    %sub3A_676 = arith.subf %sub3A_674, %sub3A_675 : vector<256x128xf32>
    %get3A_677 = arith.constant 0 : index
    %get3A_678 = arith.constant 1 : index
    %get3A_679 = arith.constant 1536 : index
    %get3A_680 = vector.load %arg2[%get3A_677, %get3A_678, %get3A_679] : memref<1x3x4096xf32, #tpu.memory_space<vmem>>, vector<1x1x128xf32>
    %get3A_681 = vector.shape_cast %get3A_680 : vector<1x1x128xf32> to vector<1x128xf32>
    %sub3A_682 = vector.broadcast %slice3A_4 : vector<256x1xf32> to vector<256x128xf32>
    %sub3A_683 = vector.broadcast %get3A_681 : vector<1x128xf32> to vector<256x128xf32>
    %sub3A_684 = arith.subf %sub3A_682, %sub3A_683 : vector<256x128xf32>
    %get3A_685 = arith.constant 0 : index
    %get3A_686 = arith.constant 2 : index
    %get3A_687 = arith.constant 1536 : index
    %get3A_688 = vector.load %arg2[%get3A_685, %get3A_686, %get3A_687] : memref<1x3x4096xf32, #tpu.memory_space<vmem>>, vector<1x1x128xf32>
    %get3A_689 = vector.shape_cast %get3A_688 : vector<1x1x128xf32> to vector<1x128xf32>
    %sub3A_690 = vector.broadcast %slice3A_5 : vector<256x1xf32> to vector<256x128xf32>
    %sub3A_691 = vector.broadcast %get3A_689 : vector<1x128xf32> to vector<256x128xf32>
    %sub3A_692 = arith.subf %sub3A_690, %sub3A_691 : vector<256x128xf32>
    %mul3A_693 = arith.mulf %sub3A_676, %sub3A_676 : vector<256x128xf32>
    %mul3A_694 = arith.mulf %sub3A_684, %sub3A_684 : vector<256x128xf32>
    %add3A_695 = arith.addf %mul3A_693, %mul3A_694 : vector<256x128xf32>
    %mul3A_696 = arith.mulf %sub3A_692, %sub3A_692 : vector<256x128xf32>
    %add3A_697 = arith.addf %add3A_695, %mul3A_696 : vector<256x128xf32>
    %lt3A_698 = arith.cmpf olt, %add3A_697, %select_n3A_665 : vector<256x128xf32>
    %lt3A_699 = arith.cmpf olt, %add3A_697, %select_n3A_660 : vector<256x128xf32>
    %lt3A_700 = arith.cmpf olt, %add3A_697, %select_n3A_654 : vector<256x128xf32>
    %lt3A_701 = arith.cmpf olt, %add3A_697, %select_n3A_648 : vector<256x128xf32>
    %select_n3A_702 = arith.select %lt3A_701, %add3A_697, %select_n3A_648 : vector<256x128xi1>, vector<256x128xf32>
    %select_n3A_703 = arith.select %lt3A_700, %select_n3A_654, %select_n3A_702 : vector<256x128xi1>, vector<256x128xf32>
    %jit3A_704 = arith.constant 12 : i32
    %broadcast_in_dim3A_705 = vector.broadcast %jit3A_704 : i32 to vector<256x128xi32>
    %select_n3A_706 = arith.select %lt3A_701, %broadcast_in_dim3A_705, %select_n3A_652 : vector<256x128xi1>, vector<256x128xi32>
    %select_n3A_707 = arith.select %lt3A_700, %select_n3A_658, %select_n3A_706 : vector<256x128xi1>, vector<256x128xi32>
    %select_n3A_708 = arith.select %lt3A_700, %add3A_697, %select_n3A_654 : vector<256x128xi1>, vector<256x128xf32>
    %select_n3A_709 = arith.select %lt3A_699, %select_n3A_660, %select_n3A_708 : vector<256x128xi1>, vector<256x128xf32>
    %jit3A_710 = arith.constant 12 : i32
    %broadcast_in_dim3A_711 = vector.broadcast %jit3A_710 : i32 to vector<256x128xi32>
    %select_n3A_712 = arith.select %lt3A_700, %broadcast_in_dim3A_711, %select_n3A_658 : vector<256x128xi1>, vector<256x128xi32>
    %select_n3A_713 = arith.select %lt3A_699, %select_n3A_664, %select_n3A_712 : vector<256x128xi1>, vector<256x128xi32>
    %select_n3A_714 = arith.select %lt3A_699, %add3A_697, %select_n3A_660 : vector<256x128xi1>, vector<256x128xf32>
    %select_n3A_715 = arith.select %lt3A_698, %select_n3A_665, %select_n3A_714 : vector<256x128xi1>, vector<256x128xf32>
    %jit3A_716 = arith.constant 12 : i32
    %broadcast_in_dim3A_717 = vector.broadcast %jit3A_716 : i32 to vector<256x128xi32>
    %select_n3A_718 = arith.select %lt3A_699, %broadcast_in_dim3A_717, %select_n3A_664 : vector<256x128xi1>, vector<256x128xi32>
    %select_n3A_719 = arith.select %lt3A_698, %select_n3A_668, %select_n3A_718 : vector<256x128xi1>, vector<256x128xi32>
    %select_n3A_720 = arith.select %lt3A_698, %add3A_697, %select_n3A_665 : vector<256x128xi1>, vector<256x128xf32>
    %jit3A_721 = arith.constant 12 : i32
    %broadcast_in_dim3A_722 = vector.broadcast %jit3A_721 : i32 to vector<256x128xi32>
    %select_n3A_723 = arith.select %lt3A_698, %broadcast_in_dim3A_722, %select_n3A_668 : vector<256x128xi1>, vector<256x128xi32>
    %get3A_724 = arith.constant 0 : index
    %get3A_725 = arith.constant 0 : index
    %get3A_726 = arith.constant 1664 : index
    %get3A_727 = vector.load %arg2[%get3A_724, %get3A_725, %get3A_726] : memref<1x3x4096xf32, #tpu.memory_space<vmem>>, vector<1x1x128xf32>
    %get3A_728 = vector.shape_cast %get3A_727 : vector<1x1x128xf32> to vector<1x128xf32>
    %sub3A_729 = vector.broadcast %slice3A : vector<256x1xf32> to vector<256x128xf32>
    %sub3A_730 = vector.broadcast %get3A_728 : vector<1x128xf32> to vector<256x128xf32>
    %sub3A_731 = arith.subf %sub3A_729, %sub3A_730 : vector<256x128xf32>
    %get3A_732 = arith.constant 0 : index
    %get3A_733 = arith.constant 1 : index
    %get3A_734 = arith.constant 1664 : index
    %get3A_735 = vector.load %arg2[%get3A_732, %get3A_733, %get3A_734] : memref<1x3x4096xf32, #tpu.memory_space<vmem>>, vector<1x1x128xf32>
    %get3A_736 = vector.shape_cast %get3A_735 : vector<1x1x128xf32> to vector<1x128xf32>
    %sub3A_737 = vector.broadcast %slice3A_4 : vector<256x1xf32> to vector<256x128xf32>
    %sub3A_738 = vector.broadcast %get3A_736 : vector<1x128xf32> to vector<256x128xf32>
    %sub3A_739 = arith.subf %sub3A_737, %sub3A_738 : vector<256x128xf32>
    %get3A_740 = arith.constant 0 : index
    %get3A_741 = arith.constant 2 : index
    %get3A_742 = arith.constant 1664 : index
    %get3A_743 = vector.load %arg2[%get3A_740, %get3A_741, %get3A_742] : memref<1x3x4096xf32, #tpu.memory_space<vmem>>, vector<1x1x128xf32>
    %get3A_744 = vector.shape_cast %get3A_743 : vector<1x1x128xf32> to vector<1x128xf32>
    %sub3A_745 = vector.broadcast %slice3A_5 : vector<256x1xf32> to vector<256x128xf32>
    %sub3A_746 = vector.broadcast %get3A_744 : vector<1x128xf32> to vector<256x128xf32>
    %sub3A_747 = arith.subf %sub3A_745, %sub3A_746 : vector<256x128xf32>
    %mul3A_748 = arith.mulf %sub3A_731, %sub3A_731 : vector<256x128xf32>
    %mul3A_749 = arith.mulf %sub3A_739, %sub3A_739 : vector<256x128xf32>
    %add3A_750 = arith.addf %mul3A_748, %mul3A_749 : vector<256x128xf32>
    %mul3A_751 = arith.mulf %sub3A_747, %sub3A_747 : vector<256x128xf32>
    %add3A_752 = arith.addf %add3A_750, %mul3A_751 : vector<256x128xf32>
    %lt3A_753 = arith.cmpf olt, %add3A_752, %select_n3A_720 : vector<256x128xf32>
    %lt3A_754 = arith.cmpf olt, %add3A_752, %select_n3A_715 : vector<256x128xf32>
    %lt3A_755 = arith.cmpf olt, %add3A_752, %select_n3A_709 : vector<256x128xf32>
    %lt3A_756 = arith.cmpf olt, %add3A_752, %select_n3A_703 : vector<256x128xf32>
    %select_n3A_757 = arith.select %lt3A_756, %add3A_752, %select_n3A_703 : vector<256x128xi1>, vector<256x128xf32>
    %select_n3A_758 = arith.select %lt3A_755, %select_n3A_709, %select_n3A_757 : vector<256x128xi1>, vector<256x128xf32>
    %jit3A_759 = arith.constant 13 : i32
    %broadcast_in_dim3A_760 = vector.broadcast %jit3A_759 : i32 to vector<256x128xi32>
    %select_n3A_761 = arith.select %lt3A_756, %broadcast_in_dim3A_760, %select_n3A_707 : vector<256x128xi1>, vector<256x128xi32>
    %select_n3A_762 = arith.select %lt3A_755, %select_n3A_713, %select_n3A_761 : vector<256x128xi1>, vector<256x128xi32>
    %select_n3A_763 = arith.select %lt3A_755, %add3A_752, %select_n3A_709 : vector<256x128xi1>, vector<256x128xf32>
    %select_n3A_764 = arith.select %lt3A_754, %select_n3A_715, %select_n3A_763 : vector<256x128xi1>, vector<256x128xf32>
    %jit3A_765 = arith.constant 13 : i32
    %broadcast_in_dim3A_766 = vector.broadcast %jit3A_765 : i32 to vector<256x128xi32>
    %select_n3A_767 = arith.select %lt3A_755, %broadcast_in_dim3A_766, %select_n3A_713 : vector<256x128xi1>, vector<256x128xi32>
    %select_n3A_768 = arith.select %lt3A_754, %select_n3A_719, %select_n3A_767 : vector<256x128xi1>, vector<256x128xi32>
    %select_n3A_769 = arith.select %lt3A_754, %add3A_752, %select_n3A_715 : vector<256x128xi1>, vector<256x128xf32>
    %select_n3A_770 = arith.select %lt3A_753, %select_n3A_720, %select_n3A_769 : vector<256x128xi1>, vector<256x128xf32>
    %jit3A_771 = arith.constant 13 : i32
    %broadcast_in_dim3A_772 = vector.broadcast %jit3A_771 : i32 to vector<256x128xi32>
    %select_n3A_773 = arith.select %lt3A_754, %broadcast_in_dim3A_772, %select_n3A_719 : vector<256x128xi1>, vector<256x128xi32>
    %select_n3A_774 = arith.select %lt3A_753, %select_n3A_723, %select_n3A_773 : vector<256x128xi1>, vector<256x128xi32>
    %select_n3A_775 = arith.select %lt3A_753, %add3A_752, %select_n3A_720 : vector<256x128xi1>, vector<256x128xf32>
    %jit3A_776 = arith.constant 13 : i32
    %broadcast_in_dim3A_777 = vector.broadcast %jit3A_776 : i32 to vector<256x128xi32>
    %select_n3A_778 = arith.select %lt3A_753, %broadcast_in_dim3A_777, %select_n3A_723 : vector<256x128xi1>, vector<256x128xi32>
    %get3A_779 = arith.constant 0 : index
    %get3A_780 = arith.constant 0 : index
    %get3A_781 = arith.constant 1792 : index
    %get3A_782 = vector.load %arg2[%get3A_779, %get3A_780, %get3A_781] : memref<1x3x4096xf32, #tpu.memory_space<vmem>>, vector<1x1x128xf32>
    %get3A_783 = vector.shape_cast %get3A_782 : vector<1x1x128xf32> to vector<1x128xf32>
    %sub3A_784 = vector.broadcast %slice3A : vector<256x1xf32> to vector<256x128xf32>
    %sub3A_785 = vector.broadcast %get3A_783 : vector<1x128xf32> to vector<256x128xf32>
    %sub3A_786 = arith.subf %sub3A_784, %sub3A_785 : vector<256x128xf32>
    %get3A_787 = arith.constant 0 : index
    %get3A_788 = arith.constant 1 : index
    %get3A_789 = arith.constant 1792 : index
    %get3A_790 = vector.load %arg2[%get3A_787, %get3A_788, %get3A_789] : memref<1x3x4096xf32, #tpu.memory_space<vmem>>, vector<1x1x128xf32>
    %get3A_791 = vector.shape_cast %get3A_790 : vector<1x1x128xf32> to vector<1x128xf32>
    %sub3A_792 = vector.broadcast %slice3A_4 : vector<256x1xf32> to vector<256x128xf32>
    %sub3A_793 = vector.broadcast %get3A_791 : vector<1x128xf32> to vector<256x128xf32>
    %sub3A_794 = arith.subf %sub3A_792, %sub3A_793 : vector<256x128xf32>
    %get3A_795 = arith.constant 0 : index
    %get3A_796 = arith.constant 2 : index
    %get3A_797 = arith.constant 1792 : index
    %get3A_798 = vector.load %arg2[%get3A_795, %get3A_796, %get3A_797] : memref<1x3x4096xf32, #tpu.memory_space<vmem>>, vector<1x1x128xf32>
    %get3A_799 = vector.shape_cast %get3A_798 : vector<1x1x128xf32> to vector<1x128xf32>
    %sub3A_800 = vector.broadcast %slice3A_5 : vector<256x1xf32> to vector<256x128xf32>
    %sub3A_801 = vector.broadcast %get3A_799 : vector<1x128xf32> to vector<256x128xf32>
    %sub3A_802 = arith.subf %sub3A_800, %sub3A_801 : vector<256x128xf32>
    %mul3A_803 = arith.mulf %sub3A_786, %sub3A_786 : vector<256x128xf32>
    %mul3A_804 = arith.mulf %sub3A_794, %sub3A_794 : vector<256x128xf32>
    %add3A_805 = arith.addf %mul3A_803, %mul3A_804 : vector<256x128xf32>
    %mul3A_806 = arith.mulf %sub3A_802, %sub3A_802 : vector<256x128xf32>
    %add3A_807 = arith.addf %add3A_805, %mul3A_806 : vector<256x128xf32>
    %lt3A_808 = arith.cmpf olt, %add3A_807, %select_n3A_775 : vector<256x128xf32>
    %lt3A_809 = arith.cmpf olt, %add3A_807, %select_n3A_770 : vector<256x128xf32>
    %lt3A_810 = arith.cmpf olt, %add3A_807, %select_n3A_764 : vector<256x128xf32>
    %lt3A_811 = arith.cmpf olt, %add3A_807, %select_n3A_758 : vector<256x128xf32>
    %select_n3A_812 = arith.select %lt3A_811, %add3A_807, %select_n3A_758 : vector<256x128xi1>, vector<256x128xf32>
    %select_n3A_813 = arith.select %lt3A_810, %select_n3A_764, %select_n3A_812 : vector<256x128xi1>, vector<256x128xf32>
    %jit3A_814 = arith.constant 14 : i32
    %broadcast_in_dim3A_815 = vector.broadcast %jit3A_814 : i32 to vector<256x128xi32>
    %select_n3A_816 = arith.select %lt3A_811, %broadcast_in_dim3A_815, %select_n3A_762 : vector<256x128xi1>, vector<256x128xi32>
    %select_n3A_817 = arith.select %lt3A_810, %select_n3A_768, %select_n3A_816 : vector<256x128xi1>, vector<256x128xi32>
    %select_n3A_818 = arith.select %lt3A_810, %add3A_807, %select_n3A_764 : vector<256x128xi1>, vector<256x128xf32>
    %select_n3A_819 = arith.select %lt3A_809, %select_n3A_770, %select_n3A_818 : vector<256x128xi1>, vector<256x128xf32>
    %jit3A_820 = arith.constant 14 : i32
    %broadcast_in_dim3A_821 = vector.broadcast %jit3A_820 : i32 to vector<256x128xi32>
    %select_n3A_822 = arith.select %lt3A_810, %broadcast_in_dim3A_821, %select_n3A_768 : vector<256x128xi1>, vector<256x128xi32>
    %select_n3A_823 = arith.select %lt3A_809, %select_n3A_774, %select_n3A_822 : vector<256x128xi1>, vector<256x128xi32>
    %select_n3A_824 = arith.select %lt3A_809, %add3A_807, %select_n3A_770 : vector<256x128xi1>, vector<256x128xf32>
    %select_n3A_825 = arith.select %lt3A_808, %select_n3A_775, %select_n3A_824 : vector<256x128xi1>, vector<256x128xf32>
    %jit3A_826 = arith.constant 14 : i32
    %broadcast_in_dim3A_827 = vector.broadcast %jit3A_826 : i32 to vector<256x128xi32>
    %select_n3A_828 = arith.select %lt3A_809, %broadcast_in_dim3A_827, %select_n3A_774 : vector<256x128xi1>, vector<256x128xi32>
    %select_n3A_829 = arith.select %lt3A_808, %select_n3A_778, %select_n3A_828 : vector<256x128xi1>, vector<256x128xi32>
    %select_n3A_830 = arith.select %lt3A_808, %add3A_807, %select_n3A_775 : vector<256x128xi1>, vector<256x128xf32>
    %jit3A_831 = arith.constant 14 : i32
    %broadcast_in_dim3A_832 = vector.broadcast %jit3A_831 : i32 to vector<256x128xi32>
    %select_n3A_833 = arith.select %lt3A_808, %broadcast_in_dim3A_832, %select_n3A_778 : vector<256x128xi1>, vector<256x128xi32>
    %get3A_834 = arith.constant 0 : index
    %get3A_835 = arith.constant 0 : index
    %get3A_836 = arith.constant 1920 : index
    %get3A_837 = vector.load %arg2[%get3A_834, %get3A_835, %get3A_836] : memref<1x3x4096xf32, #tpu.memory_space<vmem>>, vector<1x1x128xf32>
    %get3A_838 = vector.shape_cast %get3A_837 : vector<1x1x128xf32> to vector<1x128xf32>
    %sub3A_839 = vector.broadcast %slice3A : vector<256x1xf32> to vector<256x128xf32>
    %sub3A_840 = vector.broadcast %get3A_838 : vector<1x128xf32> to vector<256x128xf32>
    %sub3A_841 = arith.subf %sub3A_839, %sub3A_840 : vector<256x128xf32>
    %get3A_842 = arith.constant 0 : index
    %get3A_843 = arith.constant 1 : index
    %get3A_844 = arith.constant 1920 : index
    %get3A_845 = vector.load %arg2[%get3A_842, %get3A_843, %get3A_844] : memref<1x3x4096xf32, #tpu.memory_space<vmem>>, vector<1x1x128xf32>
    %get3A_846 = vector.shape_cast %get3A_845 : vector<1x1x128xf32> to vector<1x128xf32>
    %sub3A_847 = vector.broadcast %slice3A_4 : vector<256x1xf32> to vector<256x128xf32>
    %sub3A_848 = vector.broadcast %get3A_846 : vector<1x128xf32> to vector<256x128xf32>
    %sub3A_849 = arith.subf %sub3A_847, %sub3A_848 : vector<256x128xf32>
    %get3A_850 = arith.constant 0 : index
    %get3A_851 = arith.constant 2 : index
    %get3A_852 = arith.constant 1920 : index
    %get3A_853 = vector.load %arg2[%get3A_850, %get3A_851, %get3A_852] : memref<1x3x4096xf32, #tpu.memory_space<vmem>>, vector<1x1x128xf32>
    %get3A_854 = vector.shape_cast %get3A_853 : vector<1x1x128xf32> to vector<1x128xf32>
    %sub3A_855 = vector.broadcast %slice3A_5 : vector<256x1xf32> to vector<256x128xf32>
    %sub3A_856 = vector.broadcast %get3A_854 : vector<1x128xf32> to vector<256x128xf32>
    %sub3A_857 = arith.subf %sub3A_855, %sub3A_856 : vector<256x128xf32>
    %mul3A_858 = arith.mulf %sub3A_841, %sub3A_841 : vector<256x128xf32>
    %mul3A_859 = arith.mulf %sub3A_849, %sub3A_849 : vector<256x128xf32>
    %add3A_860 = arith.addf %mul3A_858, %mul3A_859 : vector<256x128xf32>
    %mul3A_861 = arith.mulf %sub3A_857, %sub3A_857 : vector<256x128xf32>
    %add3A_862 = arith.addf %add3A_860, %mul3A_861 : vector<256x128xf32>
    %lt3A_863 = arith.cmpf olt, %add3A_862, %select_n3A_830 : vector<256x128xf32>
    %lt3A_864 = arith.cmpf olt, %add3A_862, %select_n3A_825 : vector<256x128xf32>
    %lt3A_865 = arith.cmpf olt, %add3A_862, %select_n3A_819 : vector<256x128xf32>
    %lt3A_866 = arith.cmpf olt, %add3A_862, %select_n3A_813 : vector<256x128xf32>
    %select_n3A_867 = arith.select %lt3A_866, %add3A_862, %select_n3A_813 : vector<256x128xi1>, vector<256x128xf32>
    %select_n3A_868 = arith.select %lt3A_865, %select_n3A_819, %select_n3A_867 : vector<256x128xi1>, vector<256x128xf32>
    %jit3A_869 = arith.constant 15 : i32
    %broadcast_in_dim3A_870 = vector.broadcast %jit3A_869 : i32 to vector<256x128xi32>
    %select_n3A_871 = arith.select %lt3A_866, %broadcast_in_dim3A_870, %select_n3A_817 : vector<256x128xi1>, vector<256x128xi32>
    %select_n3A_872 = arith.select %lt3A_865, %select_n3A_823, %select_n3A_871 : vector<256x128xi1>, vector<256x128xi32>
    %select_n3A_873 = arith.select %lt3A_865, %add3A_862, %select_n3A_819 : vector<256x128xi1>, vector<256x128xf32>
    %select_n3A_874 = arith.select %lt3A_864, %select_n3A_825, %select_n3A_873 : vector<256x128xi1>, vector<256x128xf32>
    %jit3A_875 = arith.constant 15 : i32
    %broadcast_in_dim3A_876 = vector.broadcast %jit3A_875 : i32 to vector<256x128xi32>
    %select_n3A_877 = arith.select %lt3A_865, %broadcast_in_dim3A_876, %select_n3A_823 : vector<256x128xi1>, vector<256x128xi32>
    %select_n3A_878 = arith.select %lt3A_864, %select_n3A_829, %select_n3A_877 : vector<256x128xi1>, vector<256x128xi32>
    %select_n3A_879 = arith.select %lt3A_864, %add3A_862, %select_n3A_825 : vector<256x128xi1>, vector<256x128xf32>
    %select_n3A_880 = arith.select %lt3A_863, %select_n3A_830, %select_n3A_879 : vector<256x128xi1>, vector<256x128xf32>
    %jit3A_881 = arith.constant 15 : i32
    %broadcast_in_dim3A_882 = vector.broadcast %jit3A_881 : i32 to vector<256x128xi32>
    %select_n3A_883 = arith.select %lt3A_864, %broadcast_in_dim3A_882, %select_n3A_829 : vector<256x128xi1>, vector<256x128xi32>
    %select_n3A_884 = arith.select %lt3A_863, %select_n3A_833, %select_n3A_883 : vector<256x128xi1>, vector<256x128xi32>
    %select_n3A_885 = arith.select %lt3A_863, %add3A_862, %select_n3A_830 : vector<256x128xi1>, vector<256x128xf32>
    %jit3A_886 = arith.constant 15 : i32
    %broadcast_in_dim3A_887 = vector.broadcast %jit3A_886 : i32 to vector<256x128xi32>
    %select_n3A_888 = arith.select %lt3A_863, %broadcast_in_dim3A_887, %select_n3A_833 : vector<256x128xi1>, vector<256x128xi32>
    %get3A_889 = arith.constant 0 : index
    %get3A_890 = arith.constant 0 : index
    %get3A_891 = arith.constant 2048 : index
    %get3A_892 = vector.load %arg2[%get3A_889, %get3A_890, %get3A_891] : memref<1x3x4096xf32, #tpu.memory_space<vmem>>, vector<1x1x128xf32>
    %get3A_893 = vector.shape_cast %get3A_892 : vector<1x1x128xf32> to vector<1x128xf32>
    %sub3A_894 = vector.broadcast %slice3A : vector<256x1xf32> to vector<256x128xf32>
    %sub3A_895 = vector.broadcast %get3A_893 : vector<1x128xf32> to vector<256x128xf32>
    %sub3A_896 = arith.subf %sub3A_894, %sub3A_895 : vector<256x128xf32>
    %get3A_897 = arith.constant 0 : index
    %get3A_898 = arith.constant 1 : index
    %get3A_899 = arith.constant 2048 : index
    %get3A_900 = vector.load %arg2[%get3A_897, %get3A_898, %get3A_899] : memref<1x3x4096xf32, #tpu.memory_space<vmem>>, vector<1x1x128xf32>
    %get3A_901 = vector.shape_cast %get3A_900 : vector<1x1x128xf32> to vector<1x128xf32>
    %sub3A_902 = vector.broadcast %slice3A_4 : vector<256x1xf32> to vector<256x128xf32>
    %sub3A_903 = vector.broadcast %get3A_901 : vector<1x128xf32> to vector<256x128xf32>
    %sub3A_904 = arith.subf %sub3A_902, %sub3A_903 : vector<256x128xf32>
    %get3A_905 = arith.constant 0 : index
    %get3A_906 = arith.constant 2 : index
    %get3A_907 = arith.constant 2048 : index
    %get3A_908 = vector.load %arg2[%get3A_905, %get3A_906, %get3A_907] : memref<1x3x4096xf32, #tpu.memory_space<vmem>>, vector<1x1x128xf32>
    %get3A_909 = vector.shape_cast %get3A_908 : vector<1x1x128xf32> to vector<1x128xf32>
    %sub3A_910 = vector.broadcast %slice3A_5 : vector<256x1xf32> to vector<256x128xf32>
    %sub3A_911 = vector.broadcast %get3A_909 : vector<1x128xf32> to vector<256x128xf32>
    %sub3A_912 = arith.subf %sub3A_910, %sub3A_911 : vector<256x128xf32>
    %mul3A_913 = arith.mulf %sub3A_896, %sub3A_896 : vector<256x128xf32>
    %mul3A_914 = arith.mulf %sub3A_904, %sub3A_904 : vector<256x128xf32>
    %add3A_915 = arith.addf %mul3A_913, %mul3A_914 : vector<256x128xf32>
    %mul3A_916 = arith.mulf %sub3A_912, %sub3A_912 : vector<256x128xf32>
    %add3A_917 = arith.addf %add3A_915, %mul3A_916 : vector<256x128xf32>
    %lt3A_918 = arith.cmpf olt, %add3A_917, %select_n3A_885 : vector<256x128xf32>
    %lt3A_919 = arith.cmpf olt, %add3A_917, %select_n3A_880 : vector<256x128xf32>
    %lt3A_920 = arith.cmpf olt, %add3A_917, %select_n3A_874 : vector<256x128xf32>
    %lt3A_921 = arith.cmpf olt, %add3A_917, %select_n3A_868 : vector<256x128xf32>
    %select_n3A_922 = arith.select %lt3A_921, %add3A_917, %select_n3A_868 : vector<256x128xi1>, vector<256x128xf32>
    %select_n3A_923 = arith.select %lt3A_920, %select_n3A_874, %select_n3A_922 : vector<256x128xi1>, vector<256x128xf32>
    %jit3A_924 = arith.constant 16 : i32
    %broadcast_in_dim3A_925 = vector.broadcast %jit3A_924 : i32 to vector<256x128xi32>
    %select_n3A_926 = arith.select %lt3A_921, %broadcast_in_dim3A_925, %select_n3A_872 : vector<256x128xi1>, vector<256x128xi32>
    %select_n3A_927 = arith.select %lt3A_920, %select_n3A_878, %select_n3A_926 : vector<256x128xi1>, vector<256x128xi32>
    %select_n3A_928 = arith.select %lt3A_920, %add3A_917, %select_n3A_874 : vector<256x128xi1>, vector<256x128xf32>
    %select_n3A_929 = arith.select %lt3A_919, %select_n3A_880, %select_n3A_928 : vector<256x128xi1>, vector<256x128xf32>
    %jit3A_930 = arith.constant 16 : i32
    %broadcast_in_dim3A_931 = vector.broadcast %jit3A_930 : i32 to vector<256x128xi32>
    %select_n3A_932 = arith.select %lt3A_920, %broadcast_in_dim3A_931, %select_n3A_878 : vector<256x128xi1>, vector<256x128xi32>
    %select_n3A_933 = arith.select %lt3A_919, %select_n3A_884, %select_n3A_932 : vector<256x128xi1>, vector<256x128xi32>
    %select_n3A_934 = arith.select %lt3A_919, %add3A_917, %select_n3A_880 : vector<256x128xi1>, vector<256x128xf32>
    %select_n3A_935 = arith.select %lt3A_918, %select_n3A_885, %select_n3A_934 : vector<256x128xi1>, vector<256x128xf32>
    %jit3A_936 = arith.constant 16 : i32
    %broadcast_in_dim3A_937 = vector.broadcast %jit3A_936 : i32 to vector<256x128xi32>
    %select_n3A_938 = arith.select %lt3A_919, %broadcast_in_dim3A_937, %select_n3A_884 : vector<256x128xi1>, vector<256x128xi32>
    %select_n3A_939 = arith.select %lt3A_918, %select_n3A_888, %select_n3A_938 : vector<256x128xi1>, vector<256x128xi32>
    %select_n3A_940 = arith.select %lt3A_918, %add3A_917, %select_n3A_885 : vector<256x128xi1>, vector<256x128xf32>
    %jit3A_941 = arith.constant 16 : i32
    %broadcast_in_dim3A_942 = vector.broadcast %jit3A_941 : i32 to vector<256x128xi32>
    %select_n3A_943 = arith.select %lt3A_918, %broadcast_in_dim3A_942, %select_n3A_888 : vector<256x128xi1>, vector<256x128xi32>
    %get3A_944 = arith.constant 0 : index
    %get3A_945 = arith.constant 0 : index
    %get3A_946 = arith.constant 2176 : index
    %get3A_947 = vector.load %arg2[%get3A_944, %get3A_945, %get3A_946] : memref<1x3x4096xf32, #tpu.memory_space<vmem>>, vector<1x1x128xf32>
    %get3A_948 = vector.shape_cast %get3A_947 : vector<1x1x128xf32> to vector<1x128xf32>
    %sub3A_949 = vector.broadcast %slice3A : vector<256x1xf32> to vector<256x128xf32>
    %sub3A_950 = vector.broadcast %get3A_948 : vector<1x128xf32> to vector<256x128xf32>
    %sub3A_951 = arith.subf %sub3A_949, %sub3A_950 : vector<256x128xf32>
    %get3A_952 = arith.constant 0 : index
    %get3A_953 = arith.constant 1 : index
    %get3A_954 = arith.constant 2176 : index
    %get3A_955 = vector.load %arg2[%get3A_952, %get3A_953, %get3A_954] : memref<1x3x4096xf32, #tpu.memory_space<vmem>>, vector<1x1x128xf32>
    %get3A_956 = vector.shape_cast %get3A_955 : vector<1x1x128xf32> to vector<1x128xf32>
    %sub3A_957 = vector.broadcast %slice3A_4 : vector<256x1xf32> to vector<256x128xf32>
    %sub3A_958 = vector.broadcast %get3A_956 : vector<1x128xf32> to vector<256x128xf32>
    %sub3A_959 = arith.subf %sub3A_957, %sub3A_958 : vector<256x128xf32>
    %get3A_960 = arith.constant 0 : index
    %get3A_961 = arith.constant 2 : index
    %get3A_962 = arith.constant 2176 : index
    %get3A_963 = vector.load %arg2[%get3A_960, %get3A_961, %get3A_962] : memref<1x3x4096xf32, #tpu.memory_space<vmem>>, vector<1x1x128xf32>
    %get3A_964 = vector.shape_cast %get3A_963 : vector<1x1x128xf32> to vector<1x128xf32>
    %sub3A_965 = vector.broadcast %slice3A_5 : vector<256x1xf32> to vector<256x128xf32>
    %sub3A_966 = vector.broadcast %get3A_964 : vector<1x128xf32> to vector<256x128xf32>
    %sub3A_967 = arith.subf %sub3A_965, %sub3A_966 : vector<256x128xf32>
    %mul3A_968 = arith.mulf %sub3A_951, %sub3A_951 : vector<256x128xf32>
    %mul3A_969 = arith.mulf %sub3A_959, %sub3A_959 : vector<256x128xf32>
    %add3A_970 = arith.addf %mul3A_968, %mul3A_969 : vector<256x128xf32>
    %mul3A_971 = arith.mulf %sub3A_967, %sub3A_967 : vector<256x128xf32>
    %add3A_972 = arith.addf %add3A_970, %mul3A_971 : vector<256x128xf32>
    %lt3A_973 = arith.cmpf olt, %add3A_972, %select_n3A_940 : vector<256x128xf32>
    %lt3A_974 = arith.cmpf olt, %add3A_972, %select_n3A_935 : vector<256x128xf32>
    %lt3A_975 = arith.cmpf olt, %add3A_972, %select_n3A_929 : vector<256x128xf32>
    %lt3A_976 = arith.cmpf olt, %add3A_972, %select_n3A_923 : vector<256x128xf32>
    %select_n3A_977 = arith.select %lt3A_976, %add3A_972, %select_n3A_923 : vector<256x128xi1>, vector<256x128xf32>
    %select_n3A_978 = arith.select %lt3A_975, %select_n3A_929, %select_n3A_977 : vector<256x128xi1>, vector<256x128xf32>
    %jit3A_979 = arith.constant 17 : i32
    %broadcast_in_dim3A_980 = vector.broadcast %jit3A_979 : i32 to vector<256x128xi32>
    %select_n3A_981 = arith.select %lt3A_976, %broadcast_in_dim3A_980, %select_n3A_927 : vector<256x128xi1>, vector<256x128xi32>
    %select_n3A_982 = arith.select %lt3A_975, %select_n3A_933, %select_n3A_981 : vector<256x128xi1>, vector<256x128xi32>
    %select_n3A_983 = arith.select %lt3A_975, %add3A_972, %select_n3A_929 : vector<256x128xi1>, vector<256x128xf32>
    %select_n3A_984 = arith.select %lt3A_974, %select_n3A_935, %select_n3A_983 : vector<256x128xi1>, vector<256x128xf32>
    %jit3A_985 = arith.constant 17 : i32
    %broadcast_in_dim3A_986 = vector.broadcast %jit3A_985 : i32 to vector<256x128xi32>
    %select_n3A_987 = arith.select %lt3A_975, %broadcast_in_dim3A_986, %select_n3A_933 : vector<256x128xi1>, vector<256x128xi32>
    %select_n3A_988 = arith.select %lt3A_974, %select_n3A_939, %select_n3A_987 : vector<256x128xi1>, vector<256x128xi32>
    %select_n3A_989 = arith.select %lt3A_974, %add3A_972, %select_n3A_935 : vector<256x128xi1>, vector<256x128xf32>
    %select_n3A_990 = arith.select %lt3A_973, %select_n3A_940, %select_n3A_989 : vector<256x128xi1>, vector<256x128xf32>
    %jit3A_991 = arith.constant 17 : i32
    %broadcast_in_dim3A_992 = vector.broadcast %jit3A_991 : i32 to vector<256x128xi32>
    %select_n3A_993 = arith.select %lt3A_974, %broadcast_in_dim3A_992, %select_n3A_939 : vector<256x128xi1>, vector<256x128xi32>
    %select_n3A_994 = arith.select %lt3A_973, %select_n3A_943, %select_n3A_993 : vector<256x128xi1>, vector<256x128xi32>
    %select_n3A_995 = arith.select %lt3A_973, %add3A_972, %select_n3A_940 : vector<256x128xi1>, vector<256x128xf32>
    %jit3A_996 = arith.constant 17 : i32
    %broadcast_in_dim3A_997 = vector.broadcast %jit3A_996 : i32 to vector<256x128xi32>
    %select_n3A_998 = arith.select %lt3A_973, %broadcast_in_dim3A_997, %select_n3A_943 : vector<256x128xi1>, vector<256x128xi32>
    %get3A_999 = arith.constant 0 : index
    %get3A_1000 = arith.constant 0 : index
    %get3A_1001 = arith.constant 2304 : index
    %get3A_1002 = vector.load %arg2[%get3A_999, %get3A_1000, %get3A_1001] : memref<1x3x4096xf32, #tpu.memory_space<vmem>>, vector<1x1x128xf32>
    %get3A_1003 = vector.shape_cast %get3A_1002 : vector<1x1x128xf32> to vector<1x128xf32>
    %sub3A_1004 = vector.broadcast %slice3A : vector<256x1xf32> to vector<256x128xf32>
    %sub3A_1005 = vector.broadcast %get3A_1003 : vector<1x128xf32> to vector<256x128xf32>
    %sub3A_1006 = arith.subf %sub3A_1004, %sub3A_1005 : vector<256x128xf32>
    %get3A_1007 = arith.constant 0 : index
    %get3A_1008 = arith.constant 1 : index
    %get3A_1009 = arith.constant 2304 : index
    %get3A_1010 = vector.load %arg2[%get3A_1007, %get3A_1008, %get3A_1009] : memref<1x3x4096xf32, #tpu.memory_space<vmem>>, vector<1x1x128xf32>
    %get3A_1011 = vector.shape_cast %get3A_1010 : vector<1x1x128xf32> to vector<1x128xf32>
    %sub3A_1012 = vector.broadcast %slice3A_4 : vector<256x1xf32> to vector<256x128xf32>
    %sub3A_1013 = vector.broadcast %get3A_1011 : vector<1x128xf32> to vector<256x128xf32>
    %sub3A_1014 = arith.subf %sub3A_1012, %sub3A_1013 : vector<256x128xf32>
    %get3A_1015 = arith.constant 0 : index
    %get3A_1016 = arith.constant 2 : index
    %get3A_1017 = arith.constant 2304 : index
    %get3A_1018 = vector.load %arg2[%get3A_1015, %get3A_1016, %get3A_1017] : memref<1x3x4096xf32, #tpu.memory_space<vmem>>, vector<1x1x128xf32>
    %get3A_1019 = vector.shape_cast %get3A_1018 : vector<1x1x128xf32> to vector<1x128xf32>
    %sub3A_1020 = vector.broadcast %slice3A_5 : vector<256x1xf32> to vector<256x128xf32>
    %sub3A_1021 = vector.broadcast %get3A_1019 : vector<1x128xf32> to vector<256x128xf32>
    %sub3A_1022 = arith.subf %sub3A_1020, %sub3A_1021 : vector<256x128xf32>
    %mul3A_1023 = arith.mulf %sub3A_1006, %sub3A_1006 : vector<256x128xf32>
    %mul3A_1024 = arith.mulf %sub3A_1014, %sub3A_1014 : vector<256x128xf32>
    %add3A_1025 = arith.addf %mul3A_1023, %mul3A_1024 : vector<256x128xf32>
    %mul3A_1026 = arith.mulf %sub3A_1022, %sub3A_1022 : vector<256x128xf32>
    %add3A_1027 = arith.addf %add3A_1025, %mul3A_1026 : vector<256x128xf32>
    %lt3A_1028 = arith.cmpf olt, %add3A_1027, %select_n3A_995 : vector<256x128xf32>
    %lt3A_1029 = arith.cmpf olt, %add3A_1027, %select_n3A_990 : vector<256x128xf32>
    %lt3A_1030 = arith.cmpf olt, %add3A_1027, %select_n3A_984 : vector<256x128xf32>
    %lt3A_1031 = arith.cmpf olt, %add3A_1027, %select_n3A_978 : vector<256x128xf32>
    %select_n3A_1032 = arith.select %lt3A_1031, %add3A_1027, %select_n3A_978 : vector<256x128xi1>, vector<256x128xf32>
    %select_n3A_1033 = arith.select %lt3A_1030, %select_n3A_984, %select_n3A_1032 : vector<256x128xi1>, vector<256x128xf32>
    %jit3A_1034 = arith.constant 18 : i32
    %broadcast_in_dim3A_1035 = vector.broadcast %jit3A_1034 : i32 to vector<256x128xi32>
    %select_n3A_1036 = arith.select %lt3A_1031, %broadcast_in_dim3A_1035, %select_n3A_982 : vector<256x128xi1>, vector<256x128xi32>
    %select_n3A_1037 = arith.select %lt3A_1030, %select_n3A_988, %select_n3A_1036 : vector<256x128xi1>, vector<256x128xi32>
    %select_n3A_1038 = arith.select %lt3A_1030, %add3A_1027, %select_n3A_984 : vector<256x128xi1>, vector<256x128xf32>
    %select_n3A_1039 = arith.select %lt3A_1029, %select_n3A_990, %select_n3A_1038 : vector<256x128xi1>, vector<256x128xf32>
    %jit3A_1040 = arith.constant 18 : i32
    %broadcast_in_dim3A_1041 = vector.broadcast %jit3A_1040 : i32 to vector<256x128xi32>
    %select_n3A_1042 = arith.select %lt3A_1030, %broadcast_in_dim3A_1041, %select_n3A_988 : vector<256x128xi1>, vector<256x128xi32>
    %select_n3A_1043 = arith.select %lt3A_1029, %select_n3A_994, %select_n3A_1042 : vector<256x128xi1>, vector<256x128xi32>
    %select_n3A_1044 = arith.select %lt3A_1029, %add3A_1027, %select_n3A_990 : vector<256x128xi1>, vector<256x128xf32>
    %select_n3A_1045 = arith.select %lt3A_1028, %select_n3A_995, %select_n3A_1044 : vector<256x128xi1>, vector<256x128xf32>
    %jit3A_1046 = arith.constant 18 : i32
    %broadcast_in_dim3A_1047 = vector.broadcast %jit3A_1046 : i32 to vector<256x128xi32>
    %select_n3A_1048 = arith.select %lt3A_1029, %broadcast_in_dim3A_1047, %select_n3A_994 : vector<256x128xi1>, vector<256x128xi32>
    %select_n3A_1049 = arith.select %lt3A_1028, %select_n3A_998, %select_n3A_1048 : vector<256x128xi1>, vector<256x128xi32>
    %select_n3A_1050 = arith.select %lt3A_1028, %add3A_1027, %select_n3A_995 : vector<256x128xi1>, vector<256x128xf32>
    %jit3A_1051 = arith.constant 18 : i32
    %broadcast_in_dim3A_1052 = vector.broadcast %jit3A_1051 : i32 to vector<256x128xi32>
    %select_n3A_1053 = arith.select %lt3A_1028, %broadcast_in_dim3A_1052, %select_n3A_998 : vector<256x128xi1>, vector<256x128xi32>
    %get3A_1054 = arith.constant 0 : index
    %get3A_1055 = arith.constant 0 : index
    %get3A_1056 = arith.constant 2432 : index
    %get3A_1057 = vector.load %arg2[%get3A_1054, %get3A_1055, %get3A_1056] : memref<1x3x4096xf32, #tpu.memory_space<vmem>>, vector<1x1x128xf32>
    %get3A_1058 = vector.shape_cast %get3A_1057 : vector<1x1x128xf32> to vector<1x128xf32>
    %sub3A_1059 = vector.broadcast %slice3A : vector<256x1xf32> to vector<256x128xf32>
    %sub3A_1060 = vector.broadcast %get3A_1058 : vector<1x128xf32> to vector<256x128xf32>
    %sub3A_1061 = arith.subf %sub3A_1059, %sub3A_1060 : vector<256x128xf32>
    %get3A_1062 = arith.constant 0 : index
    %get3A_1063 = arith.constant 1 : index
    %get3A_1064 = arith.constant 2432 : index
    %get3A_1065 = vector.load %arg2[%get3A_1062, %get3A_1063, %get3A_1064] : memref<1x3x4096xf32, #tpu.memory_space<vmem>>, vector<1x1x128xf32>
    %get3A_1066 = vector.shape_cast %get3A_1065 : vector<1x1x128xf32> to vector<1x128xf32>
    %sub3A_1067 = vector.broadcast %slice3A_4 : vector<256x1xf32> to vector<256x128xf32>
    %sub3A_1068 = vector.broadcast %get3A_1066 : vector<1x128xf32> to vector<256x128xf32>
    %sub3A_1069 = arith.subf %sub3A_1067, %sub3A_1068 : vector<256x128xf32>
    %get3A_1070 = arith.constant 0 : index
    %get3A_1071 = arith.constant 2 : index
    %get3A_1072 = arith.constant 2432 : index
    %get3A_1073 = vector.load %arg2[%get3A_1070, %get3A_1071, %get3A_1072] : memref<1x3x4096xf32, #tpu.memory_space<vmem>>, vector<1x1x128xf32>
    %get3A_1074 = vector.shape_cast %get3A_1073 : vector<1x1x128xf32> to vector<1x128xf32>
    %sub3A_1075 = vector.broadcast %slice3A_5 : vector<256x1xf32> to vector<256x128xf32>
    %sub3A_1076 = vector.broadcast %get3A_1074 : vector<1x128xf32> to vector<256x128xf32>
    %sub3A_1077 = arith.subf %sub3A_1075, %sub3A_1076 : vector<256x128xf32>
    %mul3A_1078 = arith.mulf %sub3A_1061, %sub3A_1061 : vector<256x128xf32>
    %mul3A_1079 = arith.mulf %sub3A_1069, %sub3A_1069 : vector<256x128xf32>
    %add3A_1080 = arith.addf %mul3A_1078, %mul3A_1079 : vector<256x128xf32>
    %mul3A_1081 = arith.mulf %sub3A_1077, %sub3A_1077 : vector<256x128xf32>
    %add3A_1082 = arith.addf %add3A_1080, %mul3A_1081 : vector<256x128xf32>
    %lt3A_1083 = arith.cmpf olt, %add3A_1082, %select_n3A_1050 : vector<256x128xf32>
    %lt3A_1084 = arith.cmpf olt, %add3A_1082, %select_n3A_1045 : vector<256x128xf32>
    %lt3A_1085 = arith.cmpf olt, %add3A_1082, %select_n3A_1039 : vector<256x128xf32>
    %lt3A_1086 = arith.cmpf olt, %add3A_1082, %select_n3A_1033 : vector<256x128xf32>
    %select_n3A_1087 = arith.select %lt3A_1086, %add3A_1082, %select_n3A_1033 : vector<256x128xi1>, vector<256x128xf32>
    %select_n3A_1088 = arith.select %lt3A_1085, %select_n3A_1039, %select_n3A_1087 : vector<256x128xi1>, vector<256x128xf32>
    %jit3A_1089 = arith.constant 19 : i32
    %broadcast_in_dim3A_1090 = vector.broadcast %jit3A_1089 : i32 to vector<256x128xi32>
    %select_n3A_1091 = arith.select %lt3A_1086, %broadcast_in_dim3A_1090, %select_n3A_1037 : vector<256x128xi1>, vector<256x128xi32>
    %select_n3A_1092 = arith.select %lt3A_1085, %select_n3A_1043, %select_n3A_1091 : vector<256x128xi1>, vector<256x128xi32>
    %select_n3A_1093 = arith.select %lt3A_1085, %add3A_1082, %select_n3A_1039 : vector<256x128xi1>, vector<256x128xf32>
    %select_n3A_1094 = arith.select %lt3A_1084, %select_n3A_1045, %select_n3A_1093 : vector<256x128xi1>, vector<256x128xf32>
    %jit3A_1095 = arith.constant 19 : i32
    %broadcast_in_dim3A_1096 = vector.broadcast %jit3A_1095 : i32 to vector<256x128xi32>
    %select_n3A_1097 = arith.select %lt3A_1085, %broadcast_in_dim3A_1096, %select_n3A_1043 : vector<256x128xi1>, vector<256x128xi32>
    %select_n3A_1098 = arith.select %lt3A_1084, %select_n3A_1049, %select_n3A_1097 : vector<256x128xi1>, vector<256x128xi32>
    %select_n3A_1099 = arith.select %lt3A_1084, %add3A_1082, %select_n3A_1045 : vector<256x128xi1>, vector<256x128xf32>
    %select_n3A_1100 = arith.select %lt3A_1083, %select_n3A_1050, %select_n3A_1099 : vector<256x128xi1>, vector<256x128xf32>
    %jit3A_1101 = arith.constant 19 : i32
    %broadcast_in_dim3A_1102 = vector.broadcast %jit3A_1101 : i32 to vector<256x128xi32>
    %select_n3A_1103 = arith.select %lt3A_1084, %broadcast_in_dim3A_1102, %select_n3A_1049 : vector<256x128xi1>, vector<256x128xi32>
    %select_n3A_1104 = arith.select %lt3A_1083, %select_n3A_1053, %select_n3A_1103 : vector<256x128xi1>, vector<256x128xi32>
    %select_n3A_1105 = arith.select %lt3A_1083, %add3A_1082, %select_n3A_1050 : vector<256x128xi1>, vector<256x128xf32>
    %jit3A_1106 = arith.constant 19 : i32
    %broadcast_in_dim3A_1107 = vector.broadcast %jit3A_1106 : i32 to vector<256x128xi32>
    %select_n3A_1108 = arith.select %lt3A_1083, %broadcast_in_dim3A_1107, %select_n3A_1053 : vector<256x128xi1>, vector<256x128xi32>
    %get3A_1109 = arith.constant 0 : index
    %get3A_1110 = arith.constant 0 : index
    %get3A_1111 = arith.constant 2560 : index
    %get3A_1112 = vector.load %arg2[%get3A_1109, %get3A_1110, %get3A_1111] : memref<1x3x4096xf32, #tpu.memory_space<vmem>>, vector<1x1x128xf32>
    %get3A_1113 = vector.shape_cast %get3A_1112 : vector<1x1x128xf32> to vector<1x128xf32>
    %sub3A_1114 = vector.broadcast %slice3A : vector<256x1xf32> to vector<256x128xf32>
    %sub3A_1115 = vector.broadcast %get3A_1113 : vector<1x128xf32> to vector<256x128xf32>
    %sub3A_1116 = arith.subf %sub3A_1114, %sub3A_1115 : vector<256x128xf32>
    %get3A_1117 = arith.constant 0 : index
    %get3A_1118 = arith.constant 1 : index
    %get3A_1119 = arith.constant 2560 : index
    %get3A_1120 = vector.load %arg2[%get3A_1117, %get3A_1118, %get3A_1119] : memref<1x3x4096xf32, #tpu.memory_space<vmem>>, vector<1x1x128xf32>
    %get3A_1121 = vector.shape_cast %get3A_1120 : vector<1x1x128xf32> to vector<1x128xf32>
    %sub3A_1122 = vector.broadcast %slice3A_4 : vector<256x1xf32> to vector<256x128xf32>
    %sub3A_1123 = vector.broadcast %get3A_1121 : vector<1x128xf32> to vector<256x128xf32>
    %sub3A_1124 = arith.subf %sub3A_1122, %sub3A_1123 : vector<256x128xf32>
    %get3A_1125 = arith.constant 0 : index
    %get3A_1126 = arith.constant 2 : index
    %get3A_1127 = arith.constant 2560 : index
    %get3A_1128 = vector.load %arg2[%get3A_1125, %get3A_1126, %get3A_1127] : memref<1x3x4096xf32, #tpu.memory_space<vmem>>, vector<1x1x128xf32>
    %get3A_1129 = vector.shape_cast %get3A_1128 : vector<1x1x128xf32> to vector<1x128xf32>
    %sub3A_1130 = vector.broadcast %slice3A_5 : vector<256x1xf32> to vector<256x128xf32>
    %sub3A_1131 = vector.broadcast %get3A_1129 : vector<1x128xf32> to vector<256x128xf32>
    %sub3A_1132 = arith.subf %sub3A_1130, %sub3A_1131 : vector<256x128xf32>
    %mul3A_1133 = arith.mulf %sub3A_1116, %sub3A_1116 : vector<256x128xf32>
    %mul3A_1134 = arith.mulf %sub3A_1124, %sub3A_1124 : vector<256x128xf32>
    %add3A_1135 = arith.addf %mul3A_1133, %mul3A_1134 : vector<256x128xf32>
    %mul3A_1136 = arith.mulf %sub3A_1132, %sub3A_1132 : vector<256x128xf32>
    %add3A_1137 = arith.addf %add3A_1135, %mul3A_1136 : vector<256x128xf32>
    %lt3A_1138 = arith.cmpf olt, %add3A_1137, %select_n3A_1105 : vector<256x128xf32>
    %lt3A_1139 = arith.cmpf olt, %add3A_1137, %select_n3A_1100 : vector<256x128xf32>
    %lt3A_1140 = arith.cmpf olt, %add3A_1137, %select_n3A_1094 : vector<256x128xf32>
    %lt3A_1141 = arith.cmpf olt, %add3A_1137, %select_n3A_1088 : vector<256x128xf32>
    %select_n3A_1142 = arith.select %lt3A_1141, %add3A_1137, %select_n3A_1088 : vector<256x128xi1>, vector<256x128xf32>
    %select_n3A_1143 = arith.select %lt3A_1140, %select_n3A_1094, %select_n3A_1142 : vector<256x128xi1>, vector<256x128xf32>
    %jit3A_1144 = arith.constant 20 : i32
    %broadcast_in_dim3A_1145 = vector.broadcast %jit3A_1144 : i32 to vector<256x128xi32>
    %select_n3A_1146 = arith.select %lt3A_1141, %broadcast_in_dim3A_1145, %select_n3A_1092 : vector<256x128xi1>, vector<256x128xi32>
    %select_n3A_1147 = arith.select %lt3A_1140, %select_n3A_1098, %select_n3A_1146 : vector<256x128xi1>, vector<256x128xi32>
    %select_n3A_1148 = arith.select %lt3A_1140, %add3A_1137, %select_n3A_1094 : vector<256x128xi1>, vector<256x128xf32>
    %select_n3A_1149 = arith.select %lt3A_1139, %select_n3A_1100, %select_n3A_1148 : vector<256x128xi1>, vector<256x128xf32>
    %jit3A_1150 = arith.constant 20 : i32
    %broadcast_in_dim3A_1151 = vector.broadcast %jit3A_1150 : i32 to vector<256x128xi32>
    %select_n3A_1152 = arith.select %lt3A_1140, %broadcast_in_dim3A_1151, %select_n3A_1098 : vector<256x128xi1>, vector<256x128xi32>
    %select_n3A_1153 = arith.select %lt3A_1139, %select_n3A_1104, %select_n3A_1152 : vector<256x128xi1>, vector<256x128xi32>
    %select_n3A_1154 = arith.select %lt3A_1139, %add3A_1137, %select_n3A_1100 : vector<256x128xi1>, vector<256x128xf32>
    %select_n3A_1155 = arith.select %lt3A_1138, %select_n3A_1105, %select_n3A_1154 : vector<256x128xi1>, vector<256x128xf32>
    %jit3A_1156 = arith.constant 20 : i32
    %broadcast_in_dim3A_1157 = vector.broadcast %jit3A_1156 : i32 to vector<256x128xi32>
    %select_n3A_1158 = arith.select %lt3A_1139, %broadcast_in_dim3A_1157, %select_n3A_1104 : vector<256x128xi1>, vector<256x128xi32>
    %select_n3A_1159 = arith.select %lt3A_1138, %select_n3A_1108, %select_n3A_1158 : vector<256x128xi1>, vector<256x128xi32>
    %select_n3A_1160 = arith.select %lt3A_1138, %add3A_1137, %select_n3A_1105 : vector<256x128xi1>, vector<256x128xf32>
    %jit3A_1161 = arith.constant 20 : i32
    %broadcast_in_dim3A_1162 = vector.broadcast %jit3A_1161 : i32 to vector<256x128xi32>
    %select_n3A_1163 = arith.select %lt3A_1138, %broadcast_in_dim3A_1162, %select_n3A_1108 : vector<256x128xi1>, vector<256x128xi32>
    %get3A_1164 = arith.constant 0 : index
    %get3A_1165 = arith.constant 0 : index
    %get3A_1166 = arith.constant 2688 : index
    %get3A_1167 = vector.load %arg2[%get3A_1164, %get3A_1165, %get3A_1166] : memref<1x3x4096xf32, #tpu.memory_space<vmem>>, vector<1x1x128xf32>
    %get3A_1168 = vector.shape_cast %get3A_1167 : vector<1x1x128xf32> to vector<1x128xf32>
    %sub3A_1169 = vector.broadcast %slice3A : vector<256x1xf32> to vector<256x128xf32>
    %sub3A_1170 = vector.broadcast %get3A_1168 : vector<1x128xf32> to vector<256x128xf32>
    %sub3A_1171 = arith.subf %sub3A_1169, %sub3A_1170 : vector<256x128xf32>
    %get3A_1172 = arith.constant 0 : index
    %get3A_1173 = arith.constant 1 : index
    %get3A_1174 = arith.constant 2688 : index
    %get3A_1175 = vector.load %arg2[%get3A_1172, %get3A_1173, %get3A_1174] : memref<1x3x4096xf32, #tpu.memory_space<vmem>>, vector<1x1x128xf32>
    %get3A_1176 = vector.shape_cast %get3A_1175 : vector<1x1x128xf32> to vector<1x128xf32>
    %sub3A_1177 = vector.broadcast %slice3A_4 : vector<256x1xf32> to vector<256x128xf32>
    %sub3A_1178 = vector.broadcast %get3A_1176 : vector<1x128xf32> to vector<256x128xf32>
    %sub3A_1179 = arith.subf %sub3A_1177, %sub3A_1178 : vector<256x128xf32>
    %get3A_1180 = arith.constant 0 : index
    %get3A_1181 = arith.constant 2 : index
    %get3A_1182 = arith.constant 2688 : index
    %get3A_1183 = vector.load %arg2[%get3A_1180, %get3A_1181, %get3A_1182] : memref<1x3x4096xf32, #tpu.memory_space<vmem>>, vector<1x1x128xf32>
    %get3A_1184 = vector.shape_cast %get3A_1183 : vector<1x1x128xf32> to vector<1x128xf32>
    %sub3A_1185 = vector.broadcast %slice3A_5 : vector<256x1xf32> to vector<256x128xf32>
    %sub3A_1186 = vector.broadcast %get3A_1184 : vector<1x128xf32> to vector<256x128xf32>
    %sub3A_1187 = arith.subf %sub3A_1185, %sub3A_1186 : vector<256x128xf32>
    %mul3A_1188 = arith.mulf %sub3A_1171, %sub3A_1171 : vector<256x128xf32>
    %mul3A_1189 = arith.mulf %sub3A_1179, %sub3A_1179 : vector<256x128xf32>
    %add3A_1190 = arith.addf %mul3A_1188, %mul3A_1189 : vector<256x128xf32>
    %mul3A_1191 = arith.mulf %sub3A_1187, %sub3A_1187 : vector<256x128xf32>
    %add3A_1192 = arith.addf %add3A_1190, %mul3A_1191 : vector<256x128xf32>
    %lt3A_1193 = arith.cmpf olt, %add3A_1192, %select_n3A_1160 : vector<256x128xf32>
    %lt3A_1194 = arith.cmpf olt, %add3A_1192, %select_n3A_1155 : vector<256x128xf32>
    %lt3A_1195 = arith.cmpf olt, %add3A_1192, %select_n3A_1149 : vector<256x128xf32>
    %lt3A_1196 = arith.cmpf olt, %add3A_1192, %select_n3A_1143 : vector<256x128xf32>
    %select_n3A_1197 = arith.select %lt3A_1196, %add3A_1192, %select_n3A_1143 : vector<256x128xi1>, vector<256x128xf32>
    %select_n3A_1198 = arith.select %lt3A_1195, %select_n3A_1149, %select_n3A_1197 : vector<256x128xi1>, vector<256x128xf32>
    %jit3A_1199 = arith.constant 21 : i32
    %broadcast_in_dim3A_1200 = vector.broadcast %jit3A_1199 : i32 to vector<256x128xi32>
    %select_n3A_1201 = arith.select %lt3A_1196, %broadcast_in_dim3A_1200, %select_n3A_1147 : vector<256x128xi1>, vector<256x128xi32>
    %select_n3A_1202 = arith.select %lt3A_1195, %select_n3A_1153, %select_n3A_1201 : vector<256x128xi1>, vector<256x128xi32>
    %select_n3A_1203 = arith.select %lt3A_1195, %add3A_1192, %select_n3A_1149 : vector<256x128xi1>, vector<256x128xf32>
    %select_n3A_1204 = arith.select %lt3A_1194, %select_n3A_1155, %select_n3A_1203 : vector<256x128xi1>, vector<256x128xf32>
    %jit3A_1205 = arith.constant 21 : i32
    %broadcast_in_dim3A_1206 = vector.broadcast %jit3A_1205 : i32 to vector<256x128xi32>
    %select_n3A_1207 = arith.select %lt3A_1195, %broadcast_in_dim3A_1206, %select_n3A_1153 : vector<256x128xi1>, vector<256x128xi32>
    %select_n3A_1208 = arith.select %lt3A_1194, %select_n3A_1159, %select_n3A_1207 : vector<256x128xi1>, vector<256x128xi32>
    %select_n3A_1209 = arith.select %lt3A_1194, %add3A_1192, %select_n3A_1155 : vector<256x128xi1>, vector<256x128xf32>
    %select_n3A_1210 = arith.select %lt3A_1193, %select_n3A_1160, %select_n3A_1209 : vector<256x128xi1>, vector<256x128xf32>
    %jit3A_1211 = arith.constant 21 : i32
    %broadcast_in_dim3A_1212 = vector.broadcast %jit3A_1211 : i32 to vector<256x128xi32>
    %select_n3A_1213 = arith.select %lt3A_1194, %broadcast_in_dim3A_1212, %select_n3A_1159 : vector<256x128xi1>, vector<256x128xi32>
    %select_n3A_1214 = arith.select %lt3A_1193, %select_n3A_1163, %select_n3A_1213 : vector<256x128xi1>, vector<256x128xi32>
    %select_n3A_1215 = arith.select %lt3A_1193, %add3A_1192, %select_n3A_1160 : vector<256x128xi1>, vector<256x128xf32>
    %jit3A_1216 = arith.constant 21 : i32
    %broadcast_in_dim3A_1217 = vector.broadcast %jit3A_1216 : i32 to vector<256x128xi32>
    %select_n3A_1218 = arith.select %lt3A_1193, %broadcast_in_dim3A_1217, %select_n3A_1163 : vector<256x128xi1>, vector<256x128xi32>
    %get3A_1219 = arith.constant 0 : index
    %get3A_1220 = arith.constant 0 : index
    %get3A_1221 = arith.constant 2816 : index
    %get3A_1222 = vector.load %arg2[%get3A_1219, %get3A_1220, %get3A_1221] : memref<1x3x4096xf32, #tpu.memory_space<vmem>>, vector<1x1x128xf32>
    %get3A_1223 = vector.shape_cast %get3A_1222 : vector<1x1x128xf32> to vector<1x128xf32>
    %sub3A_1224 = vector.broadcast %slice3A : vector<256x1xf32> to vector<256x128xf32>
    %sub3A_1225 = vector.broadcast %get3A_1223 : vector<1x128xf32> to vector<256x128xf32>
    %sub3A_1226 = arith.subf %sub3A_1224, %sub3A_1225 : vector<256x128xf32>
    %get3A_1227 = arith.constant 0 : index
    %get3A_1228 = arith.constant 1 : index
    %get3A_1229 = arith.constant 2816 : index
    %get3A_1230 = vector.load %arg2[%get3A_1227, %get3A_1228, %get3A_1229] : memref<1x3x4096xf32, #tpu.memory_space<vmem>>, vector<1x1x128xf32>
    %get3A_1231 = vector.shape_cast %get3A_1230 : vector<1x1x128xf32> to vector<1x128xf32>
    %sub3A_1232 = vector.broadcast %slice3A_4 : vector<256x1xf32> to vector<256x128xf32>
    %sub3A_1233 = vector.broadcast %get3A_1231 : vector<1x128xf32> to vector<256x128xf32>
    %sub3A_1234 = arith.subf %sub3A_1232, %sub3A_1233 : vector<256x128xf32>
    %get3A_1235 = arith.constant 0 : index
    %get3A_1236 = arith.constant 2 : index
    %get3A_1237 = arith.constant 2816 : index
    %get3A_1238 = vector.load %arg2[%get3A_1235, %get3A_1236, %get3A_1237] : memref<1x3x4096xf32, #tpu.memory_space<vmem>>, vector<1x1x128xf32>
    %get3A_1239 = vector.shape_cast %get3A_1238 : vector<1x1x128xf32> to vector<1x128xf32>
    %sub3A_1240 = vector.broadcast %slice3A_5 : vector<256x1xf32> to vector<256x128xf32>
    %sub3A_1241 = vector.broadcast %get3A_1239 : vector<1x128xf32> to vector<256x128xf32>
    %sub3A_1242 = arith.subf %sub3A_1240, %sub3A_1241 : vector<256x128xf32>
    %mul3A_1243 = arith.mulf %sub3A_1226, %sub3A_1226 : vector<256x128xf32>
    %mul3A_1244 = arith.mulf %sub3A_1234, %sub3A_1234 : vector<256x128xf32>
    %add3A_1245 = arith.addf %mul3A_1243, %mul3A_1244 : vector<256x128xf32>
    %mul3A_1246 = arith.mulf %sub3A_1242, %sub3A_1242 : vector<256x128xf32>
    %add3A_1247 = arith.addf %add3A_1245, %mul3A_1246 : vector<256x128xf32>
    %lt3A_1248 = arith.cmpf olt, %add3A_1247, %select_n3A_1215 : vector<256x128xf32>
    %lt3A_1249 = arith.cmpf olt, %add3A_1247, %select_n3A_1210 : vector<256x128xf32>
    %lt3A_1250 = arith.cmpf olt, %add3A_1247, %select_n3A_1204 : vector<256x128xf32>
    %lt3A_1251 = arith.cmpf olt, %add3A_1247, %select_n3A_1198 : vector<256x128xf32>
    %select_n3A_1252 = arith.select %lt3A_1251, %add3A_1247, %select_n3A_1198 : vector<256x128xi1>, vector<256x128xf32>
    %select_n3A_1253 = arith.select %lt3A_1250, %select_n3A_1204, %select_n3A_1252 : vector<256x128xi1>, vector<256x128xf32>
    %jit3A_1254 = arith.constant 22 : i32
    %broadcast_in_dim3A_1255 = vector.broadcast %jit3A_1254 : i32 to vector<256x128xi32>
    %select_n3A_1256 = arith.select %lt3A_1251, %broadcast_in_dim3A_1255, %select_n3A_1202 : vector<256x128xi1>, vector<256x128xi32>
    %select_n3A_1257 = arith.select %lt3A_1250, %select_n3A_1208, %select_n3A_1256 : vector<256x128xi1>, vector<256x128xi32>
    %select_n3A_1258 = arith.select %lt3A_1250, %add3A_1247, %select_n3A_1204 : vector<256x128xi1>, vector<256x128xf32>
    %select_n3A_1259 = arith.select %lt3A_1249, %select_n3A_1210, %select_n3A_1258 : vector<256x128xi1>, vector<256x128xf32>
    %jit3A_1260 = arith.constant 22 : i32
    %broadcast_in_dim3A_1261 = vector.broadcast %jit3A_1260 : i32 to vector<256x128xi32>
    %select_n3A_1262 = arith.select %lt3A_1250, %broadcast_in_dim3A_1261, %select_n3A_1208 : vector<256x128xi1>, vector<256x128xi32>
    %select_n3A_1263 = arith.select %lt3A_1249, %select_n3A_1214, %select_n3A_1262 : vector<256x128xi1>, vector<256x128xi32>
    %select_n3A_1264 = arith.select %lt3A_1249, %add3A_1247, %select_n3A_1210 : vector<256x128xi1>, vector<256x128xf32>
    %select_n3A_1265 = arith.select %lt3A_1248, %select_n3A_1215, %select_n3A_1264 : vector<256x128xi1>, vector<256x128xf32>
    %jit3A_1266 = arith.constant 22 : i32
    %broadcast_in_dim3A_1267 = vector.broadcast %jit3A_1266 : i32 to vector<256x128xi32>
    %select_n3A_1268 = arith.select %lt3A_1249, %broadcast_in_dim3A_1267, %select_n3A_1214 : vector<256x128xi1>, vector<256x128xi32>
    %select_n3A_1269 = arith.select %lt3A_1248, %select_n3A_1218, %select_n3A_1268 : vector<256x128xi1>, vector<256x128xi32>
    %select_n3A_1270 = arith.select %lt3A_1248, %add3A_1247, %select_n3A_1215 : vector<256x128xi1>, vector<256x128xf32>
    %jit3A_1271 = arith.constant 22 : i32
    %broadcast_in_dim3A_1272 = vector.broadcast %jit3A_1271 : i32 to vector<256x128xi32>
    %select_n3A_1273 = arith.select %lt3A_1248, %broadcast_in_dim3A_1272, %select_n3A_1218 : vector<256x128xi1>, vector<256x128xi32>
    %get3A_1274 = arith.constant 0 : index
    %get3A_1275 = arith.constant 0 : index
    %get3A_1276 = arith.constant 2944 : index
    %get3A_1277 = vector.load %arg2[%get3A_1274, %get3A_1275, %get3A_1276] : memref<1x3x4096xf32, #tpu.memory_space<vmem>>, vector<1x1x128xf32>
    %get3A_1278 = vector.shape_cast %get3A_1277 : vector<1x1x128xf32> to vector<1x128xf32>
    %sub3A_1279 = vector.broadcast %slice3A : vector<256x1xf32> to vector<256x128xf32>
    %sub3A_1280 = vector.broadcast %get3A_1278 : vector<1x128xf32> to vector<256x128xf32>
    %sub3A_1281 = arith.subf %sub3A_1279, %sub3A_1280 : vector<256x128xf32>
    %get3A_1282 = arith.constant 0 : index
    %get3A_1283 = arith.constant 1 : index
    %get3A_1284 = arith.constant 2944 : index
    %get3A_1285 = vector.load %arg2[%get3A_1282, %get3A_1283, %get3A_1284] : memref<1x3x4096xf32, #tpu.memory_space<vmem>>, vector<1x1x128xf32>
    %get3A_1286 = vector.shape_cast %get3A_1285 : vector<1x1x128xf32> to vector<1x128xf32>
    %sub3A_1287 = vector.broadcast %slice3A_4 : vector<256x1xf32> to vector<256x128xf32>
    %sub3A_1288 = vector.broadcast %get3A_1286 : vector<1x128xf32> to vector<256x128xf32>
    %sub3A_1289 = arith.subf %sub3A_1287, %sub3A_1288 : vector<256x128xf32>
    %get3A_1290 = arith.constant 0 : index
    %get3A_1291 = arith.constant 2 : index
    %get3A_1292 = arith.constant 2944 : index
    %get3A_1293 = vector.load %arg2[%get3A_1290, %get3A_1291, %get3A_1292] : memref<1x3x4096xf32, #tpu.memory_space<vmem>>, vector<1x1x128xf32>
    %get3A_1294 = vector.shape_cast %get3A_1293 : vector<1x1x128xf32> to vector<1x128xf32>
    %sub3A_1295 = vector.broadcast %slice3A_5 : vector<256x1xf32> to vector<256x128xf32>
    %sub3A_1296 = vector.broadcast %get3A_1294 : vector<1x128xf32> to vector<256x128xf32>
    %sub3A_1297 = arith.subf %sub3A_1295, %sub3A_1296 : vector<256x128xf32>
    %mul3A_1298 = arith.mulf %sub3A_1281, %sub3A_1281 : vector<256x128xf32>
    %mul3A_1299 = arith.mulf %sub3A_1289, %sub3A_1289 : vector<256x128xf32>
    %add3A_1300 = arith.addf %mul3A_1298, %mul3A_1299 : vector<256x128xf32>
    %mul3A_1301 = arith.mulf %sub3A_1297, %sub3A_1297 : vector<256x128xf32>
    %add3A_1302 = arith.addf %add3A_1300, %mul3A_1301 : vector<256x128xf32>
    %lt3A_1303 = arith.cmpf olt, %add3A_1302, %select_n3A_1270 : vector<256x128xf32>
    %lt3A_1304 = arith.cmpf olt, %add3A_1302, %select_n3A_1265 : vector<256x128xf32>
    %lt3A_1305 = arith.cmpf olt, %add3A_1302, %select_n3A_1259 : vector<256x128xf32>
    %lt3A_1306 = arith.cmpf olt, %add3A_1302, %select_n3A_1253 : vector<256x128xf32>
    %select_n3A_1307 = arith.select %lt3A_1306, %add3A_1302, %select_n3A_1253 : vector<256x128xi1>, vector<256x128xf32>
    %select_n3A_1308 = arith.select %lt3A_1305, %select_n3A_1259, %select_n3A_1307 : vector<256x128xi1>, vector<256x128xf32>
    %jit3A_1309 = arith.constant 23 : i32
    %broadcast_in_dim3A_1310 = vector.broadcast %jit3A_1309 : i32 to vector<256x128xi32>
    %select_n3A_1311 = arith.select %lt3A_1306, %broadcast_in_dim3A_1310, %select_n3A_1257 : vector<256x128xi1>, vector<256x128xi32>
    %select_n3A_1312 = arith.select %lt3A_1305, %select_n3A_1263, %select_n3A_1311 : vector<256x128xi1>, vector<256x128xi32>
    %select_n3A_1313 = arith.select %lt3A_1305, %add3A_1302, %select_n3A_1259 : vector<256x128xi1>, vector<256x128xf32>
    %select_n3A_1314 = arith.select %lt3A_1304, %select_n3A_1265, %select_n3A_1313 : vector<256x128xi1>, vector<256x128xf32>
    %jit3A_1315 = arith.constant 23 : i32
    %broadcast_in_dim3A_1316 = vector.broadcast %jit3A_1315 : i32 to vector<256x128xi32>
    %select_n3A_1317 = arith.select %lt3A_1305, %broadcast_in_dim3A_1316, %select_n3A_1263 : vector<256x128xi1>, vector<256x128xi32>
    %select_n3A_1318 = arith.select %lt3A_1304, %select_n3A_1269, %select_n3A_1317 : vector<256x128xi1>, vector<256x128xi32>
    %select_n3A_1319 = arith.select %lt3A_1304, %add3A_1302, %select_n3A_1265 : vector<256x128xi1>, vector<256x128xf32>
    %select_n3A_1320 = arith.select %lt3A_1303, %select_n3A_1270, %select_n3A_1319 : vector<256x128xi1>, vector<256x128xf32>
    %jit3A_1321 = arith.constant 23 : i32
    %broadcast_in_dim3A_1322 = vector.broadcast %jit3A_1321 : i32 to vector<256x128xi32>
    %select_n3A_1323 = arith.select %lt3A_1304, %broadcast_in_dim3A_1322, %select_n3A_1269 : vector<256x128xi1>, vector<256x128xi32>
    %select_n3A_1324 = arith.select %lt3A_1303, %select_n3A_1273, %select_n3A_1323 : vector<256x128xi1>, vector<256x128xi32>
    %select_n3A_1325 = arith.select %lt3A_1303, %add3A_1302, %select_n3A_1270 : vector<256x128xi1>, vector<256x128xf32>
    %jit3A_1326 = arith.constant 23 : i32
    %broadcast_in_dim3A_1327 = vector.broadcast %jit3A_1326 : i32 to vector<256x128xi32>
    %select_n3A_1328 = arith.select %lt3A_1303, %broadcast_in_dim3A_1327, %select_n3A_1273 : vector<256x128xi1>, vector<256x128xi32>
    %get3A_1329 = arith.constant 0 : index
    %get3A_1330 = arith.constant 0 : index
    %get3A_1331 = arith.constant 3072 : index
    %get3A_1332 = vector.load %arg2[%get3A_1329, %get3A_1330, %get3A_1331] : memref<1x3x4096xf32, #tpu.memory_space<vmem>>, vector<1x1x128xf32>
    %get3A_1333 = vector.shape_cast %get3A_1332 : vector<1x1x128xf32> to vector<1x128xf32>
    %sub3A_1334 = vector.broadcast %slice3A : vector<256x1xf32> to vector<256x128xf32>
    %sub3A_1335 = vector.broadcast %get3A_1333 : vector<1x128xf32> to vector<256x128xf32>
    %sub3A_1336 = arith.subf %sub3A_1334, %sub3A_1335 : vector<256x128xf32>
    %get3A_1337 = arith.constant 0 : index
    %get3A_1338 = arith.constant 1 : index
    %get3A_1339 = arith.constant 3072 : index
    %get3A_1340 = vector.load %arg2[%get3A_1337, %get3A_1338, %get3A_1339] : memref<1x3x4096xf32, #tpu.memory_space<vmem>>, vector<1x1x128xf32>
    %get3A_1341 = vector.shape_cast %get3A_1340 : vector<1x1x128xf32> to vector<1x128xf32>
    %sub3A_1342 = vector.broadcast %slice3A_4 : vector<256x1xf32> to vector<256x128xf32>
    %sub3A_1343 = vector.broadcast %get3A_1341 : vector<1x128xf32> to vector<256x128xf32>
    %sub3A_1344 = arith.subf %sub3A_1342, %sub3A_1343 : vector<256x128xf32>
    %get3A_1345 = arith.constant 0 : index
    %get3A_1346 = arith.constant 2 : index
    %get3A_1347 = arith.constant 3072 : index
    %get3A_1348 = vector.load %arg2[%get3A_1345, %get3A_1346, %get3A_1347] : memref<1x3x4096xf32, #tpu.memory_space<vmem>>, vector<1x1x128xf32>
    %get3A_1349 = vector.shape_cast %get3A_1348 : vector<1x1x128xf32> to vector<1x128xf32>
    %sub3A_1350 = vector.broadcast %slice3A_5 : vector<256x1xf32> to vector<256x128xf32>
    %sub3A_1351 = vector.broadcast %get3A_1349 : vector<1x128xf32> to vector<256x128xf32>
    %sub3A_1352 = arith.subf %sub3A_1350, %sub3A_1351 : vector<256x128xf32>
    %mul3A_1353 = arith.mulf %sub3A_1336, %sub3A_1336 : vector<256x128xf32>
    %mul3A_1354 = arith.mulf %sub3A_1344, %sub3A_1344 : vector<256x128xf32>
    %add3A_1355 = arith.addf %mul3A_1353, %mul3A_1354 : vector<256x128xf32>
    %mul3A_1356 = arith.mulf %sub3A_1352, %sub3A_1352 : vector<256x128xf32>
    %add3A_1357 = arith.addf %add3A_1355, %mul3A_1356 : vector<256x128xf32>
    %lt3A_1358 = arith.cmpf olt, %add3A_1357, %select_n3A_1325 : vector<256x128xf32>
    %lt3A_1359 = arith.cmpf olt, %add3A_1357, %select_n3A_1320 : vector<256x128xf32>
    %lt3A_1360 = arith.cmpf olt, %add3A_1357, %select_n3A_1314 : vector<256x128xf32>
    %lt3A_1361 = arith.cmpf olt, %add3A_1357, %select_n3A_1308 : vector<256x128xf32>
    %select_n3A_1362 = arith.select %lt3A_1361, %add3A_1357, %select_n3A_1308 : vector<256x128xi1>, vector<256x128xf32>
    %select_n3A_1363 = arith.select %lt3A_1360, %select_n3A_1314, %select_n3A_1362 : vector<256x128xi1>, vector<256x128xf32>
    %jit3A_1364 = arith.constant 24 : i32
    %broadcast_in_dim3A_1365 = vector.broadcast %jit3A_1364 : i32 to vector<256x128xi32>
    %select_n3A_1366 = arith.select %lt3A_1361, %broadcast_in_dim3A_1365, %select_n3A_1312 : vector<256x128xi1>, vector<256x128xi32>
    %select_n3A_1367 = arith.select %lt3A_1360, %select_n3A_1318, %select_n3A_1366 : vector<256x128xi1>, vector<256x128xi32>
    %select_n3A_1368 = arith.select %lt3A_1360, %add3A_1357, %select_n3A_1314 : vector<256x128xi1>, vector<256x128xf32>
    %select_n3A_1369 = arith.select %lt3A_1359, %select_n3A_1320, %select_n3A_1368 : vector<256x128xi1>, vector<256x128xf32>
    %jit3A_1370 = arith.constant 24 : i32
    %broadcast_in_dim3A_1371 = vector.broadcast %jit3A_1370 : i32 to vector<256x128xi32>
    %select_n3A_1372 = arith.select %lt3A_1360, %broadcast_in_dim3A_1371, %select_n3A_1318 : vector<256x128xi1>, vector<256x128xi32>
    %select_n3A_1373 = arith.select %lt3A_1359, %select_n3A_1324, %select_n3A_1372 : vector<256x128xi1>, vector<256x128xi32>
    %select_n3A_1374 = arith.select %lt3A_1359, %add3A_1357, %select_n3A_1320 : vector<256x128xi1>, vector<256x128xf32>
    %select_n3A_1375 = arith.select %lt3A_1358, %select_n3A_1325, %select_n3A_1374 : vector<256x128xi1>, vector<256x128xf32>
    %jit3A_1376 = arith.constant 24 : i32
    %broadcast_in_dim3A_1377 = vector.broadcast %jit3A_1376 : i32 to vector<256x128xi32>
    %select_n3A_1378 = arith.select %lt3A_1359, %broadcast_in_dim3A_1377, %select_n3A_1324 : vector<256x128xi1>, vector<256x128xi32>
    %select_n3A_1379 = arith.select %lt3A_1358, %select_n3A_1328, %select_n3A_1378 : vector<256x128xi1>, vector<256x128xi32>
    %select_n3A_1380 = arith.select %lt3A_1358, %add3A_1357, %select_n3A_1325 : vector<256x128xi1>, vector<256x128xf32>
    %jit3A_1381 = arith.constant 24 : i32
    %broadcast_in_dim3A_1382 = vector.broadcast %jit3A_1381 : i32 to vector<256x128xi32>
    %select_n3A_1383 = arith.select %lt3A_1358, %broadcast_in_dim3A_1382, %select_n3A_1328 : vector<256x128xi1>, vector<256x128xi32>
    %get3A_1384 = arith.constant 0 : index
    %get3A_1385 = arith.constant 0 : index
    %get3A_1386 = arith.constant 3200 : index
    %get3A_1387 = vector.load %arg2[%get3A_1384, %get3A_1385, %get3A_1386] : memref<1x3x4096xf32, #tpu.memory_space<vmem>>, vector<1x1x128xf32>
    %get3A_1388 = vector.shape_cast %get3A_1387 : vector<1x1x128xf32> to vector<1x128xf32>
    %sub3A_1389 = vector.broadcast %slice3A : vector<256x1xf32> to vector<256x128xf32>
    %sub3A_1390 = vector.broadcast %get3A_1388 : vector<1x128xf32> to vector<256x128xf32>
    %sub3A_1391 = arith.subf %sub3A_1389, %sub3A_1390 : vector<256x128xf32>
    %get3A_1392 = arith.constant 0 : index
    %get3A_1393 = arith.constant 1 : index
    %get3A_1394 = arith.constant 3200 : index
    %get3A_1395 = vector.load %arg2[%get3A_1392, %get3A_1393, %get3A_1394] : memref<1x3x4096xf32, #tpu.memory_space<vmem>>, vector<1x1x128xf32>
    %get3A_1396 = vector.shape_cast %get3A_1395 : vector<1x1x128xf32> to vector<1x128xf32>
    %sub3A_1397 = vector.broadcast %slice3A_4 : vector<256x1xf32> to vector<256x128xf32>
    %sub3A_1398 = vector.broadcast %get3A_1396 : vector<1x128xf32> to vector<256x128xf32>
    %sub3A_1399 = arith.subf %sub3A_1397, %sub3A_1398 : vector<256x128xf32>
    %get3A_1400 = arith.constant 0 : index
    %get3A_1401 = arith.constant 2 : index
    %get3A_1402 = arith.constant 3200 : index
    %get3A_1403 = vector.load %arg2[%get3A_1400, %get3A_1401, %get3A_1402] : memref<1x3x4096xf32, #tpu.memory_space<vmem>>, vector<1x1x128xf32>
    %get3A_1404 = vector.shape_cast %get3A_1403 : vector<1x1x128xf32> to vector<1x128xf32>
    %sub3A_1405 = vector.broadcast %slice3A_5 : vector<256x1xf32> to vector<256x128xf32>
    %sub3A_1406 = vector.broadcast %get3A_1404 : vector<1x128xf32> to vector<256x128xf32>
    %sub3A_1407 = arith.subf %sub3A_1405, %sub3A_1406 : vector<256x128xf32>
    %mul3A_1408 = arith.mulf %sub3A_1391, %sub3A_1391 : vector<256x128xf32>
    %mul3A_1409 = arith.mulf %sub3A_1399, %sub3A_1399 : vector<256x128xf32>
    %add3A_1410 = arith.addf %mul3A_1408, %mul3A_1409 : vector<256x128xf32>
    %mul3A_1411 = arith.mulf %sub3A_1407, %sub3A_1407 : vector<256x128xf32>
    %add3A_1412 = arith.addf %add3A_1410, %mul3A_1411 : vector<256x128xf32>
    %lt3A_1413 = arith.cmpf olt, %add3A_1412, %select_n3A_1380 : vector<256x128xf32>
    %lt3A_1414 = arith.cmpf olt, %add3A_1412, %select_n3A_1375 : vector<256x128xf32>
    %lt3A_1415 = arith.cmpf olt, %add3A_1412, %select_n3A_1369 : vector<256x128xf32>
    %lt3A_1416 = arith.cmpf olt, %add3A_1412, %select_n3A_1363 : vector<256x128xf32>
    %select_n3A_1417 = arith.select %lt3A_1416, %add3A_1412, %select_n3A_1363 : vector<256x128xi1>, vector<256x128xf32>
    %select_n3A_1418 = arith.select %lt3A_1415, %select_n3A_1369, %select_n3A_1417 : vector<256x128xi1>, vector<256x128xf32>
    %jit3A_1419 = arith.constant 25 : i32
    %broadcast_in_dim3A_1420 = vector.broadcast %jit3A_1419 : i32 to vector<256x128xi32>
    %select_n3A_1421 = arith.select %lt3A_1416, %broadcast_in_dim3A_1420, %select_n3A_1367 : vector<256x128xi1>, vector<256x128xi32>
    %select_n3A_1422 = arith.select %lt3A_1415, %select_n3A_1373, %select_n3A_1421 : vector<256x128xi1>, vector<256x128xi32>
    %select_n3A_1423 = arith.select %lt3A_1415, %add3A_1412, %select_n3A_1369 : vector<256x128xi1>, vector<256x128xf32>
    %select_n3A_1424 = arith.select %lt3A_1414, %select_n3A_1375, %select_n3A_1423 : vector<256x128xi1>, vector<256x128xf32>
    %jit3A_1425 = arith.constant 25 : i32
    %broadcast_in_dim3A_1426 = vector.broadcast %jit3A_1425 : i32 to vector<256x128xi32>
    %select_n3A_1427 = arith.select %lt3A_1415, %broadcast_in_dim3A_1426, %select_n3A_1373 : vector<256x128xi1>, vector<256x128xi32>
    %select_n3A_1428 = arith.select %lt3A_1414, %select_n3A_1379, %select_n3A_1427 : vector<256x128xi1>, vector<256x128xi32>
    %select_n3A_1429 = arith.select %lt3A_1414, %add3A_1412, %select_n3A_1375 : vector<256x128xi1>, vector<256x128xf32>
    %select_n3A_1430 = arith.select %lt3A_1413, %select_n3A_1380, %select_n3A_1429 : vector<256x128xi1>, vector<256x128xf32>
    %jit3A_1431 = arith.constant 25 : i32
    %broadcast_in_dim3A_1432 = vector.broadcast %jit3A_1431 : i32 to vector<256x128xi32>
    %select_n3A_1433 = arith.select %lt3A_1414, %broadcast_in_dim3A_1432, %select_n3A_1379 : vector<256x128xi1>, vector<256x128xi32>
    %select_n3A_1434 = arith.select %lt3A_1413, %select_n3A_1383, %select_n3A_1433 : vector<256x128xi1>, vector<256x128xi32>
    %select_n3A_1435 = arith.select %lt3A_1413, %add3A_1412, %select_n3A_1380 : vector<256x128xi1>, vector<256x128xf32>
    %jit3A_1436 = arith.constant 25 : i32
    %broadcast_in_dim3A_1437 = vector.broadcast %jit3A_1436 : i32 to vector<256x128xi32>
    %select_n3A_1438 = arith.select %lt3A_1413, %broadcast_in_dim3A_1437, %select_n3A_1383 : vector<256x128xi1>, vector<256x128xi32>
    %get3A_1439 = arith.constant 0 : index
    %get3A_1440 = arith.constant 0 : index
    %get3A_1441 = arith.constant 3328 : index
    %get3A_1442 = vector.load %arg2[%get3A_1439, %get3A_1440, %get3A_1441] : memref<1x3x4096xf32, #tpu.memory_space<vmem>>, vector<1x1x128xf32>
    %get3A_1443 = vector.shape_cast %get3A_1442 : vector<1x1x128xf32> to vector<1x128xf32>
    %sub3A_1444 = vector.broadcast %slice3A : vector<256x1xf32> to vector<256x128xf32>
    %sub3A_1445 = vector.broadcast %get3A_1443 : vector<1x128xf32> to vector<256x128xf32>
    %sub3A_1446 = arith.subf %sub3A_1444, %sub3A_1445 : vector<256x128xf32>
    %get3A_1447 = arith.constant 0 : index
    %get3A_1448 = arith.constant 1 : index
    %get3A_1449 = arith.constant 3328 : index
    %get3A_1450 = vector.load %arg2[%get3A_1447, %get3A_1448, %get3A_1449] : memref<1x3x4096xf32, #tpu.memory_space<vmem>>, vector<1x1x128xf32>
    %get3A_1451 = vector.shape_cast %get3A_1450 : vector<1x1x128xf32> to vector<1x128xf32>
    %sub3A_1452 = vector.broadcast %slice3A_4 : vector<256x1xf32> to vector<256x128xf32>
    %sub3A_1453 = vector.broadcast %get3A_1451 : vector<1x128xf32> to vector<256x128xf32>
    %sub3A_1454 = arith.subf %sub3A_1452, %sub3A_1453 : vector<256x128xf32>
    %get3A_1455 = arith.constant 0 : index
    %get3A_1456 = arith.constant 2 : index
    %get3A_1457 = arith.constant 3328 : index
    %get3A_1458 = vector.load %arg2[%get3A_1455, %get3A_1456, %get3A_1457] : memref<1x3x4096xf32, #tpu.memory_space<vmem>>, vector<1x1x128xf32>
    %get3A_1459 = vector.shape_cast %get3A_1458 : vector<1x1x128xf32> to vector<1x128xf32>
    %sub3A_1460 = vector.broadcast %slice3A_5 : vector<256x1xf32> to vector<256x128xf32>
    %sub3A_1461 = vector.broadcast %get3A_1459 : vector<1x128xf32> to vector<256x128xf32>
    %sub3A_1462 = arith.subf %sub3A_1460, %sub3A_1461 : vector<256x128xf32>
    %mul3A_1463 = arith.mulf %sub3A_1446, %sub3A_1446 : vector<256x128xf32>
    %mul3A_1464 = arith.mulf %sub3A_1454, %sub3A_1454 : vector<256x128xf32>
    %add3A_1465 = arith.addf %mul3A_1463, %mul3A_1464 : vector<256x128xf32>
    %mul3A_1466 = arith.mulf %sub3A_1462, %sub3A_1462 : vector<256x128xf32>
    %add3A_1467 = arith.addf %add3A_1465, %mul3A_1466 : vector<256x128xf32>
    %lt3A_1468 = arith.cmpf olt, %add3A_1467, %select_n3A_1435 : vector<256x128xf32>
    %lt3A_1469 = arith.cmpf olt, %add3A_1467, %select_n3A_1430 : vector<256x128xf32>
    %lt3A_1470 = arith.cmpf olt, %add3A_1467, %select_n3A_1424 : vector<256x128xf32>
    %lt3A_1471 = arith.cmpf olt, %add3A_1467, %select_n3A_1418 : vector<256x128xf32>
    %select_n3A_1472 = arith.select %lt3A_1471, %add3A_1467, %select_n3A_1418 : vector<256x128xi1>, vector<256x128xf32>
    %select_n3A_1473 = arith.select %lt3A_1470, %select_n3A_1424, %select_n3A_1472 : vector<256x128xi1>, vector<256x128xf32>
    %jit3A_1474 = arith.constant 26 : i32
    %broadcast_in_dim3A_1475 = vector.broadcast %jit3A_1474 : i32 to vector<256x128xi32>
    %select_n3A_1476 = arith.select %lt3A_1471, %broadcast_in_dim3A_1475, %select_n3A_1422 : vector<256x128xi1>, vector<256x128xi32>
    %select_n3A_1477 = arith.select %lt3A_1470, %select_n3A_1428, %select_n3A_1476 : vector<256x128xi1>, vector<256x128xi32>
    %select_n3A_1478 = arith.select %lt3A_1470, %add3A_1467, %select_n3A_1424 : vector<256x128xi1>, vector<256x128xf32>
    %select_n3A_1479 = arith.select %lt3A_1469, %select_n3A_1430, %select_n3A_1478 : vector<256x128xi1>, vector<256x128xf32>
    %jit3A_1480 = arith.constant 26 : i32
    %broadcast_in_dim3A_1481 = vector.broadcast %jit3A_1480 : i32 to vector<256x128xi32>
    %select_n3A_1482 = arith.select %lt3A_1470, %broadcast_in_dim3A_1481, %select_n3A_1428 : vector<256x128xi1>, vector<256x128xi32>
    %select_n3A_1483 = arith.select %lt3A_1469, %select_n3A_1434, %select_n3A_1482 : vector<256x128xi1>, vector<256x128xi32>
    %select_n3A_1484 = arith.select %lt3A_1469, %add3A_1467, %select_n3A_1430 : vector<256x128xi1>, vector<256x128xf32>
    %select_n3A_1485 = arith.select %lt3A_1468, %select_n3A_1435, %select_n3A_1484 : vector<256x128xi1>, vector<256x128xf32>
    %jit3A_1486 = arith.constant 26 : i32
    %broadcast_in_dim3A_1487 = vector.broadcast %jit3A_1486 : i32 to vector<256x128xi32>
    %select_n3A_1488 = arith.select %lt3A_1469, %broadcast_in_dim3A_1487, %select_n3A_1434 : vector<256x128xi1>, vector<256x128xi32>
    %select_n3A_1489 = arith.select %lt3A_1468, %select_n3A_1438, %select_n3A_1488 : vector<256x128xi1>, vector<256x128xi32>
    %select_n3A_1490 = arith.select %lt3A_1468, %add3A_1467, %select_n3A_1435 : vector<256x128xi1>, vector<256x128xf32>
    %jit3A_1491 = arith.constant 26 : i32
    %broadcast_in_dim3A_1492 = vector.broadcast %jit3A_1491 : i32 to vector<256x128xi32>
    %select_n3A_1493 = arith.select %lt3A_1468, %broadcast_in_dim3A_1492, %select_n3A_1438 : vector<256x128xi1>, vector<256x128xi32>
    %get3A_1494 = arith.constant 0 : index
    %get3A_1495 = arith.constant 0 : index
    %get3A_1496 = arith.constant 3456 : index
    %get3A_1497 = vector.load %arg2[%get3A_1494, %get3A_1495, %get3A_1496] : memref<1x3x4096xf32, #tpu.memory_space<vmem>>, vector<1x1x128xf32>
    %get3A_1498 = vector.shape_cast %get3A_1497 : vector<1x1x128xf32> to vector<1x128xf32>
    %sub3A_1499 = vector.broadcast %slice3A : vector<256x1xf32> to vector<256x128xf32>
    %sub3A_1500 = vector.broadcast %get3A_1498 : vector<1x128xf32> to vector<256x128xf32>
    %sub3A_1501 = arith.subf %sub3A_1499, %sub3A_1500 : vector<256x128xf32>
    %get3A_1502 = arith.constant 0 : index
    %get3A_1503 = arith.constant 1 : index
    %get3A_1504 = arith.constant 3456 : index
    %get3A_1505 = vector.load %arg2[%get3A_1502, %get3A_1503, %get3A_1504] : memref<1x3x4096xf32, #tpu.memory_space<vmem>>, vector<1x1x128xf32>
    %get3A_1506 = vector.shape_cast %get3A_1505 : vector<1x1x128xf32> to vector<1x128xf32>
    %sub3A_1507 = vector.broadcast %slice3A_4 : vector<256x1xf32> to vector<256x128xf32>
    %sub3A_1508 = vector.broadcast %get3A_1506 : vector<1x128xf32> to vector<256x128xf32>
    %sub3A_1509 = arith.subf %sub3A_1507, %sub3A_1508 : vector<256x128xf32>
    %get3A_1510 = arith.constant 0 : index
    %get3A_1511 = arith.constant 2 : index
    %get3A_1512 = arith.constant 3456 : index
    %get3A_1513 = vector.load %arg2[%get3A_1510, %get3A_1511, %get3A_1512] : memref<1x3x4096xf32, #tpu.memory_space<vmem>>, vector<1x1x128xf32>
    %get3A_1514 = vector.shape_cast %get3A_1513 : vector<1x1x128xf32> to vector<1x128xf32>
    %sub3A_1515 = vector.broadcast %slice3A_5 : vector<256x1xf32> to vector<256x128xf32>
    %sub3A_1516 = vector.broadcast %get3A_1514 : vector<1x128xf32> to vector<256x128xf32>
    %sub3A_1517 = arith.subf %sub3A_1515, %sub3A_1516 : vector<256x128xf32>
    %mul3A_1518 = arith.mulf %sub3A_1501, %sub3A_1501 : vector<256x128xf32>
    %mul3A_1519 = arith.mulf %sub3A_1509, %sub3A_1509 : vector<256x128xf32>
    %add3A_1520 = arith.addf %mul3A_1518, %mul3A_1519 : vector<256x128xf32>
    %mul3A_1521 = arith.mulf %sub3A_1517, %sub3A_1517 : vector<256x128xf32>
    %add3A_1522 = arith.addf %add3A_1520, %mul3A_1521 : vector<256x128xf32>
    %lt3A_1523 = arith.cmpf olt, %add3A_1522, %select_n3A_1490 : vector<256x128xf32>
    %lt3A_1524 = arith.cmpf olt, %add3A_1522, %select_n3A_1485 : vector<256x128xf32>
    %lt3A_1525 = arith.cmpf olt, %add3A_1522, %select_n3A_1479 : vector<256x128xf32>
    %lt3A_1526 = arith.cmpf olt, %add3A_1522, %select_n3A_1473 : vector<256x128xf32>
    %select_n3A_1527 = arith.select %lt3A_1526, %add3A_1522, %select_n3A_1473 : vector<256x128xi1>, vector<256x128xf32>
    %select_n3A_1528 = arith.select %lt3A_1525, %select_n3A_1479, %select_n3A_1527 : vector<256x128xi1>, vector<256x128xf32>
    %jit3A_1529 = arith.constant 27 : i32
    %broadcast_in_dim3A_1530 = vector.broadcast %jit3A_1529 : i32 to vector<256x128xi32>
    %select_n3A_1531 = arith.select %lt3A_1526, %broadcast_in_dim3A_1530, %select_n3A_1477 : vector<256x128xi1>, vector<256x128xi32>
    %select_n3A_1532 = arith.select %lt3A_1525, %select_n3A_1483, %select_n3A_1531 : vector<256x128xi1>, vector<256x128xi32>
    %select_n3A_1533 = arith.select %lt3A_1525, %add3A_1522, %select_n3A_1479 : vector<256x128xi1>, vector<256x128xf32>
    %select_n3A_1534 = arith.select %lt3A_1524, %select_n3A_1485, %select_n3A_1533 : vector<256x128xi1>, vector<256x128xf32>
    %jit3A_1535 = arith.constant 27 : i32
    %broadcast_in_dim3A_1536 = vector.broadcast %jit3A_1535 : i32 to vector<256x128xi32>
    %select_n3A_1537 = arith.select %lt3A_1525, %broadcast_in_dim3A_1536, %select_n3A_1483 : vector<256x128xi1>, vector<256x128xi32>
    %select_n3A_1538 = arith.select %lt3A_1524, %select_n3A_1489, %select_n3A_1537 : vector<256x128xi1>, vector<256x128xi32>
    %select_n3A_1539 = arith.select %lt3A_1524, %add3A_1522, %select_n3A_1485 : vector<256x128xi1>, vector<256x128xf32>
    %select_n3A_1540 = arith.select %lt3A_1523, %select_n3A_1490, %select_n3A_1539 : vector<256x128xi1>, vector<256x128xf32>
    %jit3A_1541 = arith.constant 27 : i32
    %broadcast_in_dim3A_1542 = vector.broadcast %jit3A_1541 : i32 to vector<256x128xi32>
    %select_n3A_1543 = arith.select %lt3A_1524, %broadcast_in_dim3A_1542, %select_n3A_1489 : vector<256x128xi1>, vector<256x128xi32>
    %select_n3A_1544 = arith.select %lt3A_1523, %select_n3A_1493, %select_n3A_1543 : vector<256x128xi1>, vector<256x128xi32>
    %select_n3A_1545 = arith.select %lt3A_1523, %add3A_1522, %select_n3A_1490 : vector<256x128xi1>, vector<256x128xf32>
    %jit3A_1546 = arith.constant 27 : i32
    %broadcast_in_dim3A_1547 = vector.broadcast %jit3A_1546 : i32 to vector<256x128xi32>
    %select_n3A_1548 = arith.select %lt3A_1523, %broadcast_in_dim3A_1547, %select_n3A_1493 : vector<256x128xi1>, vector<256x128xi32>
    %get3A_1549 = arith.constant 0 : index
    %get3A_1550 = arith.constant 0 : index
    %get3A_1551 = arith.constant 3584 : index
    %get3A_1552 = vector.load %arg2[%get3A_1549, %get3A_1550, %get3A_1551] : memref<1x3x4096xf32, #tpu.memory_space<vmem>>, vector<1x1x128xf32>
    %get3A_1553 = vector.shape_cast %get3A_1552 : vector<1x1x128xf32> to vector<1x128xf32>
    %sub3A_1554 = vector.broadcast %slice3A : vector<256x1xf32> to vector<256x128xf32>
    %sub3A_1555 = vector.broadcast %get3A_1553 : vector<1x128xf32> to vector<256x128xf32>
    %sub3A_1556 = arith.subf %sub3A_1554, %sub3A_1555 : vector<256x128xf32>
    %get3A_1557 = arith.constant 0 : index
    %get3A_1558 = arith.constant 1 : index
    %get3A_1559 = arith.constant 3584 : index
    %get3A_1560 = vector.load %arg2[%get3A_1557, %get3A_1558, %get3A_1559] : memref<1x3x4096xf32, #tpu.memory_space<vmem>>, vector<1x1x128xf32>
    %get3A_1561 = vector.shape_cast %get3A_1560 : vector<1x1x128xf32> to vector<1x128xf32>
    %sub3A_1562 = vector.broadcast %slice3A_4 : vector<256x1xf32> to vector<256x128xf32>
    %sub3A_1563 = vector.broadcast %get3A_1561 : vector<1x128xf32> to vector<256x128xf32>
    %sub3A_1564 = arith.subf %sub3A_1562, %sub3A_1563 : vector<256x128xf32>
    %get3A_1565 = arith.constant 0 : index
    %get3A_1566 = arith.constant 2 : index
    %get3A_1567 = arith.constant 3584 : index
    %get3A_1568 = vector.load %arg2[%get3A_1565, %get3A_1566, %get3A_1567] : memref<1x3x4096xf32, #tpu.memory_space<vmem>>, vector<1x1x128xf32>
    %get3A_1569 = vector.shape_cast %get3A_1568 : vector<1x1x128xf32> to vector<1x128xf32>
    %sub3A_1570 = vector.broadcast %slice3A_5 : vector<256x1xf32> to vector<256x128xf32>
    %sub3A_1571 = vector.broadcast %get3A_1569 : vector<1x128xf32> to vector<256x128xf32>
    %sub3A_1572 = arith.subf %sub3A_1570, %sub3A_1571 : vector<256x128xf32>
    %mul3A_1573 = arith.mulf %sub3A_1556, %sub3A_1556 : vector<256x128xf32>
    %mul3A_1574 = arith.mulf %sub3A_1564, %sub3A_1564 : vector<256x128xf32>
    %add3A_1575 = arith.addf %mul3A_1573, %mul3A_1574 : vector<256x128xf32>
    %mul3A_1576 = arith.mulf %sub3A_1572, %sub3A_1572 : vector<256x128xf32>
    %add3A_1577 = arith.addf %add3A_1575, %mul3A_1576 : vector<256x128xf32>
    %lt3A_1578 = arith.cmpf olt, %add3A_1577, %select_n3A_1545 : vector<256x128xf32>
    %lt3A_1579 = arith.cmpf olt, %add3A_1577, %select_n3A_1540 : vector<256x128xf32>
    %lt3A_1580 = arith.cmpf olt, %add3A_1577, %select_n3A_1534 : vector<256x128xf32>
    %lt3A_1581 = arith.cmpf olt, %add3A_1577, %select_n3A_1528 : vector<256x128xf32>
    %select_n3A_1582 = arith.select %lt3A_1581, %add3A_1577, %select_n3A_1528 : vector<256x128xi1>, vector<256x128xf32>
    %select_n3A_1583 = arith.select %lt3A_1580, %select_n3A_1534, %select_n3A_1582 : vector<256x128xi1>, vector<256x128xf32>
    %jit3A_1584 = arith.constant 28 : i32
    %broadcast_in_dim3A_1585 = vector.broadcast %jit3A_1584 : i32 to vector<256x128xi32>
    %select_n3A_1586 = arith.select %lt3A_1581, %broadcast_in_dim3A_1585, %select_n3A_1532 : vector<256x128xi1>, vector<256x128xi32>
    %select_n3A_1587 = arith.select %lt3A_1580, %select_n3A_1538, %select_n3A_1586 : vector<256x128xi1>, vector<256x128xi32>
    %select_n3A_1588 = arith.select %lt3A_1580, %add3A_1577, %select_n3A_1534 : vector<256x128xi1>, vector<256x128xf32>
    %select_n3A_1589 = arith.select %lt3A_1579, %select_n3A_1540, %select_n3A_1588 : vector<256x128xi1>, vector<256x128xf32>
    %jit3A_1590 = arith.constant 28 : i32
    %broadcast_in_dim3A_1591 = vector.broadcast %jit3A_1590 : i32 to vector<256x128xi32>
    %select_n3A_1592 = arith.select %lt3A_1580, %broadcast_in_dim3A_1591, %select_n3A_1538 : vector<256x128xi1>, vector<256x128xi32>
    %select_n3A_1593 = arith.select %lt3A_1579, %select_n3A_1544, %select_n3A_1592 : vector<256x128xi1>, vector<256x128xi32>
    %select_n3A_1594 = arith.select %lt3A_1579, %add3A_1577, %select_n3A_1540 : vector<256x128xi1>, vector<256x128xf32>
    %select_n3A_1595 = arith.select %lt3A_1578, %select_n3A_1545, %select_n3A_1594 : vector<256x128xi1>, vector<256x128xf32>
    %jit3A_1596 = arith.constant 28 : i32
    %broadcast_in_dim3A_1597 = vector.broadcast %jit3A_1596 : i32 to vector<256x128xi32>
    %select_n3A_1598 = arith.select %lt3A_1579, %broadcast_in_dim3A_1597, %select_n3A_1544 : vector<256x128xi1>, vector<256x128xi32>
    %select_n3A_1599 = arith.select %lt3A_1578, %select_n3A_1548, %select_n3A_1598 : vector<256x128xi1>, vector<256x128xi32>
    %select_n3A_1600 = arith.select %lt3A_1578, %add3A_1577, %select_n3A_1545 : vector<256x128xi1>, vector<256x128xf32>
    %jit3A_1601 = arith.constant 28 : i32
    %broadcast_in_dim3A_1602 = vector.broadcast %jit3A_1601 : i32 to vector<256x128xi32>
    %select_n3A_1603 = arith.select %lt3A_1578, %broadcast_in_dim3A_1602, %select_n3A_1548 : vector<256x128xi1>, vector<256x128xi32>
    %get3A_1604 = arith.constant 0 : index
    %get3A_1605 = arith.constant 0 : index
    %get3A_1606 = arith.constant 3712 : index
    %get3A_1607 = vector.load %arg2[%get3A_1604, %get3A_1605, %get3A_1606] : memref<1x3x4096xf32, #tpu.memory_space<vmem>>, vector<1x1x128xf32>
    %get3A_1608 = vector.shape_cast %get3A_1607 : vector<1x1x128xf32> to vector<1x128xf32>
    %sub3A_1609 = vector.broadcast %slice3A : vector<256x1xf32> to vector<256x128xf32>
    %sub3A_1610 = vector.broadcast %get3A_1608 : vector<1x128xf32> to vector<256x128xf32>
    %sub3A_1611 = arith.subf %sub3A_1609, %sub3A_1610 : vector<256x128xf32>
    %get3A_1612 = arith.constant 0 : index
    %get3A_1613 = arith.constant 1 : index
    %get3A_1614 = arith.constant 3712 : index
    %get3A_1615 = vector.load %arg2[%get3A_1612, %get3A_1613, %get3A_1614] : memref<1x3x4096xf32, #tpu.memory_space<vmem>>, vector<1x1x128xf32>
    %get3A_1616 = vector.shape_cast %get3A_1615 : vector<1x1x128xf32> to vector<1x128xf32>
    %sub3A_1617 = vector.broadcast %slice3A_4 : vector<256x1xf32> to vector<256x128xf32>
    %sub3A_1618 = vector.broadcast %get3A_1616 : vector<1x128xf32> to vector<256x128xf32>
    %sub3A_1619 = arith.subf %sub3A_1617, %sub3A_1618 : vector<256x128xf32>
    %get3A_1620 = arith.constant 0 : index
    %get3A_1621 = arith.constant 2 : index
    %get3A_1622 = arith.constant 3712 : index
    %get3A_1623 = vector.load %arg2[%get3A_1620, %get3A_1621, %get3A_1622] : memref<1x3x4096xf32, #tpu.memory_space<vmem>>, vector<1x1x128xf32>
    %get3A_1624 = vector.shape_cast %get3A_1623 : vector<1x1x128xf32> to vector<1x128xf32>
    %sub3A_1625 = vector.broadcast %slice3A_5 : vector<256x1xf32> to vector<256x128xf32>
    %sub3A_1626 = vector.broadcast %get3A_1624 : vector<1x128xf32> to vector<256x128xf32>
    %sub3A_1627 = arith.subf %sub3A_1625, %sub3A_1626 : vector<256x128xf32>
    %mul3A_1628 = arith.mulf %sub3A_1611, %sub3A_1611 : vector<256x128xf32>
    %mul3A_1629 = arith.mulf %sub3A_1619, %sub3A_1619 : vector<256x128xf32>
    %add3A_1630 = arith.addf %mul3A_1628, %mul3A_1629 : vector<256x128xf32>
    %mul3A_1631 = arith.mulf %sub3A_1627, %sub3A_1627 : vector<256x128xf32>
    %add3A_1632 = arith.addf %add3A_1630, %mul3A_1631 : vector<256x128xf32>
    %lt3A_1633 = arith.cmpf olt, %add3A_1632, %select_n3A_1600 : vector<256x128xf32>
    %lt3A_1634 = arith.cmpf olt, %add3A_1632, %select_n3A_1595 : vector<256x128xf32>
    %lt3A_1635 = arith.cmpf olt, %add3A_1632, %select_n3A_1589 : vector<256x128xf32>
    %lt3A_1636 = arith.cmpf olt, %add3A_1632, %select_n3A_1583 : vector<256x128xf32>
    %select_n3A_1637 = arith.select %lt3A_1636, %add3A_1632, %select_n3A_1583 : vector<256x128xi1>, vector<256x128xf32>
    %select_n3A_1638 = arith.select %lt3A_1635, %select_n3A_1589, %select_n3A_1637 : vector<256x128xi1>, vector<256x128xf32>
    %jit3A_1639 = arith.constant 29 : i32
    %broadcast_in_dim3A_1640 = vector.broadcast %jit3A_1639 : i32 to vector<256x128xi32>
    %select_n3A_1641 = arith.select %lt3A_1636, %broadcast_in_dim3A_1640, %select_n3A_1587 : vector<256x128xi1>, vector<256x128xi32>
    %select_n3A_1642 = arith.select %lt3A_1635, %select_n3A_1593, %select_n3A_1641 : vector<256x128xi1>, vector<256x128xi32>
    %select_n3A_1643 = arith.select %lt3A_1635, %add3A_1632, %select_n3A_1589 : vector<256x128xi1>, vector<256x128xf32>
    %select_n3A_1644 = arith.select %lt3A_1634, %select_n3A_1595, %select_n3A_1643 : vector<256x128xi1>, vector<256x128xf32>
    %jit3A_1645 = arith.constant 29 : i32
    %broadcast_in_dim3A_1646 = vector.broadcast %jit3A_1645 : i32 to vector<256x128xi32>
    %select_n3A_1647 = arith.select %lt3A_1635, %broadcast_in_dim3A_1646, %select_n3A_1593 : vector<256x128xi1>, vector<256x128xi32>
    %select_n3A_1648 = arith.select %lt3A_1634, %select_n3A_1599, %select_n3A_1647 : vector<256x128xi1>, vector<256x128xi32>
    %select_n3A_1649 = arith.select %lt3A_1634, %add3A_1632, %select_n3A_1595 : vector<256x128xi1>, vector<256x128xf32>
    %select_n3A_1650 = arith.select %lt3A_1633, %select_n3A_1600, %select_n3A_1649 : vector<256x128xi1>, vector<256x128xf32>
    %jit3A_1651 = arith.constant 29 : i32
    %broadcast_in_dim3A_1652 = vector.broadcast %jit3A_1651 : i32 to vector<256x128xi32>
    %select_n3A_1653 = arith.select %lt3A_1634, %broadcast_in_dim3A_1652, %select_n3A_1599 : vector<256x128xi1>, vector<256x128xi32>
    %select_n3A_1654 = arith.select %lt3A_1633, %select_n3A_1603, %select_n3A_1653 : vector<256x128xi1>, vector<256x128xi32>
    %select_n3A_1655 = arith.select %lt3A_1633, %add3A_1632, %select_n3A_1600 : vector<256x128xi1>, vector<256x128xf32>
    %jit3A_1656 = arith.constant 29 : i32
    %broadcast_in_dim3A_1657 = vector.broadcast %jit3A_1656 : i32 to vector<256x128xi32>
    %select_n3A_1658 = arith.select %lt3A_1633, %broadcast_in_dim3A_1657, %select_n3A_1603 : vector<256x128xi1>, vector<256x128xi32>
    %get3A_1659 = arith.constant 0 : index
    %get3A_1660 = arith.constant 0 : index
    %get3A_1661 = arith.constant 3840 : index
    %get3A_1662 = vector.load %arg2[%get3A_1659, %get3A_1660, %get3A_1661] : memref<1x3x4096xf32, #tpu.memory_space<vmem>>, vector<1x1x128xf32>
    %get3A_1663 = vector.shape_cast %get3A_1662 : vector<1x1x128xf32> to vector<1x128xf32>
    %sub3A_1664 = vector.broadcast %slice3A : vector<256x1xf32> to vector<256x128xf32>
    %sub3A_1665 = vector.broadcast %get3A_1663 : vector<1x128xf32> to vector<256x128xf32>
    %sub3A_1666 = arith.subf %sub3A_1664, %sub3A_1665 : vector<256x128xf32>
    %get3A_1667 = arith.constant 0 : index
    %get3A_1668 = arith.constant 1 : index
    %get3A_1669 = arith.constant 3840 : index
    %get3A_1670 = vector.load %arg2[%get3A_1667, %get3A_1668, %get3A_1669] : memref<1x3x4096xf32, #tpu.memory_space<vmem>>, vector<1x1x128xf32>
    %get3A_1671 = vector.shape_cast %get3A_1670 : vector<1x1x128xf32> to vector<1x128xf32>
    %sub3A_1672 = vector.broadcast %slice3A_4 : vector<256x1xf32> to vector<256x128xf32>
    %sub3A_1673 = vector.broadcast %get3A_1671 : vector<1x128xf32> to vector<256x128xf32>
    %sub3A_1674 = arith.subf %sub3A_1672, %sub3A_1673 : vector<256x128xf32>
    %get3A_1675 = arith.constant 0 : index
    %get3A_1676 = arith.constant 2 : index
    %get3A_1677 = arith.constant 3840 : index
    %get3A_1678 = vector.load %arg2[%get3A_1675, %get3A_1676, %get3A_1677] : memref<1x3x4096xf32, #tpu.memory_space<vmem>>, vector<1x1x128xf32>
    %get3A_1679 = vector.shape_cast %get3A_1678 : vector<1x1x128xf32> to vector<1x128xf32>
    %sub3A_1680 = vector.broadcast %slice3A_5 : vector<256x1xf32> to vector<256x128xf32>
    %sub3A_1681 = vector.broadcast %get3A_1679 : vector<1x128xf32> to vector<256x128xf32>
    %sub3A_1682 = arith.subf %sub3A_1680, %sub3A_1681 : vector<256x128xf32>
    %mul3A_1683 = arith.mulf %sub3A_1666, %sub3A_1666 : vector<256x128xf32>
    %mul3A_1684 = arith.mulf %sub3A_1674, %sub3A_1674 : vector<256x128xf32>
    %add3A_1685 = arith.addf %mul3A_1683, %mul3A_1684 : vector<256x128xf32>
    %mul3A_1686 = arith.mulf %sub3A_1682, %sub3A_1682 : vector<256x128xf32>
    %add3A_1687 = arith.addf %add3A_1685, %mul3A_1686 : vector<256x128xf32>
    %lt3A_1688 = arith.cmpf olt, %add3A_1687, %select_n3A_1655 : vector<256x128xf32>
    %lt3A_1689 = arith.cmpf olt, %add3A_1687, %select_n3A_1650 : vector<256x128xf32>
    %lt3A_1690 = arith.cmpf olt, %add3A_1687, %select_n3A_1644 : vector<256x128xf32>
    %lt3A_1691 = arith.cmpf olt, %add3A_1687, %select_n3A_1638 : vector<256x128xf32>
    %select_n3A_1692 = arith.select %lt3A_1691, %add3A_1687, %select_n3A_1638 : vector<256x128xi1>, vector<256x128xf32>
    %select_n3A_1693 = arith.select %lt3A_1690, %select_n3A_1644, %select_n3A_1692 : vector<256x128xi1>, vector<256x128xf32>
    %jit3A_1694 = arith.constant 30 : i32
    %broadcast_in_dim3A_1695 = vector.broadcast %jit3A_1694 : i32 to vector<256x128xi32>
    %select_n3A_1696 = arith.select %lt3A_1691, %broadcast_in_dim3A_1695, %select_n3A_1642 : vector<256x128xi1>, vector<256x128xi32>
    %select_n3A_1697 = arith.select %lt3A_1690, %select_n3A_1648, %select_n3A_1696 : vector<256x128xi1>, vector<256x128xi32>
    %select_n3A_1698 = arith.select %lt3A_1690, %add3A_1687, %select_n3A_1644 : vector<256x128xi1>, vector<256x128xf32>
    %select_n3A_1699 = arith.select %lt3A_1689, %select_n3A_1650, %select_n3A_1698 : vector<256x128xi1>, vector<256x128xf32>
    %jit3A_1700 = arith.constant 30 : i32
    %broadcast_in_dim3A_1701 = vector.broadcast %jit3A_1700 : i32 to vector<256x128xi32>
    %select_n3A_1702 = arith.select %lt3A_1690, %broadcast_in_dim3A_1701, %select_n3A_1648 : vector<256x128xi1>, vector<256x128xi32>
    %select_n3A_1703 = arith.select %lt3A_1689, %select_n3A_1654, %select_n3A_1702 : vector<256x128xi1>, vector<256x128xi32>
    %select_n3A_1704 = arith.select %lt3A_1689, %add3A_1687, %select_n3A_1650 : vector<256x128xi1>, vector<256x128xf32>
    %select_n3A_1705 = arith.select %lt3A_1688, %select_n3A_1655, %select_n3A_1704 : vector<256x128xi1>, vector<256x128xf32>
    %jit3A_1706 = arith.constant 30 : i32
    %broadcast_in_dim3A_1707 = vector.broadcast %jit3A_1706 : i32 to vector<256x128xi32>
    %select_n3A_1708 = arith.select %lt3A_1689, %broadcast_in_dim3A_1707, %select_n3A_1654 : vector<256x128xi1>, vector<256x128xi32>
    %select_n3A_1709 = arith.select %lt3A_1688, %select_n3A_1658, %select_n3A_1708 : vector<256x128xi1>, vector<256x128xi32>
    %select_n3A_1710 = arith.select %lt3A_1688, %add3A_1687, %select_n3A_1655 : vector<256x128xi1>, vector<256x128xf32>
    %jit3A_1711 = arith.constant 30 : i32
    %broadcast_in_dim3A_1712 = vector.broadcast %jit3A_1711 : i32 to vector<256x128xi32>
    %select_n3A_1713 = arith.select %lt3A_1688, %broadcast_in_dim3A_1712, %select_n3A_1658 : vector<256x128xi1>, vector<256x128xi32>
    %get3A_1714 = arith.constant 0 : index
    %get3A_1715 = arith.constant 0 : index
    %get3A_1716 = arith.constant 3968 : index
    %get3A_1717 = vector.load %arg2[%get3A_1714, %get3A_1715, %get3A_1716] : memref<1x3x4096xf32, #tpu.memory_space<vmem>>, vector<1x1x128xf32>
    %get3A_1718 = vector.shape_cast %get3A_1717 : vector<1x1x128xf32> to vector<1x128xf32>
    %sub3A_1719 = vector.broadcast %slice3A : vector<256x1xf32> to vector<256x128xf32>
    %sub3A_1720 = vector.broadcast %get3A_1718 : vector<1x128xf32> to vector<256x128xf32>
    %sub3A_1721 = arith.subf %sub3A_1719, %sub3A_1720 : vector<256x128xf32>
    %get3A_1722 = arith.constant 0 : index
    %get3A_1723 = arith.constant 1 : index
    %get3A_1724 = arith.constant 3968 : index
    %get3A_1725 = vector.load %arg2[%get3A_1722, %get3A_1723, %get3A_1724] : memref<1x3x4096xf32, #tpu.memory_space<vmem>>, vector<1x1x128xf32>
    %get3A_1726 = vector.shape_cast %get3A_1725 : vector<1x1x128xf32> to vector<1x128xf32>
    %sub3A_1727 = vector.broadcast %slice3A_4 : vector<256x1xf32> to vector<256x128xf32>
    %sub3A_1728 = vector.broadcast %get3A_1726 : vector<1x128xf32> to vector<256x128xf32>
    %sub3A_1729 = arith.subf %sub3A_1727, %sub3A_1728 : vector<256x128xf32>
    %get3A_1730 = arith.constant 0 : index
    %get3A_1731 = arith.constant 2 : index
    %get3A_1732 = arith.constant 3968 : index
    %get3A_1733 = vector.load %arg2[%get3A_1730, %get3A_1731, %get3A_1732] : memref<1x3x4096xf32, #tpu.memory_space<vmem>>, vector<1x1x128xf32>
    %get3A_1734 = vector.shape_cast %get3A_1733 : vector<1x1x128xf32> to vector<1x128xf32>
    %sub3A_1735 = vector.broadcast %slice3A_5 : vector<256x1xf32> to vector<256x128xf32>
    %sub3A_1736 = vector.broadcast %get3A_1734 : vector<1x128xf32> to vector<256x128xf32>
    %sub3A_1737 = arith.subf %sub3A_1735, %sub3A_1736 : vector<256x128xf32>
    %mul3A_1738 = arith.mulf %sub3A_1721, %sub3A_1721 : vector<256x128xf32>
    %mul3A_1739 = arith.mulf %sub3A_1729, %sub3A_1729 : vector<256x128xf32>
    %add3A_1740 = arith.addf %mul3A_1738, %mul3A_1739 : vector<256x128xf32>
    %mul3A_1741 = arith.mulf %sub3A_1737, %sub3A_1737 : vector<256x128xf32>
    %add3A_1742 = arith.addf %add3A_1740, %mul3A_1741 : vector<256x128xf32>
    %lt3A_1743 = arith.cmpf olt, %add3A_1742, %select_n3A_1710 : vector<256x128xf32>
    %lt3A_1744 = arith.cmpf olt, %add3A_1742, %select_n3A_1705 : vector<256x128xf32>
    %lt3A_1745 = arith.cmpf olt, %add3A_1742, %select_n3A_1699 : vector<256x128xf32>
    %lt3A_1746 = arith.cmpf olt, %add3A_1742, %select_n3A_1693 : vector<256x128xf32>
    %select_n3A_1747 = arith.select %lt3A_1746, %add3A_1742, %select_n3A_1693 : vector<256x128xi1>, vector<256x128xf32>
    %select_n3A_1748 = arith.select %lt3A_1745, %select_n3A_1699, %select_n3A_1747 : vector<256x128xi1>, vector<256x128xf32>
    %jit3A_1749 = arith.constant 31 : i32
    %broadcast_in_dim3A_1750 = vector.broadcast %jit3A_1749 : i32 to vector<256x128xi32>
    %select_n3A_1751 = arith.select %lt3A_1746, %broadcast_in_dim3A_1750, %select_n3A_1697 : vector<256x128xi1>, vector<256x128xi32>
    %select_n3A_1752 = arith.select %lt3A_1745, %select_n3A_1703, %select_n3A_1751 : vector<256x128xi1>, vector<256x128xi32>
    %select_n3A_1753 = arith.select %lt3A_1745, %add3A_1742, %select_n3A_1699 : vector<256x128xi1>, vector<256x128xf32>
    %select_n3A_1754 = arith.select %lt3A_1744, %select_n3A_1705, %select_n3A_1753 : vector<256x128xi1>, vector<256x128xf32>
    %jit3A_1755 = arith.constant 31 : i32
    %broadcast_in_dim3A_1756 = vector.broadcast %jit3A_1755 : i32 to vector<256x128xi32>
    %select_n3A_1757 = arith.select %lt3A_1745, %broadcast_in_dim3A_1756, %select_n3A_1703 : vector<256x128xi1>, vector<256x128xi32>
    %select_n3A_1758 = arith.select %lt3A_1744, %select_n3A_1709, %select_n3A_1757 : vector<256x128xi1>, vector<256x128xi32>
    %select_n3A_1759 = arith.select %lt3A_1744, %add3A_1742, %select_n3A_1705 : vector<256x128xi1>, vector<256x128xf32>
    %select_n3A_1760 = arith.select %lt3A_1743, %select_n3A_1710, %select_n3A_1759 : vector<256x128xi1>, vector<256x128xf32>
    %jit3A_1761 = arith.constant 31 : i32
    %broadcast_in_dim3A_1762 = vector.broadcast %jit3A_1761 : i32 to vector<256x128xi32>
    %select_n3A_1763 = arith.select %lt3A_1744, %broadcast_in_dim3A_1762, %select_n3A_1709 : vector<256x128xi1>, vector<256x128xi32>
    %select_n3A_1764 = arith.select %lt3A_1743, %select_n3A_1713, %select_n3A_1763 : vector<256x128xi1>, vector<256x128xi32>
    %select_n3A_1765 = arith.select %lt3A_1743, %add3A_1742, %select_n3A_1710 : vector<256x128xi1>, vector<256x128xf32>
    %jit3A_1766 = arith.constant 31 : i32
    %broadcast_in_dim3A_1767 = vector.broadcast %jit3A_1766 : i32 to vector<256x128xi32>
    %select_n3A_1768 = arith.select %lt3A_1743, %broadcast_in_dim3A_1767, %select_n3A_1713 : vector<256x128xi1>, vector<256x128xi32>
    %iota3A = tpu.iota {dimensions = array<i32: 1>} : vector<256x128xi32>
    %argmin3A = tpu.reduce_index %select_n3A_1765 {axis = 1 : i32, kind = #tpu.reduction_kind<arg_min>} : vector<256x128xf32> -> vector<256xi32>
    %broadcast_in_dim3A_1769 = vector.shape_cast %argmin3A : vector<256xi32> to vector<256x1xi32>
    %eq3A = vector.broadcast %broadcast_in_dim3A_1769 : vector<256x1xi32> to vector<256x128xi32>
    %eq3A_1770 = arith.cmpi eq, %iota3A, %eq3A : vector<256x128xi32>
    %jit3A_1771 = arith.constant -1 : i32
    %broadcast_in_dim3A_1772 = vector.broadcast %jit3A_1771 : i32 to vector<256x128xi32>
    %select_n3A_1773 = arith.select %eq3A_1770, %select_n3A_1768, %broadcast_in_dim3A_1772 : vector<256x128xi1>, vector<256x128xi32>
    %reduce_max3A = arith.constant dense<-2147483648> : vector<256xi32>
    %reduce_max3A_1774 = vector.multi_reduction <maxsi>, %select_n3A_1773, %reduce_max3A [1] : vector<256x128xi32> to vector<256xi32>
    %broadcast_in_dim3A_1775 = vector.shape_cast %reduce_max3A_1774 : vector<256xi32> to vector<256x1xi32>
    %mul3A_1776 = arith.constant 128 : i32
    %mul3A_1777 = vector.broadcast %mul3A_1776 : i32 to vector<256x1xi32>
    %mul3A_1778 = arith.muli %broadcast_in_dim3A_1775, %mul3A_1777 : vector<256x1xi32>
    %add3A_1779 = arith.addi %mul3A_1778, %broadcast_in_dim3A_1769 : vector<256x1xi32>
    %select_n3A_1780 = arith.select %eq3A_1770, %select_n3A_1760, %select_n3A_1765 : vector<256x128xi1>, vector<256x128xf32>
    %select_n3A_1781 = arith.select %eq3A_1770, %select_n3A_1754, %select_n3A_1760 : vector<256x128xi1>, vector<256x128xf32>
    %select_n3A_1782 = arith.select %eq3A_1770, %select_n3A_1748, %select_n3A_1754 : vector<256x128xi1>, vector<256x128xf32>
    %jit3A_1783 = arith.constant 0x7F800000 : f32
    %broadcast_in_dim3A_1784 = vector.broadcast %jit3A_1783 : f32 to vector<256x128xf32>
    %select_n3A_1785 = arith.select %eq3A_1770, %broadcast_in_dim3A_1784, %select_n3A_1748 : vector<256x128xi1>, vector<256x128xf32>
    %select_n3A_1786 = arith.select %eq3A_1770, %select_n3A_1764, %select_n3A_1768 : vector<256x128xi1>, vector<256x128xi32>
    %select_n3A_1787 = arith.select %eq3A_1770, %select_n3A_1758, %select_n3A_1764 : vector<256x128xi1>, vector<256x128xi32>
    %select_n3A_1788 = arith.select %eq3A_1770, %select_n3A_1752, %select_n3A_1758 : vector<256x128xi1>, vector<256x128xi32>
    %argmin3A_1789 = tpu.reduce_index %select_n3A_1780 {axis = 1 : i32, kind = #tpu.reduction_kind<arg_min>} : vector<256x128xf32> -> vector<256xi32>
    %broadcast_in_dim3A_1790 = vector.shape_cast %argmin3A_1789 : vector<256xi32> to vector<256x1xi32>
    %eq3A_1791 = vector.broadcast %broadcast_in_dim3A_1790 : vector<256x1xi32> to vector<256x128xi32>
    %eq3A_1792 = arith.cmpi eq, %iota3A, %eq3A_1791 : vector<256x128xi32>
    %jit3A_1793 = arith.constant -1 : i32
    %broadcast_in_dim3A_1794 = vector.broadcast %jit3A_1793 : i32 to vector<256x128xi32>
    %select_n3A_1795 = arith.select %eq3A_1792, %select_n3A_1786, %broadcast_in_dim3A_1794 : vector<256x128xi1>, vector<256x128xi32>
    %reduce_max3A_1796 = arith.constant dense<-2147483648> : vector<256xi32>
    %reduce_max3A_1797 = vector.multi_reduction <maxsi>, %select_n3A_1795, %reduce_max3A_1796 [1] : vector<256x128xi32> to vector<256xi32>
    %broadcast_in_dim3A_1798 = vector.shape_cast %reduce_max3A_1797 : vector<256xi32> to vector<256x1xi32>
    %mul3A_1799 = arith.constant 128 : i32
    %mul3A_1800 = vector.broadcast %mul3A_1799 : i32 to vector<256x1xi32>
    %mul3A_1801 = arith.muli %broadcast_in_dim3A_1798, %mul3A_1800 : vector<256x1xi32>
    %add3A_1802 = arith.addi %mul3A_1801, %broadcast_in_dim3A_1790 : vector<256x1xi32>
    %select_n3A_1803 = arith.select %eq3A_1792, %select_n3A_1781, %select_n3A_1780 : vector<256x128xi1>, vector<256x128xf32>
    %select_n3A_1804 = arith.select %eq3A_1792, %select_n3A_1782, %select_n3A_1781 : vector<256x128xi1>, vector<256x128xf32>
    %select_n3A_1805 = arith.select %eq3A_1792, %select_n3A_1785, %select_n3A_1782 : vector<256x128xi1>, vector<256x128xf32>
    %jit3A_1806 = arith.constant 0x7F800000 : f32
    %broadcast_in_dim3A_1807 = vector.broadcast %jit3A_1806 : f32 to vector<256x128xf32>
    %select_n3A_1808 = arith.select %eq3A_1792, %broadcast_in_dim3A_1807, %select_n3A_1785 : vector<256x128xi1>, vector<256x128xf32>
    %select_n3A_1809 = arith.select %eq3A_1792, %select_n3A_1787, %select_n3A_1786 : vector<256x128xi1>, vector<256x128xi32>
    %select_n3A_1810 = arith.select %eq3A_1792, %select_n3A_1788, %select_n3A_1787 : vector<256x128xi1>, vector<256x128xi32>
    %select_n3A_1811 = arith.select %eq3A_1792, %select_n3A_1752, %select_n3A_1788 : vector<256x128xi1>, vector<256x128xi32>
    %argmin3A_1812 = tpu.reduce_index %select_n3A_1803 {axis = 1 : i32, kind = #tpu.reduction_kind<arg_min>} : vector<256x128xf32> -> vector<256xi32>
    %broadcast_in_dim3A_1813 = vector.shape_cast %argmin3A_1812 : vector<256xi32> to vector<256x1xi32>
    %eq3A_1814 = vector.broadcast %broadcast_in_dim3A_1813 : vector<256x1xi32> to vector<256x128xi32>
    %eq3A_1815 = arith.cmpi eq, %iota3A, %eq3A_1814 : vector<256x128xi32>
    %jit3A_1816 = arith.constant -1 : i32
    %broadcast_in_dim3A_1817 = vector.broadcast %jit3A_1816 : i32 to vector<256x128xi32>
    %select_n3A_1818 = arith.select %eq3A_1815, %select_n3A_1809, %broadcast_in_dim3A_1817 : vector<256x128xi1>, vector<256x128xi32>
    %reduce_max3A_1819 = arith.constant dense<-2147483648> : vector<256xi32>
    %reduce_max3A_1820 = vector.multi_reduction <maxsi>, %select_n3A_1818, %reduce_max3A_1819 [1] : vector<256x128xi32> to vector<256xi32>
    %broadcast_in_dim3A_1821 = vector.shape_cast %reduce_max3A_1820 : vector<256xi32> to vector<256x1xi32>
    %mul3A_1822 = arith.constant 128 : i32
    %mul3A_1823 = vector.broadcast %mul3A_1822 : i32 to vector<256x1xi32>
    %mul3A_1824 = arith.muli %broadcast_in_dim3A_1821, %mul3A_1823 : vector<256x1xi32>
    %add3A_1825 = arith.addi %mul3A_1824, %broadcast_in_dim3A_1813 : vector<256x1xi32>
    %select_n3A_1826 = arith.select %eq3A_1815, %select_n3A_1804, %select_n3A_1803 : vector<256x128xi1>, vector<256x128xf32>
    %select_n3A_1827 = arith.select %eq3A_1815, %select_n3A_1805, %select_n3A_1804 : vector<256x128xi1>, vector<256x128xf32>
    %select_n3A_1828 = arith.select %eq3A_1815, %select_n3A_1808, %select_n3A_1805 : vector<256x128xi1>, vector<256x128xf32>
    %jit3A_1829 = arith.constant 0x7F800000 : f32
    %broadcast_in_dim3A_1830 = vector.broadcast %jit3A_1829 : f32 to vector<256x128xf32>
    %select_n3A_1831 = arith.select %eq3A_1815, %broadcast_in_dim3A_1830, %select_n3A_1808 : vector<256x128xi1>, vector<256x128xf32>
    %select_n3A_1832 = arith.select %eq3A_1815, %select_n3A_1810, %select_n3A_1809 : vector<256x128xi1>, vector<256x128xi32>
    %select_n3A_1833 = arith.select %eq3A_1815, %select_n3A_1811, %select_n3A_1810 : vector<256x128xi1>, vector<256x128xi32>
    %select_n3A_1834 = arith.select %eq3A_1815, %select_n3A_1752, %select_n3A_1811 : vector<256x128xi1>, vector<256x128xi32>
    %argmin3A_1835 = tpu.reduce_index %select_n3A_1826 {axis = 1 : i32, kind = #tpu.reduction_kind<arg_min>} : vector<256x128xf32> -> vector<256xi32>
    %broadcast_in_dim3A_1836 = vector.shape_cast %argmin3A_1835 : vector<256xi32> to vector<256x1xi32>
    %eq3A_1837 = vector.broadcast %broadcast_in_dim3A_1836 : vector<256x1xi32> to vector<256x128xi32>
    %eq3A_1838 = arith.cmpi eq, %iota3A, %eq3A_1837 : vector<256x128xi32>
    %jit3A_1839 = arith.constant -1 : i32
    %broadcast_in_dim3A_1840 = vector.broadcast %jit3A_1839 : i32 to vector<256x128xi32>
    %select_n3A_1841 = arith.select %eq3A_1838, %select_n3A_1832, %broadcast_in_dim3A_1840 : vector<256x128xi1>, vector<256x128xi32>
    %reduce_max3A_1842 = arith.constant dense<-2147483648> : vector<256xi32>
    %reduce_max3A_1843 = vector.multi_reduction <maxsi>, %select_n3A_1841, %reduce_max3A_1842 [1] : vector<256x128xi32> to vector<256xi32>
    %broadcast_in_dim3A_1844 = vector.shape_cast %reduce_max3A_1843 : vector<256xi32> to vector<256x1xi32>
    %mul3A_1845 = arith.constant 128 : i32
    %mul3A_1846 = vector.broadcast %mul3A_1845 : i32 to vector<256x1xi32>
    %mul3A_1847 = arith.muli %broadcast_in_dim3A_1844, %mul3A_1846 : vector<256x1xi32>
    %add3A_1848 = arith.addi %mul3A_1847, %broadcast_in_dim3A_1836 : vector<256x1xi32>
    %select_n3A_1849 = arith.select %eq3A_1838, %select_n3A_1827, %select_n3A_1826 : vector<256x128xi1>, vector<256x128xf32>
    %select_n3A_1850 = arith.select %eq3A_1838, %select_n3A_1828, %select_n3A_1827 : vector<256x128xi1>, vector<256x128xf32>
    %select_n3A_1851 = arith.select %eq3A_1838, %select_n3A_1831, %select_n3A_1828 : vector<256x128xi1>, vector<256x128xf32>
    %jit3A_1852 = arith.constant 0x7F800000 : f32
    %broadcast_in_dim3A_1853 = vector.broadcast %jit3A_1852 : f32 to vector<256x128xf32>
    %select_n3A_1854 = arith.select %eq3A_1838, %broadcast_in_dim3A_1853, %select_n3A_1831 : vector<256x128xi1>, vector<256x128xf32>
    %select_n3A_1855 = arith.select %eq3A_1838, %select_n3A_1833, %select_n3A_1832 : vector<256x128xi1>, vector<256x128xi32>
    %select_n3A_1856 = arith.select %eq3A_1838, %select_n3A_1834, %select_n3A_1833 : vector<256x128xi1>, vector<256x128xi32>
    %select_n3A_1857 = arith.select %eq3A_1838, %select_n3A_1752, %select_n3A_1834 : vector<256x128xi1>, vector<256x128xi32>
    %argmin3A_1858 = tpu.reduce_index %select_n3A_1849 {axis = 1 : i32, kind = #tpu.reduction_kind<arg_min>} : vector<256x128xf32> -> vector<256xi32>
    %broadcast_in_dim3A_1859 = vector.shape_cast %argmin3A_1858 : vector<256xi32> to vector<256x1xi32>
    %eq3A_1860 = vector.broadcast %broadcast_in_dim3A_1859 : vector<256x1xi32> to vector<256x128xi32>
    %eq3A_1861 = arith.cmpi eq, %iota3A, %eq3A_1860 : vector<256x128xi32>
    %jit3A_1862 = arith.constant -1 : i32
    %broadcast_in_dim3A_1863 = vector.broadcast %jit3A_1862 : i32 to vector<256x128xi32>
    %select_n3A_1864 = arith.select %eq3A_1861, %select_n3A_1855, %broadcast_in_dim3A_1863 : vector<256x128xi1>, vector<256x128xi32>
    %reduce_max3A_1865 = arith.constant dense<-2147483648> : vector<256xi32>
    %reduce_max3A_1866 = vector.multi_reduction <maxsi>, %select_n3A_1864, %reduce_max3A_1865 [1] : vector<256x128xi32> to vector<256xi32>
    %broadcast_in_dim3A_1867 = vector.shape_cast %reduce_max3A_1866 : vector<256xi32> to vector<256x1xi32>
    %mul3A_1868 = arith.constant 128 : i32
    %mul3A_1869 = vector.broadcast %mul3A_1868 : i32 to vector<256x1xi32>
    %mul3A_1870 = arith.muli %broadcast_in_dim3A_1867, %mul3A_1869 : vector<256x1xi32>
    %add3A_1871 = arith.addi %mul3A_1870, %broadcast_in_dim3A_1859 : vector<256x1xi32>
    %select_n3A_1872 = arith.select %eq3A_1861, %select_n3A_1850, %select_n3A_1849 : vector<256x128xi1>, vector<256x128xf32>
    %select_n3A_1873 = arith.select %eq3A_1861, %select_n3A_1851, %select_n3A_1850 : vector<256x128xi1>, vector<256x128xf32>
    %select_n3A_1874 = arith.select %eq3A_1861, %select_n3A_1854, %select_n3A_1851 : vector<256x128xi1>, vector<256x128xf32>
    %jit3A_1875 = arith.constant 0x7F800000 : f32
    %broadcast_in_dim3A_1876 = vector.broadcast %jit3A_1875 : f32 to vector<256x128xf32>
    %select_n3A_1877 = arith.select %eq3A_1861, %broadcast_in_dim3A_1876, %select_n3A_1854 : vector<256x128xi1>, vector<256x128xf32>
    %select_n3A_1878 = arith.select %eq3A_1861, %select_n3A_1856, %select_n3A_1855 : vector<256x128xi1>, vector<256x128xi32>
    %select_n3A_1879 = arith.select %eq3A_1861, %select_n3A_1857, %select_n3A_1856 : vector<256x128xi1>, vector<256x128xi32>
    %select_n3A_1880 = arith.select %eq3A_1861, %select_n3A_1752, %select_n3A_1857 : vector<256x128xi1>, vector<256x128xi32>
    %argmin3A_1881 = tpu.reduce_index %select_n3A_1872 {axis = 1 : i32, kind = #tpu.reduction_kind<arg_min>} : vector<256x128xf32> -> vector<256xi32>
    %broadcast_in_dim3A_1882 = vector.shape_cast %argmin3A_1881 : vector<256xi32> to vector<256x1xi32>
    %eq3A_1883 = vector.broadcast %broadcast_in_dim3A_1882 : vector<256x1xi32> to vector<256x128xi32>
    %eq3A_1884 = arith.cmpi eq, %iota3A, %eq3A_1883 : vector<256x128xi32>
    %jit3A_1885 = arith.constant -1 : i32
    %broadcast_in_dim3A_1886 = vector.broadcast %jit3A_1885 : i32 to vector<256x128xi32>
    %select_n3A_1887 = arith.select %eq3A_1884, %select_n3A_1878, %broadcast_in_dim3A_1886 : vector<256x128xi1>, vector<256x128xi32>
    %reduce_max3A_1888 = arith.constant dense<-2147483648> : vector<256xi32>
    %reduce_max3A_1889 = vector.multi_reduction <maxsi>, %select_n3A_1887, %reduce_max3A_1888 [1] : vector<256x128xi32> to vector<256xi32>
    %broadcast_in_dim3A_1890 = vector.shape_cast %reduce_max3A_1889 : vector<256xi32> to vector<256x1xi32>
    %mul3A_1891 = arith.constant 128 : i32
    %mul3A_1892 = vector.broadcast %mul3A_1891 : i32 to vector<256x1xi32>
    %mul3A_1893 = arith.muli %broadcast_in_dim3A_1890, %mul3A_1892 : vector<256x1xi32>
    %add3A_1894 = arith.addi %mul3A_1893, %broadcast_in_dim3A_1882 : vector<256x1xi32>
    %select_n3A_1895 = arith.select %eq3A_1884, %select_n3A_1873, %select_n3A_1872 : vector<256x128xi1>, vector<256x128xf32>
    %select_n3A_1896 = arith.select %eq3A_1884, %select_n3A_1874, %select_n3A_1873 : vector<256x128xi1>, vector<256x128xf32>
    %select_n3A_1897 = arith.select %eq3A_1884, %select_n3A_1877, %select_n3A_1874 : vector<256x128xi1>, vector<256x128xf32>
    %jit3A_1898 = arith.constant 0x7F800000 : f32
    %broadcast_in_dim3A_1899 = vector.broadcast %jit3A_1898 : f32 to vector<256x128xf32>
    %select_n3A_1900 = arith.select %eq3A_1884, %broadcast_in_dim3A_1899, %select_n3A_1877 : vector<256x128xi1>, vector<256x128xf32>
    %select_n3A_1901 = arith.select %eq3A_1884, %select_n3A_1879, %select_n3A_1878 : vector<256x128xi1>, vector<256x128xi32>
    %select_n3A_1902 = arith.select %eq3A_1884, %select_n3A_1880, %select_n3A_1879 : vector<256x128xi1>, vector<256x128xi32>
    %select_n3A_1903 = arith.select %eq3A_1884, %select_n3A_1752, %select_n3A_1880 : vector<256x128xi1>, vector<256x128xi32>
    %argmin3A_1904 = tpu.reduce_index %select_n3A_1895 {axis = 1 : i32, kind = #tpu.reduction_kind<arg_min>} : vector<256x128xf32> -> vector<256xi32>
    %broadcast_in_dim3A_1905 = vector.shape_cast %argmin3A_1904 : vector<256xi32> to vector<256x1xi32>
    %eq3A_1906 = vector.broadcast %broadcast_in_dim3A_1905 : vector<256x1xi32> to vector<256x128xi32>
    %eq3A_1907 = arith.cmpi eq, %iota3A, %eq3A_1906 : vector<256x128xi32>
    %jit3A_1908 = arith.constant -1 : i32
    %broadcast_in_dim3A_1909 = vector.broadcast %jit3A_1908 : i32 to vector<256x128xi32>
    %select_n3A_1910 = arith.select %eq3A_1907, %select_n3A_1901, %broadcast_in_dim3A_1909 : vector<256x128xi1>, vector<256x128xi32>
    %reduce_max3A_1911 = arith.constant dense<-2147483648> : vector<256xi32>
    %reduce_max3A_1912 = vector.multi_reduction <maxsi>, %select_n3A_1910, %reduce_max3A_1911 [1] : vector<256x128xi32> to vector<256xi32>
    %broadcast_in_dim3A_1913 = vector.shape_cast %reduce_max3A_1912 : vector<256xi32> to vector<256x1xi32>
    %mul3A_1914 = arith.constant 128 : i32
    %mul3A_1915 = vector.broadcast %mul3A_1914 : i32 to vector<256x1xi32>
    %mul3A_1916 = arith.muli %broadcast_in_dim3A_1913, %mul3A_1915 : vector<256x1xi32>
    %add3A_1917 = arith.addi %mul3A_1916, %broadcast_in_dim3A_1905 : vector<256x1xi32>
    %select_n3A_1918 = arith.select %eq3A_1907, %select_n3A_1896, %select_n3A_1895 : vector<256x128xi1>, vector<256x128xf32>
    %select_n3A_1919 = arith.select %eq3A_1907, %select_n3A_1897, %select_n3A_1896 : vector<256x128xi1>, vector<256x128xf32>
    %select_n3A_1920 = arith.select %eq3A_1907, %select_n3A_1900, %select_n3A_1897 : vector<256x128xi1>, vector<256x128xf32>
    %jit3A_1921 = arith.constant 0x7F800000 : f32
    %broadcast_in_dim3A_1922 = vector.broadcast %jit3A_1921 : f32 to vector<256x128xf32>
    %select_n3A_1923 = arith.select %eq3A_1907, %broadcast_in_dim3A_1922, %select_n3A_1900 : vector<256x128xi1>, vector<256x128xf32>
    %select_n3A_1924 = arith.select %eq3A_1907, %select_n3A_1902, %select_n3A_1901 : vector<256x128xi1>, vector<256x128xi32>
    %select_n3A_1925 = arith.select %eq3A_1907, %select_n3A_1903, %select_n3A_1902 : vector<256x128xi1>, vector<256x128xi32>
    %select_n3A_1926 = arith.select %eq3A_1907, %select_n3A_1752, %select_n3A_1903 : vector<256x128xi1>, vector<256x128xi32>
    %argmin3A_1927 = tpu.reduce_index %select_n3A_1918 {axis = 1 : i32, kind = #tpu.reduction_kind<arg_min>} : vector<256x128xf32> -> vector<256xi32>
    %broadcast_in_dim3A_1928 = vector.shape_cast %argmin3A_1927 : vector<256xi32> to vector<256x1xi32>
    %eq3A_1929 = vector.broadcast %broadcast_in_dim3A_1928 : vector<256x1xi32> to vector<256x128xi32>
    %eq3A_1930 = arith.cmpi eq, %iota3A, %eq3A_1929 : vector<256x128xi32>
    %jit3A_1931 = arith.constant -1 : i32
    %broadcast_in_dim3A_1932 = vector.broadcast %jit3A_1931 : i32 to vector<256x128xi32>
    %select_n3A_1933 = arith.select %eq3A_1930, %select_n3A_1924, %broadcast_in_dim3A_1932 : vector<256x128xi1>, vector<256x128xi32>
    %reduce_max3A_1934 = arith.constant dense<-2147483648> : vector<256xi32>
    %reduce_max3A_1935 = vector.multi_reduction <maxsi>, %select_n3A_1933, %reduce_max3A_1934 [1] : vector<256x128xi32> to vector<256xi32>
    %broadcast_in_dim3A_1936 = vector.shape_cast %reduce_max3A_1935 : vector<256xi32> to vector<256x1xi32>
    %mul3A_1937 = arith.constant 128 : i32
    %mul3A_1938 = vector.broadcast %mul3A_1937 : i32 to vector<256x1xi32>
    %mul3A_1939 = arith.muli %broadcast_in_dim3A_1936, %mul3A_1938 : vector<256x1xi32>
    %add3A_1940 = arith.addi %mul3A_1939, %broadcast_in_dim3A_1928 : vector<256x1xi32>
    %select_n3A_1941 = arith.select %eq3A_1930, %select_n3A_1919, %select_n3A_1918 : vector<256x128xi1>, vector<256x128xf32>
    %select_n3A_1942 = arith.select %eq3A_1930, %select_n3A_1920, %select_n3A_1919 : vector<256x128xi1>, vector<256x128xf32>
    %select_n3A_1943 = arith.select %eq3A_1930, %select_n3A_1923, %select_n3A_1920 : vector<256x128xi1>, vector<256x128xf32>
    %jit3A_1944 = arith.constant 0x7F800000 : f32
    %broadcast_in_dim3A_1945 = vector.broadcast %jit3A_1944 : f32 to vector<256x128xf32>
    %select_n3A_1946 = arith.select %eq3A_1930, %broadcast_in_dim3A_1945, %select_n3A_1923 : vector<256x128xi1>, vector<256x128xf32>
    %select_n3A_1947 = arith.select %eq3A_1930, %select_n3A_1925, %select_n3A_1924 : vector<256x128xi1>, vector<256x128xi32>
    %select_n3A_1948 = arith.select %eq3A_1930, %select_n3A_1926, %select_n3A_1925 : vector<256x128xi1>, vector<256x128xi32>
    %select_n3A_1949 = arith.select %eq3A_1930, %select_n3A_1752, %select_n3A_1926 : vector<256x128xi1>, vector<256x128xi32>
    %argmin3A_1950 = tpu.reduce_index %select_n3A_1941 {axis = 1 : i32, kind = #tpu.reduction_kind<arg_min>} : vector<256x128xf32> -> vector<256xi32>
    %broadcast_in_dim3A_1951 = vector.shape_cast %argmin3A_1950 : vector<256xi32> to vector<256x1xi32>
    %eq3A_1952 = vector.broadcast %broadcast_in_dim3A_1951 : vector<256x1xi32> to vector<256x128xi32>
    %eq3A_1953 = arith.cmpi eq, %iota3A, %eq3A_1952 : vector<256x128xi32>
    %jit3A_1954 = arith.constant -1 : i32
    %broadcast_in_dim3A_1955 = vector.broadcast %jit3A_1954 : i32 to vector<256x128xi32>
    %select_n3A_1956 = arith.select %eq3A_1953, %select_n3A_1947, %broadcast_in_dim3A_1955 : vector<256x128xi1>, vector<256x128xi32>
    %reduce_max3A_1957 = arith.constant dense<-2147483648> : vector<256xi32>
    %reduce_max3A_1958 = vector.multi_reduction <maxsi>, %select_n3A_1956, %reduce_max3A_1957 [1] : vector<256x128xi32> to vector<256xi32>
    %broadcast_in_dim3A_1959 = vector.shape_cast %reduce_max3A_1958 : vector<256xi32> to vector<256x1xi32>
    %mul3A_1960 = arith.constant 128 : i32
    %mul3A_1961 = vector.broadcast %mul3A_1960 : i32 to vector<256x1xi32>
    %mul3A_1962 = arith.muli %broadcast_in_dim3A_1959, %mul3A_1961 : vector<256x1xi32>
    %add3A_1963 = arith.addi %mul3A_1962, %broadcast_in_dim3A_1951 : vector<256x1xi32>
    %select_n3A_1964 = arith.select %eq3A_1953, %select_n3A_1942, %select_n3A_1941 : vector<256x128xi1>, vector<256x128xf32>
    %select_n3A_1965 = arith.select %eq3A_1953, %select_n3A_1943, %select_n3A_1942 : vector<256x128xi1>, vector<256x128xf32>
    %select_n3A_1966 = arith.select %eq3A_1953, %select_n3A_1946, %select_n3A_1943 : vector<256x128xi1>, vector<256x128xf32>
    %jit3A_1967 = arith.constant 0x7F800000 : f32
    %broadcast_in_dim3A_1968 = vector.broadcast %jit3A_1967 : f32 to vector<256x128xf32>
    %select_n3A_1969 = arith.select %eq3A_1953, %broadcast_in_dim3A_1968, %select_n3A_1946 : vector<256x128xi1>, vector<256x128xf32>
    %select_n3A_1970 = arith.select %eq3A_1953, %select_n3A_1948, %select_n3A_1947 : vector<256x128xi1>, vector<256x128xi32>
    %select_n3A_1971 = arith.select %eq3A_1953, %select_n3A_1949, %select_n3A_1948 : vector<256x128xi1>, vector<256x128xi32>
    %select_n3A_1972 = arith.select %eq3A_1953, %select_n3A_1752, %select_n3A_1949 : vector<256x128xi1>, vector<256x128xi32>
    %argmin3A_1973 = tpu.reduce_index %select_n3A_1964 {axis = 1 : i32, kind = #tpu.reduction_kind<arg_min>} : vector<256x128xf32> -> vector<256xi32>
    %broadcast_in_dim3A_1974 = vector.shape_cast %argmin3A_1973 : vector<256xi32> to vector<256x1xi32>
    %eq3A_1975 = vector.broadcast %broadcast_in_dim3A_1974 : vector<256x1xi32> to vector<256x128xi32>
    %eq3A_1976 = arith.cmpi eq, %iota3A, %eq3A_1975 : vector<256x128xi32>
    %jit3A_1977 = arith.constant -1 : i32
    %broadcast_in_dim3A_1978 = vector.broadcast %jit3A_1977 : i32 to vector<256x128xi32>
    %select_n3A_1979 = arith.select %eq3A_1976, %select_n3A_1970, %broadcast_in_dim3A_1978 : vector<256x128xi1>, vector<256x128xi32>
    %reduce_max3A_1980 = arith.constant dense<-2147483648> : vector<256xi32>
    %reduce_max3A_1981 = vector.multi_reduction <maxsi>, %select_n3A_1979, %reduce_max3A_1980 [1] : vector<256x128xi32> to vector<256xi32>
    %broadcast_in_dim3A_1982 = vector.shape_cast %reduce_max3A_1981 : vector<256xi32> to vector<256x1xi32>
    %mul3A_1983 = arith.constant 128 : i32
    %mul3A_1984 = vector.broadcast %mul3A_1983 : i32 to vector<256x1xi32>
    %mul3A_1985 = arith.muli %broadcast_in_dim3A_1982, %mul3A_1984 : vector<256x1xi32>
    %add3A_1986 = arith.addi %mul3A_1985, %broadcast_in_dim3A_1974 : vector<256x1xi32>
    %select_n3A_1987 = arith.select %eq3A_1976, %select_n3A_1965, %select_n3A_1964 : vector<256x128xi1>, vector<256x128xf32>
    %select_n3A_1988 = arith.select %eq3A_1976, %select_n3A_1966, %select_n3A_1965 : vector<256x128xi1>, vector<256x128xf32>
    %select_n3A_1989 = arith.select %eq3A_1976, %select_n3A_1969, %select_n3A_1966 : vector<256x128xi1>, vector<256x128xf32>
    %jit3A_1990 = arith.constant 0x7F800000 : f32
    %broadcast_in_dim3A_1991 = vector.broadcast %jit3A_1990 : f32 to vector<256x128xf32>
    %select_n3A_1992 = arith.select %eq3A_1976, %broadcast_in_dim3A_1991, %select_n3A_1969 : vector<256x128xi1>, vector<256x128xf32>
    %select_n3A_1993 = arith.select %eq3A_1976, %select_n3A_1971, %select_n3A_1970 : vector<256x128xi1>, vector<256x128xi32>
    %select_n3A_1994 = arith.select %eq3A_1976, %select_n3A_1972, %select_n3A_1971 : vector<256x128xi1>, vector<256x128xi32>
    %select_n3A_1995 = arith.select %eq3A_1976, %select_n3A_1752, %select_n3A_1972 : vector<256x128xi1>, vector<256x128xi32>
    %argmin3A_1996 = tpu.reduce_index %select_n3A_1987 {axis = 1 : i32, kind = #tpu.reduction_kind<arg_min>} : vector<256x128xf32> -> vector<256xi32>
    %broadcast_in_dim3A_1997 = vector.shape_cast %argmin3A_1996 : vector<256xi32> to vector<256x1xi32>
    %eq3A_1998 = vector.broadcast %broadcast_in_dim3A_1997 : vector<256x1xi32> to vector<256x128xi32>
    %eq3A_1999 = arith.cmpi eq, %iota3A, %eq3A_1998 : vector<256x128xi32>
    %jit3A_2000 = arith.constant -1 : i32
    %broadcast_in_dim3A_2001 = vector.broadcast %jit3A_2000 : i32 to vector<256x128xi32>
    %select_n3A_2002 = arith.select %eq3A_1999, %select_n3A_1993, %broadcast_in_dim3A_2001 : vector<256x128xi1>, vector<256x128xi32>
    %reduce_max3A_2003 = arith.constant dense<-2147483648> : vector<256xi32>
    %reduce_max3A_2004 = vector.multi_reduction <maxsi>, %select_n3A_2002, %reduce_max3A_2003 [1] : vector<256x128xi32> to vector<256xi32>
    %broadcast_in_dim3A_2005 = vector.shape_cast %reduce_max3A_2004 : vector<256xi32> to vector<256x1xi32>
    %mul3A_2006 = arith.constant 128 : i32
    %mul3A_2007 = vector.broadcast %mul3A_2006 : i32 to vector<256x1xi32>
    %mul3A_2008 = arith.muli %broadcast_in_dim3A_2005, %mul3A_2007 : vector<256x1xi32>
    %add3A_2009 = arith.addi %mul3A_2008, %broadcast_in_dim3A_1997 : vector<256x1xi32>
    %select_n3A_2010 = arith.select %eq3A_1999, %select_n3A_1988, %select_n3A_1987 : vector<256x128xi1>, vector<256x128xf32>
    %select_n3A_2011 = arith.select %eq3A_1999, %select_n3A_1989, %select_n3A_1988 : vector<256x128xi1>, vector<256x128xf32>
    %select_n3A_2012 = arith.select %eq3A_1999, %select_n3A_1992, %select_n3A_1989 : vector<256x128xi1>, vector<256x128xf32>
    %jit3A_2013 = arith.constant 0x7F800000 : f32
    %broadcast_in_dim3A_2014 = vector.broadcast %jit3A_2013 : f32 to vector<256x128xf32>
    %select_n3A_2015 = arith.select %eq3A_1999, %broadcast_in_dim3A_2014, %select_n3A_1992 : vector<256x128xi1>, vector<256x128xf32>
    %select_n3A_2016 = arith.select %eq3A_1999, %select_n3A_1994, %select_n3A_1993 : vector<256x128xi1>, vector<256x128xi32>
    %select_n3A_2017 = arith.select %eq3A_1999, %select_n3A_1995, %select_n3A_1994 : vector<256x128xi1>, vector<256x128xi32>
    %select_n3A_2018 = arith.select %eq3A_1999, %select_n3A_1752, %select_n3A_1995 : vector<256x128xi1>, vector<256x128xi32>
    %argmin3A_2019 = tpu.reduce_index %select_n3A_2010 {axis = 1 : i32, kind = #tpu.reduction_kind<arg_min>} : vector<256x128xf32> -> vector<256xi32>
    %broadcast_in_dim3A_2020 = vector.shape_cast %argmin3A_2019 : vector<256xi32> to vector<256x1xi32>
    %eq3A_2021 = vector.broadcast %broadcast_in_dim3A_2020 : vector<256x1xi32> to vector<256x128xi32>
    %eq3A_2022 = arith.cmpi eq, %iota3A, %eq3A_2021 : vector<256x128xi32>
    %jit3A_2023 = arith.constant -1 : i32
    %broadcast_in_dim3A_2024 = vector.broadcast %jit3A_2023 : i32 to vector<256x128xi32>
    %select_n3A_2025 = arith.select %eq3A_2022, %select_n3A_2016, %broadcast_in_dim3A_2024 : vector<256x128xi1>, vector<256x128xi32>
    %reduce_max3A_2026 = arith.constant dense<-2147483648> : vector<256xi32>
    %reduce_max3A_2027 = vector.multi_reduction <maxsi>, %select_n3A_2025, %reduce_max3A_2026 [1] : vector<256x128xi32> to vector<256xi32>
    %broadcast_in_dim3A_2028 = vector.shape_cast %reduce_max3A_2027 : vector<256xi32> to vector<256x1xi32>
    %mul3A_2029 = arith.constant 128 : i32
    %mul3A_2030 = vector.broadcast %mul3A_2029 : i32 to vector<256x1xi32>
    %mul3A_2031 = arith.muli %broadcast_in_dim3A_2028, %mul3A_2030 : vector<256x1xi32>
    %add3A_2032 = arith.addi %mul3A_2031, %broadcast_in_dim3A_2020 : vector<256x1xi32>
    %select_n3A_2033 = arith.select %eq3A_2022, %select_n3A_2011, %select_n3A_2010 : vector<256x128xi1>, vector<256x128xf32>
    %select_n3A_2034 = arith.select %eq3A_2022, %select_n3A_2012, %select_n3A_2011 : vector<256x128xi1>, vector<256x128xf32>
    %select_n3A_2035 = arith.select %eq3A_2022, %select_n3A_2015, %select_n3A_2012 : vector<256x128xi1>, vector<256x128xf32>
    %jit3A_2036 = arith.constant 0x7F800000 : f32
    %broadcast_in_dim3A_2037 = vector.broadcast %jit3A_2036 : f32 to vector<256x128xf32>
    %select_n3A_2038 = arith.select %eq3A_2022, %broadcast_in_dim3A_2037, %select_n3A_2015 : vector<256x128xi1>, vector<256x128xf32>
    %select_n3A_2039 = arith.select %eq3A_2022, %select_n3A_2017, %select_n3A_2016 : vector<256x128xi1>, vector<256x128xi32>
    %select_n3A_2040 = arith.select %eq3A_2022, %select_n3A_2018, %select_n3A_2017 : vector<256x128xi1>, vector<256x128xi32>
    %select_n3A_2041 = arith.select %eq3A_2022, %select_n3A_1752, %select_n3A_2018 : vector<256x128xi1>, vector<256x128xi32>
    %argmin3A_2042 = tpu.reduce_index %select_n3A_2033 {axis = 1 : i32, kind = #tpu.reduction_kind<arg_min>} : vector<256x128xf32> -> vector<256xi32>
    %broadcast_in_dim3A_2043 = vector.shape_cast %argmin3A_2042 : vector<256xi32> to vector<256x1xi32>
    %eq3A_2044 = vector.broadcast %broadcast_in_dim3A_2043 : vector<256x1xi32> to vector<256x128xi32>
    %eq3A_2045 = arith.cmpi eq, %iota3A, %eq3A_2044 : vector<256x128xi32>
    %jit3A_2046 = arith.constant -1 : i32
    %broadcast_in_dim3A_2047 = vector.broadcast %jit3A_2046 : i32 to vector<256x128xi32>
    %select_n3A_2048 = arith.select %eq3A_2045, %select_n3A_2039, %broadcast_in_dim3A_2047 : vector<256x128xi1>, vector<256x128xi32>
    %reduce_max3A_2049 = arith.constant dense<-2147483648> : vector<256xi32>
    %reduce_max3A_2050 = vector.multi_reduction <maxsi>, %select_n3A_2048, %reduce_max3A_2049 [1] : vector<256x128xi32> to vector<256xi32>
    %broadcast_in_dim3A_2051 = vector.shape_cast %reduce_max3A_2050 : vector<256xi32> to vector<256x1xi32>
    %mul3A_2052 = arith.constant 128 : i32
    %mul3A_2053 = vector.broadcast %mul3A_2052 : i32 to vector<256x1xi32>
    %mul3A_2054 = arith.muli %broadcast_in_dim3A_2051, %mul3A_2053 : vector<256x1xi32>
    %add3A_2055 = arith.addi %mul3A_2054, %broadcast_in_dim3A_2043 : vector<256x1xi32>
    %select_n3A_2056 = arith.select %eq3A_2045, %select_n3A_2034, %select_n3A_2033 : vector<256x128xi1>, vector<256x128xf32>
    %select_n3A_2057 = arith.select %eq3A_2045, %select_n3A_2035, %select_n3A_2034 : vector<256x128xi1>, vector<256x128xf32>
    %select_n3A_2058 = arith.select %eq3A_2045, %select_n3A_2038, %select_n3A_2035 : vector<256x128xi1>, vector<256x128xf32>
    %select_n3A_2059 = arith.select %eq3A_2045, %select_n3A_2040, %select_n3A_2039 : vector<256x128xi1>, vector<256x128xi32>
    %select_n3A_2060 = arith.select %eq3A_2045, %select_n3A_2041, %select_n3A_2040 : vector<256x128xi1>, vector<256x128xi32>
    %select_n3A_2061 = arith.select %eq3A_2045, %select_n3A_1752, %select_n3A_2041 : vector<256x128xi1>, vector<256x128xi32>
    %argmin3A_2062 = tpu.reduce_index %select_n3A_2056 {axis = 1 : i32, kind = #tpu.reduction_kind<arg_min>} : vector<256x128xf32> -> vector<256xi32>
    %broadcast_in_dim3A_2063 = vector.shape_cast %argmin3A_2062 : vector<256xi32> to vector<256x1xi32>
    %eq3A_2064 = vector.broadcast %broadcast_in_dim3A_2063 : vector<256x1xi32> to vector<256x128xi32>
    %eq3A_2065 = arith.cmpi eq, %iota3A, %eq3A_2064 : vector<256x128xi32>
    %jit3A_2066 = arith.constant -1 : i32
    %broadcast_in_dim3A_2067 = vector.broadcast %jit3A_2066 : i32 to vector<256x128xi32>
    %select_n3A_2068 = arith.select %eq3A_2065, %select_n3A_2059, %broadcast_in_dim3A_2067 : vector<256x128xi1>, vector<256x128xi32>
    %reduce_max3A_2069 = arith.constant dense<-2147483648> : vector<256xi32>
    %reduce_max3A_2070 = vector.multi_reduction <maxsi>, %select_n3A_2068, %reduce_max3A_2069 [1] : vector<256x128xi32> to vector<256xi32>
    %broadcast_in_dim3A_2071 = vector.shape_cast %reduce_max3A_2070 : vector<256xi32> to vector<256x1xi32>
    %mul3A_2072 = arith.constant 128 : i32
    %mul3A_2073 = vector.broadcast %mul3A_2072 : i32 to vector<256x1xi32>
    %mul3A_2074 = arith.muli %broadcast_in_dim3A_2071, %mul3A_2073 : vector<256x1xi32>
    %add3A_2075 = arith.addi %mul3A_2074, %broadcast_in_dim3A_2063 : vector<256x1xi32>
    %select_n3A_2076 = arith.select %eq3A_2065, %select_n3A_2057, %select_n3A_2056 : vector<256x128xi1>, vector<256x128xf32>
    %select_n3A_2077 = arith.select %eq3A_2065, %select_n3A_2058, %select_n3A_2057 : vector<256x128xi1>, vector<256x128xf32>
    %select_n3A_2078 = arith.select %eq3A_2065, %select_n3A_2060, %select_n3A_2059 : vector<256x128xi1>, vector<256x128xi32>
    %select_n3A_2079 = arith.select %eq3A_2065, %select_n3A_2061, %select_n3A_2060 : vector<256x128xi1>, vector<256x128xi32>
    %argmin3A_2080 = tpu.reduce_index %select_n3A_2076 {axis = 1 : i32, kind = #tpu.reduction_kind<arg_min>} : vector<256x128xf32> -> vector<256xi32>
    %broadcast_in_dim3A_2081 = vector.shape_cast %argmin3A_2080 : vector<256xi32> to vector<256x1xi32>
    %eq3A_2082 = vector.broadcast %broadcast_in_dim3A_2081 : vector<256x1xi32> to vector<256x128xi32>
    %eq3A_2083 = arith.cmpi eq, %iota3A, %eq3A_2082 : vector<256x128xi32>
    %jit3A_2084 = arith.constant -1 : i32
    %broadcast_in_dim3A_2085 = vector.broadcast %jit3A_2084 : i32 to vector<256x128xi32>
    %select_n3A_2086 = arith.select %eq3A_2083, %select_n3A_2078, %broadcast_in_dim3A_2085 : vector<256x128xi1>, vector<256x128xi32>
    %reduce_max3A_2087 = arith.constant dense<-2147483648> : vector<256xi32>
    %reduce_max3A_2088 = vector.multi_reduction <maxsi>, %select_n3A_2086, %reduce_max3A_2087 [1] : vector<256x128xi32> to vector<256xi32>
    %broadcast_in_dim3A_2089 = vector.shape_cast %reduce_max3A_2088 : vector<256xi32> to vector<256x1xi32>
    %mul3A_2090 = arith.constant 128 : i32
    %mul3A_2091 = vector.broadcast %mul3A_2090 : i32 to vector<256x1xi32>
    %mul3A_2092 = arith.muli %broadcast_in_dim3A_2089, %mul3A_2091 : vector<256x1xi32>
    %add3A_2093 = arith.addi %mul3A_2092, %broadcast_in_dim3A_2081 : vector<256x1xi32>
    %select_n3A_2094 = arith.select %eq3A_2083, %select_n3A_2077, %select_n3A_2076 : vector<256x128xi1>, vector<256x128xf32>
    %select_n3A_2095 = arith.select %eq3A_2083, %select_n3A_2079, %select_n3A_2078 : vector<256x128xi1>, vector<256x128xi32>
    %argmin3A_2096 = tpu.reduce_index %select_n3A_2094 {axis = 1 : i32, kind = #tpu.reduction_kind<arg_min>} : vector<256x128xf32> -> vector<256xi32>
    %broadcast_in_dim3A_2097 = vector.shape_cast %argmin3A_2096 : vector<256xi32> to vector<256x1xi32>
    %eq3A_2098 = vector.broadcast %broadcast_in_dim3A_2097 : vector<256x1xi32> to vector<256x128xi32>
    %eq3A_2099 = arith.cmpi eq, %iota3A, %eq3A_2098 : vector<256x128xi32>
    %jit3A_2100 = arith.constant -1 : i32
    %broadcast_in_dim3A_2101 = vector.broadcast %jit3A_2100 : i32 to vector<256x128xi32>
    %select_n3A_2102 = arith.select %eq3A_2099, %select_n3A_2095, %broadcast_in_dim3A_2101 : vector<256x128xi1>, vector<256x128xi32>
    %reduce_max3A_2103 = arith.constant dense<-2147483648> : vector<256xi32>
    %reduce_max3A_2104 = vector.multi_reduction <maxsi>, %select_n3A_2102, %reduce_max3A_2103 [1] : vector<256x128xi32> to vector<256xi32>
    %broadcast_in_dim3A_2105 = vector.shape_cast %reduce_max3A_2104 : vector<256xi32> to vector<256x1xi32>
    %mul3A_2106 = arith.constant 128 : i32
    %mul3A_2107 = vector.broadcast %mul3A_2106 : i32 to vector<256x1xi32>
    %mul3A_2108 = arith.muli %broadcast_in_dim3A_2105, %mul3A_2107 : vector<256x1xi32>
    %add3A_2109 = arith.addi %mul3A_2108, %broadcast_in_dim3A_2097 : vector<256x1xi32>
    %concatenate3A = tpu.concatenate %add3A_1779, %add3A_1802, %add3A_1825, %add3A_1848, %add3A_1871, %add3A_1894, %add3A_1917, %add3A_1940, %add3A_1963, %add3A_1986, %add3A_2009, %add3A_2032, %add3A_2055, %add3A_2075, %add3A_2093, %add3A_2109 in 1 : vector<256x1xi32>, vector<256x1xi32>, vector<256x1xi32>, vector<256x1xi32>, vector<256x1xi32>, vector<256x1xi32>, vector<256x1xi32>, vector<256x1xi32>, vector<256x1xi32>, vector<256x1xi32>, vector<256x1xi32>, vector<256x1xi32>, vector<256x1xi32>, vector<256x1xi32>, vector<256x1xi32>, vector<256x1xi32> -> vector<256x16xi32>
    %swap3A = arith.constant 0 : index
    %swap3A_2110 = arith.constant 0 : index
    %swap3A_2111 = vector.load %arg9[%swap3A, %swap3A_2110] : memref<256x16xi32, #tpu.memory_space<vmem>>, vector<256x16xi32>
    tpu.vector_store %arg9[%swap3A, %swap3A_2110], %concatenate3A {strides = array<i32>} : memref<256x16xi32, #tpu.memory_space<vmem>>, vector<256x16xi32>,
    %get3A_2112 = arith.constant 0 : index
    %get3A_2113 = arith.constant 0 : index
    %get3A_2114 = vector.load %arg5[%get3A_2112, %get3A_2113] : memref<3x128xf32, #tpu.memory_space<vmem>>, vector<3x128xf32>
    %dot_general3A = arith.constant dense<0.000000e+00> : vector<256x128xf32>
    %dot_general3A_2115 = tpu.matmul %get3A_3, %get3A_2114, %dot_general3A {dimension_numbers = #tpu.dot_dimension_numbers<[1], [0], [0], [1], [0, 0, 1, 1], [], []>, transpose_lhs_hint = false} : vector<256x3xf32>, vector<3x128xf32>, vector<256x128xf32> -> vector<256x128xf32>
    %swap3A_2116 = arith.constant 0 : index
    %swap3A_2117 = arith.constant 0 : index
    %swap3A_2118 = vector.load %arg8[%swap3A_2116, %swap3A_2117] : memref<256x128xf32, #tpu.memory_space<vmem>>, vector<256x128xf32>
    tpu.vector_store %arg8[%swap3A_2116, %swap3A_2117], %dot_general3A_2115 {strides = array<i32>} : memref<256x128xf32, #tpu.memory_space<vmem>>, vector<256x128xf32>,
    %get3A_2119 = arith.constant 0 : index
    %get3A_2120 = arith.constant 0 : index
    %get3A_2121 = arith.constant 0 : index
    %get3A_2122 = vector.load %arg3[%get3A_2119, %get3A_2120, %get3A_2121] : memref<1x256x128xf32, #tpu.memory_space<vmem>>, vector<1x256x128xf32>
    %get3A_2123 = vector.shape_cast %get3A_2122 : vector<1x256x128xf32> to vector<256x128xf32>
    %get3A_2124 = arith.constant 0 : index
    %get3A_2125 = arith.constant 0 : index
    %get3A_2126 = vector.load %arg4[%get3A_2124, %get3A_2125] : memref<128x128xf32, #tpu.memory_space<vmem>>, vector<128x128xf32>
    %dot_general3A_2127 = arith.constant dense<0.000000e+00> : vector<256x128xf32>
    %dot_general3A_2128 = tpu.matmul %get3A_2123, %get3A_2126, %dot_general3A_2127 {dimension_numbers = #tpu.dot_dimension_numbers<[1], [0], [0], [1], [0, 0, 1, 1], [], []>, transpose_lhs_hint = false} : vector<256x128xf32>, vector<128x128xf32>, vector<256x128xf32> -> vector<256x128xf32>
    %add3A_2129 = arith.addf %dot_general3A_2128, %dot_general3A_2115 : vector<256x128xf32>
    %get3A_2130 = arith.constant 0 : index
    %get3A_2131 = arith.constant 0 : index
    %get3A_2132 = vector.load %arg6[%get3A_2130, %get3A_2131] : memref<1x128xf32, #tpu.memory_space<vmem>>, vector<1x128xf32>
    %add3A_2133 = vector.broadcast %get3A_2132 : vector<1x128xf32> to vector<256x128xf32>
    %add3A_2134 = arith.addf %add3A_2129, %add3A_2133 : vector<256x128xf32>
    %swap3A_2135 = arith.constant 0 : index
    %swap3A_2136 = arith.constant 0 : index
    %swap3A_2137 = vector.load %arg7[%swap3A_2135, %swap3A_2136] : memref<256x128xf32, #tpu.memory_space<vmem>>, vector<256x128xf32>
    tpu.vector_store %arg7[%swap3A_2135, %swap3A_2136], %add3A_2134 {strides = array<i32>} : memref<256x128xf32, #tpu.memory_space<vmem>>, vector<256x128xf32>,
    return
  }
  func.func @transform_0(%arg0: i32) -> (i32, i32, i32) {
    %c0_i32 = arith.constant 0 : i32
    %c0_i32_0 = arith.constant 0 : i32
    %c0_i32_1 = arith.constant 0 : i32
    return %c0_i32, %arg0, %c0_i32_0 : i32, i32, i32
  }
  func.func @transform_1(%arg0: i32) -> (i32, i32, i32) {
    %c0_i32 = arith.constant 0 : i32
    %c0_i32_0 = arith.constant 0 : i32
    %c0_i32_1 = arith.constant 0 : i32
    %c0_i32_2 = arith.constant 0 : i32
    return %c0_i32, %c0_i32_0, %c0_i32_1 : i32, i32, i32
  }
  func.func @transform_2(%arg0: i32) -> (i32, i32, i32) {
    %c0_i32 = arith.constant 0 : i32
    %c0_i32_0 = arith.constant 0 : i32
    %c0_i32_1 = arith.constant 0 : i32
    return %c0_i32, %arg0, %c0_i32_0 : i32, i32, i32
  }
  func.func @transform_3(%arg0: i32) -> (i32, i32) {
    %c0_i32 = arith.constant 0 : i32
    %c0_i32_0 = arith.constant 0 : i32
    %c0_i32_1 = arith.constant 0 : i32
    return %c0_i32, %c0_i32_0 : i32, i32
  }
  func.func @transform_4(%arg0: i32) -> (i32, i32) {
    %c0_i32 = arith.constant 0 : i32
    %c0_i32_0 = arith.constant 0 : i32
    %c0_i32_1 = arith.constant 0 : i32
    return %c0_i32, %c0_i32_0 : i32, i32
  }
  func.func @transform_5(%arg0: i32) -> (i32, i32) {
    %c0_i32 = arith.constant 0 : i32
    %c0_i32_0 = arith.constant 0 : i32
    %c0_i32_1 = arith.constant 0 : i32
    return %c0_i32, %c0_i32_0 : i32, i32
  }
  func.func @transform_6(%arg0: i32) -> (i32, i32) {
    %c0_i32 = arith.constant 0 : i32
    %c0_i32_0 = arith.constant 0 : i32
    return %arg0, %c0_i32 : i32, i32
  }
  func.func @transform_7(%arg0: i32) -> (i32, i32) {
    %c0_i32 = arith.constant 0 : i32
    %c0_i32_0 = arith.constant 0 : i32
    return %arg0, %c0_i32 : i32, i32
  }
  func.func @transform_8(%arg0: i32) -> (i32, i32) {
    %c0_i32 = arith.constant 0 : i32
    %c0_i32_0 = arith.constant 0 : i32
    return %arg0, %c0_i32 : i32, i32
  }
}

module attributes {stable_mosaic.version = 14 : i64} {
  func.func @_stage_c_body(%arg0: i32, %arg1: memref<2048x128xf32, #tpu.memory_space<vmem>>, %arg2: memref<128x128xf32, #tpu.memory_space<vmem>>, %arg3: memref<128x128xf32, #tpu.memory_space<vmem>>, %arg4: memref<1x128xf32, #tpu.memory_space<vmem>>, %arg5: memref<128x256xf32, #tpu.memory_space<vmem>>, %arg6: memref<1x256xf32, #tpu.memory_space<vmem>>, %arg7: memref<128x256xf32, #tpu.memory_space<vmem>>) attributes {dimension_semantics = [#tpu.dimension_semantics<arbitrary>], iteration_bounds = array<i64: 32>, scalar_prefetch = 0 : i64, scratch_operands = 0 : i64, tpu.core_type = #tpu.core_type<tc>, window_params = [{transform_indices = @transform_0, window_bounds = array<i64: 2048, 128>}, {transform_indices = @transform_1, window_bounds = array<i64: 128, 128>}, {pipeline_mode = #tpu.pipeline_mode<synchronous>, transform_indices = @transform_2, window_bounds = array<i64: 128, 128>}, {pipeline_mode = #tpu.pipeline_mode<synchronous>, transform_indices = @transform_3, window_bounds = array<i64: 1, 128>}, {pipeline_mode = #tpu.pipeline_mode<synchronous>, transform_indices = @transform_4, window_bounds = array<i64: 128, 256>}, {pipeline_mode = #tpu.pipeline_mode<synchronous>, transform_indices = @transform_5, window_bounds = array<i64: 1, 256>}, {transform_indices = @transform_6, window_bounds = array<i64: 128, 256>}]} {
    %get3A = arith.constant 0 : index
    %get3A_0 = arith.constant 0 : index
    %get3A_1 = vector.load %arg1[%get3A, %get3A_0] : memref<2048x128xf32, #tpu.memory_space<vmem>>, vector<2048x128xf32>
    %reshape3A = vector.shape_cast %get3A_1 : vector<2048x128xf32> to vector<128x16x128xf32>
    %get3A_2 = arith.constant 0 : index
    %get3A_3 = arith.constant 0 : index
    %get3A_4 = vector.load %arg2[%get3A_2, %get3A_3] : memref<128x128xf32, #tpu.memory_space<vmem>>, vector<128x128xf32>
    %broadcast_in_dim3A = vector.shape_cast %get3A_4 : vector<128x128xf32> to vector<128x1x128xf32>
    %sub3A = vector.broadcast %broadcast_in_dim3A : vector<128x1x128xf32> to vector<128x16x128xf32>
    %sub3A_5 = arith.subf %reshape3A, %sub3A : vector<128x16x128xf32>
    %mul3A = arith.constant 1.000000e-01 : f32
    %mul3A_6 = vector.broadcast %mul3A : f32 to vector<128x16x128xf32>
    %mul3A_7 = arith.mulf %mul3A_6, %sub3A_5 : vector<128x16x128xf32>
    %max3A = arith.maximumf %sub3A_5, %mul3A_7 : vector<128x16x128xf32>
    %reshape3A_8 = vector.shape_cast %max3A : vector<128x16x128xf32> to vector<2048x128xf32>
    %get3A_9 = arith.constant 0 : index
    %get3A_10 = arith.constant 0 : index
    %get3A_11 = vector.load %arg3[%get3A_9, %get3A_10] : memref<128x128xf32, #tpu.memory_space<vmem>>, vector<128x128xf32>
    %dot_general3A = arith.constant dense<0.000000e+00> : vector<2048x128xf32>
    %dot_general3A_12 = tpu.matmul %reshape3A_8, %get3A_11, %dot_general3A {dimension_numbers = #tpu.dot_dimension_numbers<[1], [0], [0], [1], [0, 0, 1, 1], [], []>, transpose_lhs_hint = false} : vector<2048x128xf32>, vector<128x128xf32>, vector<2048x128xf32> -> vector<2048x128xf32>
    %get3A_13 = arith.constant 0 : index
    %get3A_14 = arith.constant 0 : index
    %get3A_15 = vector.load %arg4[%get3A_13, %get3A_14] : memref<1x128xf32, #tpu.memory_space<vmem>>, vector<1x128xf32>
    %add3A = vector.broadcast %get3A_15 : vector<1x128xf32> to vector<2048x128xf32>
    %add3A_16 = arith.addf %dot_general3A_12, %add3A : vector<2048x128xf32>
    %mul3A_17 = arith.constant 1.000000e-01 : f32
    %mul3A_18 = vector.broadcast %mul3A_17 : f32 to vector<2048x128xf32>
    %mul3A_19 = arith.mulf %mul3A_18, %add3A_16 : vector<2048x128xf32>
    %max3A_20 = arith.maximumf %add3A_16, %mul3A_19 : vector<2048x128xf32>
    %get3A_21 = arith.constant 0 : index
    %get3A_22 = arith.constant 0 : index
    %get3A_23 = vector.load %arg5[%get3A_21, %get3A_22] : memref<128x256xf32, #tpu.memory_space<vmem>>, vector<128x256xf32>
    %dot_general3A_24 = arith.constant dense<0.000000e+00> : vector<2048x256xf32>
    %dot_general3A_25 = tpu.matmul %max3A_20, %get3A_23, %dot_general3A_24 {dimension_numbers = #tpu.dot_dimension_numbers<[1], [0], [0], [1], [0, 0, 1, 1], [], []>, transpose_lhs_hint = false} : vector<2048x128xf32>, vector<128x256xf32>, vector<2048x256xf32> -> vector<2048x256xf32>
    %get3A_26 = arith.constant 0 : index
    %get3A_27 = arith.constant 0 : index
    %get3A_28 = vector.load %arg6[%get3A_26, %get3A_27] : memref<1x256xf32, #tpu.memory_space<vmem>>, vector<1x256xf32>
    %add3A_29 = vector.broadcast %get3A_28 : vector<1x256xf32> to vector<2048x256xf32>
    %add3A_30 = arith.addf %dot_general3A_25, %add3A_29 : vector<2048x256xf32>
    %mul3A_31 = arith.constant 1.000000e-01 : f32
    %mul3A_32 = vector.broadcast %mul3A_31 : f32 to vector<2048x256xf32>
    %mul3A_33 = arith.mulf %mul3A_32, %add3A_30 : vector<2048x256xf32>
    %max3A_34 = arith.maximumf %add3A_30, %mul3A_33 : vector<2048x256xf32>
    %reshape3A_35 = vector.shape_cast %max3A_34 : vector<2048x256xf32> to vector<128x16x256xf32>
    %reduce_max3A = arith.constant dense<0xFF800000> : vector<128x256xf32>
    %reduce_max3A_36 = vector.multi_reduction <maximumf>, %reshape3A_35, %reduce_max3A [1] : vector<128x16x256xf32> to vector<128x256xf32>
    %swap3A = arith.constant 0 : index
    %swap3A_37 = arith.constant 0 : index
    %swap3A_38 = vector.load %arg7[%swap3A, %swap3A_37] : memref<128x256xf32, #tpu.memory_space<vmem>>, vector<128x256xf32>
    tpu.vector_store %arg7[%swap3A, %swap3A_37], %reduce_max3A_36 {strides = array<i32>} : memref<128x256xf32, #tpu.memory_space<vmem>>, vector<128x256xf32>,
    return
  }
  func.func @transform_0(%arg0: i32) -> (i32, i32) {
    %c0_i32 = arith.constant 0 : i32
    %c0_i32_0 = arith.constant 0 : i32
    return %arg0, %c0_i32 : i32, i32
  }
  func.func @transform_1(%arg0: i32) -> (i32, i32) {
    %c0_i32 = arith.constant 0 : i32
    %c0_i32_0 = arith.constant 0 : i32
    return %arg0, %c0_i32 : i32, i32
  }
  func.func @transform_2(%arg0: i32) -> (i32, i32) {
    %c0_i32 = arith.constant 0 : i32
    %c0_i32_0 = arith.constant 0 : i32
    %c0_i32_1 = arith.constant 0 : i32
    return %c0_i32, %c0_i32_0 : i32, i32
  }
  func.func @transform_3(%arg0: i32) -> (i32, i32) {
    %c0_i32 = arith.constant 0 : i32
    %c0_i32_0 = arith.constant 0 : i32
    %c0_i32_1 = arith.constant 0 : i32
    return %c0_i32, %c0_i32_0 : i32, i32
  }
  func.func @transform_4(%arg0: i32) -> (i32, i32) {
    %c0_i32 = arith.constant 0 : i32
    %c0_i32_0 = arith.constant 0 : i32
    %c0_i32_1 = arith.constant 0 : i32
    return %c0_i32, %c0_i32_0 : i32, i32
  }
  func.func @transform_5(%arg0: i32) -> (i32, i32) {
    %c0_i32 = arith.constant 0 : i32
    %c0_i32_0 = arith.constant 0 : i32
    %c0_i32_1 = arith.constant 0 : i32
    return %c0_i32, %c0_i32_0 : i32, i32
  }
  func.func @transform_6(%arg0: i32) -> (i32, i32) {
    %c0_i32 = arith.constant 0 : i32
    %c0_i32_0 = arith.constant 0 : i32
    return %arg0, %c0_i32 : i32, i32
  }
}

</mosaic_0001>

<sc_bundles>
// kernel: kernel.14.cloned.1.call-start
scs
__scs_entry_jumppad:
0x0: {  	(pc) =	sbr.rel $0x88, $3  }
0x1: {  	(tag) =	ssettag $0x0;
	lr =	simm.s32 $0x1  }
0x2: {  	[smem:$0x3F99] =	sst lr;
	_ =	strace $0xD0000000  }
0x3: {  	_ = 	snop  }
0x4: {  	_ = 	snop  }
0x5: {  	_ = 	snop  }
0x6: {  	_ = 	snop  }
0x7: {  	_ = 	snop  }
__scs_overlays_trampoline_lowered:
0x8: {  	[smem:$0x3FA8] =	sst s0  }
0x9: {  	[smem:$0x3FA9] =	sst s1  }
0xa: {  	[smem:$0x3FAA] =	sst s2  }
0xb: {  	[smem:$0x3FAB] =	sst s3  }
0xc: {  	[smem:$0x3FAC] =	sst s4  }
0xd: {  	[smem:$0x3FAD] =	sst s5  }
0xe: {  	[smem:$0x3FAE] =	sst s6  }
0xf: {  	[smem:$0x3FAF] =	sst s7  }
0x10: {  	[smem:$0x3FB0] =	sst s8  }
0x11: {  	[smem:$0x3FB1] =	sst s9;
	s0 =	simm.s32 @!p0 $0x0  }
0x12: {  	s1 =	sld [smem:$0x3F97];
	s0 =	simm.s32 @p0 $0x1  }
0x13: {  	[smem:$0x3FB2] =	sst s0;
	s0 =	simm.s32 @!p1 $0x0  }
0x14: {  	s2 =	sld [smem:$0x3F96];
	s0 =	simm.s32 @p1 $0x1  }
0x15: {  	[smem:$0x3FB3] =	sst s0;
	s0 =	simm.s32 @!p2 $0x0  }
0x16: {  	s3 =	sld [smem:$0x3FDB];
	s0 =	simm.s32 @p2 $0x1  }
0x17: {  	s4 =	simm.s32 $0x1BF5;
	[smem:$0x3FB5] =	sst s0  }
0x18: {  	s0 =	sld [smem:$0x3F98];
	_ =	swait.ge [sflag:s4], $0x0  }
0x19: {  	s7 =	sld [smem:$0x3F99]  }
0x1a: {  	s8 =	sadd.s32 $0xFFFFE003, lr  }
0x1b: {  	s9 =	sadd.s32 $0xFFFFFEF7, lr;
	s5 =	simm.s32 $0xFFFFFFFF;
	p2 =	slt.u32 s8, $0xFFFFF086  }
0x1c: {  	p1 =	slt.u32 s9, $0xF7A;
	s5 =	simm.s32 @!p2 $0x0  }
0x1d: {  	s5 =	simm.s32 @p1 $0x1;
	p0 =	seq.s32 s7, s2  }
0x1e: {  	s7 =	smul.u32 @!p0 $0xF7A, s2;
	p2 =	seq.s32 @!p0 s5, $0x0  }
0x1f: {  	s9 =	smul.u32 $0xF7A, s1;
	s8 =	simm.s32 @!p0 $0x1BF5;
	p2 =	por !p2, p0  }
0x20: {  	[sflag:s8] =	ssyncset.s32 @!p0 $0xFFFFF086;
	s6 =	sadd.s32 @!p0 s3, s7;
	s7 =	simm.s32 @!p0 $0x108  }
0x21: {  	s3 =	sadd.s32 s3, s9;
	s6 =	sadd.s32 @!p0 $0x88, s6;
	s7 =	simm.s32 @p2 $0x1082  }
0x22: {  	[simem:s7], [sflag:s8] =	dma.local @!p0 [hbm:s6], $0xF7A  }
0x23: {  	s9 =	sor.u32 $0xD0000000, s2;
	s6 =	simm.s32 $0x108;
	_ =	swait.ge @!p0 [sflag:s8], $0x0  }
0x24: {  	s3 =	sadd.s32 $0x88, s3;
	s6 =	simm.s32 @!p1 $0x1082;
	[sflag:s4] =	ssyncset.s32 $0xFFFFF086  }
0x25: {  	[simem:s6], [sflag:s4] =	dma.local [hbm:s3], $0xF7A  }
0x26: {  	[smem:$0x3F99] =	sst s1;
	(tag) =	ssettag s2;
	_ =	strace s9  }
0x27: {  	s1 =	sld [smem:$0x3FA9]  }
0x28: {  	s2 =	sld [smem:$0x3FAA]  }
0x29: {  	s4 =	sld [smem:$0x3FAC]  }
0x2a: {  	p0 =	seq.s32 s5, $0x0;
	s5 =	sld [smem:$0x3FAD]  }
0x2b: {  	s6 =	sld [smem:$0x3FAE]  }
0x2c: {  	s7 =	sld [smem:$0x3FAF]  }
0x2d: {  	s3 =	simm.s32 $0x108;
	s8 =	sld [smem:$0x3FB0]  }
0x2e: {  	s3 =	simm.s32 @!p0 $0x1082;
	s9 =	sld [smem:$0x3FB1]  }
0x2f: {  	lr =	sadd.s32 s0, s3;
	s0 =	sld [smem:$0x3FA8]  }
0x30: {  	s3 =	sld [smem:$0x3FAB]  }
0x31: {  	[smem:$0x3FB4] =	sst s10  }
0x32: {  	s10 =	sld [smem:$0x3FB2];
	_ =	sdelay $0x3  }
0x33: {  	p0 =	seq.s32 s10, $0x1;
	s10 =	sld [smem:$0x3FB4];
	_ =	sdelay $0x3  }
0x34: {  	[smem:$0x3FB4] =	sst s10  }
0x35: {  	s10 =	sld [smem:$0x3FB3];
	_ =	sdelay $0x3  }
0x36: {  	p1 =	seq.s32 s10, $0x1;
	s10 =	sld [smem:$0x3FB4];
	_ =	sdelay $0x3  }
0x37: {  	[smem:$0x3FB4] =	sst s10  }
0x38: {  	s10 =	sld [smem:$0x3FB5]  }
0x39: {  	_ = 	snop;
	(pc) =	sbr.ind lr, $3  }
0x3a: {  	_ = 	snop  }
0x3b: {  	_ = 	snop  }
0x3c: {  	p2 =	seq.s32 s10, $0x1;
	s10 =	sld [smem:$0x3FB4]  }
0x3d: {  	_ =	shalt  }
0x3e: {  	_ =	shalt  }
0x3f: {  	_ =	shalt  }
0x40: {  	_ =	shalt  }
0x41: {  	_ =	shalt  }
0x42: {  	_ =	shalt  }
0x43: {  	_ =	shalt  }
0x44: {  	_ =	shalt  }
0x45: {  	_ =	shalt  }
0x46: {  	_ =	shalt  }
0x47: {  	_ =	shalt  }
0x48: {  	_ =	shalt  }
0x49: {  	_ =	shalt  }
0x4a: {  	_ =	shalt  }
0x4b: {  	_ =	shalt  }
0x4c: {  	_ =	shalt  }
0x4d: {  	_ =	shalt  }
0x4e: {  	_ =	shalt  }
0x4f: {  	_ =	shalt  }
0x50: {  	_ =	shalt  }
0x51: {  	_ =	shalt  }
0x52: {  	_ =	shalt  }
0x53: {  	_ =	shalt  }
0x54: {  	_ =	shalt  }
0x55: {  	_ =	shalt  }
0x56: {  	_ =	shalt  }
0x57: {  	_ =	shalt  }
0x58: {  	_ =	shalt  }
0x59: {  	_ =	shalt  }
0x5a: {  	_ =	shalt  }
0x5b: {  	_ =	shalt  }
0x5c: {  	_ =	shalt  }
0x5d: {  	_ =	shalt  }
0x5e: {  	_ =	shalt  }
0x5f: {  	_ =	shalt  }
0x60: {  	_ =	shalt  }
0x61: {  	_ =	shalt  }
0x62: {  	_ =	shalt  }
0x63: {  	_ =	shalt  }
0x64: {  	_ =	shalt  }
0x65: {  	_ =	shalt  }
0x66: {  	_ =	shalt  }
0x67: {  	_ =	shalt  }
0x68: {  	_ =	shalt  }
0x69: {  	_ =	shalt  }
0x6a: {  	_ =	shalt  }
0x6b: {  	_ =	shalt  }
0x6c: {  	_ =	shalt  }
0x6d: {  	_ =	shalt  }
0x6e: {  	_ =	shalt  }
0x6f: {  	_ =	shalt  }
0x70: {  	_ =	shalt  }
0x71: {  	_ =	shalt  }
0x72: {  	_ =	shalt  }
0x73: {  	_ =	shalt  }
0x74: {  	_ =	shalt  }
0x75: {  	_ =	shalt  }
0x76: {  	_ =	shalt  }
0x77: {  	_ =	shalt  }
0x78: {  	_ =	shalt  }
0x79: {  	_ =	shalt  }
0x7a: {  	_ =	shalt  }
0x7b: {  	_ =	shalt  }
0x7c: {  	_ =	shalt  }
0x7d: {  	_ =	shalt  }
0x7e: {  	_ =	shalt  }
0x7f: {  	_ =	shalt  }
0x80: {  	_ =	shalt  }
0x81: {  	_ =	shalt  }
0x82: {  	_ =	shalt  }
0x83: {  	_ =	shalt  }
0x84: {  	_ =	shalt  }
0x85: {  	_ =	shalt  }
0x86: {  	_ =	shalt  }
0x87: {  	_ =	shalt  }
.Lfunc_end0:
.L_simem_size_0:
called_computation_lowered:
.L_overlay_start_0:
0x88: {  	s2 =	sld [smem:$0x3FD9]  }
0x89: {  	s3 =	sld [smem:$0x3FFE];
	_ =	sdelay $0x1  }
0x8a: {  	s1 =	srdreg.scid  }
0x8b: {  	s0 =	sand.u32 $0x1, s1  }
0x8c: {  	s16 =	sshll.u32 s0, $0xA;
	s2 =	sadd.s32 s3, s2  }
0x8d: {  	s2 =	sadd.s32 s2, s16  }
0x8e: {  	[smem:$0x3FC0] =	sst s2  }
0x8f: {  	_ = 	snop  }
0x90: {  	(tm) =	ssettm $0x1  }
0x91: {  	s17 =	sld [smem:$0x3FFB];
	_ =	sdelay $0x3  }
0x92: {  	_ =	strace s17  }
0x93: {  	s2 =	sld [smem:$0x3FFC];
	_ =	sdelay $0x3  }
0x94: {  	_ =	strace s2  }
0x95: {  	s2 =	sld [smem:$0x3FFD];
	_ =	sdelay $0x3  }
0x96: {  	_ =	strace s2  }
0x97: {  	_ =	strace $0x8FFFFFFF  }
0x98: {  	s18 =	sld [smem:$0x3FDB];
	_ =	sdelay $0x1  }
0x99: {  	s19 =	simm.s32 $_scs_section_size  }
0x9a: {  	s4 =	simm.s32 $_size__tile_overlayer_lowered;
	s5 =	simm.s32 $_tile_overlayer_lowered  }
0x9b: {  	s22 =	simm.s32 $0x1BFF;
	s21 =	sshll.u32 s5, $0x1;
	s2 =	sadd.s32 s19, s18  }
0x9c: {  	s6 =	simm.s32 $0x0;
	s20 =	sshll.u32 s4, $0x1;
	s4 =	sadd.s32 s21, s2  }
0x9d: {  	[timem:s6], [sflag:s22] =	dma.local [hbm:s4], s20  }
0x9e: {  	_ =	swait.ge [sflag:s22], s20  }
0x9f: {  	s3 =	ssub.s32 $0x0, s20;
	[sflag:s22] =	ssyncset.done $0x0  }
0xa0: {  	[sflag:s22] =	ssyncadd.s32 s3;
	_ =	sdelay $0x1  }
0xa1: {  	s23 =	simm.s32 $0x1B8B  }
0xa2: {  	_ =	swait.ge [sflag:s23], $0x1  }
0xa3: {  	[sflag:s23] =	ssyncset.done $0x0  }
0xa4: {  	s25 =	simm.s32 $0x1B8E;
	s24 =	sld [smem:$0x3FFE];
	[sflag:s23] =	ssyncadd.s32 $0xFFFFFFFF  }
0xa5: {  	s26 =	simm.s32 $execute0_lowered;
	[smem:$0x3FD2] =	sst s25  }
0xa6: {  	s4 =	sshll.u32 s26, $0x1;
	_ =	strace $0x80000046;
	[dreg:$0x1] =	wrdreg $0xFFFFFFFF  }
0xa7: {  	s28 =	simm.s32 $_size_execute0_lowered;
	s2 =	sadd.s32 s2, s4;
	[dreg:$0x0] =	wrdreg $0x0  }
0xa8: {  	s4 =	sshll.u32 s28, $0x1;
	[dreg:$0x2] =	wrdreg s2  }
0xa9: {  	[dreg:$0x3] =	wrdreg s4  }
0xaa: {  	[dreg:$0x4] =	wrdreg $0xC0  }
0xab: {  	_ =	task [dreg:s6], $0x5FFFF  }
0xac: {  	[dreg:$0x1] =	wrdreg $0xFFFFFFFF  }
0xad: {  	[dreg:$0x0] =	wrdreg $0x60  }
0xae: {  	[dreg:$0x2] =	wrdreg s24  }
0xaf: {  	[dreg:$0x3] =	wrdreg $0x9  }
0xb0: {  	_ =	task.clear_ibuf [dreg:s6], $0x4FFFF;
	_ =	strace $0x90000046  }
0xb1: {  	s29 =	simm.s32 $0x9;
	_ =	strace $0x80000048  }
0xb2: {  	_ =	swait.ge [sflag:s29], $0x1  }
0xb3: {  	[sflag:s29] =	ssyncadd.s32 $0xFFFFFFFF  }
0xb4: {  	_ =	strace $0x90000048  }
0xb5: {  	_ =	sfence  }
0xb6: {  	s30 =	sld [smem:$0x0];
	_ =	sdelay $0x2  }
0xb7: {  	s31 =	sshll.u32 s1, $0xD;
	s1 =	sshrl.u32 s1, $0x2  }
0xb8: {  	s3 =	sand.u32 $0x4000, s31;
	s1 =	sadd.s32 s1, s30  }
0xb9: {  	s0 =	sor.u32 s3, s0;
	s1 =	sshll.u32 s1, $0x11  }
0xba: {  	s0 =	sor.u32 s1, s0  }
0xbb: {  	s0 =	sadd.s32 $0x8F2B, s0  }
0xbc: {  	[sflag:s0] =	ssyncadd.remote.s32 $0x1  }
0xbd: {  	_ =	sfence.sel $0xFFFF  }
0xbe: {  	[dreg:$0x0] =	wrdreg $0xFFFFFFFF;
	(pc) =	sbr.abs _section_cstart, $3  }
0xbf: {  	[dreg:$0x1] =	wrdreg $0xFFFFFFFF  }
0xc0: {  	_ =	task.clear_ibuf [dreg:s6], $0x2FFFF;
	_ =	strace $0x9FFFFFFF  }
0xc1: {  	(tm) =	ssettm $0x7FFFFFFF  }
tec
execute0_lowered:
.L_overlay_start_1:
0x0: {  	(tag) =	ssettag $0x1  }
0x1: {  	s4 =	rddreg [dreg:$0x0]  }
0x2: {  	s0 =	rddreg [dreg:$0x1];
	s2 =	simm.s32 $0x0;
	s1 =	stileid.u32  }
0x3: {  	s5 =	srdreg.scid;
	s11 =	simm.s32 $0x1;
	s12 =	simm.s32 $0x4100  }
0x4: {  	s13 =	simm.s32 $0x2;
	s14 =	simm.s32 $0x0;
	[smem:$0x7FF] =	sst s2  }
0x5: {  	s3 =	sadd.s32 $0x3A00, s4;
	s6 =	sshll.u32 s1, $0x10;
	s5 =	sand.u32 $0x1, s5  }
0x6: {  	s7 =	sadd.s32 $0x23A00, s4;
	s9 =	sshll.u32 s1, $0xC;
	_ =	strace $0x80000047  }
0x7: {  	s6 =	sadd.s32 s6, s4;
	s29 =	ssub.s32 $0x2, s5;
	s10 =	sshll.u32 s5, $0xB  }
0x8: {  	s5 =	sshll.u32 s5, $0xF;
	s8 =	sshrl.u32 s29, $0x1;
	s30 =	sor.u32 s10, s9  }
0x9: {  	s5 =	sadd.s32 s5, s6;
	s9 =	simm.s32 $0x80;
	s10 =	simm.s32 $0x100  }
0xa: {  	s4 =	ssub.s32 s29, s8;
	s31 =	sor.u32 $0x80, s30;
	s5 =	sadd.s32 $0x26200, s5  }
0xb: {  	s8 =	sshrl.u32 s30, $0x3;
	s4 =	smax.u32 s4, $0x1;
	s6 =	sshrl.u32 s31, $0x3  }
0xc: {  	s6 =	sadd.s32 s6, s7;
	s7 =	sadd.s32 s8, s7;
	s8 =	simm.s32 $0x3  }
.LBB2_1:
0xd: {  	s15 =	sadd.s32 $0x0, s7  }
0xe: {  	[tilespmem:s2], [sflag:$0x3] =	stream.linear.gather [hbm4b:s15+s2], $0x80, $0x38;
	[tilespmem:$0x8100] =	vst v63  }
0xf: {  	_ =	swait.ge [sflag:s8], $0x80  }
0x10: {  	[sflag:s8] =	ssyncset.done $0x0  }
0x11: {  	[sflag:s8] =	ssyncadd.s32 $0xFFFFFF80  }
0x12: {  	[tilespmem:s10], [sflag:$0x1] =	stream.indirect.gather [hbm4b:s3+s9], $0x80, s2, s9, $0xb8;
	[tilespmem:$0x8100] =	vst v63  }
0x13: {  	_ =	swait.ge [sflag:s11], $0x4000  }
0x14: {  	[sflag:s11] =	ssyncset.done $0x0  }
0x15: {  	s30 =	sadd.s32 $0xFFFFF800, s5;
	[sflag:s11] =	ssyncadd.s32 $0xFFFFC000  }
0x16: {  	[hbm4b:s30+s2] =	stream.linear.scatter [tilespmem:s10], [sflag:$0x3], $0x4000, $0x38;
	[tilespmem:$0x8100] =	vst v63  }
0x17: {  	_ =	swait.ge [sflag:s8], $0x4000  }
0x18: {  	[sflag:s8] =	ssyncset.done $0x0  }
0x19: {  	s31 =	sadd.s32 $0x0, s6;
	[sflag:s8] =	ssyncadd.s32 $0xFFFFC000  }
0x1a: {  	[tilespmem:s9], [sflag:$0x3] =	stream.linear.gather [hbm4b:s31+s2], $0x80, $0x38;
	[tilespmem:$0x8100] =	vst v63  }
0x1b: {  	_ =	swait.ge [sflag:s8], $0x80  }
0x1c: {  	[sflag:s8] =	ssyncset.done $0x0  }
0x1d: {  	[sflag:s8] =	ssyncadd.s32 $0xFFFFFF80  }
0x1e: {  	[tilespmem:s12], [sflag:$0x2] =	stream.indirect.gather [hbm4b:s3+s9], $0x80, s9, s9, $0xb8;
	[tilespmem:$0x8100] =	vst v63  }
0x1f: {  	_ =	swait.ge [sflag:s13], $0x4000  }
0x20: {  	[sflag:s13] =	ssyncset.done $0x0  }
0x21: {  	[sflag:s13] =	ssyncadd.s32 $0xFFFFC000  }
0x22: {  	[hbm4b:s5+s2] =	stream.linear.scatter [tilespmem:s12], [sflag:$0x3], $0x4000, $0x38;
	[tilespmem:$0x8100] =	vst v63  }
0x23: {  	s16 =	simm.s32 $0x20;
	_ =	swait.ge [sflag:s8], $0x4000  }
0x24: {  	s17 =	simm.s32 $0x40;
	s15 =	sadd.s32 $0x1000, s5;
	[sflag:s8] =	ssyncset.done $0x0  }
.LBB2_2:
0x25: {  	s18 =	sadd.s32 s16, s7  }
0x26: {  	[sflag:s8] =	ssyncadd.s32 $0xFFFFC000;
	s19 =	smov.u32 s17;
	s20 =	sadd.s32 $0x20, s17  }
0x27: {  	[tilespmem:s2], [sflag:$0x3] =	stream.linear.gather [hbm4b:s18+s2], $0x80, $0x38;
	[tilespmem:$0x8100] =	vst v63  }
0x28: {  	p0 =	sne.s32 s17, $0xE0;
	_ =	swait.ge [sflag:s8], $0x80  }
0x29: {  	[sflag:s8] =	ssyncset.done $0x0  }
0x2a: {  	[sflag:s8] =	ssyncadd.s32 $0xFFFFFF80  }
0x2b: {  	[tilespmem:s10], [sflag:$0x1] =	stream.indirect.gather [hbm4b:s3+s9], $0x80, s2, s9, $0xb8;
	[tilespmem:$0x8100] =	vst v63  }
0x2c: {  	_ =	swait.ge [sflag:s11], $0x4000  }
0x2d: {  	[sflag:s11] =	ssyncset.done $0x0  }
0x2e: {  	s17 =	sadd.s32 $0xFFFFF800, s15;
	[sflag:s11] =	ssyncadd.s32 $0xFFFFC000  }
0x2f: {  	[hbm4b:s17+s2] =	stream.linear.scatter [tilespmem:s10], [sflag:$0x3], $0x4000, $0x38;
	[tilespmem:$0x8100] =	vst v63  }
0x30: {  	_ =	swait.ge [sflag:s8], $0x4000  }
0x31: {  	[sflag:s8] =	ssyncset.done $0x0  }
0x32: {  	s17 =	sadd.s32 s16, s6;
	s16 =	smov.u32 s19;
	[sflag:s8] =	ssyncadd.s32 $0xFFFFC000  }
0x33: {  	[tilespmem:s9], [sflag:$0x3] =	stream.linear.gather [hbm4b:s17+s2], $0x80, $0x38;
	[tilespmem:$0x8100] =	vst v63  }
0x34: {  	_ =	swait.ge [sflag:s8], $0x80  }
0x35: {  	[sflag:s8] =	ssyncset.done $0x0  }
0x36: {  	[sflag:s8] =	ssyncadd.s32 $0xFFFFFF80  }
0x37: {  	[tilespmem:s12], [sflag:$0x2] =	stream.indirect.gather [hbm4b:s3+s9], $0x80, s9, s9, $0xb8;
	[tilespmem:$0x8100] =	vst v63  }
0x38: {  	_ =	swait.ge [sflag:s13], $0x4000  }
.Ltmp0:
0x39: {  	[sflag:s13] =	ssyncset.done $0x0;
	(pc) =	sbr.rel @p0 .LBB2_2-.Ltmp0, $4  }
0x3a: {  	[sflag:s13] =	ssyncadd.s32 $0xFFFFC000  }
0x3b: {  	[hbm4b:s15+s2] =	stream.linear.scatter [tilespmem:s12], [sflag:$0x3], $0x4000, $0x38;
	[tilespmem:$0x8100] =	vst v63  }
0x3c: {  	_ =	swait.ge [sflag:s8], $0x4000  }
0x3d: {  	s17 =	smov.u32 s20;
	s15 =	sadd.s32 $0x1000, s15;
	[sflag:s8] =	ssyncset.done $0x0  }
0x3e: {  	s17 =	sadd.s32 s16, s7;
	[sflag:s8] =	ssyncadd.s32 $0xFFFFC000  }
0x3f: {  	[tilespmem:s2], [sflag:$0x3] =	stream.linear.gather [hbm4b:s17+s2], $0x80, $0x38;
	[tilespmem:$0x8100] =	vst v63  }
0x40: {  	_ =	swait.ge [sflag:s8], $0x80  }
0x41: {  	[sflag:s8] =	ssyncset.done $0x0  }
0x42: {  	[sflag:s8] =	ssyncadd.s32 $0xFFFFFF80  }
0x43: {  	[tilespmem:s10], [sflag:$0x1] =	stream.indirect.gather [hbm4b:s3+s9], $0x80, s2, s9, $0xb8;
	[tilespmem:$0x8100] =	vst v63  }
0x44: {  	_ =	swait.ge [sflag:s11], $0x4000  }
0x45: {  	[sflag:s11] =	ssyncset.done $0x0  }
0x46: {  	s30 =	sadd.s32 $0xFFFFF800, s15;
	[sflag:s11] =	ssyncadd.s32 $0xFFFFC000  }
0x47: {  	[hbm4b:s30+s2] =	stream.linear.scatter [tilespmem:s10], [sflag:$0x3], $0x4000, $0x38;
	[tilespmem:$0x8100] =	vst v63  }
0x48: {  	_ =	swait.ge [sflag:s8], $0x4000  }
0x49: {  	[sflag:s8] =	ssyncset.done $0x0  }
0x4a: {  	s31 =	sadd.s32 s16, s6;
	[sflag:s8] =	ssyncadd.s32 $0xFFFFC000  }
0x4b: {  	[tilespmem:s9], [sflag:$0x3] =	stream.linear.gather [hbm4b:s31+s2], $0x80, $0x38;
	[tilespmem:$0x8100] =	vst v63  }
0x4c: {  	_ =	swait.ge [sflag:s8], $0x80  }
0x4d: {  	[sflag:s8] =	ssyncset.done $0x0  }
0x4e: {  	[sflag:s8] =	ssyncadd.s32 $0xFFFFFF80  }
0x4f: {  	[tilespmem:s12], [sflag:$0x2] =	stream.indirect.gather [hbm4b:s3+s9], $0x80, s9, s9, $0xb8;
	[tilespmem:$0x8100] =	vst v63  }
0x50: {  	s14 =	sadd.s32 $0x1, s14;
	_ =	swait.ge [sflag:s13], $0x4000  }
0x51: {  	p0 =	sne.s32 s14, s4;
	[sflag:s13] =	ssyncset.done $0x0  }
.Ltmp1:
0x52: {  	[sflag:s13] =	ssyncadd.s32 $0xFFFFC000;
	(pc) =	sbr.rel @p0 .LBB2_1-.Ltmp1, $4  }
0x53: {  	[hbm4b:s15+s2] =	stream.linear.scatter [tilespmem:s12], [sflag:$0x3], $0x4000, $0x38;
	[tilespmem:$0x8100] =	vst v63  }
0x54: {  	_ =	swait.ge [sflag:s8], $0x4000  }
0x55: {  	[sflag:s8] =	ssyncset.done $0x0  }
0x56: {  	[sflag:s8] =	ssyncadd.s32 $0xFFFFC000  }
0x57: {  	_ =	sfence.sel $0x180000  }
0x58: {  	[bflag:$0x0] =	sbarrier.arrive $0xFFFF  }
0x59: {  	p0 =	sne.s32 s1, $0x0;
	_ =	strace $0x90000047  }
0x5a: {  	s0 =	sadd.s32 @!p0 $0x100000, s0;
	[bflag:$0x2] =	sbarrier.arrive $0xFFFF  }
0x5b: {  	[sflag:s0] =	ssyncadd.tile.s32 @!p0 $0x1;
	_ =	shalt  }
.Lfunc_end2:
_tile_overlayer_lowered:
.L_overlay_start_2:
0x5c: {  	(tag) =	ssettag $0x2  }
0x5d: {  	s0 =	rddreg [dreg:$0x0];
	s2 =	stileid.u32  }
0x5e: {  	s1 =	rddreg [dreg:$0x1];
	p0 =	sne.s32 s2, $0x0  }
0x5f: {  	s3 =	rddreg [dreg:$0x2];
	[bflag:$0x3] =	sbarrier.arrive $0xFFFF;
	s2 =	simm.s32 @!p0 $0x1C03  }
0x60: {  	[timem:s3], [sflag:s2] =	dma.local @!p0 [hbm:s0], s1  }
0x61: {  	s0 =	simm.s32 @!p0 $0x3  }
0x62: {  	_ =	swait.ge @!p0 [sflag:s0], s1  }
0x63: {  	s1 =	ssub.s32 @!p0 $0x0, s1;
	[sflag:s0] =	ssyncset.done @!p0 $0x0  }
0x64: {  	[sflag:s0] =	ssyncadd.s32 @!p0 s1  }
0x65: {  	[bflag:$0x3] =	sbarrier.arrive $0xFFFF  }
0x66: {  	_ =	shalt  }

// kernel: kernel.17.cloned.1.call-start
scs
__scs_entry_jumppad:
0x0: {  	(pc) =	sbr.rel $0x88, $3  }
0x1: {  	(tag) =	ssettag $0x0;
	lr =	simm.s32 $0x1  }
0x2: {  	[smem:$0x3F99] =	sst lr;
	_ =	strace $0xD0000000  }
0x3: {  	_ = 	snop  }
0x4: {  	_ = 	snop  }
0x5: {  	_ = 	snop  }
0x6: {  	_ = 	snop  }
0x7: {  	_ = 	snop  }
__scs_overlays_trampoline_lowered:
0x8: {  	[smem:$0x3FA8] =	sst s0  }
0x9: {  	[smem:$0x3FA9] =	sst s1  }
0xa: {  	[smem:$0x3FAA] =	sst s2  }
0xb: {  	[smem:$0x3FAB] =	sst s3  }
0xc: {  	[smem:$0x3FAC] =	sst s4  }
0xd: {  	[smem:$0x3FAD] =	sst s5  }
0xe: {  	[smem:$0x3FAE] =	sst s6  }
0xf: {  	[smem:$0x3FAF] =	sst s7  }
0x10: {  	[smem:$0x3FB0] =	sst s8  }
0x11: {  	[smem:$0x3FB1] =	sst s9;
	s0 =	simm.s32 @!p0 $0x0  }
0x12: {  	s1 =	sld [smem:$0x3F97];
	s0 =	simm.s32 @p0 $0x1  }
0x13: {  	[smem:$0x3FB2] =	sst s0;
	s0 =	simm.s32 @!p1 $0x0  }
0x14: {  	s2 =	sld [smem:$0x3F96];
	s0 =	simm.s32 @p1 $0x1  }
0x15: {  	[smem:$0x3FB3] =	sst s0;
	s0 =	simm.s32 @!p2 $0x0  }
0x16: {  	s3 =	sld [smem:$0x3FDB];
	s0 =	simm.s32 @p2 $0x1  }
0x17: {  	s4 =	simm.s32 $0x1BF5;
	[smem:$0x3FB5] =	sst s0  }
0x18: {  	s0 =	sld [smem:$0x3F98];
	_ =	swait.ge [sflag:s4], $0x0  }
0x19: {  	s7 =	sld [smem:$0x3F99]  }
0x1a: {  	s8 =	sadd.s32 $0xFFFFE003, lr  }
0x1b: {  	s9 =	sadd.s32 $0xFFFFFEF7, lr;
	s5 =	simm.s32 $0xFFFFFFFF;
	p2 =	slt.u32 s8, $0xFFFFF086  }
0x1c: {  	p1 =	slt.u32 s9, $0xF7A;
	s5 =	simm.s32 @!p2 $0x0  }
0x1d: {  	s5 =	simm.s32 @p1 $0x1;
	p0 =	seq.s32 s7, s2  }
0x1e: {  	s7 =	smul.u32 @!p0 $0xF7A, s2;
	p2 =	seq.s32 @!p0 s5, $0x0  }
0x1f: {  	s9 =	smul.u32 $0xF7A, s1;
	s8 =	simm.s32 @!p0 $0x1BF5;
	p2 =	por !p2, p0  }
0x20: {  	[sflag:s8] =	ssyncset.s32 @!p0 $0xFFFFF086;
	s6 =	sadd.s32 @!p0 s3, s7;
	s7 =	simm.s32 @!p0 $0x108  }
0x21: {  	s3 =	sadd.s32 s3, s9;
	s6 =	sadd.s32 @!p0 $0x88, s6;
	s7 =	simm.s32 @p2 $0x1082  }
0x22: {  	[simem:s7], [sflag:s8] =	dma.local @!p0 [hbm:s6], $0xF7A  }
0x23: {  	s9 =	sor.u32 $0xD0000000, s2;
	s6 =	simm.s32 $0x108;
	_ =	swait.ge @!p0 [sflag:s8], $0x0  }
0x24: {  	s3 =	sadd.s32 $0x88, s3;
	s6 =	simm.s32 @!p1 $0x1082;
	[sflag:s4] =	ssyncset.s32 $0xFFFFF086  }
0x25: {  	[simem:s6], [sflag:s4] =	dma.local [hbm:s3], $0xF7A  }
0x26: {  	[smem:$0x3F99] =	sst s1;
	(tag) =	ssettag s2;
	_ =	strace s9  }
0x27: {  	s1 =	sld [smem:$0x3FA9]  }
0x28: {  	s2 =	sld [smem:$0x3FAA]  }
0x29: {  	s4 =	sld [smem:$0x3FAC]  }
0x2a: {  	p0 =	seq.s32 s5, $0x0;
	s5 =	sld [smem:$0x3FAD]  }
0x2b: {  	s6 =	sld [smem:$0x3FAE]  }
0x2c: {  	s7 =	sld [smem:$0x3FAF]  }
0x2d: {  	s3 =	simm.s32 $0x108;
	s8 =	sld [smem:$0x3FB0]  }
0x2e: {  	s3 =	simm.s32 @!p0 $0x1082;
	s9 =	sld [smem:$0x3FB1]  }
0x2f: {  	lr =	sadd.s32 s0, s3;
	s0 =	sld [smem:$0x3FA8]  }
0x30: {  	s3 =	sld [smem:$0x3FAB]  }
0x31: {  	[smem:$0x3FB4] =	sst s10  }
0x32: {  	s10 =	sld [smem:$0x3FB2];
	_ =	sdelay $0x3  }
0x33: {  	p0 =	seq.s32 s10, $0x1;
	s10 =	sld [smem:$0x3FB4];
	_ =	sdelay $0x3  }
0x34: {  	[smem:$0x3FB4] =	sst s10  }
0x35: {  	s10 =	sld [smem:$0x3FB3];
	_ =	sdelay $0x3  }
0x36: {  	p1 =	seq.s32 s10, $0x1;
	s10 =	sld [smem:$0x3FB4];
	_ =	sdelay $0x3  }
0x37: {  	[smem:$0x3FB4] =	sst s10  }
0x38: {  	s10 =	sld [smem:$0x3FB5]  }
0x39: {  	_ = 	snop;
	(pc) =	sbr.ind lr, $3  }
0x3a: {  	_ = 	snop  }
0x3b: {  	_ = 	snop  }
0x3c: {  	p2 =	seq.s32 s10, $0x1;
	s10 =	sld [smem:$0x3FB4]  }
0x3d: {  	_ =	shalt  }
0x3e: {  	_ =	shalt  }
0x3f: {  	_ =	shalt  }
0x40: {  	_ =	shalt  }
0x41: {  	_ =	shalt  }
0x42: {  	_ =	shalt  }
0x43: {  	_ =	shalt  }
0x44: {  	_ =	shalt  }
0x45: {  	_ =	shalt  }
0x46: {  	_ =	shalt  }
0x47: {  	_ =	shalt  }
0x48: {  	_ =	shalt  }
0x49: {  	_ =	shalt  }
0x4a: {  	_ =	shalt  }
0x4b: {  	_ =	shalt  }
0x4c: {  	_ =	shalt  }
0x4d: {  	_ =	shalt  }
0x4e: {  	_ =	shalt  }
0x4f: {  	_ =	shalt  }
0x50: {  	_ =	shalt  }
0x51: {  	_ =	shalt  }
0x52: {  	_ =	shalt  }
0x53: {  	_ =	shalt  }
0x54: {  	_ =	shalt  }
0x55: {  	_ =	shalt  }
0x56: {  	_ =	shalt  }
0x57: {  	_ =	shalt  }
0x58: {  	_ =	shalt  }
0x59: {  	_ =	shalt  }
0x5a: {  	_ =	shalt  }
0x5b: {  	_ =	shalt  }
0x5c: {  	_ =	shalt  }
0x5d: {  	_ =	shalt  }
0x5e: {  	_ =	shalt  }
0x5f: {  	_ =	shalt  }
0x60: {  	_ =	shalt  }
0x61: {  	_ =	shalt  }
0x62: {  	_ =	shalt  }
0x63: {  	_ =	shalt  }
0x64: {  	_ =	shalt  }
0x65: {  	_ =	shalt  }
0x66: {  	_ =	shalt  }
0x67: {  	_ =	shalt  }
0x68: {  	_ =	shalt  }
0x69: {  	_ =	shalt  }
0x6a: {  	_ =	shalt  }
0x6b: {  	_ =	shalt  }
0x6c: {  	_ =	shalt  }
0x6d: {  	_ =	shalt  }
0x6e: {  	_ =	shalt  }
0x6f: {  	_ =	shalt  }
0x70: {  	_ =	shalt  }
0x71: {  	_ =	shalt  }
0x72: {  	_ =	shalt  }
0x73: {  	_ =	shalt  }
0x74: {  	_ =	shalt  }
0x75: {  	_ =	shalt  }
0x76: {  	_ =	shalt  }
0x77: {  	_ =	shalt  }
0x78: {  	_ =	shalt  }
0x79: {  	_ =	shalt  }
0x7a: {  	_ =	shalt  }
0x7b: {  	_ =	shalt  }
0x7c: {  	_ =	shalt  }
0x7d: {  	_ =	shalt  }
0x7e: {  	_ =	shalt  }
0x7f: {  	_ =	shalt  }
0x80: {  	_ =	shalt  }
0x81: {  	_ =	shalt  }
0x82: {  	_ =	shalt  }
0x83: {  	_ =	shalt  }
0x84: {  	_ =	shalt  }
0x85: {  	_ =	shalt  }
0x86: {  	_ =	shalt  }
0x87: {  	_ =	shalt  }
.Lfunc_end0:
.L_simem_size_0:
called_computation.1_lowered:
.L_overlay_start_0:
0x88: {  	s2 =	sld [smem:$0x3FD9]  }
0x89: {  	s3 =	sld [smem:$0x3FFE];
	_ =	sdelay $0x1  }
0x8a: {  	s1 =	srdreg.scid  }
0x8b: {  	s0 =	sand.u32 $0x1, s1  }
0x8c: {  	s17 =	sshll.u32 s0, $0xA;
	s2 =	sadd.s32 s3, s2  }
0x8d: {  	s2 =	sadd.s32 s2, s17  }
0x8e: {  	[smem:$0x3FC0] =	sst s2  }
0x8f: {  	_ = 	snop  }
0x90: {  	(tm) =	ssettm $0x1  }
0x91: {  	s18 =	sld [smem:$0x3FFB];
	_ =	sdelay $0x3  }
0x92: {  	_ =	strace s18  }
0x93: {  	s2 =	sld [smem:$0x3FFC];
	_ =	sdelay $0x3  }
0x94: {  	_ =	strace s2  }
0x95: {  	s2 =	sld [smem:$0x3FFD];
	_ =	sdelay $0x3  }
0x96: {  	_ =	strace s2  }
0x97: {  	_ =	strace $0x8FFFFFFF  }
0x98: {  	s19 =	sld [smem:$0x3FDB];
	_ =	sdelay $0x1  }
0x99: {  	s20 =	simm.s32 $_scs_section_size  }
0x9a: {  	s4 =	simm.s32 $_size__tile_overlayer_lowered;
	s5 =	simm.s32 $_tile_overlayer_lowered  }
0x9b: {  	s6 =	simm.s32 $0x1BFF;
	s21 =	sshll.u32 s5, $0x1;
	s3 =	sadd.s32 s20, s19  }
0x9c: {  	s22 =	simm.s32 $0x0;
	s4 =	sshll.u32 s4, $0x1;
	s5 =	sadd.s32 s21, s3  }
0x9d: {  	[timem:s22], [sflag:s6] =	dma.local [hbm:s5], s4  }
0x9e: {  	_ =	swait.ge [sflag:s6], s4  }
0x9f: {  	s4 =	ssub.s32 $0x0, s4;
	[sflag:s6] =	ssyncset.done $0x0  }
0xa0: {  	[sflag:s6] =	ssyncadd.s32 s4;
	_ =	sdelay $0x1  }
0xa1: {  	s23 =	simm.s32 $0x1B8B  }
0xa2: {  	_ =	swait.ge [sflag:s23], $0x1  }
0xa3: {  	[sflag:s23] =	ssyncset.done $0x0  }
0xa4: {  	[sflag:s23] =	ssyncadd.s32 $0xFFFFFFFF  }
0xa5: {  	s4 =	sld [smem:$0x0]  }
0xa6: {  	s5 =	sand.u32 $0xFFFFFFFE, s1  }
0xa7: {  	p0 =	sne.s32 s1, s5  }
0xa8: {  	s5 =	sshll.u32 @p0 s5, $0xE  }
0xa9: {  	s5 =	sadd.s32 @p0 $0x11B8D, s5;
	s6 =	sshll.u32 @p0 s4, $0x11  }
0xaa: {  	s5 =	sor.u32 @p0 s6, s5  }
0xab: {  	[sflag:s5] =	ssyncadd.remote.s32 @p0 $0x1;
	_ =	sdelay $0x1  }
0xac: {  	s5 =	simm.s32 @p0 $0x1B8D  }
0xad: {  	_ =	swait.eq @p0 [sflag:s5], $0x1  }
0xae: {  	[sflag:s5] =	ssyncadd.s32 @p0 $0xFFFFFFFF  }
0xaf: {  	s6 =	sshll.u32 @!p0 s1, $0xE  }
0xb0: {  	s6 =	sor.u32 @!p0 $0x4000, s6;
	s5 =	simm.s32 @!p0 $0x1B8D  }
0xb1: {  	s4 =	sshll.u32 @!p0 s4, $0x11;
	s6 =	sadd.s32 @!p0 $0x11B8D, s6;
	_ =	swait.eq @!p0 [sflag:s5], $0x1  }
0xb2: {  	s4 =	sor.u32 @!p0 s4, s6;
	[sflag:s5] =	ssyncadd.s32 @!p0 $0xFFFFFFFF  }
0xb3: {  	s25 =	simm.s32 $0x1B8E;
	s24 =	sld [smem:$0x3FFE];
	[sflag:s4] =	ssyncadd.remote.s32 @!p0 $0x1  }
0xb4: {  	s26 =	simm.s32 $execute0_lowered;
	[smem:$0x3FD2] =	sst s25  }
0xb5: {  	s5 =	sshll.u32 s26, $0x1;
	_ =	strace $0x80000049;
	[dreg:$0x1] =	wrdreg $0xFFFFFFFF  }
0xb6: {  	s28 =	simm.s32 $_size_execute0_lowered;
	s3 =	sadd.s32 s3, s5;
	[dreg:$0x0] =	wrdreg $0x0  }
0xb7: {  	s5 =	sshll.u32 s28, $0x1;
	[dreg:$0x2] =	wrdreg s3  }
0xb8: {  	[dreg:$0x3] =	wrdreg s5  }
0xb9: {  	[dreg:$0x4] =	wrdreg $0xC0  }
0xba: {  	_ =	task [dreg:s22], $0x5FFFF  }
0xbb: {  	[dreg:$0x1] =	wrdreg $0xFFFFFFFF  }
0xbc: {  	[dreg:$0x0] =	wrdreg $0x60  }
0xbd: {  	[dreg:$0x2] =	wrdreg s24  }
0xbe: {  	[dreg:$0x3] =	wrdreg $0xA  }
0xbf: {  	_ =	task.clear_ibuf [dreg:s22], $0x4FFFF;
	_ =	strace $0x90000049  }
0xc0: {  	s29 =	simm.s32 $0xA;
	_ =	strace $0x8000004B  }
0xc1: {  	_ =	swait.ge [sflag:s29], $0x1  }
0xc2: {  	[sflag:s29] =	ssyncadd.s32 $0xFFFFFFFF  }
0xc3: {  	_ =	strace $0x9000004B  }
0xc4: {  	_ =	sfence  }
0xc5: {  	s30 =	sld [smem:$0x0];
	_ =	sdelay $0x2  }
0xc6: {  	s31 =	sshll.u32 s1, $0xD;
	s1 =	sshrl.u32 s1, $0x2  }
0xc7: {  	s4 =	sand.u32 $0x4000, s31;
	s1 =	sadd.s32 s1, s30  }
0xc8: {  	s0 =	sor.u32 s4, s0;
	s1 =	sshll.u32 s1, $0x11  }
0xc9: {  	s0 =	sor.u32 s1, s0  }
0xca: {  	s0 =	sadd.s32 $0x8F2B, s0  }
0xcb: {  	[sflag:s0] =	ssyncadd.remote.s32 $0x1  }
0xcc: {  	_ =	sfence.sel $0xFFFF  }
0xcd: {  	[dreg:$0x0] =	wrdreg $0xFFFFFFFF;
	(pc) =	sbr.abs _section_cstart, $3  }
0xce: {  	[dreg:$0x1] =	wrdreg $0xFFFFFFFF  }
0xcf: {  	_ =	task.clear_ibuf [dreg:s22], $0x2FFFF;
	_ =	strace $0x9FFFFFFF  }
0xd0: {  	(tm) =	ssettm $0x7FFFFFFF  }
0xd1: {  	_ =	shalt  }
tec
execute0_lowered:
.L_overlay_start_1:
0x0: {  	(tag) =	ssettag $0x1  }
0x1: {  	s4 =	rddreg [dreg:$0x0]  }
0x2: {  	s0 =	rddreg [dreg:$0x1];
	s2 =	simm.s32 $0x0;
	s1 =	stileid.u32  }
0x3: {  	s5 =	srdreg.scid;
	s11 =	simm.s32 $0x1;
	s12 =	simm.s32 $0x4100  }
0x4: {  	s13 =	simm.s32 $0x2;
	s14 =	simm.s32 $0x0;
	[smem:$0x7FF] =	sst s2  }
0x5: {  	s3 =	sadd.s32 $0x125A00, s4;
	s6 =	sshll.u32 s1, $0x10;
	s7 =	sadd.s32 $0x135A00, s4  }
0x6: {  	s5 =	sand.u32 $0x1, s5;
	s9 =	sshll.u32 s1, $0xC;
	_ =	strace $0x8000004A  }
0x7: {  	s6 =	sadd.s32 s6, s4;
	s29 =	ssub.s32 $0x2, s5;
	s10 =	sshll.u32 s5, $0xB  }
0x8: {  	s5 =	sshll.u32 s5, $0xF;
	s8 =	sshrl.u32 s29, $0x1;
	s30 =	sor.u32 s10, s9  }
0x9: {  	s5 =	sadd.s32 s5, s6;
	s9 =	simm.s32 $0x80;
	s10 =	simm.s32 $0x100  }
0xa: {  	s4 =	ssub.s32 s29, s8;
	s31 =	sor.u32 $0x80, s30;
	s5 =	sadd.s32 $0x138200, s5  }
0xb: {  	s8 =	sshrl.u32 s30, $0x3;
	s4 =	smax.u32 s4, $0x1;
	s6 =	sshrl.u32 s31, $0x3  }
0xc: {  	s6 =	sadd.s32 s6, s7;
	s7 =	sadd.s32 s8, s7;
	s8 =	simm.s32 $0x3  }
.LBB2_1:
0xd: {  	s15 =	sadd.s32 $0x0, s7  }
0xe: {  	[tilespmem:s2], [sflag:$0x3] =	stream.linear.gather [hbm4b:s15+s2], $0x80, $0x38;
	[tilespmem:$0x8100] =	vst v63  }
0xf: {  	_ =	swait.ge [sflag:s8], $0x80  }
0x10: {  	[sflag:s8] =	ssyncset.done $0x0  }
0x11: {  	[sflag:s8] =	ssyncadd.s32 $0xFFFFFF80  }
0x12: {  	[tilespmem:s10], [sflag:$0x1] =	stream.indirect.gather [hbm4b:s3+s9], $0x80, s2, s9, $0xb8;
	[tilespmem:$0x8100] =	vst v63  }
0x13: {  	_ =	swait.ge [sflag:s11], $0x4000  }
0x14: {  	[sflag:s11] =	ssyncset.done $0x0  }
0x15: {  	s30 =	sadd.s32 $0xFFFFF800, s5;
	[sflag:s11] =	ssyncadd.s32 $0xFFFFC000  }
0x16: {  	[hbm4b:s30+s2] =	stream.linear.scatter [tilespmem:s10], [sflag:$0x3], $0x4000, $0x38;
	[tilespmem:$0x8100] =	vst v63  }
0x17: {  	_ =	swait.ge [sflag:s8], $0x4000  }
0x18: {  	[sflag:s8] =	ssyncset.done $0x0  }
0x19: {  	s31 =	sadd.s32 $0x0, s6;
	[sflag:s8] =	ssyncadd.s32 $0xFFFFC000  }
0x1a: {  	[tilespmem:s9], [sflag:$0x3] =	stream.linear.gather [hbm4b:s31+s2], $0x80, $0x38;
	[tilespmem:$0x8100] =	vst v63  }
0x1b: {  	_ =	swait.ge [sflag:s8], $0x80  }
0x1c: {  	[sflag:s8] =	ssyncset.done $0x0  }
0x1d: {  	[sflag:s8] =	ssyncadd.s32 $0xFFFFFF80  }
0x1e: {  	[tilespmem:s12], [sflag:$0x2] =	stream.indirect.gather [hbm4b:s3+s9], $0x80, s9, s9, $0xb8;
	[tilespmem:$0x8100] =	vst v63  }
0x1f: {  	_ =	swait.ge [sflag:s13], $0x4000  }
0x20: {  	[sflag:s13] =	ssyncset.done $0x0  }
0x21: {  	[sflag:s13] =	ssyncadd.s32 $0xFFFFC000  }
0x22: {  	[hbm4b:s5+s2] =	stream.linear.scatter [tilespmem:s12], [sflag:$0x3], $0x4000, $0x38;
	[tilespmem:$0x8100] =	vst v63  }
0x23: {  	s16 =	simm.s32 $0x20;
	_ =	swait.ge [sflag:s8], $0x4000  }
0x24: {  	s17 =	simm.s32 $0x40;
	s15 =	sadd.s32 $0x1000, s5;
	[sflag:s8] =	ssyncset.done $0x0  }
.LBB2_2:
0x25: {  	s18 =	sadd.s32 s16, s7  }
0x26: {  	[sflag:s8] =	ssyncadd.s32 $0xFFFFC000;
	s19 =	smov.u32 s17;
	s20 =	sadd.s32 $0x20, s17  }
0x27: {  	[tilespmem:s2], [sflag:$0x3] =	stream.linear.gather [hbm4b:s18+s2], $0x80, $0x38;
	[tilespmem:$0x8100] =	vst v63  }
0x28: {  	p0 =	sne.s32 s17, $0xE0;
	_ =	swait.ge [sflag:s8], $0x80  }
0x29: {  	[sflag:s8] =	ssyncset.done $0x0  }
0x2a: {  	[sflag:s8] =	ssyncadd.s32 $0xFFFFFF80  }
0x2b: {  	[tilespmem:s10], [sflag:$0x1] =	stream.indirect.gather [hbm4b:s3+s9], $0x80, s2, s9, $0xb8;
	[tilespmem:$0x8100] =	vst v63  }
0x2c: {  	_ =	swait.ge [sflag:s11], $0x4000  }
0x2d: {  	[sflag:s11] =	ssyncset.done $0x0  }
0x2e: {  	s17 =	sadd.s32 $0xFFFFF800, s15;
	[sflag:s11] =	ssyncadd.s32 $0xFFFFC000  }
0x2f: {  	[hbm4b:s17+s2] =	stream.linear.scatter [tilespmem:s10], [sflag:$0x3], $0x4000, $0x38;
	[tilespmem:$0x8100] =	vst v63  }
0x30: {  	_ =	swait.ge [sflag:s8], $0x4000  }
0x31: {  	[sflag:s8] =	ssyncset.done $0x0  }
0x32: {  	s17 =	sadd.s32 s16, s6;
	s16 =	smov.u32 s19;
	[sflag:s8] =	ssyncadd.s32 $0xFFFFC000  }
0x33: {  	[tilespmem:s9], [sflag:$0x3] =	stream.linear.gather [hbm4b:s17+s2], $0x80, $0x38;
	[tilespmem:$0x8100] =	vst v63  }
0x34: {  	_ =	swait.ge [sflag:s8], $0x80  }
0x35: {  	[sflag:s8] =	ssyncset.done $0x0  }
0x36: {  	[sflag:s8] =	ssyncadd.s32 $0xFFFFFF80  }
0x37: {  	[tilespmem:s12], [sflag:$0x2] =	stream.indirect.gather [hbm4b:s3+s9], $0x80, s9, s9, $0xb8;
	[tilespmem:$0x8100] =	vst v63  }
0x38: {  	_ =	swait.ge [sflag:s13], $0x4000  }
.Ltmp0:
0x39: {  	[sflag:s13] =	ssyncset.done $0x0;
	(pc) =	sbr.rel @p0 .LBB2_2-.Ltmp0, $4  }
0x3a: {  	[sflag:s13] =	ssyncadd.s32 $0xFFFFC000  }
0x3b: {  	[hbm4b:s15+s2] =	stream.linear.scatter [tilespmem:s12], [sflag:$0x3], $0x4000, $0x38;
	[tilespmem:$0x8100] =	vst v63  }
0x3c: {  	_ =	swait.ge [sflag:s8], $0x4000  }
0x3d: {  	s17 =	smov.u32 s20;
	s15 =	sadd.s32 $0x1000, s15;
	[sflag:s8] =	ssyncset.done $0x0  }
0x3e: {  	s17 =	sadd.s32 s16, s7;
	[sflag:s8] =	ssyncadd.s32 $0xFFFFC000  }
0x3f: {  	[tilespmem:s2], [sflag:$0x3] =	stream.linear.gather [hbm4b:s17+s2], $0x80, $0x38;
	[tilespmem:$0x8100] =	vst v63  }
0x40: {  	_ =	swait.ge [sflag:s8], $0x80  }
0x41: {  	[sflag:s8] =	ssyncset.done $0x0  }
0x42: {  	[sflag:s8] =	ssyncadd.s32 $0xFFFFFF80  }
0x43: {  	[tilespmem:s10], [sflag:$0x1] =	stream.indirect.gather [hbm4b:s3+s9], $0x80, s2, s9, $0xb8;
	[tilespmem:$0x8100] =	vst v63  }
0x44: {  	_ =	swait.ge [sflag:s11], $0x4000  }
0x45: {  	[sflag:s11] =	ssyncset.done $0x0  }
0x46: {  	s30 =	sadd.s32 $0xFFFFF800, s15;
	[sflag:s11] =	ssyncadd.s32 $0xFFFFC000  }
0x47: {  	[hbm4b:s30+s2] =	stream.linear.scatter [tilespmem:s10], [sflag:$0x3], $0x4000, $0x38;
	[tilespmem:$0x8100] =	vst v63  }
0x48: {  	_ =	swait.ge [sflag:s8], $0x4000  }
0x49: {  	[sflag:s8] =	ssyncset.done $0x0  }
0x4a: {  	s31 =	sadd.s32 s16, s6;
	[sflag:s8] =	ssyncadd.s32 $0xFFFFC000  }
0x4b: {  	[tilespmem:s9], [sflag:$0x3] =	stream.linear.gather [hbm4b:s31+s2], $0x80, $0x38;
	[tilespmem:$0x8100] =	vst v63  }
0x4c: {  	_ =	swait.ge [sflag:s8], $0x80  }
0x4d: {  	[sflag:s8] =	ssyncset.done $0x0  }
0x4e: {  	[sflag:s8] =	ssyncadd.s32 $0xFFFFFF80  }
0x4f: {  	[tilespmem:s12], [sflag:$0x2] =	stream.indirect.gather [hbm4b:s3+s9], $0x80, s9, s9, $0xb8;
	[tilespmem:$0x8100] =	vst v63  }
0x50: {  	s14 =	sadd.s32 $0x1, s14;
	_ =	swait.ge [sflag:s13], $0x4000  }
0x51: {  	p0 =	sne.s32 s14, s4;
	[sflag:s13] =	ssyncset.done $0x0  }
.Ltmp1:
0x52: {  	[sflag:s13] =	ssyncadd.s32 $0xFFFFC000;
	(pc) =	sbr.rel @p0 .LBB2_1-.Ltmp1, $4  }
0x53: {  	[hbm4b:s15+s2] =	stream.linear.scatter [tilespmem:s12], [sflag:$0x3], $0x4000, $0x38;
	[tilespmem:$0x8100] =	vst v63  }
0x54: {  	_ =	swait.ge [sflag:s8], $0x4000  }
0x55: {  	[sflag:s8] =	ssyncset.done $0x0  }
0x56: {  	[sflag:s8] =	ssyncadd.s32 $0xFFFFC000  }
0x57: {  	_ =	sfence.sel $0x180000  }
0x58: {  	[bflag:$0x0] =	sbarrier.arrive $0xFFFF  }
0x59: {  	p0 =	sne.s32 s1, $0x0;
	_ =	strace $0x9000004A  }
0x5a: {  	s0 =	sadd.s32 @!p0 $0x100000, s0;
	[bflag:$0x2] =	sbarrier.arrive $0xFFFF  }
0x5b: {  	[sflag:s0] =	ssyncadd.tile.s32 @!p0 $0x1;
	_ =	shalt  }
.Lfunc_end2:
_tile_overlayer_lowered:
.L_overlay_start_2:
0x5c: {  	(tag) =	ssettag $0x2  }
0x5d: {  	s0 =	rddreg [dreg:$0x0];
	s2 =	stileid.u32  }
0x5e: {  	s1 =	rddreg [dreg:$0x1];
	p0 =	sne.s32 s2, $0x0  }
0x5f: {  	s3 =	rddreg [dreg:$0x2];
	[bflag:$0x3] =	sbarrier.arrive $0xFFFF;
	s2 =	simm.s32 @!p0 $0x1C03  }
0x60: {  	[timem:s3], [sflag:s2] =	dma.local @!p0 [hbm:s0], s1  }
0x61: {  	s0 =	simm.s32 @!p0 $0x3  }
0x62: {  	_ =	swait.ge @!p0 [sflag:s0], s1  }
0x63: {  	s1 =	ssub.s32 @!p0 $0x0, s1;
	[sflag:s0] =	ssyncset.done @!p0 $0x0  }
0x64: {  	[sflag:s0] =	ssyncadd.s32 @!p0 s1  }
0x65: {  	[bflag:$0x3] =	sbarrier.arrive $0xFFFF  }
0x66: {  	_ =	shalt  }

// kernel: kernel.20.cloned.1.call-start
scs
__scs_entry_jumppad:
0x0: {  	(pc) =	sbr.rel $0x88, $3  }
0x1: {  	(tag) =	ssettag $0x0;
	lr =	simm.s32 $0x1  }
0x2: {  	[smem:$0x3F99] =	sst lr;
	_ =	strace $0xD0000000  }
0x3: {  	_ = 	snop  }
0x4: {  	_ = 	snop  }
0x5: {  	_ = 	snop  }
0x6: {  	_ = 	snop  }
0x7: {  	_ = 	snop  }
__scs_overlays_trampoline_lowered:
0x8: {  	[smem:$0x3FA8] =	sst s0  }
0x9: {  	[smem:$0x3FA9] =	sst s1  }
0xa: {  	[smem:$0x3FAA] =	sst s2  }
0xb: {  	[smem:$0x3FAB] =	sst s3  }
0xc: {  	[smem:$0x3FAC] =	sst s4  }
0xd: {  	[smem:$0x3FAD] =	sst s5  }
0xe: {  	[smem:$0x3FAE] =	sst s6  }
0xf: {  	[smem:$0x3FAF] =	sst s7  }
0x10: {  	[smem:$0x3FB0] =	sst s8  }
0x11: {  	[smem:$0x3FB1] =	sst s9;
	s0 =	simm.s32 @!p0 $0x0  }
0x12: {  	s1 =	sld [smem:$0x3F97];
	s0 =	simm.s32 @p0 $0x1  }
0x13: {  	[smem:$0x3FB2] =	sst s0;
	s0 =	simm.s32 @!p1 $0x0  }
0x14: {  	s2 =	sld [smem:$0x3F96];
	s0 =	simm.s32 @p1 $0x1  }
0x15: {  	[smem:$0x3FB3] =	sst s0;
	s0 =	simm.s32 @!p2 $0x0  }
0x16: {  	s3 =	sld [smem:$0x3FDB];
	s0 =	simm.s32 @p2 $0x1  }
0x17: {  	s4 =	simm.s32 $0x1BF5;
	[smem:$0x3FB5] =	sst s0  }
0x18: {  	s0 =	sld [smem:$0x3F98];
	_ =	swait.ge [sflag:s4], $0x0  }
0x19: {  	s7 =	sld [smem:$0x3F99]  }
0x1a: {  	s8 =	sadd.s32 $0xFFFFE003, lr  }
0x1b: {  	s9 =	sadd.s32 $0xFFFFFEF7, lr;
	s5 =	simm.s32 $0xFFFFFFFF;
	p2 =	slt.u32 s8, $0xFFFFF086  }
0x1c: {  	p1 =	slt.u32 s9, $0xF7A;
	s5 =	simm.s32 @!p2 $0x0  }
0x1d: {  	s5 =	simm.s32 @p1 $0x1;
	p0 =	seq.s32 s7, s2  }
0x1e: {  	s7 =	smul.u32 @!p0 $0xF7A, s2;
	p2 =	seq.s32 @!p0 s5, $0x0  }
0x1f: {  	s9 =	smul.u32 $0xF7A, s1;
	s8 =	simm.s32 @!p0 $0x1BF5;
	p2 =	por !p2, p0  }
0x20: {  	[sflag:s8] =	ssyncset.s32 @!p0 $0xFFFFF086;
	s6 =	sadd.s32 @!p0 s3, s7;
	s7 =	simm.s32 @!p0 $0x108  }
0x21: {  	s3 =	sadd.s32 s3, s9;
	s6 =	sadd.s32 @!p0 $0x88, s6;
	s7 =	simm.s32 @p2 $0x1082  }
0x22: {  	[simem:s7], [sflag:s8] =	dma.local @!p0 [hbm:s6], $0xF7A  }
0x23: {  	s9 =	sor.u32 $0xD0000000, s2;
	s6 =	simm.s32 $0x108;
	_ =	swait.ge @!p0 [sflag:s8], $0x0  }
0x24: {  	s3 =	sadd.s32 $0x88, s3;
	s6 =	simm.s32 @!p1 $0x1082;
	[sflag:s4] =	ssyncset.s32 $0xFFFFF086  }
0x25: {  	[simem:s6], [sflag:s4] =	dma.local [hbm:s3], $0xF7A  }
0x26: {  	[smem:$0x3F99] =	sst s1;
	(tag) =	ssettag s2;
	_ =	strace s9  }
0x27: {  	s1 =	sld [smem:$0x3FA9]  }
0x28: {  	s2 =	sld [smem:$0x3FAA]  }
0x29: {  	s4 =	sld [smem:$0x3FAC]  }
0x2a: {  	p0 =	seq.s32 s5, $0x0;
	s5 =	sld [smem:$0x3FAD]  }
0x2b: {  	s6 =	sld [smem:$0x3FAE]  }
0x2c: {  	s7 =	sld [smem:$0x3FAF]  }
0x2d: {  	s3 =	simm.s32 $0x108;
	s8 =	sld [smem:$0x3FB0]  }
0x2e: {  	s3 =	simm.s32 @!p0 $0x1082;
	s9 =	sld [smem:$0x3FB1]  }
0x2f: {  	lr =	sadd.s32 s0, s3;
	s0 =	sld [smem:$0x3FA8]  }
0x30: {  	s3 =	sld [smem:$0x3FAB]  }
0x31: {  	[smem:$0x3FB4] =	sst s10  }
0x32: {  	s10 =	sld [smem:$0x3FB2];
	_ =	sdelay $0x3  }
0x33: {  	p0 =	seq.s32 s10, $0x1;
	s10 =	sld [smem:$0x3FB4];
	_ =	sdelay $0x3  }
0x34: {  	[smem:$0x3FB4] =	sst s10  }
0x35: {  	s10 =	sld [smem:$0x3FB3];
	_ =	sdelay $0x3  }
0x36: {  	p1 =	seq.s32 s10, $0x1;
	s10 =	sld [smem:$0x3FB4];
	_ =	sdelay $0x3  }
0x37: {  	[smem:$0x3FB4] =	sst s10  }
0x38: {  	s10 =	sld [smem:$0x3FB5]  }
0x39: {  	_ = 	snop;
	(pc) =	sbr.ind lr, $3  }
0x3a: {  	_ = 	snop  }
0x3b: {  	_ = 	snop  }
0x3c: {  	p2 =	seq.s32 s10, $0x1;
	s10 =	sld [smem:$0x3FB4]  }
0x3d: {  	_ =	shalt  }
0x3e: {  	_ =	shalt  }
0x3f: {  	_ =	shalt  }
0x40: {  	_ =	shalt  }
0x41: {  	_ =	shalt  }
0x42: {  	_ =	shalt  }
0x43: {  	_ =	shalt  }
0x44: {  	_ =	shalt  }
0x45: {  	_ =	shalt  }
0x46: {  	_ =	shalt  }
0x47: {  	_ =	shalt  }
0x48: {  	_ =	shalt  }
0x49: {  	_ =	shalt  }
0x4a: {  	_ =	shalt  }
0x4b: {  	_ =	shalt  }
0x4c: {  	_ =	shalt  }
0x4d: {  	_ =	shalt  }
0x4e: {  	_ =	shalt  }
0x4f: {  	_ =	shalt  }
0x50: {  	_ =	shalt  }
0x51: {  	_ =	shalt  }
0x52: {  	_ =	shalt  }
0x53: {  	_ =	shalt  }
0x54: {  	_ =	shalt  }
0x55: {  	_ =	shalt  }
0x56: {  	_ =	shalt  }
0x57: {  	_ =	shalt  }
0x58: {  	_ =	shalt  }
0x59: {  	_ =	shalt  }
0x5a: {  	_ =	shalt  }
0x5b: {  	_ =	shalt  }
0x5c: {  	_ =	shalt  }
0x5d: {  	_ =	shalt  }
0x5e: {  	_ =	shalt  }
0x5f: {  	_ =	shalt  }
0x60: {  	_ =	shalt  }
0x61: {  	_ =	shalt  }
0x62: {  	_ =	shalt  }
0x63: {  	_ =	shalt  }
0x64: {  	_ =	shalt  }
0x65: {  	_ =	shalt  }
0x66: {  	_ =	shalt  }
0x67: {  	_ =	shalt  }
0x68: {  	_ =	shalt  }
0x69: {  	_ =	shalt  }
0x6a: {  	_ =	shalt  }
0x6b: {  	_ =	shalt  }
0x6c: {  	_ =	shalt  }
0x6d: {  	_ =	shalt  }
0x6e: {  	_ =	shalt  }
0x6f: {  	_ =	shalt  }
0x70: {  	_ =	shalt  }
0x71: {  	_ =	shalt  }
0x72: {  	_ =	shalt  }
0x73: {  	_ =	shalt  }
0x74: {  	_ =	shalt  }
0x75: {  	_ =	shalt  }
0x76: {  	_ =	shalt  }
0x77: {  	_ =	shalt  }
0x78: {  	_ =	shalt  }
0x79: {  	_ =	shalt  }
0x7a: {  	_ =	shalt  }
0x7b: {  	_ =	shalt  }
0x7c: {  	_ =	shalt  }
0x7d: {  	_ =	shalt  }
0x7e: {  	_ =	shalt  }
0x7f: {  	_ =	shalt  }
0x80: {  	_ =	shalt  }
0x81: {  	_ =	shalt  }
0x82: {  	_ =	shalt  }
0x83: {  	_ =	shalt  }
0x84: {  	_ =	shalt  }
0x85: {  	_ =	shalt  }
0x86: {  	_ =	shalt  }
0x87: {  	_ =	shalt  }
.Lfunc_end0:
.L_simem_size_0:
called_computation.2_lowered:
.L_overlay_start_0:
0x88: {  	s2 =	sld [smem:$0x3FD9]  }
0x89: {  	s3 =	sld [smem:$0x3FFE];
	_ =	sdelay $0x1  }
0x8a: {  	s1 =	srdreg.scid  }
0x8b: {  	s0 =	sand.u32 $0x1, s1  }
0x8c: {  	s17 =	sshll.u32 s0, $0xA;
	s2 =	sadd.s32 s3, s2  }
0x8d: {  	s2 =	sadd.s32 s2, s17  }
0x8e: {  	[smem:$0x3FC0] =	sst s2  }
0x8f: {  	_ = 	snop  }
0x90: {  	(tm) =	ssettm $0x1  }
0x91: {  	s18 =	sld [smem:$0x3FFB];
	_ =	sdelay $0x3  }
0x92: {  	_ =	strace s18  }
0x93: {  	s2 =	sld [smem:$0x3FFC];
	_ =	sdelay $0x3  }
0x94: {  	_ =	strace s2  }
0x95: {  	s2 =	sld [smem:$0x3FFD];
	_ =	sdelay $0x3  }
0x96: {  	_ =	strace s2  }
0x97: {  	_ =	strace $0x8FFFFFFF  }
0x98: {  	s19 =	sld [smem:$0x3FDB];
	_ =	sdelay $0x1  }
0x99: {  	s20 =	simm.s32 $_scs_section_size  }
0x9a: {  	s4 =	simm.s32 $_size__tile_overlayer_lowered;
	s5 =	simm.s32 $_tile_overlayer_lowered  }
0x9b: {  	s6 =	simm.s32 $0x1BFF;
	s21 =	sshll.u32 s5, $0x1;
	s3 =	sadd.s32 s20, s19  }
0x9c: {  	s22 =	simm.s32 $0x0;
	s4 =	sshll.u32 s4, $0x1;
	s5 =	sadd.s32 s21, s3  }
0x9d: {  	[timem:s22], [sflag:s6] =	dma.local [hbm:s5], s4  }
0x9e: {  	_ =	swait.ge [sflag:s6], s4  }
0x9f: {  	s4 =	ssub.s32 $0x0, s4;
	[sflag:s6] =	ssyncset.done $0x0  }
0xa0: {  	[sflag:s6] =	ssyncadd.s32 s4;
	_ =	sdelay $0x1  }
0xa1: {  	s23 =	simm.s32 $0x1B8B  }
0xa2: {  	_ =	swait.ge [sflag:s23], $0x1  }
0xa3: {  	[sflag:s23] =	ssyncset.done $0x0  }
0xa4: {  	[sflag:s23] =	ssyncadd.s32 $0xFFFFFFFF  }
0xa5: {  	s4 =	sld [smem:$0x0]  }
0xa6: {  	s5 =	sand.u32 $0xFFFFFFFE, s1  }
0xa7: {  	p0 =	sne.s32 s1, s5  }
0xa8: {  	s5 =	sshll.u32 @p0 s5, $0xE  }
0xa9: {  	s5 =	sadd.s32 @p0 $0x11B8D, s5;
	s6 =	sshll.u32 @p0 s4, $0x11  }
0xaa: {  	s5 =	sor.u32 @p0 s6, s5  }
0xab: {  	[sflag:s5] =	ssyncadd.remote.s32 @p0 $0x1;
	_ =	sdelay $0x1  }
0xac: {  	s5 =	simm.s32 @p0 $0x1B8D  }
0xad: {  	_ =	swait.eq @p0 [sflag:s5], $0x1  }
0xae: {  	[sflag:s5] =	ssyncadd.s32 @p0 $0xFFFFFFFF  }
0xaf: {  	s6 =	sshll.u32 @!p0 s1, $0xE  }
0xb0: {  	s6 =	sor.u32 @!p0 $0x4000, s6;
	s5 =	simm.s32 @!p0 $0x1B8D  }
0xb1: {  	s4 =	sshll.u32 @!p0 s4, $0x11;
	s6 =	sadd.s32 @!p0 $0x11B8D, s6;
	_ =	swait.eq @!p0 [sflag:s5], $0x1  }
0xb2: {  	s4 =	sor.u32 @!p0 s4, s6;
	[sflag:s5] =	ssyncadd.s32 @!p0 $0xFFFFFFFF  }
0xb3: {  	s25 =	simm.s32 $0x1B8E;
	s24 =	sld [smem:$0x3FFE];
	[sflag:s4] =	ssyncadd.remote.s32 @!p0 $0x1  }
0xb4: {  	s26 =	simm.s32 $execute0_lowered;
	[smem:$0x3FD2] =	sst s25  }
0xb5: {  	s5 =	sshll.u32 s26, $0x1;
	_ =	strace $0x8000004C;
	[dreg:$0x1] =	wrdreg $0xFFFFFFFF  }
0xb6: {  	s28 =	simm.s32 $_size_execute0_lowered;
	s3 =	sadd.s32 s3, s5;
	[dreg:$0x0] =	wrdreg $0x0  }
0xb7: {  	s5 =	sshll.u32 s28, $0x1;
	[dreg:$0x2] =	wrdreg s3  }
0xb8: {  	[dreg:$0x3] =	wrdreg s5  }
0xb9: {  	[dreg:$0x4] =	wrdreg $0xC0  }
0xba: {  	_ =	task [dreg:s22], $0x5FFFF  }
0xbb: {  	[dreg:$0x1] =	wrdreg $0xFFFFFFFF  }
0xbc: {  	[dreg:$0x0] =	wrdreg $0x60  }
0xbd: {  	[dreg:$0x2] =	wrdreg s24  }
0xbe: {  	[dreg:$0x3] =	wrdreg $0xB  }
0xbf: {  	_ =	task.clear_ibuf [dreg:s22], $0x4FFFF;
	_ =	strace $0x9000004C  }
0xc0: {  	s29 =	simm.s32 $0xB;
	_ =	strace $0x8000004E  }
0xc1: {  	_ =	swait.ge [sflag:s29], $0x1  }
0xc2: {  	[sflag:s29] =	ssyncadd.s32 $0xFFFFFFFF  }
0xc3: {  	_ =	strace $0x9000004E  }
0xc4: {  	_ =	sfence  }
0xc5: {  	s30 =	sld [smem:$0x0];
	_ =	sdelay $0x2  }
0xc6: {  	s31 =	sshll.u32 s1, $0xD;
	s1 =	sshrl.u32 s1, $0x2  }
0xc7: {  	s4 =	sand.u32 $0x4000, s31;
	s1 =	sadd.s32 s1, s30  }
0xc8: {  	s0 =	sor.u32 s4, s0;
	s1 =	sshll.u32 s1, $0x11  }
0xc9: {  	s0 =	sor.u32 s1, s0  }
0xca: {  	s0 =	sadd.s32 $0x8F2B, s0  }
0xcb: {  	[sflag:s0] =	ssyncadd.remote.s32 $0x1  }
0xcc: {  	_ =	sfence.sel $0xFFFF  }
0xcd: {  	[dreg:$0x0] =	wrdreg $0xFFFFFFFF;
	(pc) =	sbr.abs _section_cstart, $3  }
0xce: {  	[dreg:$0x1] =	wrdreg $0xFFFFFFFF  }
0xcf: {  	_ =	task.clear_ibuf [dreg:s22], $0x2FFFF;
	_ =	strace $0x9FFFFFFF  }
0xd0: {  	(tm) =	ssettm $0x7FFFFFFF  }
0xd1: {  	_ =	shalt  }
tec
execute0_lowered:
.L_overlay_start_1:
0x0: {  	(tag) =	ssettag $0x1  }
0x1: {  	s4 =	rddreg [dreg:$0x0]  }
0x2: {  	s0 =	rddreg [dreg:$0x1];
	s2 =	simm.s32 $0x0;
	s1 =	stileid.u32  }
0x3: {  	s5 =	srdreg.scid;
	s11 =	simm.s32 $0x1;
	s12 =	simm.s32 $0x4100  }
0x4: {  	s13 =	simm.s32 $0x2;
	s14 =	simm.s32 $0x0;
	[smem:$0x7FF] =	sst s2  }
0x5: {  	s3 =	sadd.s32 $0x237A00, s4;
	s6 =	sshll.u32 s1, $0x10;
	s7 =	sadd.s32 $0x247A00, s4  }
0x6: {  	s5 =	sand.u32 $0x1, s5;
	s9 =	sshll.u32 s1, $0xC;
	_ =	strace $0x8000004D  }
0x7: {  	s6 =	sadd.s32 s6, s4;
	s29 =	ssub.s32 $0x2, s5;
	s10 =	sshll.u32 s5, $0xB  }
0x8: {  	s5 =	sshll.u32 s5, $0xF;
	s8 =	sshrl.u32 s29, $0x1;
	s30 =	sor.u32 s10, s9  }
0x9: {  	s5 =	sadd.s32 s5, s6;
	s9 =	simm.s32 $0x80;
	s10 =	simm.s32 $0x100  }
0xa: {  	s4 =	ssub.s32 s29, s8;
	s31 =	sor.u32 $0x80, s30;
	s5 =	sadd.s32 $0x24A200, s5  }
0xb: {  	s8 =	sshrl.u32 s30, $0x3;
	s4 =	smax.u32 s4, $0x1;
	s6 =	sshrl.u32 s31, $0x3  }
0xc: {  	s6 =	sadd.s32 s6, s7;
	s7 =	sadd.s32 s8, s7;
	s8 =	simm.s32 $0x3  }
.LBB2_1:
0xd: {  	s15 =	sadd.s32 $0x0, s7  }
0xe: {  	[tilespmem:s2], [sflag:$0x3] =	stream.linear.gather [hbm4b:s15+s2], $0x80, $0x38;
	[tilespmem:$0x8100] =	vst v63  }
0xf: {  	_ =	swait.ge [sflag:s8], $0x80  }
0x10: {  	[sflag:s8] =	ssyncset.done $0x0  }
0x11: {  	[sflag:s8] =	ssyncadd.s32 $0xFFFFFF80  }
0x12: {  	[tilespmem:s10], [sflag:$0x1] =	stream.indirect.gather [hbm4b:s3+s9], $0x80, s2, s9, $0xb8;
	[tilespmem:$0x8100] =	vst v63  }
0x13: {  	_ =	swait.ge [sflag:s11], $0x4000  }
0x14: {  	[sflag:s11] =	ssyncset.done $0x0  }
0x15: {  	s30 =	sadd.s32 $0xFFFFF800, s5;
	[sflag:s11] =	ssyncadd.s32 $0xFFFFC000  }
0x16: {  	[hbm4b:s30+s2] =	stream.linear.scatter [tilespmem:s10], [sflag:$0x3], $0x4000, $0x38;
	[tilespmem:$0x8100] =	vst v63  }
0x17: {  	_ =	swait.ge [sflag:s8], $0x4000  }
0x18: {  	[sflag:s8] =	ssyncset.done $0x0  }
0x19: {  	s31 =	sadd.s32 $0x0, s6;
	[sflag:s8] =	ssyncadd.s32 $0xFFFFC000  }
0x1a: {  	[tilespmem:s9], [sflag:$0x3] =	stream.linear.gather [hbm4b:s31+s2], $0x80, $0x38;
	[tilespmem:$0x8100] =	vst v63  }
0x1b: {  	_ =	swait.ge [sflag:s8], $0x80  }
0x1c: {  	[sflag:s8] =	ssyncset.done $0x0  }
0x1d: {  	[sflag:s8] =	ssyncadd.s32 $0xFFFFFF80  }
0x1e: {  	[tilespmem:s12], [sflag:$0x2] =	stream.indirect.gather [hbm4b:s3+s9], $0x80, s9, s9, $0xb8;
	[tilespmem:$0x8100] =	vst v63  }
0x1f: {  	_ =	swait.ge [sflag:s13], $0x4000  }
0x20: {  	[sflag:s13] =	ssyncset.done $0x0  }
0x21: {  	[sflag:s13] =	ssyncadd.s32 $0xFFFFC000  }
0x22: {  	[hbm4b:s5+s2] =	stream.linear.scatter [tilespmem:s12], [sflag:$0x3], $0x4000, $0x38;
	[tilespmem:$0x8100] =	vst v63  }
0x23: {  	s16 =	simm.s32 $0x20;
	_ =	swait.ge [sflag:s8], $0x4000  }
0x24: {  	s17 =	simm.s32 $0x40;
	s15 =	sadd.s32 $0x1000, s5;
	[sflag:s8] =	ssyncset.done $0x0  }
.LBB2_2:
0x25: {  	s18 =	sadd.s32 s16, s7  }
0x26: {  	[sflag:s8] =	ssyncadd.s32 $0xFFFFC000;
	s19 =	smov.u32 s17;
	s20 =	sadd.s32 $0x20, s17  }
0x27: {  	[tilespmem:s2], [sflag:$0x3] =	stream.linear.gather [hbm4b:s18+s2], $0x80, $0x38;
	[tilespmem:$0x8100] =	vst v63  }
0x28: {  	p0 =	sne.s32 s17, $0xE0;
	_ =	swait.ge [sflag:s8], $0x80  }
0x29: {  	[sflag:s8] =	ssyncset.done $0x0  }
0x2a: {  	[sflag:s8] =	ssyncadd.s32 $0xFFFFFF80  }
0x2b: {  	[tilespmem:s10], [sflag:$0x1] =	stream.indirect.gather [hbm4b:s3+s9], $0x80, s2, s9, $0xb8;
	[tilespmem:$0x8100] =	vst v63  }
0x2c: {  	_ =	swait.ge [sflag:s11], $0x4000  }
0x2d: {  	[sflag:s11] =	ssyncset.done $0x0  }
0x2e: {  	s17 =	sadd.s32 $0xFFFFF800, s15;
	[sflag:s11] =	ssyncadd.s32 $0xFFFFC000  }
0x2f: {  	[hbm4b:s17+s2] =	stream.linear.scatter [tilespmem:s10], [sflag:$0x3], $0x4000, $0x38;
	[tilespmem:$0x8100] =	vst v63  }
0x30: {  	_ =	swait.ge [sflag:s8], $0x4000  }
0x31: {  	[sflag:s8] =	ssyncset.done $0x0  }
0x32: {  	s17 =	sadd.s32 s16, s6;
	s16 =	smov.u32 s19;
	[sflag:s8] =	ssyncadd.s32 $0xFFFFC000  }
0x33: {  	[tilespmem:s9], [sflag:$0x3] =	stream.linear.gather [hbm4b:s17+s2], $0x80, $0x38;
	[tilespmem:$0x8100] =	vst v63  }
0x34: {  	_ =	swait.ge [sflag:s8], $0x80  }
0x35: {  	[sflag:s8] =	ssyncset.done $0x0  }
0x36: {  	[sflag:s8] =	ssyncadd.s32 $0xFFFFFF80  }
0x37: {  	[tilespmem:s12], [sflag:$0x2] =	stream.indirect.gather [hbm4b:s3+s9], $0x80, s9, s9, $0xb8;
	[tilespmem:$0x8100] =	vst v63  }
0x38: {  	_ =	swait.ge [sflag:s13], $0x4000  }
.Ltmp0:
0x39: {  	[sflag:s13] =	ssyncset.done $0x0;
	(pc) =	sbr.rel @p0 .LBB2_2-.Ltmp0, $4  }
0x3a: {  	[sflag:s13] =	ssyncadd.s32 $0xFFFFC000  }
0x3b: {  	[hbm4b:s15+s2] =	stream.linear.scatter [tilespmem:s12], [sflag:$0x3], $0x4000, $0x38;
	[tilespmem:$0x8100] =	vst v63  }
0x3c: {  	_ =	swait.ge [sflag:s8], $0x4000  }
0x3d: {  	s17 =	smov.u32 s20;
	s15 =	sadd.s32 $0x1000, s15;
	[sflag:s8] =	ssyncset.done $0x0  }
0x3e: {  	s17 =	sadd.s32 s16, s7;
	[sflag:s8] =	ssyncadd.s32 $0xFFFFC000  }
0x3f: {  	[tilespmem:s2], [sflag:$0x3] =	stream.linear.gather [hbm4b:s17+s2], $0x80, $0x38;
	[tilespmem:$0x8100] =	vst v63  }
0x40: {  	_ =	swait.ge [sflag:s8], $0x80  }
0x41: {  	[sflag:s8] =	ssyncset.done $0x0  }
0x42: {  	[sflag:s8] =	ssyncadd.s32 $0xFFFFFF80  }
0x43: {  	[tilespmem:s10], [sflag:$0x1] =	stream.indirect.gather [hbm4b:s3+s9], $0x80, s2, s9, $0xb8;
	[tilespmem:$0x8100] =	vst v63  }
0x44: {  	_ =	swait.ge [sflag:s11], $0x4000  }
0x45: {  	[sflag:s11] =	ssyncset.done $0x0  }
0x46: {  	s30 =	sadd.s32 $0xFFFFF800, s15;
	[sflag:s11] =	ssyncadd.s32 $0xFFFFC000  }
0x47: {  	[hbm4b:s30+s2] =	stream.linear.scatter [tilespmem:s10], [sflag:$0x3], $0x4000, $0x38;
	[tilespmem:$0x8100] =	vst v63  }
0x48: {  	_ =	swait.ge [sflag:s8], $0x4000  }
0x49: {  	[sflag:s8] =	ssyncset.done $0x0  }
0x4a: {  	s31 =	sadd.s32 s16, s6;
	[sflag:s8] =	ssyncadd.s32 $0xFFFFC000  }
0x4b: {  	[tilespmem:s9], [sflag:$0x3] =	stream.linear.gather [hbm4b:s31+s2], $0x80, $0x38;
	[tilespmem:$0x8100] =	vst v63  }
0x4c: {  	_ =	swait.ge [sflag:s8], $0x80  }
0x4d: {  	[sflag:s8] =	ssyncset.done $0x0  }
0x4e: {  	[sflag:s8] =	ssyncadd.s32 $0xFFFFFF80  }
0x4f: {  	[tilespmem:s12], [sflag:$0x2] =	stream.indirect.gather [hbm4b:s3+s9], $0x80, s9, s9, $0xb8;
	[tilespmem:$0x8100] =	vst v63  }
0x50: {  	s14 =	sadd.s32 $0x1, s14;
	_ =	swait.ge [sflag:s13], $0x4000  }
0x51: {  	p0 =	sne.s32 s14, s4;
	[sflag:s13] =	ssyncset.done $0x0  }
.Ltmp1:
0x52: {  	[sflag:s13] =	ssyncadd.s32 $0xFFFFC000;
	(pc) =	sbr.rel @p0 .LBB2_1-.Ltmp1, $4  }
0x53: {  	[hbm4b:s15+s2] =	stream.linear.scatter [tilespmem:s12], [sflag:$0x3], $0x4000, $0x38;
	[tilespmem:$0x8100] =	vst v63  }
0x54: {  	_ =	swait.ge [sflag:s8], $0x4000  }
0x55: {  	[sflag:s8] =	ssyncset.done $0x0  }
0x56: {  	[sflag:s8] =	ssyncadd.s32 $0xFFFFC000  }
0x57: {  	_ =	sfence.sel $0x180000  }
0x58: {  	[bflag:$0x0] =	sbarrier.arrive $0xFFFF  }
0x59: {  	p0 =	sne.s32 s1, $0x0;
	_ =	strace $0x9000004D  }
0x5a: {  	s0 =	sadd.s32 @!p0 $0x100000, s0;
	[bflag:$0x2] =	sbarrier.arrive $0xFFFF  }
0x5b: {  	[sflag:s0] =	ssyncadd.tile.s32 @!p0 $0x1;
	_ =	shalt  }
.Lfunc_end2:
_tile_overlayer_lowered:
.L_overlay_start_2:
0x5c: {  	(tag) =	ssettag $0x2  }
0x5d: {  	s0 =	rddreg [dreg:$0x0];
	s2 =	stileid.u32  }
0x5e: {  	s1 =	rddreg [dreg:$0x1];
	p0 =	sne.s32 s2, $0x0  }
0x5f: {  	s3 =	rddreg [dreg:$0x2];
	[bflag:$0x3] =	sbarrier.arrive $0xFFFF;
	s2 =	simm.s32 @!p0 $0x1C03  }
0x60: {  	[timem:s3], [sflag:s2] =	dma.local @!p0 [hbm:s0], s1  }
0x61: {  	s0 =	simm.s32 @!p0 $0x3  }
0x62: {  	_ =	swait.ge @!p0 [sflag:s0], s1  }
0x63: {  	s1 =	ssub.s32 @!p0 $0x0, s1;
	[sflag:s0] =	ssyncset.done @!p0 $0x0  }
0x64: {  	[sflag:s0] =	ssyncadd.s32 @!p0 s1  }
0x65: {  	[bflag:$0x3] =	sbarrier.arrive $0xFFFF  }
0x66: {  	_ =	shalt  }

// kernel: kernel.23.cloned.1.call-start
scs
__scs_entry_jumppad:
0x0: {  	(pc) =	sbr.rel $0x88, $3  }
0x1: {  	(tag) =	ssettag $0x0;
	lr =	simm.s32 $0x1  }
0x2: {  	[smem:$0x3F99] =	sst lr;
	_ =	strace $0xD0000000  }
0x3: {  	_ = 	snop  }
0x4: {  	_ = 	snop  }
0x5: {  	_ = 	snop  }
0x6: {  	_ = 	snop  }
0x7: {  	_ = 	snop  }
__scs_overlays_trampoline_lowered:
0x8: {  	[smem:$0x3FA8] =	sst s0  }
0x9: {  	[smem:$0x3FA9] =	sst s1  }
0xa: {  	[smem:$0x3FAA] =	sst s2  }
0xb: {  	[smem:$0x3FAB] =	sst s3  }
0xc: {  	[smem:$0x3FAC] =	sst s4  }
0xd: {  	[smem:$0x3FAD] =	sst s5  }
0xe: {  	[smem:$0x3FAE] =	sst s6  }
0xf: {  	[smem:$0x3FAF] =	sst s7  }
0x10: {  	[smem:$0x3FB0] =	sst s8  }
0x11: {  	[smem:$0x3FB1] =	sst s9;
	s0 =	simm.s32 @!p0 $0x0  }
0x12: {  	s1 =	sld [smem:$0x3F97];
	s0 =	simm.s32 @p0 $0x1  }
0x13: {  	[smem:$0x3FB2] =	sst s0;
	s0 =	simm.s32 @!p1 $0x0  }
0x14: {  	s2 =	sld [smem:$0x3F96];
	s0 =	simm.s32 @p1 $0x1  }
0x15: {  	[smem:$0x3FB3] =	sst s0;
	s0 =	simm.s32 @!p2 $0x0  }
0x16: {  	s3 =	sld [smem:$0x3FDB];
	s0 =	simm.s32 @p2 $0x1  }
0x17: {  	s4 =	simm.s32 $0x1BF5;
	[smem:$0x3FB5] =	sst s0  }
0x18: {  	s0 =	sld [smem:$0x3F98];
	_ =	swait.ge [sflag:s4], $0x0  }
0x19: {  	s7 =	sld [smem:$0x3F99]  }
0x1a: {  	s8 =	sadd.s32 $0xFFFFE003, lr  }
0x1b: {  	s9 =	sadd.s32 $0xFFFFFEF7, lr;
	s5 =	simm.s32 $0xFFFFFFFF;
	p2 =	slt.u32 s8, $0xFFFFF086  }
0x1c: {  	p1 =	slt.u32 s9, $0xF7A;
	s5 =	simm.s32 @!p2 $0x0  }
0x1d: {  	s5 =	simm.s32 @p1 $0x1;
	p0 =	seq.s32 s7, s2  }
0x1e: {  	s7 =	smul.u32 @!p0 $0xF7A, s2;
	p2 =	seq.s32 @!p0 s5, $0x0  }
0x1f: {  	s9 =	smul.u32 $0xF7A, s1;
	s8 =	simm.s32 @!p0 $0x1BF5;
	p2 =	por !p2, p0  }
0x20: {  	[sflag:s8] =	ssyncset.s32 @!p0 $0xFFFFF086;
	s6 =	sadd.s32 @!p0 s3, s7;
	s7 =	simm.s32 @!p0 $0x108  }
0x21: {  	s3 =	sadd.s32 s3, s9;
	s6 =	sadd.s32 @!p0 $0x88, s6;
	s7 =	simm.s32 @p2 $0x1082  }
0x22: {  	[simem:s7], [sflag:s8] =	dma.local @!p0 [hbm:s6], $0xF7A  }
0x23: {  	s9 =	sor.u32 $0xD0000000, s2;
	s6 =	simm.s32 $0x108;
	_ =	swait.ge @!p0 [sflag:s8], $0x0  }
0x24: {  	s3 =	sadd.s32 $0x88, s3;
	s6 =	simm.s32 @!p1 $0x1082;
	[sflag:s4] =	ssyncset.s32 $0xFFFFF086  }
0x25: {  	[simem:s6], [sflag:s4] =	dma.local [hbm:s3], $0xF7A  }
0x26: {  	[smem:$0x3F99] =	sst s1;
	(tag) =	ssettag s2;
	_ =	strace s9  }
0x27: {  	s1 =	sld [smem:$0x3FA9]  }
0x28: {  	s2 =	sld [smem:$0x3FAA]  }
0x29: {  	s4 =	sld [smem:$0x3FAC]  }
0x2a: {  	p0 =	seq.s32 s5, $0x0;
	s5 =	sld [smem:$0x3FAD]  }
0x2b: {  	s6 =	sld [smem:$0x3FAE]  }
0x2c: {  	s7 =	sld [smem:$0x3FAF]  }
0x2d: {  	s3 =	simm.s32 $0x108;
	s8 =	sld [smem:$0x3FB0]  }
0x2e: {  	s3 =	simm.s32 @!p0 $0x1082;
	s9 =	sld [smem:$0x3FB1]  }
0x2f: {  	lr =	sadd.s32 s0, s3;
	s0 =	sld [smem:$0x3FA8]  }
0x30: {  	s3 =	sld [smem:$0x3FAB]  }
0x31: {  	[smem:$0x3FB4] =	sst s10  }
0x32: {  	s10 =	sld [smem:$0x3FB2];
	_ =	sdelay $0x3  }
0x33: {  	p0 =	seq.s32 s10, $0x1;
	s10 =	sld [smem:$0x3FB4];
	_ =	sdelay $0x3  }
0x34: {  	[smem:$0x3FB4] =	sst s10  }
0x35: {  	s10 =	sld [smem:$0x3FB3];
	_ =	sdelay $0x3  }
0x36: {  	p1 =	seq.s32 s10, $0x1;
	s10 =	sld [smem:$0x3FB4];
	_ =	sdelay $0x3  }
0x37: {  	[smem:$0x3FB4] =	sst s10  }
0x38: {  	s10 =	sld [smem:$0x3FB5]  }
0x39: {  	_ = 	snop;
	(pc) =	sbr.ind lr, $3  }
0x3a: {  	_ = 	snop  }
0x3b: {  	_ = 	snop  }
0x3c: {  	p2 =	seq.s32 s10, $0x1;
	s10 =	sld [smem:$0x3FB4]  }
0x3d: {  	_ =	shalt  }
0x3e: {  	_ =	shalt  }
0x3f: {  	_ =	shalt  }
0x40: {  	_ =	shalt  }
0x41: {  	_ =	shalt  }
0x42: {  	_ =	shalt  }
0x43: {  	_ =	shalt  }
0x44: {  	_ =	shalt  }
0x45: {  	_ =	shalt  }
0x46: {  	_ =	shalt  }
0x47: {  	_ =	shalt  }
0x48: {  	_ =	shalt  }
0x49: {  	_ =	shalt  }
0x4a: {  	_ =	shalt  }
0x4b: {  	_ =	shalt  }
0x4c: {  	_ =	shalt  }
0x4d: {  	_ =	shalt  }
0x4e: {  	_ =	shalt  }
0x4f: {  	_ =	shalt  }
0x50: {  	_ =	shalt  }
0x51: {  	_ =	shalt  }
0x52: {  	_ =	shalt  }
0x53: {  	_ =	shalt  }
0x54: {  	_ =	shalt  }
0x55: {  	_ =	shalt  }
0x56: {  	_ =	shalt  }
0x57: {  	_ =	shalt  }
0x58: {  	_ =	shalt  }
0x59: {  	_ =	shalt  }
0x5a: {  	_ =	shalt  }
0x5b: {  	_ =	shalt  }
0x5c: {  	_ =	shalt  }
0x5d: {  	_ =	shalt  }
0x5e: {  	_ =	shalt  }
0x5f: {  	_ =	shalt  }
0x60: {  	_ =	shalt  }
0x61: {  	_ =	shalt  }
0x62: {  	_ =	shalt  }
0x63: {  	_ =	shalt  }
0x64: {  	_ =	shalt  }
0x65: {  	_ =	shalt  }
0x66: {  	_ =	shalt  }
0x67: {  	_ =	shalt  }
0x68: {  	_ =	shalt  }
0x69: {  	_ =	shalt  }
0x6a: {  	_ =	shalt  }
0x6b: {  	_ =	shalt  }
0x6c: {  	_ =	shalt  }
0x6d: {  	_ =	shalt  }
0x6e: {  	_ =	shalt  }
0x6f: {  	_ =	shalt  }
0x70: {  	_ =	shalt  }
0x71: {  	_ =	shalt  }
0x72: {  	_ =	shalt  }
0x73: {  	_ =	shalt  }
0x74: {  	_ =	shalt  }
0x75: {  	_ =	shalt  }
0x76: {  	_ =	shalt  }
0x77: {  	_ =	shalt  }
0x78: {  	_ =	shalt  }
0x79: {  	_ =	shalt  }
0x7a: {  	_ =	shalt  }
0x7b: {  	_ =	shalt  }
0x7c: {  	_ =	shalt  }
0x7d: {  	_ =	shalt  }
0x7e: {  	_ =	shalt  }
0x7f: {  	_ =	shalt  }
0x80: {  	_ =	shalt  }
0x81: {  	_ =	shalt  }
0x82: {  	_ =	shalt  }
0x83: {  	_ =	shalt  }
0x84: {  	_ =	shalt  }
0x85: {  	_ =	shalt  }
0x86: {  	_ =	shalt  }
0x87: {  	_ =	shalt  }
.Lfunc_end0:
.L_simem_size_0:
called_computation.3_lowered:
.L_overlay_start_0:
0x88: {  	s2 =	sld [smem:$0x3FD9]  }
0x89: {  	s3 =	sld [smem:$0x3FFE];
	_ =	sdelay $0x1  }
0x8a: {  	s1 =	srdreg.scid  }
0x8b: {  	s0 =	sand.u32 $0x1, s1  }
0x8c: {  	s17 =	sshll.u32 s0, $0xA;
	s2 =	sadd.s32 s3, s2  }
0x8d: {  	s2 =	sadd.s32 s2, s17  }
0x8e: {  	[smem:$0x3FC0] =	sst s2  }
0x8f: {  	_ = 	snop  }
0x90: {  	s18 =	sld [smem:$0x3FD0];
	(tm) =	ssettm $0x1  }
0x91: {  	s19 =	sld [smem:$0x3FFB];
	_ =	sdelay $0x3  }
0x92: {  	_ =	strace s19  }
0x93: {  	s2 =	sld [smem:$0x3FFC];
	_ =	sdelay $0x3  }
0x94: {  	_ =	strace s2  }
0x95: {  	s2 =	sld [smem:$0x3FFD];
	_ =	sdelay $0x3  }
0x96: {  	_ =	strace s2  }
0x97: {  	_ =	strace $0x8FFFFFFF  }
0x98: {  	s20 =	sld [smem:$0x3FDB];
	_ =	sdelay $0x1  }
0x99: {  	s4 =	simm.s32 $_scs_section_size  }
0x9a: {  	s5 =	simm.s32 $_size__tile_overlayer_lowered;
	s6 =	simm.s32 $_tile_overlayer_lowered  }
0x9b: {  	s7 =	simm.s32 $0x1BFF;
	s21 =	sshll.u32 s6, $0x1;
	s4 =	sadd.s32 s4, s20  }
0x9c: {  	s22 =	simm.s32 $0x0;
	s5 =	sshll.u32 s5, $0x1;
	s6 =	sadd.s32 s21, s4  }
0x9d: {  	[timem:s22], [sflag:s7] =	dma.local [hbm:s6], s5  }
0x9e: {  	_ =	swait.ge [sflag:s7], s5  }
0x9f: {  	s5 =	ssub.s32 $0x0, s5;
	[sflag:s7] =	ssyncset.done $0x0  }
0xa0: {  	[sflag:s7] =	ssyncadd.s32 s5;
	_ =	sdelay $0x1  }
0xa1: {  	s23 =	simm.s32 $0x1B8B  }
0xa2: {  	_ =	swait.ge [sflag:s23], $0x1  }
0xa3: {  	[sflag:s23] =	ssyncset.done $0x0  }
0xa4: {  	[sflag:s23] =	ssyncadd.s32 $0xFFFFFFFF  }
0xa5: {  	s5 =	sld [smem:$0x0]  }
0xa6: {  	s6 =	sand.u32 $0xFFFFFFFE, s1  }
0xa7: {  	p0 =	sne.s32 s1, s6  }
0xa8: {  	s6 =	sshll.u32 @p0 s6, $0xE  }
0xa9: {  	s6 =	sadd.s32 @p0 $0x11B8D, s6;
	s7 =	sshll.u32 @p0 s5, $0x11  }
0xaa: {  	s6 =	sor.u32 @p0 s7, s6  }
0xab: {  	[sflag:s6] =	ssyncadd.remote.s32 @p0 $0x1;
	_ =	sdelay $0x1  }
0xac: {  	s6 =	simm.s32 @p0 $0x1B8D  }
0xad: {  	_ =	swait.eq @p0 [sflag:s6], $0x1  }
0xae: {  	[sflag:s6] =	ssyncadd.s32 @p0 $0xFFFFFFFF  }
0xaf: {  	s7 =	sshll.u32 @!p0 s1, $0xE  }
0xb0: {  	s7 =	sor.u32 @!p0 $0x4000, s7;
	s6 =	simm.s32 @!p0 $0x1B8D  }
0xb1: {  	s5 =	sshll.u32 @!p0 s5, $0x11;
	s7 =	sadd.s32 @!p0 $0x11B8D, s7;
	_ =	swait.eq @!p0 [sflag:s6], $0x1  }
0xb2: {  	s5 =	sor.u32 @!p0 s5, s7;
	[sflag:s6] =	ssyncadd.s32 @!p0 $0xFFFFFFFF  }
0xb3: {  	s25 =	simm.s32 $0x1B8E;
	s24 =	sld [smem:$0x3FFE];
	[sflag:s5] =	ssyncadd.remote.s32 @!p0 $0x1  }
0xb4: {  	s26 =	simm.s32 $execute0_lowered;
	[smem:$0x3FD2] =	sst s25  }
0xb5: {  	s6 =	sshll.u32 s26, $0x1;
	_ =	strace $0x8000004F;
	[dreg:$0x1] =	wrdreg $0xFFFFFFFF  }
0xb6: {  	s28 =	simm.s32 $_size_execute0_lowered;
	s4 =	sadd.s32 s4, s6;
	[dreg:$0x0] =	wrdreg $0x0  }
0xb7: {  	s6 =	sshll.u32 s28, $0x1;
	[dreg:$0x2] =	wrdreg s4  }
0xb8: {  	[dreg:$0x3] =	wrdreg s6  }
0xb9: {  	[dreg:$0x4] =	wrdreg $0xC0  }
0xba: {  	_ =	task [dreg:s22], $0x5FFFF  }
0xbb: {  	[dreg:$0x1] =	wrdreg $0xFFFFFFFF  }
0xbc: {  	[dreg:$0x0] =	wrdreg $0x60  }
0xbd: {  	[dreg:$0x2] =	wrdreg s18  }
0xbe: {  	[dreg:$0x3] =	wrdreg s24  }
0xbf: {  	[dreg:$0x4] =	wrdreg $0xC  }
0xc0: {  	_ =	task.clear_ibuf [dreg:s22], $0x5FFFF;
	_ =	strace $0x9000004F  }
0xc1: {  	s29 =	simm.s32 $0xC;
	_ =	strace $0x80000051  }
0xc2: {  	_ =	swait.ge [sflag:s29], $0x1  }
0xc3: {  	[sflag:s29] =	ssyncadd.s32 $0xFFFFFFFF  }
0xc4: {  	_ =	strace $0x90000051  }
0xc5: {  	_ =	sfence  }
0xc6: {  	s30 =	sld [smem:$0x0];
	_ =	sdelay $0x2  }
0xc7: {  	s31 =	sshll.u32 s1, $0xD;
	s1 =	sshrl.u32 s1, $0x2  }
0xc8: {  	s4 =	sand.u32 $0x4000, s31;
	s1 =	sadd.s32 s1, s30  }
0xc9: {  	s0 =	sor.u32 s4, s0;
	s1 =	sshll.u32 s1, $0x11  }
0xca: {  	s0 =	sor.u32 s1, s0  }
0xcb: {  	s0 =	sadd.s32 $0x8F2B, s0  }
0xcc: {  	[sflag:s0] =	ssyncadd.remote.s32 $0x1  }
0xcd: {  	_ =	sfence.sel $0xFFFF  }
0xce: {  	[dreg:$0x0] =	wrdreg $0xFFFFFFFF;
	(pc) =	sbr.abs _section_cstart, $3  }
0xcf: {  	[dreg:$0x1] =	wrdreg $0xFFFFFFFF  }
0xd0: {  	_ =	task.clear_ibuf [dreg:s22], $0x2FFFF;
	_ =	strace $0x9FFFFFFF  }
0xd1: {  	(tm) =	ssettm $0x7FFFFFFF  }
tec
execute0_lowered:
.L_overlay_start_1:
0x0: {  	(tag) =	ssettag $0x1  }
0x1: {  	s1 =	rddreg [dreg:$0x0]  }
0x2: {  	s4 =	rddreg [dreg:$0x1]  }
0x3: {  	s0 =	rddreg [dreg:$0x2];
	s3 =	simm.s32 $0x0  }
0x4: {  	s2 =	stileid.u32;
	s5 =	srdreg.scid;
	s11 =	simm.s32 $0x1  }
0x5: {  	s12 =	simm.s32 $0x4100;
	s13 =	simm.s32 $0x2;
	s14 =	simm.s32 $0x0  }
0x6: {  	[smem:$0x7FF] =	sst s3;
	s6 =	sshll.u32 s2, $0x10;
	s7 =	sadd.s32 $0x349A00, s4  }
0x7: {  	s5 =	sand.u32 $0x1, s5;
	s9 =	sshll.u32 s2, $0xC;
	_ =	strace $0x80000050  }
0x8: {  	s6 =	sadd.s32 s6, s4;
	s29 =	ssub.s32 $0x2, s5;
	s10 =	sshll.u32 s5, $0xB  }
0x9: {  	s5 =	sshll.u32 s5, $0xF;
	s8 =	sshrl.u32 s29, $0x1;
	s30 =	sor.u32 s10, s9  }
0xa: {  	s5 =	sadd.s32 s5, s6;
	s9 =	simm.s32 $0x80;
	s10 =	simm.s32 $0x100  }
0xb: {  	s4 =	ssub.s32 s29, s8;
	s31 =	sor.u32 $0x80, s30;
	s5 =	sadd.s32 $0x34C200, s5  }
0xc: {  	s8 =	sshrl.u32 s30, $0x3;
	s4 =	smax.u32 s4, $0x1;
	s6 =	sshrl.u32 s31, $0x3  }
0xd: {  	s6 =	sadd.s32 s6, s7;
	s7 =	sadd.s32 s8, s7;
	s8 =	simm.s32 $0x3  }
.LBB2_1:
0xe: {  	s15 =	sadd.s32 $0x0, s7  }
0xf: {  	[tilespmem:s3], [sflag:$0x3] =	stream.linear.gather [hbm4b:s15+s3], $0x80, $0x38;
	[tilespmem:$0x8100] =	vst v63  }
0x10: {  	_ =	swait.ge [sflag:s8], $0x80  }
0x11: {  	[sflag:s8] =	ssyncset.done $0x0  }
0x12: {  	[sflag:s8] =	ssyncadd.s32 $0xFFFFFF80  }
0x13: {  	[tilespmem:s10], [sflag:$0x1] =	stream.indirect.gather [hbm4b:s1+s9], $0x80, s3, s9, $0xb8;
	[tilespmem:$0x8100] =	vst v63  }
0x14: {  	_ =	swait.ge [sflag:s11], $0x4000  }
0x15: {  	[sflag:s11] =	ssyncset.done $0x0  }
0x16: {  	s30 =	sadd.s32 $0xFFFFF800, s5;
	[sflag:s11] =	ssyncadd.s32 $0xFFFFC000  }
0x17: {  	[hbm4b:s30+s3] =	stream.linear.scatter [tilespmem:s10], [sflag:$0x3], $0x4000, $0x38;
	[tilespmem:$0x8100] =	vst v63  }
0x18: {  	_ =	swait.ge [sflag:s8], $0x4000  }
0x19: {  	[sflag:s8] =	ssyncset.done $0x0  }
0x1a: {  	s31 =	sadd.s32 $0x0, s6;
	[sflag:s8] =	ssyncadd.s32 $0xFFFFC000  }
0x1b: {  	[tilespmem:s9], [sflag:$0x3] =	stream.linear.gather [hbm4b:s31+s3], $0x80, $0x38;
	[tilespmem:$0x8100] =	vst v63  }
0x1c: {  	_ =	swait.ge [sflag:s8], $0x80  }
0x1d: {  	[sflag:s8] =	ssyncset.done $0x0  }
0x1e: {  	[sflag:s8] =	ssyncadd.s32 $0xFFFFFF80  }
0x1f: {  	[tilespmem:s12], [sflag:$0x2] =	stream.indirect.gather [hbm4b:s1+s9], $0x80, s9, s9, $0xb8;
	[tilespmem:$0x8100] =	vst v63  }
0x20: {  	_ =	swait.ge [sflag:s13], $0x4000  }
0x21: {  	[sflag:s13] =	ssyncset.done $0x0  }
0x22: {  	[sflag:s13] =	ssyncadd.s32 $0xFFFFC000  }
0x23: {  	[hbm4b:s5+s3] =	stream.linear.scatter [tilespmem:s12], [sflag:$0x3], $0x4000, $0x38;
	[tilespmem:$0x8100] =	vst v63  }
0x24: {  	s16 =	simm.s32 $0x20;
	_ =	swait.ge [sflag:s8], $0x4000  }
0x25: {  	s17 =	simm.s32 $0x40;
	s15 =	sadd.s32 $0x1000, s5;
	[sflag:s8] =	ssyncset.done $0x0  }
.LBB2_2:
0x26: {  	s18 =	sadd.s32 s16, s7  }
0x27: {  	[sflag:s8] =	ssyncadd.s32 $0xFFFFC000;
	s19 =	smov.u32 s17;
	s20 =	sadd.s32 $0x20, s17  }
0x28: {  	[tilespmem:s3], [sflag:$0x3] =	stream.linear.gather [hbm4b:s18+s3], $0x80, $0x38;
	[tilespmem:$0x8100] =	vst v63  }
0x29: {  	p0 =	sne.s32 s17, $0xE0;
	_ =	swait.ge [sflag:s8], $0x80  }
0x2a: {  	[sflag:s8] =	ssyncset.done $0x0  }
0x2b: {  	[sflag:s8] =	ssyncadd.s32 $0xFFFFFF80  }
0x2c: {  	[tilespmem:s10], [sflag:$0x1] =	stream.indirect.gather [hbm4b:s1+s9], $0x80, s3, s9, $0xb8;
	[tilespmem:$0x8100] =	vst v63  }
0x2d: {  	_ =	swait.ge [sflag:s11], $0x4000  }
0x2e: {  	[sflag:s11] =	ssyncset.done $0x0  }
0x2f: {  	s17 =	sadd.s32 $0xFFFFF800, s15;
	[sflag:s11] =	ssyncadd.s32 $0xFFFFC000  }
0x30: {  	[hbm4b:s17+s3] =	stream.linear.scatter [tilespmem:s10], [sflag:$0x3], $0x4000, $0x38;
	[tilespmem:$0x8100] =	vst v63  }
0x31: {  	_ =	swait.ge [sflag:s8], $0x4000  }
0x32: {  	[sflag:s8] =	ssyncset.done $0x0  }
0x33: {  	s17 =	sadd.s32 s16, s6;
	s16 =	smov.u32 s19;
	[sflag:s8] =	ssyncadd.s32 $0xFFFFC000  }
0x34: {  	[tilespmem:s9], [sflag:$0x3] =	stream.linear.gather [hbm4b:s17+s3], $0x80, $0x38;
	[tilespmem:$0x8100] =	vst v63  }
0x35: {  	_ =	swait.ge [sflag:s8], $0x80  }
0x36: {  	[sflag:s8] =	ssyncset.done $0x0  }
0x37: {  	[sflag:s8] =	ssyncadd.s32 $0xFFFFFF80  }
0x38: {  	[tilespmem:s12], [sflag:$0x2] =	stream.indirect.gather [hbm4b:s1+s9], $0x80, s9, s9, $0xb8;
	[tilespmem:$0x8100] =	vst v63  }
0x39: {  	_ =	swait.ge [sflag:s13], $0x4000  }
.Ltmp0:
0x3a: {  	[sflag:s13] =	ssyncset.done $0x0;
	(pc) =	sbr.rel @p0 .LBB2_2-.Ltmp0, $4  }
0x3b: {  	[sflag:s13] =	ssyncadd.s32 $0xFFFFC000  }
0x3c: {  	[hbm4b:s15+s3] =	stream.linear.scatter [tilespmem:s12], [sflag:$0x3], $0x4000, $0x38;
	[tilespmem:$0x8100] =	vst v63  }
0x3d: {  	_ =	swait.ge [sflag:s8], $0x4000  }
0x3e: {  	s17 =	smov.u32 s20;
	s15 =	sadd.s32 $0x1000, s15;
	[sflag:s8] =	ssyncset.done $0x0  }
0x3f: {  	s17 =	sadd.s32 s16, s7;
	[sflag:s8] =	ssyncadd.s32 $0xFFFFC000  }
0x40: {  	[tilespmem:s3], [sflag:$0x3] =	stream.linear.gather [hbm4b:s17+s3], $0x80, $0x38;
	[tilespmem:$0x8100] =	vst v63  }
0x41: {  	_ =	swait.ge [sflag:s8], $0x80  }
0x42: {  	[sflag:s8] =	ssyncset.done $0x0  }
0x43: {  	[sflag:s8] =	ssyncadd.s32 $0xFFFFFF80  }
0x44: {  	[tilespmem:s10], [sflag:$0x1] =	stream.indirect.gather [hbm4b:s1+s9], $0x80, s3, s9, $0xb8;
	[tilespmem:$0x8100] =	vst v63  }
0x45: {  	_ =	swait.ge [sflag:s11], $0x4000  }
0x46: {  	[sflag:s11] =	ssyncset.done $0x0  }
0x47: {  	s30 =	sadd.s32 $0xFFFFF800, s15;
	[sflag:s11] =	ssyncadd.s32 $0xFFFFC000  }
0x48: {  	[hbm4b:s30+s3] =	stream.linear.scatter [tilespmem:s10], [sflag:$0x3], $0x4000, $0x38;
	[tilespmem:$0x8100] =	vst v63  }
0x49: {  	_ =	swait.ge [sflag:s8], $0x4000  }
0x4a: {  	[sflag:s8] =	ssyncset.done $0x0  }
0x4b: {  	s31 =	sadd.s32 s16, s6;
	[sflag:s8] =	ssyncadd.s32 $0xFFFFC000  }
0x4c: {  	[tilespmem:s9], [sflag:$0x3] =	stream.linear.gather [hbm4b:s31+s3], $0x80, $0x38;
	[tilespmem:$0x8100] =	vst v63  }
0x4d: {  	_ =	swait.ge [sflag:s8], $0x80  }
0x4e: {  	[sflag:s8] =	ssyncset.done $0x0  }
0x4f: {  	[sflag:s8] =	ssyncadd.s32 $0xFFFFFF80  }
0x50: {  	[tilespmem:s12], [sflag:$0x2] =	stream.indirect.gather [hbm4b:s1+s9], $0x80, s9, s9, $0xb8;
	[tilespmem:$0x8100] =	vst v63  }
0x51: {  	s14 =	sadd.s32 $0x1, s14;
	_ =	swait.ge [sflag:s13], $0x4000  }
0x52: {  	p0 =	sne.s32 s14, s4;
	[sflag:s13] =	ssyncset.done $0x0  }
.Ltmp1:
0x53: {  	[sflag:s13] =	ssyncadd.s32 $0xFFFFC000;
	(pc) =	sbr.rel @p0 .LBB2_1-.Ltmp1, $4  }
0x54: {  	[hbm4b:s15+s3] =	stream.linear.scatter [tilespmem:s12], [sflag:$0x3], $0x4000, $0x38;
	[tilespmem:$0x8100] =	vst v63  }
0x55: {  	_ =	swait.ge [sflag:s8], $0x4000  }
0x56: {  	[sflag:s8] =	ssyncset.done $0x0  }
0x57: {  	[sflag:s8] =	ssyncadd.s32 $0xFFFFC000  }
0x58: {  	_ =	sfence.sel $0x180000  }
0x59: {  	[bflag:$0x0] =	sbarrier.arrive $0xFFFF  }
0x5a: {  	p0 =	sne.s32 s2, $0x0;
	_ =	strace $0x90000050  }
0x5b: {  	s0 =	sadd.s32 @!p0 $0x100000, s0;
	[bflag:$0x2] =	sbarrier.arrive $0xFFFF  }
0x5c: {  	[sflag:s0] =	ssyncadd.tile.s32 @!p0 $0x1;
	_ =	shalt  }
.Lfunc_end2:
_tile_overlayer_lowered:
.L_overlay_start_2:
0x5d: {  	(tag) =	ssettag $0x2  }
0x5e: {  	s0 =	rddreg [dreg:$0x0];
	s2 =	stileid.u32  }
0x5f: {  	s1 =	rddreg [dreg:$0x1];
	p0 =	sne.s32 s2, $0x0  }
0x60: {  	s3 =	rddreg [dreg:$0x2];
	[bflag:$0x3] =	sbarrier.arrive $0xFFFF;
	s2 =	simm.s32 @!p0 $0x1C03  }
0x61: {  	[timem:s3], [sflag:s2] =	dma.local @!p0 [hbm:s0], s1  }
0x62: {  	s0 =	simm.s32 @!p0 $0x3  }
0x63: {  	_ =	swait.ge @!p0 [sflag:s0], s1  }
0x64: {  	s1 =	ssub.s32 @!p0 $0x0, s1;
	[sflag:s0] =	ssyncset.done @!p0 $0x0  }
0x65: {  	[sflag:s0] =	ssyncadd.s32 @!p0 s1  }
0x66: {  	[bflag:$0x3] =	sbarrier.arrive $0xFFFF  }
0x67: {  	_ =	shalt  }

</sc_bundles>
